<compile_context>
chip_gen: v7x
topology: tpu7x:2x2x1
jax: 0.10.2.dev20260603
libtpu: 0.0.44.dev20260713+nightly
codegen_flags: <defaults>
</compile_context>

<pallas_src>
import functools

import jax
import jax.numpy as jnp
from jax import lax
from jax.experimental import pallas as pl
from jax.experimental.pallas import tpu as pltpu
from jax.experimental.pallas import tpu_sc as plsc

N, E, D, H, R = 10000, 320000, 128, 128, 500

NC, NS, L = 2, 16, 16
NW = NC * NS
EPW = E // NW
B = 80
ROUNDS = EPW // B
KJ = H // L

M_BLK = 400

_DNUMS = lax.GatherDimensionNumbers(
    offset_dims=(), collapsed_slice_dims=(0,), start_index_map=(0,))


def _vperm(vec, idx):
  return lax.gather(vec, idx[:, None], _DNUMS, (1,),
                    mode=lax.GatherScatterMode.PROMISE_IN_BOUNDS)


def _transform_body(x_ref, wh_ref, wt_ref, bh_ref, bt_ref, hh_ref, ht_ref):
    xb = x_ref[...]
    hh_ref[...] = jnp.dot(xb, wh_ref[...],
                          preferred_element_type=jnp.float32) + bh_ref[...]
    ht_ref[...] = jnp.dot(xb, wt_ref[...],
                          preferred_element_type=jnp.float32) + bt_ref[...]


_node_transform = pl.pallas_call(
    _transform_body,
    grid=(N // M_BLK,),
    in_specs=[
        pl.BlockSpec((M_BLK, D), lambda i: (i, 0)),
        pl.BlockSpec((D, H), lambda i: (0, 0)),
        pl.BlockSpec((D, H), lambda i: (0, 0)),
        pl.BlockSpec((1, H), lambda i: (0, 0)),
        pl.BlockSpec((1, H), lambda i: (0, 0)),
    ],
    out_specs=[
        pl.BlockSpec((M_BLK, H), lambda i: (i, 0)),
        pl.BlockSpec((M_BLK, H), lambda i: (i, 0)),
    ],
    out_shape=[
        jax.ShapeDtypeStruct((N, H), jnp.float32),
        jax.ShapeDtypeStruct((N, H), jnp.float32),
    ],
)


@functools.cache
def _build_edge_score():
  @functools.partial(
    pl.kernel,
    out_type=jax.ShapeDtypeStruct((E,), jnp.float32),
    mesh=plsc.VectorSubcoreMesh(core_axis_name="c", subcore_axis_name="s",
                                num_cores=NC, num_subcores=NS),
    scratch_types=[
        pltpu.VMEM((4, B), jnp.int32),
        pltpu.VMEM((4, B), jnp.int32),
        pltpu.VMEM((4, B), jnp.int32),
        pltpu.VMEM((B, H), jnp.float32),
        pltpu.VMEM((B, H), jnp.float32),
        pltpu.VMEM((B, H), jnp.float32),
        pltpu.VMEM((B, H), jnp.float32),
        pltpu.VMEM((R, H), jnp.float32),
        pltpu.VMEM((EPW,), jnp.float32),
        pltpu.VMEM((B // L, L, 17), jnp.float32),
        pltpu.SemaphoreType.DMA,
        pltpu.SemaphoreType.DMA,
        pltpu.SemaphoreType.DMA,
        pltpu.SemaphoreType.DMA,
        pltpu.SemaphoreType.DMA,
        pltpu.SemaphoreType.DMA,
    ],
    compiler_params=pltpu.CompilerParams(needs_layout_passes=False),
  )
  def _edge_score(hh_hbm, ht_hbm, rel_hbm, src_hbm, dst_hbm, typ_hbm, out_hbm,
                  src_v, dst_v, typ_v, hh0, hh1, ht0, ht1, rel_v, out_v,
                  tr_v, sem0, sem1, semi0, semi1, semi2, semi3):
    wid = lax.axis_index("s") * NC + lax.axis_index("c")
    base = wid * EPW
    pltpu.sync_copy(rel_hbm, rel_v)


    bufs = ((hh0, ht0, sem0), (hh1, ht1, sem1))
    isems = (semi0, semi1, semi2, semi3)

    def issue_idx(r, slot):
      off = base + r * B
      sem = isems[slot]
      pltpu.async_copy(src_hbm.at[pl.ds(off, B)], src_v.at[slot], sem)
      pltpu.async_copy(dst_hbm.at[pl.ds(off, B)], dst_v.at[slot], sem)
      pltpu.async_copy(typ_hbm.at[pl.ds(off, B)], typ_v.at[slot], sem)

    def wait_idx(r, slot):
      off = base + r * B
      sem = isems[slot]
      pltpu.make_async_copy(src_hbm.at[pl.ds(off, B)], src_v.at[slot], sem).wait()
      pltpu.make_async_copy(dst_hbm.at[pl.ds(off, B)], dst_v.at[slot], sem).wait()
      pltpu.make_async_copy(typ_hbm.at[pl.ds(off, B)], typ_v.at[slot], sem).wait()

    def issue(r, parity, slot):
      hh_b, ht_b, sem = bufs[parity]
      pltpu.async_copy(hh_hbm.at[src_v.at[slot]], hh_b, sem)
      pltpu.async_copy(ht_hbm.at[dst_v.at[slot]], ht_b, sem)

    def wait(r, parity, slot):
      hh_b, ht_b, sem = bufs[parity]
      pltpu.make_async_copy(hh_hbm.at[src_v.at[slot]], hh_b, sem).wait()
      pltpu.make_async_copy(ht_hbm.at[dst_v.at[slot]], ht_b, sem).wait()

    lanes = lax.iota(jnp.int32, L)

    def compute(r, parity, iparity):
      hh_b, ht_b, _ = bufs[parity]
      off = r * B

      @plsc.parallel_loop(0, B, unroll=2)
      def _(e):
        tvec = typ_v[iparity, pl.ds(e - (e & (L - 1)), L)]
        tsp = _vperm(tvec, jnp.full((L,), e & (L - 1), jnp.int32))
        acc = jnp.zeros((L,), jnp.float32)
        for j in range(KJ):
          sl = pl.ds(j * L, L)
          rl = plsc.load_gather(rel_v, [tsp, lanes + (j * L)])
          acc = acc + hh_b[e, sl] * rl * ht_b[e, sl]
        tr_v[e >> 4, e & (L - 1), pl.ds(0, L)] = acc

      @plsc.parallel_loop(0, B // L)
      def _(g):
        gg = jnp.full((L,), g, jnp.int32)
        sums = jnp.zeros((L,), jnp.float32)
        for k in range(L):
          sums = sums + plsc.load_gather(
              tr_v, [gg, lanes, jnp.full((L,), k, jnp.int32)])
        out_v[pl.ds(off + g * L, L)] = 1.0 / (1.0 + jnp.exp(-sums))

    issue_idx(0, 0)
    issue_idx(1, 1)
    issue_idx(2, 2)
    wait_idx(0, 0)
    issue(0, 0, 0)

    def step(k, q):
      wait(k, q % 2, q)
      wait_idx(k + 1, (q + 1) % 4)
      issue(k + 1, (q + 1) % 2, (q + 1) % 4)
      compute(k, q % 2, q)

      @pl.when(k + 3 < ROUNDS)
      def _():
        issue_idx(k + 3, (q + 3) % 4)

    def quad_round(i, carry):
      r = 4 * i
      for q in range(4):
        step(r + q, q)
      return carry

    lax.fori_loop(0, (ROUNDS - 1) // 4, quad_round, 0)
    wait(ROUNDS - 1, 0, 0)
    compute(ROUNDS - 1, 0, 0)
    pltpu.sync_copy(out_v, out_hbm.at[pl.ds(base, EPW)])

  return _edge_score


def kernel(x, edge_index, edge_index_neighborhood, edge_type,
           W_head, b_head, W_tail, b_tail, rel_table):
    del edge_index_neighborhood
    hh, ht = _node_transform(x, W_head.T, W_tail.T,
                             b_head.reshape(1, H), b_tail.reshape(1, H))
    src = edge_index[0]
    dst = edge_index[1]
    return _build_edge_score()(hh, ht, rel_table, src, dst, edge_type)

# --- scband reference (transcript-rebuilt; emitter-appended) ---
"""Pipeline reference for scband-dist-mult-net-74689481277725 (READ-ONLY COPY).

The authoritative reference and input builder live on the scoring server;
editing this copy changes nothing except your own understanding.
"""

import jax, jax.numpy as jnp
import numpy as np

N, E, D, H, R = 10000, 320000, 128, 128, 500

def setup_inputs(seed: int = 0) -> dict:
    key = jax.random.key(seed)
    ks = jax.random.split(key, 8)
    x = jax.random.normal(ks[0], (N, D), dtype=jnp.float32)
    edge_index = jax.random.randint(ks[1], (2, E), 0, N)
    edge_index_neighborhood = jax.random.randint(ks[2], (2, E), 0, N)
    edge_type = jax.random.randint(ks[3], (E,), 0, R)
    # nn.Linear weights init'd via _init_weights: normal(0,1) weight, zero bias
    W_head = jax.random.normal(ks[4], (H, D), dtype=jnp.float32)
    b_head = jnp.zeros((H,), dtype=jnp.float32)
    W_tail = jax.random.normal(ks[5], (H, D), dtype=jnp.float32)
    b_tail = jnp.zeros((H,), dtype=jnp.float32)
    # nn.Embedding default init: normal(0,1)
    rel_table = jax.random.normal(ks[6], (R, H), dtype=jnp.float32)
    return {"x": x, "edge_index": edge_index,
            "edge_index_neighborhood": edge_index_neighborhood,
            "edge_type": edge_type, "W_head": W_head, "b_head": b_head,
            "W_tail": W_tail, "b_tail": b_tail, "rel_table": rel_table}

def reference(x, edge_index, edge_index_neighborhood, edge_type,
              W_head, b_head, W_tail, b_tail, rel_table):
    # gcn == 'no' branch of DistMultNet.forward
    h_head = jnp.take(x, edge_index[0], axis=0) @ W_head.T + b_head
    h_tail = jnp.take(x, edge_index[1], axis=0) @ W_tail.T + b_tail
    h_relation = jnp.take(rel_table, edge_type, axis=0)
    out = jax.nn.sigmoid(jnp.sum(h_head * h_relation * h_tail, axis=1))
    return out.ravel()

if __name__ == "__main__":
    import jax
    _d = setup_inputs()
    print(jax.jit(kernel)(*tuple(_d.values())))

</pallas_src>

<mosaic_0001>
#map = affine_map<(d0, d1) -> (0, 0)>
#map1 = affine_map<(d0, d1) -> (0)>
module attributes {stable_mosaic.version = 14 : i64} {
  func.func @_edge_score(%arg0: i32, %arg1: i32, %arg2: memref<10000x128xf32, #tpu.memory_space<hbm>>, %arg3: memref<10000x128xf32, #tpu.memory_space<hbm>>, %arg4: memref<500x128xf32, #tpu.memory_space<hbm>>, %arg5: memref<320000xi32, #tpu.memory_space<hbm>>, %arg6: memref<320000xi32, #tpu.memory_space<hbm>>, %arg7: memref<320000xi32, #tpu.memory_space<hbm>>, %arg8: memref<320000xf32, #tpu.memory_space<hbm>>, %arg9: memref<4x80xi32, #tpu.memory_space<vmem>>, %arg10: memref<4x80xi32, #tpu.memory_space<vmem>>, %arg11: memref<4x80xi32, #tpu.memory_space<vmem>>, %arg12: memref<80x128xf32, #tpu.memory_space<vmem>>, %arg13: memref<80x128xf32, #tpu.memory_space<vmem>>, %arg14: memref<80x128xf32, #tpu.memory_space<vmem>>, %arg15: memref<80x128xf32, #tpu.memory_space<vmem>>, %arg16: memref<500x128xf32, #tpu.memory_space<vmem>>, %arg17: memref<10000xf32, #tpu.memory_space<vmem>>, %arg18: memref<5x16x17xf32, #tpu.memory_space<vmem>>, %arg19: memref<!tpu.dma_semaphore, #tpu.memory_space<semaphore_mem>>, %arg20: memref<!tpu.dma_semaphore, #tpu.memory_space<semaphore_mem>>, %arg21: memref<!tpu.dma_semaphore, #tpu.memory_space<semaphore_mem>>, %arg22: memref<!tpu.dma_semaphore, #tpu.memory_space<semaphore_mem>>, %arg23: memref<!tpu.dma_semaphore, #tpu.memory_space<semaphore_mem>>, %arg24: memref<!tpu.dma_semaphore, #tpu.memory_space<semaphore_mem>>) attributes {dimension_semantics = [#tpu.dimension_semantics<core_parallel>, #tpu.dimension_semantics<subcore_parallel>], iteration_bounds = array<i64: 2, 16>, scalar_prefetch = 0 : i64, scratch_operands = 16 : i64, tpu.core_type = #tpu.core_type<sc_vector_subcore>, window_params = [{transform_indices = #map}, {transform_indices = #map}, {transform_indices = #map}, {transform_indices = #map1}, {transform_indices = #map1}, {transform_indices = #map1}, {transform_indices = #map1}]} {
    %mul3A = arith.constant 2 : i32
    %mul3A_0 = arith.muli %arg1, %mul3A : i32
    %add3A = arith.addi %mul3A_0, %arg0 : i32
    %mul3A_1 = arith.constant 10000 : i32
    %mul3A_2 = arith.muli %add3A, %mul3A_1 : i32
    "tpu.region"() ({
      %run_scoped3A = tpu.sem_alloc : memref<!tpu.dma_semaphore, #tpu.memory_space<semaphore_mem>>
      tpu.enqueue_dma source(%arg4 : memref<500x128xf32, #tpu.memory_space<hbm>>) target(%arg16 : memref<500x128xf32, #tpu.memory_space<vmem>>) target_semaphore(%run_scoped3A : memref<!tpu.dma_semaphore, #tpu.memory_space<semaphore_mem>>)
      tpu.wait_dma2 semaphore(%run_scoped3A : memref<!tpu.dma_semaphore, #tpu.memory_space<semaphore_mem>>) src(%arg4 : memref<500x128xf32, #tpu.memory_space<hbm>>) dst(%arg16 : memref<500x128xf32, #tpu.memory_space<vmem>>)
      tpu.yield
    }) : () -> ()
    %iota3A = tpu.iota {dimensions = array<i32: 0>} : vector<16xi32>
    %add3A_3 = arith.constant 0 : i32
    %add3A_4 = arith.addi %mul3A_2, %add3A_3 : i32
    %dma_start3A = arith.constant 0 : i32
    %dma_start3A_5 = arith.constant 0 : i32
    %dma_start3A_6 = tpu.memref_slice %arg9[%dma_start3A, %dma_start3A_5] : memref<4x80xi32, #tpu.memory_space<vmem>> -> memref<1x80xi32, #tpu.memory_space<vmem>>
    %dma_start3A_7 = tpu.memref_squeeze %dma_start3A_6 : memref<1x80xi32, #tpu.memory_space<vmem>> -> memref<80xi32, #tpu.memory_space<vmem>>
    %dma_start3A_8 = tpu.memref_slice %arg5[%add3A_4] : memref<320000xi32, #tpu.memory_space<hbm>> -> memref<80xi32, #tpu.memory_space<hbm>>
    %dma_start3A_9 = arith.constant 0 : i32
    %dma_start3A_10 = tpu.memref_slice %arg9[%dma_start3A, %dma_start3A_9] : memref<4x80xi32, #tpu.memory_space<vmem>> -> memref<1x80xi32, #tpu.memory_space<vmem>>
    %dma_start3A_11 = tpu.memref_squeeze %dma_start3A_10 : memref<1x80xi32, #tpu.memory_space<vmem>> -> memref<80xi32, #tpu.memory_space<vmem>>
    %dma_start3A_12 = tpu.memref_slice %arg5[%add3A_4] : memref<320000xi32, #tpu.memory_space<hbm>> -> memref<80xi32, #tpu.memory_space<hbm>>
    tpu.enqueue_dma source(%dma_start3A_12 : memref<80xi32, #tpu.memory_space<hbm>>) target(%dma_start3A_11 : memref<80xi32, #tpu.memory_space<vmem>>) target_semaphore(%arg21 : memref<!tpu.dma_semaphore, #tpu.memory_space<semaphore_mem>>)
    %dma_start3A_13 = arith.constant 0 : i32
    %dma_start3A_14 = arith.constant 0 : i32
    %dma_start3A_15 = tpu.memref_slice %arg10[%dma_start3A_13, %dma_start3A_14] : memref<4x80xi32, #tpu.memory_space<vmem>> -> memref<1x80xi32, #tpu.memory_space<vmem>>
    %dma_start3A_16 = tpu.memref_squeeze %dma_start3A_15 : memref<1x80xi32, #tpu.memory_space<vmem>> -> memref<80xi32, #tpu.memory_space<vmem>>
    %dma_start3A_17 = tpu.memref_slice %arg6[%add3A_4] : memref<320000xi32, #tpu.memory_space<hbm>> -> memref<80xi32, #tpu.memory_space<hbm>>
    %dma_start3A_18 = arith.constant 0 : i32
    %dma_start3A_19 = tpu.memref_slice %arg10[%dma_start3A_13, %dma_start3A_18] : memref<4x80xi32, #tpu.memory_space<vmem>> -> memref<1x80xi32, #tpu.memory_space<vmem>>
    %dma_start3A_20 = tpu.memref_squeeze %dma_start3A_19 : memref<1x80xi32, #tpu.memory_space<vmem>> -> memref<80xi32, #tpu.memory_space<vmem>>
    %dma_start3A_21 = tpu.memref_slice %arg6[%add3A_4] : memref<320000xi32, #tpu.memory_space<hbm>> -> memref<80xi32, #tpu.memory_space<hbm>>
    tpu.enqueue_dma source(%dma_start3A_21 : memref<80xi32, #tpu.memory_space<hbm>>) target(%dma_start3A_20 : memref<80xi32, #tpu.memory_space<vmem>>) target_semaphore(%arg21 : memref<!tpu.dma_semaphore, #tpu.memory_space<semaphore_mem>>)
    %dma_start3A_22 = arith.constant 0 : i32
    %dma_start3A_23 = arith.constant 0 : i32
    %dma_start3A_24 = tpu.memref_slice %arg11[%dma_start3A_22, %dma_start3A_23] : memref<4x80xi32, #tpu.memory_space<vmem>> -> memref<1x80xi32, #tpu.memory_space<vmem>>
    %dma_start3A_25 = tpu.memref_squeeze %dma_start3A_24 : memref<1x80xi32, #tpu.memory_space<vmem>> -> memref<80xi32, #tpu.memory_space<vmem>>
    %dma_start3A_26 = tpu.memref_slice %arg7[%add3A_4] : memref<320000xi32, #tpu.memory_space<hbm>> -> memref<80xi32, #tpu.memory_space<hbm>>
    %dma_start3A_27 = arith.constant 0 : i32
    %dma_start3A_28 = tpu.memref_slice %arg11[%dma_start3A_22, %dma_start3A_27] : memref<4x80xi32, #tpu.memory_space<vmem>> -> memref<1x80xi32, #tpu.memory_space<vmem>>
    %dma_start3A_29 = tpu.memref_squeeze %dma_start3A_28 : memref<1x80xi32, #tpu.memory_space<vmem>> -> memref<80xi32, #tpu.memory_space<vmem>>
    %dma_start3A_30 = tpu.memref_slice %arg7[%add3A_4] : memref<320000xi32, #tpu.memory_space<hbm>> -> memref<80xi32, #tpu.memory_space<hbm>>
    tpu.enqueue_dma source(%dma_start3A_30 : memref<80xi32, #tpu.memory_space<hbm>>) target(%dma_start3A_29 : memref<80xi32, #tpu.memory_space<vmem>>) target_semaphore(%arg21 : memref<!tpu.dma_semaphore, #tpu.memory_space<semaphore_mem>>)
    %add3A_31 = arith.constant 80 : i32
    %add3A_32 = arith.addi %mul3A_2, %add3A_31 : i32
    %dma_start3A_33 = arith.constant 1 : i32
    %dma_start3A_34 = arith.constant 0 : i32
    %dma_start3A_35 = tpu.memref_slice %arg9[%dma_start3A_33, %dma_start3A_34] : memref<4x80xi32, #tpu.memory_space<vmem>> -> memref<1x80xi32, #tpu.memory_space<vmem>>
    %dma_start3A_36 = tpu.memref_squeeze %dma_start3A_35 : memref<1x80xi32, #tpu.memory_space<vmem>> -> memref<80xi32, #tpu.memory_space<vmem>>
    %dma_start3A_37 = tpu.memref_slice %arg5[%add3A_32] : memref<320000xi32, #tpu.memory_space<hbm>> -> memref<80xi32, #tpu.memory_space<hbm>>
    %dma_start3A_38 = arith.constant 0 : i32
    %dma_start3A_39 = tpu.memref_slice %arg9[%dma_start3A_33, %dma_start3A_38] : memref<4x80xi32, #tpu.memory_space<vmem>> -> memref<1x80xi32, #tpu.memory_space<vmem>>
    %dma_start3A_40 = tpu.memref_squeeze %dma_start3A_39 : memref<1x80xi32, #tpu.memory_space<vmem>> -> memref<80xi32, #tpu.memory_space<vmem>>
    %dma_start3A_41 = tpu.memref_slice %arg5[%add3A_32] : memref<320000xi32, #tpu.memory_space<hbm>> -> memref<80xi32, #tpu.memory_space<hbm>>
    tpu.enqueue_dma source(%dma_start3A_41 : memref<80xi32, #tpu.memory_space<hbm>>) target(%dma_start3A_40 : memref<80xi32, #tpu.memory_space<vmem>>) target_semaphore(%arg22 : memref<!tpu.dma_semaphore, #tpu.memory_space<semaphore_mem>>)
    %dma_start3A_42 = arith.constant 1 : i32
    %dma_start3A_43 = arith.constant 0 : i32
    %dma_start3A_44 = tpu.memref_slice %arg10[%dma_start3A_42, %dma_start3A_43] : memref<4x80xi32, #tpu.memory_space<vmem>> -> memref<1x80xi32, #tpu.memory_space<vmem>>
    %dma_start3A_45 = tpu.memref_squeeze %dma_start3A_44 : memref<1x80xi32, #tpu.memory_space<vmem>> -> memref<80xi32, #tpu.memory_space<vmem>>
    %dma_start3A_46 = tpu.memref_slice %arg6[%add3A_32] : memref<320000xi32, #tpu.memory_space<hbm>> -> memref<80xi32, #tpu.memory_space<hbm>>
    %dma_start3A_47 = arith.constant 0 : i32
    %dma_start3A_48 = tpu.memref_slice %arg10[%dma_start3A_42, %dma_start3A_47] : memref<4x80xi32, #tpu.memory_space<vmem>> -> memref<1x80xi32, #tpu.memory_space<vmem>>
    %dma_start3A_49 = tpu.memref_squeeze %dma_start3A_48 : memref<1x80xi32, #tpu.memory_space<vmem>> -> memref<80xi32, #tpu.memory_space<vmem>>
    %dma_start3A_50 = tpu.memref_slice %arg6[%add3A_32] : memref<320000xi32, #tpu.memory_space<hbm>> -> memref<80xi32, #tpu.memory_space<hbm>>
    tpu.enqueue_dma source(%dma_start3A_50 : memref<80xi32, #tpu.memory_space<hbm>>) target(%dma_start3A_49 : memref<80xi32, #tpu.memory_space<vmem>>) target_semaphore(%arg22 : memref<!tpu.dma_semaphore, #tpu.memory_space<semaphore_mem>>)
    %dma_start3A_51 = arith.constant 1 : i32
    %dma_start3A_52 = arith.constant 0 : i32
    %dma_start3A_53 = tpu.memref_slice %arg11[%dma_start3A_51, %dma_start3A_52] : memref<4x80xi32, #tpu.memory_space<vmem>> -> memref<1x80xi32, #tpu.memory_space<vmem>>
    %dma_start3A_54 = tpu.memref_squeeze %dma_start3A_53 : memref<1x80xi32, #tpu.memory_space<vmem>> -> memref<80xi32, #tpu.memory_space<vmem>>
    %dma_start3A_55 = tpu.memref_slice %arg7[%add3A_32] : memref<320000xi32, #tpu.memory_space<hbm>> -> memref<80xi32, #tpu.memory_space<hbm>>
    %dma_start3A_56 = arith.constant 0 : i32
    %dma_start3A_57 = tpu.memref_slice %arg11[%dma_start3A_51, %dma_start3A_56] : memref<4x80xi32, #tpu.memory_space<vmem>> -> memref<1x80xi32, #tpu.memory_space<vmem>>
    %dma_start3A_58 = tpu.memref_squeeze %dma_start3A_57 : memref<1x80xi32, #tpu.memory_space<vmem>> -> memref<80xi32, #tpu.memory_space<vmem>>
    %dma_start3A_59 = tpu.memref_slice %arg7[%add3A_32] : memref<320000xi32, #tpu.memory_space<hbm>> -> memref<80xi32, #tpu.memory_space<hbm>>
    tpu.enqueue_dma source(%dma_start3A_59 : memref<80xi32, #tpu.memory_space<hbm>>) target(%dma_start3A_58 : memref<80xi32, #tpu.memory_space<vmem>>) target_semaphore(%arg22 : memref<!tpu.dma_semaphore, #tpu.memory_space<semaphore_mem>>)
    %add3A_60 = arith.constant 160 : i32
    %add3A_61 = arith.addi %mul3A_2, %add3A_60 : i32
    %dma_start3A_62 = arith.constant 2 : i32
    %dma_start3A_63 = arith.constant 0 : i32
    %dma_start3A_64 = tpu.memref_slice %arg9[%dma_start3A_62, %dma_start3A_63] : memref<4x80xi32, #tpu.memory_space<vmem>> -> memref<1x80xi32, #tpu.memory_space<vmem>>
    %dma_start3A_65 = tpu.memref_squeeze %dma_start3A_64 : memref<1x80xi32, #tpu.memory_space<vmem>> -> memref<80xi32, #tpu.memory_space<vmem>>
    %dma_start3A_66 = tpu.memref_slice %arg5[%add3A_61] : memref<320000xi32, #tpu.memory_space<hbm>> -> memref<80xi32, #tpu.memory_space<hbm>>
    %dma_start3A_67 = arith.constant 0 : i32
    %dma_start3A_68 = tpu.memref_slice %arg9[%dma_start3A_62, %dma_start3A_67] : memref<4x80xi32, #tpu.memory_space<vmem>> -> memref<1x80xi32, #tpu.memory_space<vmem>>
    %dma_start3A_69 = tpu.memref_squeeze %dma_start3A_68 : memref<1x80xi32, #tpu.memory_space<vmem>> -> memref<80xi32, #tpu.memory_space<vmem>>
    %dma_start3A_70 = tpu.memref_slice %arg5[%add3A_61] : memref<320000xi32, #tpu.memory_space<hbm>> -> memref<80xi32, #tpu.memory_space<hbm>>
    tpu.enqueue_dma source(%dma_start3A_70 : memref<80xi32, #tpu.memory_space<hbm>>) target(%dma_start3A_69 : memref<80xi32, #tpu.memory_space<vmem>>) target_semaphore(%arg23 : memref<!tpu.dma_semaphore, #tpu.memory_space<semaphore_mem>>)
    %dma_start3A_71 = arith.constant 2 : i32
    %dma_start3A_72 = arith.constant 0 : i32
    %dma_start3A_73 = tpu.memref_slice %arg10[%dma_start3A_71, %dma_start3A_72] : memref<4x80xi32, #tpu.memory_space<vmem>> -> memref<1x80xi32, #tpu.memory_space<vmem>>
    %dma_start3A_74 = tpu.memref_squeeze %dma_start3A_73 : memref<1x80xi32, #tpu.memory_space<vmem>> -> memref<80xi32, #tpu.memory_space<vmem>>
    %dma_start3A_75 = tpu.memref_slice %arg6[%add3A_61] : memref<320000xi32, #tpu.memory_space<hbm>> -> memref<80xi32, #tpu.memory_space<hbm>>
    %dma_start3A_76 = arith.constant 0 : i32
    %dma_start3A_77 = tpu.memref_slice %arg10[%dma_start3A_71, %dma_start3A_76] : memref<4x80xi32, #tpu.memory_space<vmem>> -> memref<1x80xi32, #tpu.memory_space<vmem>>
    %dma_start3A_78 = tpu.memref_squeeze %dma_start3A_77 : memref<1x80xi32, #tpu.memory_space<vmem>> -> memref<80xi32, #tpu.memory_space<vmem>>
    %dma_start3A_79 = tpu.memref_slice %arg6[%add3A_61] : memref<320000xi32, #tpu.memory_space<hbm>> -> memref<80xi32, #tpu.memory_space<hbm>>
    tpu.enqueue_dma source(%dma_start3A_79 : memref<80xi32, #tpu.memory_space<hbm>>) target(%dma_start3A_78 : memref<80xi32, #tpu.memory_space<vmem>>) target_semaphore(%arg23 : memref<!tpu.dma_semaphore, #tpu.memory_space<semaphore_mem>>)
    %dma_start3A_80 = arith.constant 2 : i32
    %dma_start3A_81 = arith.constant 0 : i32
    %dma_start3A_82 = tpu.memref_slice %arg11[%dma_start3A_80, %dma_start3A_81] : memref<4x80xi32, #tpu.memory_space<vmem>> -> memref<1x80xi32, #tpu.memory_space<vmem>>
    %dma_start3A_83 = tpu.memref_squeeze %dma_start3A_82 : memref<1x80xi32, #tpu.memory_space<vmem>> -> memref<80xi32, #tpu.memory_space<vmem>>
    %dma_start3A_84 = tpu.memref_slice %arg7[%add3A_61] : memref<320000xi32, #tpu.memory_space<hbm>> -> memref<80xi32, #tpu.memory_space<hbm>>
    %dma_start3A_85 = arith.constant 0 : i32
    %dma_start3A_86 = tpu.memref_slice %arg11[%dma_start3A_80, %dma_start3A_85] : memref<4x80xi32, #tpu.memory_space<vmem>> -> memref<1x80xi32, #tpu.memory_space<vmem>>
    %dma_start3A_87 = tpu.memref_squeeze %dma_start3A_86 : memref<1x80xi32, #tpu.memory_space<vmem>> -> memref<80xi32, #tpu.memory_space<vmem>>
    %dma_start3A_88 = tpu.memref_slice %arg7[%add3A_61] : memref<320000xi32, #tpu.memory_space<hbm>> -> memref<80xi32, #tpu.memory_space<hbm>>
    tpu.enqueue_dma source(%dma_start3A_88 : memref<80xi32, #tpu.memory_space<hbm>>) target(%dma_start3A_87 : memref<80xi32, #tpu.memory_space<vmem>>) target_semaphore(%arg23 : memref<!tpu.dma_semaphore, #tpu.memory_space<semaphore_mem>>)
    %add3A_89 = arith.constant 0 : i32
    %add3A_90 = arith.addi %mul3A_2, %add3A_89 : i32
    %dma_wait3A = arith.constant 0 : i32
    %dma_wait3A_91 = arith.constant 0 : i32
    %dma_wait3A_92 = tpu.memref_slice %arg9[%dma_wait3A, %dma_wait3A_91] : memref<4x80xi32, #tpu.memory_space<vmem>> -> memref<1x80xi32, #tpu.memory_space<vmem>>
    %dma_wait3A_93 = tpu.memref_squeeze %dma_wait3A_92 : memref<1x80xi32, #tpu.memory_space<vmem>> -> memref<80xi32, #tpu.memory_space<vmem>>
    %dma_wait3A_94 = tpu.memref_slice %arg5[%add3A_90] : memref<320000xi32, #tpu.memory_space<hbm>> -> memref<80xi32, #tpu.memory_space<hbm>>
    %dma_wait3A_95 = arith.constant 0 : i32
    %dma_wait3A_96 = tpu.memref_slice %arg9[%dma_wait3A, %dma_wait3A_95] : memref<4x80xi32, #tpu.memory_space<vmem>> -> memref<1x80xi32, #tpu.memory_space<vmem>>
    %dma_wait3A_97 = tpu.memref_squeeze %dma_wait3A_96 : memref<1x80xi32, #tpu.memory_space<vmem>> -> memref<80xi32, #tpu.memory_space<vmem>>
    %dma_wait3A_98 = tpu.memref_slice %arg5[%add3A_90] : memref<320000xi32, #tpu.memory_space<hbm>> -> memref<80xi32, #tpu.memory_space<hbm>>
    tpu.wait_dma2 semaphore(%arg21 : memref<!tpu.dma_semaphore, #tpu.memory_space<semaphore_mem>>) src(%dma_wait3A_98 : memref<80xi32, #tpu.memory_space<hbm>>) dst(%dma_wait3A_97 : memref<80xi32, #tpu.memory_space<vmem>>)
    %dma_wait3A_99 = arith.constant 0 : i32
    %dma_wait3A_100 = arith.constant 0 : i32
    %dma_wait3A_101 = tpu.memref_slice %arg10[%dma_wait3A_99, %dma_wait3A_100] : memref<4x80xi32, #tpu.memory_space<vmem>> -> memref<1x80xi32, #tpu.memory_space<vmem>>
    %dma_wait3A_102 = tpu.memref_squeeze %dma_wait3A_101 : memref<1x80xi32, #tpu.memory_space<vmem>> -> memref<80xi32, #tpu.memory_space<vmem>>
    %dma_wait3A_103 = tpu.memref_slice %arg6[%add3A_90] : memref<320000xi32, #tpu.memory_space<hbm>> -> memref<80xi32, #tpu.memory_space<hbm>>
    %dma_wait3A_104 = arith.constant 0 : i32
    %dma_wait3A_105 = tpu.memref_slice %arg10[%dma_wait3A_99, %dma_wait3A_104] : memref<4x80xi32, #tpu.memory_space<vmem>> -> memref<1x80xi32, #tpu.memory_space<vmem>>
    %dma_wait3A_106 = tpu.memref_squeeze %dma_wait3A_105 : memref<1x80xi32, #tpu.memory_space<vmem>> -> memref<80xi32, #tpu.memory_space<vmem>>
    %dma_wait3A_107 = tpu.memref_slice %arg6[%add3A_90] : memref<320000xi32, #tpu.memory_space<hbm>> -> memref<80xi32, #tpu.memory_space<hbm>>
    tpu.wait_dma2 semaphore(%arg21 : memref<!tpu.dma_semaphore, #tpu.memory_space<semaphore_mem>>) src(%dma_wait3A_107 : memref<80xi32, #tpu.memory_space<hbm>>) dst(%dma_wait3A_106 : memref<80xi32, #tpu.memory_space<vmem>>)
    %dma_wait3A_108 = arith.constant 0 : i32
    %dma_wait3A_109 = arith.constant 0 : i32
    %dma_wait3A_110 = tpu.memref_slice %arg11[%dma_wait3A_108, %dma_wait3A_109] : memref<4x80xi32, #tpu.memory_space<vmem>> -> memref<1x80xi32, #tpu.memory_space<vmem>>
    %dma_wait3A_111 = tpu.memref_squeeze %dma_wait3A_110 : memref<1x80xi32, #tpu.memory_space<vmem>> -> memref<80xi32, #tpu.memory_space<vmem>>
    %dma_wait3A_112 = tpu.memref_slice %arg7[%add3A_90] : memref<320000xi32, #tpu.memory_space<hbm>> -> memref<80xi32, #tpu.memory_space<hbm>>
    %dma_wait3A_113 = arith.constant 0 : i32
    %dma_wait3A_114 = tpu.memref_slice %arg11[%dma_wait3A_108, %dma_wait3A_113] : memref<4x80xi32, #tpu.memory_space<vmem>> -> memref<1x80xi32, #tpu.memory_space<vmem>>
    %dma_wait3A_115 = tpu.memref_squeeze %dma_wait3A_114 : memref<1x80xi32, #tpu.memory_space<vmem>> -> memref<80xi32, #tpu.memory_space<vmem>>
    %dma_wait3A_116 = tpu.memref_slice %arg7[%add3A_90] : memref<320000xi32, #tpu.memory_space<hbm>> -> memref<80xi32, #tpu.memory_space<hbm>>
    tpu.wait_dma2 semaphore(%arg21 : memref<!tpu.dma_semaphore, #tpu.memory_space<semaphore_mem>>) src(%dma_wait3A_116 : memref<80xi32, #tpu.memory_space<hbm>>) dst(%dma_wait3A_115 : memref<80xi32, #tpu.memory_space<vmem>>)
    %dma_start3A_117 = arith.constant 0 : i32
    %dma_start3A_118 = arith.constant 0 : i32
    %dma_start3A_119 = tpu.memref_slice %arg9[%dma_start3A_117, %dma_start3A_118] : memref<4x80xi32, #tpu.memory_space<vmem>> -> memref<1x80xi32, #tpu.memory_space<vmem>>
    %dma_start3A_120 = tpu.memref_squeeze %dma_start3A_119 : memref<1x80xi32, #tpu.memory_space<vmem>> -> memref<80xi32, #tpu.memory_space<vmem>>
    %dma_start3A_121 = arith.constant 0 : i32
    %dma_start3A_122 = arith.constant 0 : i32
    %dma_start3A_123 = tpu.memref_slice %arg2[%dma_start3A_121, %dma_start3A_122] : memref<10000x128xf32, #tpu.memory_space<hbm>> -> memref<10000x128xf32, #tpu.memory_space<hbm>>
    tpu.enqueue_indirect_dma source(%dma_start3A_123 : memref<10000x128xf32, #tpu.memory_space<hbm>>) target(%arg12 : memref<80x128xf32, #tpu.memory_space<vmem>>) offsets(%dma_start3A_120 : memref<80xi32, #tpu.memory_space<vmem>>) semaphore(%arg19 : memref<!tpu.dma_semaphore, #tpu.memory_space<semaphore_mem>>)
    %dma_start3A_124 = arith.constant 0 : i32
    %dma_start3A_125 = arith.constant 0 : i32
    %dma_start3A_126 = tpu.memref_slice %arg10[%dma_start3A_124, %dma_start3A_125] : memref<4x80xi32, #tpu.memory_space<vmem>> -> memref<1x80xi32, #tpu.memory_space<vmem>>
    %dma_start3A_127 = tpu.memref_squeeze %dma_start3A_126 : memref<1x80xi32, #tpu.memory_space<vmem>> -> memref<80xi32, #tpu.memory_space<vmem>>
    %dma_start3A_128 = arith.constant 0 : i32
    %dma_start3A_129 = arith.constant 0 : i32
    %dma_start3A_130 = tpu.memref_slice %arg3[%dma_start3A_128, %dma_start3A_129] : memref<10000x128xf32, #tpu.memory_space<hbm>> -> memref<10000x128xf32, #tpu.memory_space<hbm>>
    tpu.enqueue_indirect_dma source(%dma_start3A_130 : memref<10000x128xf32, #tpu.memory_space<hbm>>) target(%arg14 : memref<80x128xf32, #tpu.memory_space<vmem>>) offsets(%dma_start3A_127 : memref<80xi32, #tpu.memory_space<vmem>>) semaphore(%arg19 : memref<!tpu.dma_semaphore, #tpu.memory_space<semaphore_mem>>)
    %scan3A = arith.constant 0 : i32
    %scan3A_131 = arith.constant 0 : i32
    %scan3A_132 = arith.constant 31 : i32
    %scan3A_133 = arith.addi %scan3A_131, %scan3A_132 : i32
    %scan3A_134 = arith.constant 1 : i32
    scf.for %scan3A_155 = %scan3A_131 to %scan3A_133 step %scan3A_134  : i32 {
      %mul3A_156 = arith.constant 4 : i32
      %mul3A_157 = arith.muli %mul3A_156, %scan3A_155 : i32
      %add3A_158 = arith.constant 0 : i32
      %add3A_159 = arith.addi %mul3A_157, %add3A_158 : i32
      %dma_wait3A_160 = arith.constant 0 : i32
      %dma_wait3A_161 = arith.constant 0 : i32
      %dma_wait3A_162 = tpu.memref_slice %arg9[%dma_wait3A_160, %dma_wait3A_161] : memref<4x80xi32, #tpu.memory_space<vmem>> -> memref<1x80xi32, #tpu.memory_space<vmem>>
      %dma_wait3A_163 = tpu.memref_squeeze %dma_wait3A_162 : memref<1x80xi32, #tpu.memory_space<vmem>> -> memref<80xi32, #tpu.memory_space<vmem>>
      %dma_wait3A_164 = arith.constant 0 : i32
      %dma_wait3A_165 = arith.constant 0 : i32
      %dma_wait3A_166 = tpu.memref_slice %arg2[%dma_wait3A_164, %dma_wait3A_165] : memref<10000x128xf32, #tpu.memory_space<hbm>> -> memref<10000x128xf32, #tpu.memory_space<hbm>>
      tpu.wait_indirect_dma semaphore(%arg19 : memref<!tpu.dma_semaphore, #tpu.memory_space<semaphore_mem>>) src(%dma_wait3A_166 : memref<10000x128xf32, #tpu.memory_space<hbm>>) dst(%arg12 : memref<80x128xf32, #tpu.memory_space<vmem>>)
      %dma_wait3A_167 = arith.constant 0 : i32
      %dma_wait3A_168 = arith.constant 0 : i32
      %dma_wait3A_169 = tpu.memref_slice %arg10[%dma_wait3A_167, %dma_wait3A_168] : memref<4x80xi32, #tpu.memory_space<vmem>> -> memref<1x80xi32, #tpu.memory_space<vmem>>
      %dma_wait3A_170 = tpu.memref_squeeze %dma_wait3A_169 : memref<1x80xi32, #tpu.memory_space<vmem>> -> memref<80xi32, #tpu.memory_space<vmem>>
      %dma_wait3A_171 = arith.constant 0 : i32
      %dma_wait3A_172 = arith.constant 0 : i32
      %dma_wait3A_173 = tpu.memref_slice %arg3[%dma_wait3A_171, %dma_wait3A_172] : memref<10000x128xf32, #tpu.memory_space<hbm>> -> memref<10000x128xf32, #tpu.memory_space<hbm>>
      tpu.wait_indirect_dma semaphore(%arg19 : memref<!tpu.dma_semaphore, #tpu.memory_space<semaphore_mem>>) src(%dma_wait3A_173 : memref<10000x128xf32, #tpu.memory_space<hbm>>) dst(%arg14 : memref<80x128xf32, #tpu.memory_space<vmem>>)
      %add3A_174 = arith.constant 1 : i32
      %add3A_175 = arith.addi %add3A_159, %add3A_174 : i32
      %mul3A_176 = arith.constant 80 : i32
      %mul3A_177 = arith.muli %add3A_175, %mul3A_176 : i32
      %add3A_178 = arith.addi %mul3A_2, %mul3A_177 : i32
      %dma_wait3A_179 = arith.constant 1 : i32
      %dma_wait3A_180 = arith.constant 0 : i32
      %dma_wait3A_181 = tpu.memref_slice %arg9[%dma_wait3A_179, %dma_wait3A_180] : memref<4x80xi32, #tpu.memory_space<vmem>> -> memref<1x80xi32, #tpu.memory_space<vmem>>
      %dma_wait3A_182 = tpu.memref_squeeze %dma_wait3A_181 : memref<1x80xi32, #tpu.memory_space<vmem>> -> memref<80xi32, #tpu.memory_space<vmem>>
      %dma_wait3A_183 = tpu.memref_slice %arg5[%add3A_178] : memref<320000xi32, #tpu.memory_space<hbm>> -> memref<80xi32, #tpu.memory_space<hbm>>
      %dma_wait3A_184 = arith.constant 0 : i32
      %dma_wait3A_185 = tpu.memref_slice %arg9[%dma_wait3A_179, %dma_wait3A_184] : memref<4x80xi32, #tpu.memory_space<vmem>> -> memref<1x80xi32, #tpu.memory_space<vmem>>
      %dma_wait3A_186 = tpu.memref_squeeze %dma_wait3A_185 : memref<1x80xi32, #tpu.memory_space<vmem>> -> memref<80xi32, #tpu.memory_space<vmem>>
      %dma_wait3A_187 = tpu.memref_slice %arg5[%add3A_178] : memref<320000xi32, #tpu.memory_space<hbm>> -> memref<80xi32, #tpu.memory_space<hbm>>
      tpu.wait_dma2 semaphore(%arg22 : memref<!tpu.dma_semaphore, #tpu.memory_space<semaphore_mem>>) src(%dma_wait3A_187 : memref<80xi32, #tpu.memory_space<hbm>>) dst(%dma_wait3A_186 : memref<80xi32, #tpu.memory_space<vmem>>)
      %dma_wait3A_188 = arith.constant 1 : i32
      %dma_wait3A_189 = arith.constant 0 : i32
      %dma_wait3A_190 = tpu.memref_slice %arg10[%dma_wait3A_188, %dma_wait3A_189] : memref<4x80xi32, #tpu.memory_space<vmem>> -> memref<1x80xi32, #tpu.memory_space<vmem>>
      %dma_wait3A_191 = tpu.memref_squeeze %dma_wait3A_190 : memref<1x80xi32, #tpu.memory_space<vmem>> -> memref<80xi32, #tpu.memory_space<vmem>>
      %dma_wait3A_192 = tpu.memref_slice %arg6[%add3A_178] : memref<320000xi32, #tpu.memory_space<hbm>> -> memref<80xi32, #tpu.memory_space<hbm>>
      %dma_wait3A_193 = arith.constant 0 : i32
      %dma_wait3A_194 = tpu.memref_slice %arg10[%dma_wait3A_188, %dma_wait3A_193] : memref<4x80xi32, #tpu.memory_space<vmem>> -> memref<1x80xi32, #tpu.memory_space<vmem>>
      %dma_wait3A_195 = tpu.memref_squeeze %dma_wait3A_194 : memref<1x80xi32, #tpu.memory_space<vmem>> -> memref<80xi32, #tpu.memory_space<vmem>>
      %dma_wait3A_196 = tpu.memref_slice %arg6[%add3A_178] : memref<320000xi32, #tpu.memory_space<hbm>> -> memref<80xi32, #tpu.memory_space<hbm>>
      tpu.wait_dma2 semaphore(%arg22 : memref<!tpu.dma_semaphore, #tpu.memory_space<semaphore_mem>>) src(%dma_wait3A_196 : memref<80xi32, #tpu.memory_space<hbm>>) dst(%dma_wait3A_195 : memref<80xi32, #tpu.memory_space<vmem>>)
      %dma_wait3A_197 = arith.constant 1 : i32
      %dma_wait3A_198 = arith.constant 0 : i32
      %dma_wait3A_199 = tpu.memref_slice %arg11[%dma_wait3A_197, %dma_wait3A_198] : memref<4x80xi32, #tpu.memory_space<vmem>> -> memref<1x80xi32, #tpu.memory_space<vmem>>
      %dma_wait3A_200 = tpu.memref_squeeze %dma_wait3A_199 : memref<1x80xi32, #tpu.memory_space<vmem>> -> memref<80xi32, #tpu.memory_space<vmem>>
      %dma_wait3A_201 = tpu.memref_slice %arg7[%add3A_178] : memref<320000xi32, #tpu.memory_space<hbm>> -> memref<80xi32, #tpu.memory_space<hbm>>
      %dma_wait3A_202 = arith.constant 0 : i32
      %dma_wait3A_203 = tpu.memref_slice %arg11[%dma_wait3A_197, %dma_wait3A_202] : memref<4x80xi32, #tpu.memory_space<vmem>> -> memref<1x80xi32, #tpu.memory_space<vmem>>
      %dma_wait3A_204 = tpu.memref_squeeze %dma_wait3A_203 : memref<1x80xi32, #tpu.memory_space<vmem>> -> memref<80xi32, #tpu.memory_space<vmem>>
      %dma_wait3A_205 = tpu.memref_slice %arg7[%add3A_178] : memref<320000xi32, #tpu.memory_space<hbm>> -> memref<80xi32, #tpu.memory_space<hbm>>
      tpu.wait_dma2 semaphore(%arg22 : memref<!tpu.dma_semaphore, #tpu.memory_space<semaphore_mem>>) src(%dma_wait3A_205 : memref<80xi32, #tpu.memory_space<hbm>>) dst(%dma_wait3A_204 : memref<80xi32, #tpu.memory_space<vmem>>)
      %add3A_206 = arith.constant 1 : i32
      %add3A_207 = arith.addi %add3A_159, %add3A_206 : i32
      %dma_start3A_208 = arith.constant 1 : i32
      %dma_start3A_209 = arith.constant 0 : i32
      %dma_start3A_210 = tpu.memref_slice %arg9[%dma_start3A_208, %dma_start3A_209] : memref<4x80xi32, #tpu.memory_space<vmem>> -> memref<1x80xi32, #tpu.memory_space<vmem>>
      %dma_start3A_211 = tpu.memref_squeeze %dma_start3A_210 : memref<1x80xi32, #tpu.memory_space<vmem>> -> memref<80xi32, #tpu.memory_space<vmem>>
      %dma_start3A_212 = arith.constant 0 : i32
      %dma_start3A_213 = arith.constant 0 : i32
      %dma_start3A_214 = tpu.memref_slice %arg2[%dma_start3A_212, %dma_start3A_213] : memref<10000x128xf32, #tpu.memory_space<hbm>> -> memref<10000x128xf32, #tpu.memory_space<hbm>>
      tpu.enqueue_indirect_dma source(%dma_start3A_214 : memref<10000x128xf32, #tpu.memory_space<hbm>>) target(%arg13 : memref<80x128xf32, #tpu.memory_space<vmem>>) offsets(%dma_start3A_211 : memref<80xi32, #tpu.memory_space<vmem>>) semaphore(%arg20 : memref<!tpu.dma_semaphore, #tpu.memory_space<semaphore_mem>>)
      %dma_start3A_215 = arith.constant 1 : i32
      %dma_start3A_216 = arith.constant 0 : i32
      %dma_start3A_217 = tpu.memref_slice %arg10[%dma_start3A_215, %dma_start3A_216] : memref<4x80xi32, #tpu.memory_space<vmem>> -> memref<1x80xi32, #tpu.memory_space<vmem>>
      %dma_start3A_218 = tpu.memref_squeeze %dma_start3A_217 : memref<1x80xi32, #tpu.memory_space<vmem>> -> memref<80xi32, #tpu.memory_space<vmem>>
      %dma_start3A_219 = arith.constant 0 : i32
      %dma_start3A_220 = arith.constant 0 : i32
      %dma_start3A_221 = tpu.memref_slice %arg3[%dma_start3A_219, %dma_start3A_220] : memref<10000x128xf32, #tpu.memory_space<hbm>> -> memref<10000x128xf32, #tpu.memory_space<hbm>>
      tpu.enqueue_indirect_dma source(%dma_start3A_221 : memref<10000x128xf32, #tpu.memory_space<hbm>>) target(%arg15 : memref<80x128xf32, #tpu.memory_space<vmem>>) offsets(%dma_start3A_218 : memref<80xi32, #tpu.memory_space<vmem>>) semaphore(%arg20 : memref<!tpu.dma_semaphore, #tpu.memory_space<semaphore_mem>>)
      %mul3A_222 = arith.constant 80 : i32
      %mul3A_223 = arith.muli %add3A_159, %mul3A_222 : i32
      %parallel_loop3A_224 = arith.constant 0 : i32
      %parallel_loop3A_225 = arith.constant 80 : i32
      %parallel_loop3A_226 = arith.constant 1 : i32
      scf.for %parallel_loop3A_471 = %parallel_loop3A_224 to %parallel_loop3A_225 step %parallel_loop3A_226  : i32 {
        %parallel_loop3A_472 = arith.constant 15 : i32
        %parallel_loop3A_473 = arith.andi %parallel_loop3A_471, %parallel_loop3A_472 : i32
        %parallel_loop3A_474 = arith.subi %parallel_loop3A_471, %parallel_loop3A_473 : i32
        %parallel_loop3A_475 = arith.constant 0 : i32
        %parallel_loop3A_476 = arith.index_cast %parallel_loop3A_475 : i32 to index
        %parallel_loop3A_477 = arith.index_cast %parallel_loop3A_474 : i32 to index
        %parallel_loop3A_478 = tpu.vector_load %arg11[%parallel_loop3A_476, %parallel_loop3A_477] {strides = array<i32>} : memref<4x80xi32, #tpu.memory_space<vmem>>, vector<16xi32>,
        %parallel_loop3A_479 = arith.constant 15 : i32
        %parallel_loop3A_480 = arith.andi %parallel_loop3A_471, %parallel_loop3A_479 : i32
        %parallel_loop3A_481 = vector.broadcast %parallel_loop3A_480 : i32 to vector<16xi32>
        %parallel_loop3A_482 = vector.shape_cast %parallel_loop3A_481 : vector<16xi32> to vector<16x1xi32>
        %parallel_loop3A_483 = vector.shape_cast %parallel_loop3A_482 : vector<16x1xi32> to vector<16xi32>
        %parallel_loop3A_484 = tpu.dynamic_gather %parallel_loop3A_478[%parallel_loop3A_483] in [0] : vector<16xi32>, vector<16xi32> -> vector<16xi32>
        %parallel_loop3A_485 = arith.constant 0.000000e+00 : f32
        %parallel_loop3A_486 = vector.broadcast %parallel_loop3A_485 : f32 to vector<16xf32>
        %parallel_loop3A_487 = arith.constant 0 : i32
        %parallel_loop3A_488 = vector.broadcast %parallel_loop3A_487 : i32 to vector<16xi32>
        %parallel_loop3A_489 = arith.addi %iota3A, %parallel_loop3A_488 : vector<16xi32>
        %parallel_loop3A_490 = tpu.vector_load_idx %arg16[%parallel_loop3A_484, %parallel_loop3A_489] : memref<500x128xf32, #tpu.memory_space<vmem>>[vector<16xi32>, vector<16xi32>], vector<16xf32>,
        %parallel_loop3A_491 = arith.index_cast %parallel_loop3A_471 : i32 to index
        %parallel_loop3A_492 = arith.constant 0 : index
        %parallel_loop3A_493 = tpu.vector_load %arg12[%parallel_loop3A_491, %parallel_loop3A_492] {strides = array<i32>} : memref<80x128xf32, #tpu.memory_space<vmem>>, vector<16xf32>,
        %parallel_loop3A_494 = arith.mulf %parallel_loop3A_493, %parallel_loop3A_490 : vector<16xf32>
        %parallel_loop3A_495 = arith.index_cast %parallel_loop3A_471 : i32 to index
        %parallel_loop3A_496 = arith.constant 0 : index
        %parallel_loop3A_497 = tpu.vector_load %arg14[%parallel_loop3A_495, %parallel_loop3A_496] {strides = array<i32>} : memref<80x128xf32, #tpu.memory_space<vmem>>, vector<16xf32>,
        %parallel_loop3A_498 = arith.mulf %parallel_loop3A_494, %parallel_loop3A_497 : vector<16xf32>
        %parallel_loop3A_499 = arith.addf %parallel_loop3A_486, %parallel_loop3A_498 : vector<16xf32>
        %parallel_loop3A_500 = arith.constant 16 : i32
        %parallel_loop3A_501 = vector.broadcast %parallel_loop3A_500 : i32 to vector<16xi32>
        %parallel_loop3A_502 = arith.addi %iota3A, %parallel_loop3A_501 : vector<16xi32>
        %parallel_loop3A_503 = tpu.vector_load_idx %arg16[%parallel_loop3A_484, %parallel_loop3A_502] : memref<500x128xf32, #tpu.memory_space<vmem>>[vector<16xi32>, vector<16xi32>], vector<16xf32>,
        %parallel_loop3A_504 = arith.index_cast %parallel_loop3A_471 : i32 to index
        %parallel_loop3A_505 = arith.constant 16 : index
        %parallel_loop3A_506 = tpu.vector_load %arg12[%parallel_loop3A_504, %parallel_loop3A_505] {strides = array<i32>} : memref<80x128xf32, #tpu.memory_space<vmem>>, vector<16xf32>,
        %parallel_loop3A_507 = arith.mulf %parallel_loop3A_506, %parallel_loop3A_503 : vector<16xf32>
        %parallel_loop3A_508 = arith.index_cast %parallel_loop3A_471 : i32 to index
        %parallel_loop3A_509 = arith.constant 16 : index
        %parallel_loop3A_510 = tpu.vector_load %arg14[%parallel_loop3A_508, %parallel_loop3A_509] {strides = array<i32>} : memref<80x128xf32, #tpu.memory_space<vmem>>, vector<16xf32>,
        %parallel_loop3A_511 = arith.mulf %parallel_loop3A_507, %parallel_loop3A_510 : vector<16xf32>
        %parallel_loop3A_512 = arith.addf %parallel_loop3A_499, %parallel_loop3A_511 : vector<16xf32>
        %parallel_loop3A_513 = arith.constant 32 : i32
        %parallel_loop3A_514 = vector.broadcast %parallel_loop3A_513 : i32 to vector<16xi32>
        %parallel_loop3A_515 = arith.addi %iota3A, %parallel_loop3A_514 : vector<16xi32>
        %parallel_loop3A_516 = tpu.vector_load_idx %arg16[%parallel_loop3A_484, %parallel_loop3A_515] : memref<500x128xf32, #tpu.memory_space<vmem>>[vector<16xi32>, vector<16xi32>], vector<16xf32>,
        %parallel_loop3A_517 = arith.index_cast %parallel_loop3A_471 : i32 to index
        %parallel_loop3A_518 = arith.constant 32 : index
        %parallel_loop3A_519 = tpu.vector_load %arg12[%parallel_loop3A_517, %parallel_loop3A_518] {strides = array<i32>} : memref<80x128xf32, #tpu.memory_space<vmem>>, vector<16xf32>,
        %parallel_loop3A_520 = arith.mulf %parallel_loop3A_519, %parallel_loop3A_516 : vector<16xf32>
        %parallel_loop3A_521 = arith.index_cast %parallel_loop3A_471 : i32 to index
        %parallel_loop3A_522 = arith.constant 32 : index
        %parallel_loop3A_523 = tpu.vector_load %arg14[%parallel_loop3A_521, %parallel_loop3A_522] {strides = array<i32>} : memref<80x128xf32, #tpu.memory_space<vmem>>, vector<16xf32>,
        %parallel_loop3A_524 = arith.mulf %parallel_loop3A_520, %parallel_loop3A_523 : vector<16xf32>
        %parallel_loop3A_525 = arith.addf %parallel_loop3A_512, %parallel_loop3A_524 : vector<16xf32>
        %parallel_loop3A_526 = arith.constant 48 : i32
        %parallel_loop3A_527 = vector.broadcast %parallel_loop3A_526 : i32 to vector<16xi32>
        %parallel_loop3A_528 = arith.addi %iota3A, %parallel_loop3A_527 : vector<16xi32>
        %parallel_loop3A_529 = tpu.vector_load_idx %arg16[%parallel_loop3A_484, %parallel_loop3A_528] : memref<500x128xf32, #tpu.memory_space<vmem>>[vector<16xi32>, vector<16xi32>], vector<16xf32>,
        %parallel_loop3A_530 = arith.index_cast %parallel_loop3A_471 : i32 to index
        %parallel_loop3A_531 = arith.constant 48 : index
        %parallel_loop3A_532 = tpu.vector_load %arg12[%parallel_loop3A_530, %parallel_loop3A_531] {strides = array<i32>} : memref<80x128xf32, #tpu.memory_space<vmem>>, vector<16xf32>,
        %parallel_loop3A_533 = arith.mulf %parallel_loop3A_532, %parallel_loop3A_529 : vector<16xf32>
        %parallel_loop3A_534 = arith.index_cast %parallel_loop3A_471 : i32 to index
        %parallel_loop3A_535 = arith.constant 48 : index
        %parallel_loop3A_536 = tpu.vector_load %arg14[%parallel_loop3A_534, %parallel_loop3A_535] {strides = array<i32>} : memref<80x128xf32, #tpu.memory_space<vmem>>, vector<16xf32>,
        %parallel_loop3A_537 = arith.mulf %parallel_loop3A_533, %parallel_loop3A_536 : vector<16xf32>
        %parallel_loop3A_538 = arith.addf %parallel_loop3A_525, %parallel_loop3A_537 : vector<16xf32>
        %parallel_loop3A_539 = arith.constant 64 : i32
        %parallel_loop3A_540 = vector.broadcast %parallel_loop3A_539 : i32 to vector<16xi32>
        %parallel_loop3A_541 = arith.addi %iota3A, %parallel_loop3A_540 : vector<16xi32>
        %parallel_loop3A_542 = tpu.vector_load_idx %arg16[%parallel_loop3A_484, %parallel_loop3A_541] : memref<500x128xf32, #tpu.memory_space<vmem>>[vector<16xi32>, vector<16xi32>], vector<16xf32>,
        %parallel_loop3A_543 = arith.index_cast %parallel_loop3A_471 : i32 to index
        %parallel_loop3A_544 = arith.constant 64 : index
        %parallel_loop3A_545 = tpu.vector_load %arg12[%parallel_loop3A_543, %parallel_loop3A_544] {strides = array<i32>} : memref<80x128xf32, #tpu.memory_space<vmem>>, vector<16xf32>,
        %parallel_loop3A_546 = arith.mulf %parallel_loop3A_545, %parallel_loop3A_542 : vector<16xf32>
        %parallel_loop3A_547 = arith.index_cast %parallel_loop3A_471 : i32 to index
        %parallel_loop3A_548 = arith.constant 64 : index
        %parallel_loop3A_549 = tpu.vector_load %arg14[%parallel_loop3A_547, %parallel_loop3A_548] {strides = array<i32>} : memref<80x128xf32, #tpu.memory_space<vmem>>, vector<16xf32>,
        %parallel_loop3A_550 = arith.mulf %parallel_loop3A_546, %parallel_loop3A_549 : vector<16xf32>
        %parallel_loop3A_551 = arith.addf %parallel_loop3A_538, %parallel_loop3A_550 : vector<16xf32>
        %parallel_loop3A_552 = arith.constant 80 : i32
        %parallel_loop3A_553 = vector.broadcast %parallel_loop3A_552 : i32 to vector<16xi32>
        %parallel_loop3A_554 = arith.addi %iota3A, %parallel_loop3A_553 : vector<16xi32>
        %parallel_loop3A_555 = tpu.vector_load_idx %arg16[%parallel_loop3A_484, %parallel_loop3A_554] : memref<500x128xf32, #tpu.memory_space<vmem>>[vector<16xi32>, vector<16xi32>], vector<16xf32>,
        %parallel_loop3A_556 = arith.index_cast %parallel_loop3A_471 : i32 to index
        %parallel_loop3A_557 = arith.constant 80 : index
        %parallel_loop3A_558 = tpu.vector_load %arg12[%parallel_loop3A_556, %parallel_loop3A_557] {strides = array<i32>} : memref<80x128xf32, #tpu.memory_space<vmem>>, vector<16xf32>,
        %parallel_loop3A_559 = arith.mulf %parallel_loop3A_558, %parallel_loop3A_555 : vector<16xf32>
        %parallel_loop3A_560 = arith.index_cast %parallel_loop3A_471 : i32 to index
        %parallel_loop3A_561 = arith.constant 80 : index
        %parallel_loop3A_562 = tpu.vector_load %arg14[%parallel_loop3A_560, %parallel_loop3A_561] {strides = array<i32>} : memref<80x128xf32, #tpu.memory_space<vmem>>, vector<16xf32>,
        %parallel_loop3A_563 = arith.mulf %parallel_loop3A_559, %parallel_loop3A_562 : vector<16xf32>
        %parallel_loop3A_564 = arith.addf %parallel_loop3A_551, %parallel_loop3A_563 : vector<16xf32>
        %parallel_loop3A_565 = arith.constant 96 : i32
        %parallel_loop3A_566 = vector.broadcast %parallel_loop3A_565 : i32 to vector<16xi32>
        %parallel_loop3A_567 = arith.addi %iota3A, %parallel_loop3A_566 : vector<16xi32>
        %parallel_loop3A_568 = tpu.vector_load_idx %arg16[%parallel_loop3A_484, %parallel_loop3A_567] : memref<500x128xf32, #tpu.memory_space<vmem>>[vector<16xi32>, vector<16xi32>], vector<16xf32>,
        %parallel_loop3A_569 = arith.index_cast %parallel_loop3A_471 : i32 to index
        %parallel_loop3A_570 = arith.constant 96 : index
        %parallel_loop3A_571 = tpu.vector_load %arg12[%parallel_loop3A_569, %parallel_loop3A_570] {strides = array<i32>} : memref<80x128xf32, #tpu.memory_space<vmem>>, vector<16xf32>,
        %parallel_loop3A_572 = arith.mulf %parallel_loop3A_571, %parallel_loop3A_568 : vector<16xf32>
        %parallel_loop3A_573 = arith.index_cast %parallel_loop3A_471 : i32 to index
        %parallel_loop3A_574 = arith.constant 96 : index
        %parallel_loop3A_575 = tpu.vector_load %arg14[%parallel_loop3A_573, %parallel_loop3A_574] {strides = array<i32>} : memref<80x128xf32, #tpu.memory_space<vmem>>, vector<16xf32>,
        %parallel_loop3A_576 = arith.mulf %parallel_loop3A_572, %parallel_loop3A_575 : vector<16xf32>
        %parallel_loop3A_577 = arith.addf %parallel_loop3A_564, %parallel_loop3A_576 : vector<16xf32>
        %parallel_loop3A_578 = arith.constant 112 : i32
        %parallel_loop3A_579 = vector.broadcast %parallel_loop3A_578 : i32 to vector<16xi32>
        %parallel_loop3A_580 = arith.addi %iota3A, %parallel_loop3A_579 : vector<16xi32>
        %parallel_loop3A_581 = tpu.vector_load_idx %arg16[%parallel_loop3A_484, %parallel_loop3A_580] : memref<500x128xf32, #tpu.memory_space<vmem>>[vector<16xi32>, vector<16xi32>], vector<16xf32>,
        %parallel_loop3A_582 = arith.index_cast %parallel_loop3A_471 : i32 to index
        %parallel_loop3A_583 = arith.constant 112 : index
        %parallel_loop3A_584 = tpu.vector_load %arg12[%parallel_loop3A_582, %parallel_loop3A_583] {strides = array<i32>} : memref<80x128xf32, #tpu.memory_space<vmem>>, vector<16xf32>,
        %parallel_loop3A_585 = arith.mulf %parallel_loop3A_584, %parallel_loop3A_581 : vector<16xf32>
        %parallel_loop3A_586 = arith.index_cast %parallel_loop3A_471 : i32 to index
        %parallel_loop3A_587 = arith.constant 112 : index
        %parallel_loop3A_588 = tpu.vector_load %arg14[%parallel_loop3A_586, %parallel_loop3A_587] {strides = array<i32>} : memref<80x128xf32, #tpu.memory_space<vmem>>, vector<16xf32>,
        %parallel_loop3A_589 = arith.mulf %parallel_loop3A_585, %parallel_loop3A_588 : vector<16xf32>
        %parallel_loop3A_590 = arith.addf %parallel_loop3A_577, %parallel_loop3A_589 : vector<16xf32>
        %parallel_loop3A_591 = arith.constant 4 : i32
        %parallel_loop3A_592 = arith.shrsi %parallel_loop3A_471, %parallel_loop3A_591 : i32
        %parallel_loop3A_593 = arith.constant 15 : i32
        %parallel_loop3A_594 = arith.andi %parallel_loop3A_471, %parallel_loop3A_593 : i32
        %parallel_loop3A_595 = arith.index_cast %parallel_loop3A_592 : i32 to index
        %parallel_loop3A_596 = arith.index_cast %parallel_loop3A_594 : i32 to index
        %parallel_loop3A_597 = arith.constant 0 : index
        %parallel_loop3A_598 = tpu.vector_load %arg18[%parallel_loop3A_595, %parallel_loop3A_596, %parallel_loop3A_597] {strides = array<i32>} : memref<5x16x17xf32, #tpu.memory_space<vmem>>, vector<16xf32>,
        tpu.vector_store %arg18[%parallel_loop3A_595, %parallel_loop3A_596, %parallel_loop3A_597], %parallel_loop3A_590 {strides = array<i32>} : memref<5x16x17xf32, #tpu.memory_space<vmem>>, vector<16xf32>,
      } {sc.loop_unroll_factor = 2 : i64, sc.parallel_access}
      %parallel_loop3A_227 = arith.constant 0 : i32
      %parallel_loop3A_228 = arith.constant 5 : i32
      %parallel_loop3A_229 = arith.constant 1 : i32
      scf.for %parallel_loop3A_471 = %parallel_loop3A_227 to %parallel_loop3A_228 step %parallel_loop3A_229  : i32 {
        %parallel_loop3A_472 = vector.broadcast %parallel_loop3A_471 : i32 to vector<16xi32>
        %parallel_loop3A_473 = arith.constant 0.000000e+00 : f32
        %parallel_loop3A_474 = vector.broadcast %parallel_loop3A_473 : f32 to vector<16xf32>
        %parallel_loop3A_475 = arith.constant 0 : i32
        %parallel_loop3A_476 = vector.broadcast %parallel_loop3A_475 : i32 to vector<16xi32>
        %parallel_loop3A_477 = tpu.vector_load_idx %arg18[%parallel_loop3A_472, %iota3A, %parallel_loop3A_476] : memref<5x16x17xf32, #tpu.memory_space<vmem>>[vector<16xi32>, vector<16xi32>, vector<16xi32>], vector<16xf32>,
        %parallel_loop3A_478 = arith.addf %parallel_loop3A_474, %parallel_loop3A_477 : vector<16xf32>
        %parallel_loop3A_479 = arith.constant 1 : i32
        %parallel_loop3A_480 = vector.broadcast %parallel_loop3A_479 : i32 to vector<16xi32>
        %parallel_loop3A_481 = tpu.vector_load_idx %arg18[%parallel_loop3A_472, %iota3A, %parallel_loop3A_480] : memref<5x16x17xf32, #tpu.memory_space<vmem>>[vector<16xi32>, vector<16xi32>, vector<16xi32>], vector<16xf32>,
        %parallel_loop3A_482 = arith.addf %parallel_loop3A_478, %parallel_loop3A_481 : vector<16xf32>
        %parallel_loop3A_483 = arith.constant 2 : i32
        %parallel_loop3A_484 = vector.broadcast %parallel_loop3A_483 : i32 to vector<16xi32>
        %parallel_loop3A_485 = tpu.vector_load_idx %arg18[%parallel_loop3A_472, %iota3A, %parallel_loop3A_484] : memref<5x16x17xf32, #tpu.memory_space<vmem>>[vector<16xi32>, vector<16xi32>, vector<16xi32>], vector<16xf32>,
        %parallel_loop3A_486 = arith.addf %parallel_loop3A_482, %parallel_loop3A_485 : vector<16xf32>
        %parallel_loop3A_487 = arith.constant 3 : i32
        %parallel_loop3A_488 = vector.broadcast %parallel_loop3A_487 : i32 to vector<16xi32>
        %parallel_loop3A_489 = tpu.vector_load_idx %arg18[%parallel_loop3A_472, %iota3A, %parallel_loop3A_488] : memref<5x16x17xf32, #tpu.memory_space<vmem>>[vector<16xi32>, vector<16xi32>, vector<16xi32>], vector<16xf32>,
        %parallel_loop3A_490 = arith.addf %parallel_loop3A_486, %parallel_loop3A_489 : vector<16xf32>
        %parallel_loop3A_491 = arith.constant 4 : i32
        %parallel_loop3A_492 = vector.broadcast %parallel_loop3A_491 : i32 to vector<16xi32>
        %parallel_loop3A_493 = tpu.vector_load_idx %arg18[%parallel_loop3A_472, %iota3A, %parallel_loop3A_492] : memref<5x16x17xf32, #tpu.memory_space<vmem>>[vector<16xi32>, vector<16xi32>, vector<16xi32>], vector<16xf32>,
        %parallel_loop3A_494 = arith.addf %parallel_loop3A_490, %parallel_loop3A_493 : vector<16xf32>
        %parallel_loop3A_495 = arith.constant 5 : i32
        %parallel_loop3A_496 = vector.broadcast %parallel_loop3A_495 : i32 to vector<16xi32>
        %parallel_loop3A_497 = tpu.vector_load_idx %arg18[%parallel_loop3A_472, %iota3A, %parallel_loop3A_496] : memref<5x16x17xf32, #tpu.memory_space<vmem>>[vector<16xi32>, vector<16xi32>, vector<16xi32>], vector<16xf32>,
        %parallel_loop3A_498 = arith.addf %parallel_loop3A_494, %parallel_loop3A_497 : vector<16xf32>
        %parallel_loop3A_499 = arith.constant 6 : i32
        %parallel_loop3A_500 = vector.broadcast %parallel_loop3A_499 : i32 to vector<16xi32>
        %parallel_loop3A_501 = tpu.vector_load_idx %arg18[%parallel_loop3A_472, %iota3A, %parallel_loop3A_500] : memref<5x16x17xf32, #tpu.memory_space<vmem>>[vector<16xi32>, vector<16xi32>, vector<16xi32>], vector<16xf32>,
        %parallel_loop3A_502 = arith.addf %parallel_loop3A_498, %parallel_loop3A_501 : vector<16xf32>
        %parallel_loop3A_503 = arith.constant 7 : i32
        %parallel_loop3A_504 = vector.broadcast %parallel_loop3A_503 : i32 to vector<16xi32>
        %parallel_loop3A_505 = tpu.vector_load_idx %arg18[%parallel_loop3A_472, %iota3A, %parallel_loop3A_504] : memref<5x16x17xf32, #tpu.memory_space<vmem>>[vector<16xi32>, vector<16xi32>, vector<16xi32>], vector<16xf32>,
        %parallel_loop3A_506 = arith.addf %parallel_loop3A_502, %parallel_loop3A_505 : vector<16xf32>
        %parallel_loop3A_507 = arith.constant 8 : i32
        %parallel_loop3A_508 = vector.broadcast %parallel_loop3A_507 : i32 to vector<16xi32>
        %parallel_loop3A_509 = tpu.vector_load_idx %arg18[%parallel_loop3A_472, %iota3A, %parallel_loop3A_508] : memref<5x16x17xf32, #tpu.memory_space<vmem>>[vector<16xi32>, vector<16xi32>, vector<16xi32>], vector<16xf32>,
        %parallel_loop3A_510 = arith.addf %parallel_loop3A_506, %parallel_loop3A_509 : vector<16xf32>
        %parallel_loop3A_511 = arith.constant 9 : i32
        %parallel_loop3A_512 = vector.broadcast %parallel_loop3A_511 : i32 to vector<16xi32>
        %parallel_loop3A_513 = tpu.vector_load_idx %arg18[%parallel_loop3A_472, %iota3A, %parallel_loop3A_512] : memref<5x16x17xf32, #tpu.memory_space<vmem>>[vector<16xi32>, vector<16xi32>, vector<16xi32>], vector<16xf32>,
        %parallel_loop3A_514 = arith.addf %parallel_loop3A_510, %parallel_loop3A_513 : vector<16xf32>
        %parallel_loop3A_515 = arith.constant 10 : i32
        %parallel_loop3A_516 = vector.broadcast %parallel_loop3A_515 : i32 to vector<16xi32>
        %parallel_loop3A_517 = tpu.vector_load_idx %arg18[%parallel_loop3A_472, %iota3A, %parallel_loop3A_516] : memref<5x16x17xf32, #tpu.memory_space<vmem>>[vector<16xi32>, vector<16xi32>, vector<16xi32>], vector<16xf32>,
        %parallel_loop3A_518 = arith.addf %parallel_loop3A_514, %parallel_loop3A_517 : vector<16xf32>
        %parallel_loop3A_519 = arith.constant 11 : i32
        %parallel_loop3A_520 = vector.broadcast %parallel_loop3A_519 : i32 to vector<16xi32>
        %parallel_loop3A_521 = tpu.vector_load_idx %arg18[%parallel_loop3A_472, %iota3A, %parallel_loop3A_520] : memref<5x16x17xf32, #tpu.memory_space<vmem>>[vector<16xi32>, vector<16xi32>, vector<16xi32>], vector<16xf32>,
        %parallel_loop3A_522 = arith.addf %parallel_loop3A_518, %parallel_loop3A_521 : vector<16xf32>
        %parallel_loop3A_523 = arith.constant 12 : i32
        %parallel_loop3A_524 = vector.broadcast %parallel_loop3A_523 : i32 to vector<16xi32>
        %parallel_loop3A_525 = tpu.vector_load_idx %arg18[%parallel_loop3A_472, %iota3A, %parallel_loop3A_524] : memref<5x16x17xf32, #tpu.memory_space<vmem>>[vector<16xi32>, vector<16xi32>, vector<16xi32>], vector<16xf32>,
        %parallel_loop3A_526 = arith.addf %parallel_loop3A_522, %parallel_loop3A_525 : vector<16xf32>
        %parallel_loop3A_527 = arith.constant 13 : i32
        %parallel_loop3A_528 = vector.broadcast %parallel_loop3A_527 : i32 to vector<16xi32>
        %parallel_loop3A_529 = tpu.vector_load_idx %arg18[%parallel_loop3A_472, %iota3A, %parallel_loop3A_528] : memref<5x16x17xf32, #tpu.memory_space<vmem>>[vector<16xi32>, vector<16xi32>, vector<16xi32>], vector<16xf32>,
        %parallel_loop3A_530 = arith.addf %parallel_loop3A_526, %parallel_loop3A_529 : vector<16xf32>
        %parallel_loop3A_531 = arith.constant 14 : i32
        %parallel_loop3A_532 = vector.broadcast %parallel_loop3A_531 : i32 to vector<16xi32>
        %parallel_loop3A_533 = tpu.vector_load_idx %arg18[%parallel_loop3A_472, %iota3A, %parallel_loop3A_532] : memref<5x16x17xf32, #tpu.memory_space<vmem>>[vector<16xi32>, vector<16xi32>, vector<16xi32>], vector<16xf32>,
        %parallel_loop3A_534 = arith.addf %parallel_loop3A_530, %parallel_loop3A_533 : vector<16xf32>
        %parallel_loop3A_535 = arith.constant 15 : i32
        %parallel_loop3A_536 = vector.broadcast %parallel_loop3A_535 : i32 to vector<16xi32>
        %parallel_loop3A_537 = tpu.vector_load_idx %arg18[%parallel_loop3A_472, %iota3A, %parallel_loop3A_536] : memref<5x16x17xf32, #tpu.memory_space<vmem>>[vector<16xi32>, vector<16xi32>, vector<16xi32>], vector<16xf32>,
        %parallel_loop3A_538 = arith.addf %parallel_loop3A_534, %parallel_loop3A_537 : vector<16xf32>
        %parallel_loop3A_539 = arith.constant 0.000000e+00 : f32
        %parallel_loop3A_540 = vector.broadcast %parallel_loop3A_539 : f32 to vector<16xf32>
        %parallel_loop3A_541 = arith.subf %parallel_loop3A_540, %parallel_loop3A_538 : vector<16xf32>
        %parallel_loop3A_542 = math.exp %parallel_loop3A_541 : vector<16xf32>
        %parallel_loop3A_543 = arith.constant 1.000000e+00 : f32
        %parallel_loop3A_544 = vector.broadcast %parallel_loop3A_543 : f32 to vector<16xf32>
        %parallel_loop3A_545 = arith.addf %parallel_loop3A_544, %parallel_loop3A_542 : vector<16xf32>
        %parallel_loop3A_546 = arith.constant 1.000000e+00 : f32
        %parallel_loop3A_547 = vector.broadcast %parallel_loop3A_546 : f32 to vector<16xf32>
        %parallel_loop3A_548 = arith.divf %parallel_loop3A_547, %parallel_loop3A_545 : vector<16xf32>
        %parallel_loop3A_549 = arith.constant 16 : i32
        %parallel_loop3A_550 = arith.muli %parallel_loop3A_471, %parallel_loop3A_549 : i32
        %parallel_loop3A_551 = arith.addi %mul3A_223, %parallel_loop3A_550 : i32
        %parallel_loop3A_552 = arith.index_cast %parallel_loop3A_551 : i32 to index
        %parallel_loop3A_553 = tpu.vector_load %arg17[%parallel_loop3A_552] {strides = array<i32>} : memref<10000xf32, #tpu.memory_space<vmem>>, vector<16xf32>,
        tpu.vector_store %arg17[%parallel_loop3A_552], %parallel_loop3A_548 {strides = array<i32>} : memref<10000xf32, #tpu.memory_space<vmem>>, vector<16xf32>,
      } {sc.loop_unroll_factor = 1 : i64, sc.parallel_access}
      %add3A_230 = arith.constant 3 : i32
      %add3A_231 = arith.addi %add3A_159, %add3A_230 : i32
      %lt3A = arith.constant 125 : i32
      %lt3A_232 = arith.cmpi slt, %add3A_231, %lt3A : i32
      %convert_element_type3A = arith.extui %lt3A_232 : i1 to i32
      %cond3A = arith.constant 0 : i32
      %cond3A_233 = arith.cmpi ne, %convert_element_type3A, %cond3A : i32
      scf.if %cond3A_233 {
        %add3A_471 = arith.constant 3 : i32
        %add3A_472 = arith.addi %add3A_159, %add3A_471 : i32
        %mul3A_473 = arith.constant 80 : i32
        %mul3A_474 = arith.muli %add3A_472, %mul3A_473 : i32
        %add3A_475 = arith.addi %mul3A_2, %mul3A_474 : i32
        %dma_start3A_476 = arith.constant 3 : i32
        %dma_start3A_477 = arith.constant 0 : i32
        %dma_start3A_478 = tpu.memref_slice %arg9[%dma_start3A_476, %dma_start3A_477] : memref<4x80xi32, #tpu.memory_space<vmem>> -> memref<1x80xi32, #tpu.memory_space<vmem>>
        %dma_start3A_479 = tpu.memref_squeeze %dma_start3A_478 : memref<1x80xi32, #tpu.memory_space<vmem>> -> memref<80xi32, #tpu.memory_space<vmem>>
        %dma_start3A_480 = tpu.memref_slice %arg5[%add3A_475] : memref<320000xi32, #tpu.memory_space<hbm>> -> memref<80xi32, #tpu.memory_space<hbm>>
        %dma_start3A_481 = arith.constant 0 : i32
        %dma_start3A_482 = tpu.memref_slice %arg9[%dma_start3A_476, %dma_start3A_481] : memref<4x80xi32, #tpu.memory_space<vmem>> -> memref<1x80xi32, #tpu.memory_space<vmem>>
        %dma_start3A_483 = tpu.memref_squeeze %dma_start3A_482 : memref<1x80xi32, #tpu.memory_space<vmem>> -> memref<80xi32, #tpu.memory_space<vmem>>
        %dma_start3A_484 = tpu.memref_slice %arg5[%add3A_475] : memref<320000xi32, #tpu.memory_space<hbm>> -> memref<80xi32, #tpu.memory_space<hbm>>
        tpu.enqueue_dma source(%dma_start3A_484 : memref<80xi32, #tpu.memory_space<hbm>>) target(%dma_start3A_483 : memref<80xi32, #tpu.memory_space<vmem>>) target_semaphore(%arg24 : memref<!tpu.dma_semaphore, #tpu.memory_space<semaphore_mem>>)
        %dma_start3A_485 = arith.constant 3 : i32
        %dma_start3A_486 = arith.constant 0 : i32
        %dma_start3A_487 = tpu.memref_slice %arg10[%dma_start3A_485, %dma_start3A_486] : memref<4x80xi32, #tpu.memory_space<vmem>> -> memref<1x80xi32, #tpu.memory_space<vmem>>
        %dma_start3A_488 = tpu.memref_squeeze %dma_start3A_487 : memref<1x80xi32, #tpu.memory_space<vmem>> -> memref<80xi32, #tpu.memory_space<vmem>>
        %dma_start3A_489 = tpu.memref_slice %arg6[%add3A_475] : memref<320000xi32, #tpu.memory_space<hbm>> -> memref<80xi32, #tpu.memory_space<hbm>>
        %dma_start3A_490 = arith.constant 0 : i32
        %dma_start3A_491 = tpu.memref_slice %arg10[%dma_start3A_485, %dma_start3A_490] : memref<4x80xi32, #tpu.memory_space<vmem>> -> memref<1x80xi32, #tpu.memory_space<vmem>>
        %dma_start3A_492 = tpu.memref_squeeze %dma_start3A_491 : memref<1x80xi32, #tpu.memory_space<vmem>> -> memref<80xi32, #tpu.memory_space<vmem>>
        %dma_start3A_493 = tpu.memref_slice %arg6[%add3A_475] : memref<320000xi32, #tpu.memory_space<hbm>> -> memref<80xi32, #tpu.memory_space<hbm>>
        tpu.enqueue_dma source(%dma_start3A_493 : memref<80xi32, #tpu.memory_space<hbm>>) target(%dma_start3A_492 : memref<80xi32, #tpu.memory_space<vmem>>) target_semaphore(%arg24 : memref<!tpu.dma_semaphore, #tpu.memory_space<semaphore_mem>>)
        %dma_start3A_494 = arith.constant 3 : i32
        %dma_start3A_495 = arith.constant 0 : i32
        %dma_start3A_496 = tpu.memref_slice %arg11[%dma_start3A_494, %dma_start3A_495] : memref<4x80xi32, #tpu.memory_space<vmem>> -> memref<1x80xi32, #tpu.memory_space<vmem>>
        %dma_start3A_497 = tpu.memref_squeeze %dma_start3A_496 : memref<1x80xi32, #tpu.memory_space<vmem>> -> memref<80xi32, #tpu.memory_space<vmem>>
        %dma_start3A_498 = tpu.memref_slice %arg7[%add3A_475] : memref<320000xi32, #tpu.memory_space<hbm>> -> memref<80xi32, #tpu.memory_space<hbm>>
        %dma_start3A_499 = arith.constant 0 : i32
        %dma_start3A_500 = tpu.memref_slice %arg11[%dma_start3A_494, %dma_start3A_499] : memref<4x80xi32, #tpu.memory_space<vmem>> -> memref<1x80xi32, #tpu.memory_space<vmem>>
        %dma_start3A_501 = tpu.memref_squeeze %dma_start3A_500 : memref<1x80xi32, #tpu.memory_space<vmem>> -> memref<80xi32, #tpu.memory_space<vmem>>
        %dma_start3A_502 = tpu.memref_slice %arg7[%add3A_475] : memref<320000xi32, #tpu.memory_space<hbm>> -> memref<80xi32, #tpu.memory_space<hbm>>
        tpu.enqueue_dma source(%dma_start3A_502 : memref<80xi32, #tpu.memory_space<hbm>>) target(%dma_start3A_501 : memref<80xi32, #tpu.memory_space<vmem>>) target_semaphore(%arg24 : memref<!tpu.dma_semaphore, #tpu.memory_space<semaphore_mem>>)
      } else {
      }
      %add3A_234 = arith.constant 1 : i32
      %add3A_235 = arith.addi %mul3A_157, %add3A_234 : i32
      %dma_wait3A_236 = arith.constant 1 : i32
      %dma_wait3A_237 = arith.constant 0 : i32
      %dma_wait3A_238 = tpu.memref_slice %arg9[%dma_wait3A_236, %dma_wait3A_237] : memref<4x80xi32, #tpu.memory_space<vmem>> -> memref<1x80xi32, #tpu.memory_space<vmem>>
      %dma_wait3A_239 = tpu.memref_squeeze %dma_wait3A_238 : memref<1x80xi32, #tpu.memory_space<vmem>> -> memref<80xi32, #tpu.memory_space<vmem>>
      %dma_wait3A_240 = arith.constant 0 : i32
      %dma_wait3A_241 = arith.constant 0 : i32
      %dma_wait3A_242 = tpu.memref_slice %arg2[%dma_wait3A_240, %dma_wait3A_241] : memref<10000x128xf32, #tpu.memory_space<hbm>> -> memref<10000x128xf32, #tpu.memory_space<hbm>>
      tpu.wait_indirect_dma semaphore(%arg20 : memref<!tpu.dma_semaphore, #tpu.memory_space<semaphore_mem>>) src(%dma_wait3A_242 : memref<10000x128xf32, #tpu.memory_space<hbm>>) dst(%arg13 : memref<80x128xf32, #tpu.memory_space<vmem>>)
      %dma_wait3A_243 = arith.constant 1 : i32
      %dma_wait3A_244 = arith.constant 0 : i32
      %dma_wait3A_245 = tpu.memref_slice %arg10[%dma_wait3A_243, %dma_wait3A_244] : memref<4x80xi32, #tpu.memory_space<vmem>> -> memref<1x80xi32, #tpu.memory_space<vmem>>
      %dma_wait3A_246 = tpu.memref_squeeze %dma_wait3A_245 : memref<1x80xi32, #tpu.memory_space<vmem>> -> memref<80xi32, #tpu.memory_space<vmem>>
      %dma_wait3A_247 = arith.constant 0 : i32
      %dma_wait3A_248 = arith.constant 0 : i32
      %dma_wait3A_249 = tpu.memref_slice %arg3[%dma_wait3A_247, %dma_wait3A_248] : memref<10000x128xf32, #tpu.memory_space<hbm>> -> memref<10000x128xf32, #tpu.memory_space<hbm>>
      tpu.wait_indirect_dma semaphore(%arg20 : memref<!tpu.dma_semaphore, #tpu.memory_space<semaphore_mem>>) src(%dma_wait3A_249 : memref<10000x128xf32, #tpu.memory_space<hbm>>) dst(%arg15 : memref<80x128xf32, #tpu.memory_space<vmem>>)
      %add3A_250 = arith.constant 1 : i32
      %add3A_251 = arith.addi %add3A_235, %add3A_250 : i32
      %mul3A_252 = arith.constant 80 : i32
      %mul3A_253 = arith.muli %add3A_251, %mul3A_252 : i32
      %add3A_254 = arith.addi %mul3A_2, %mul3A_253 : i32
      %dma_wait3A_255 = arith.constant 2 : i32
      %dma_wait3A_256 = arith.constant 0 : i32
      %dma_wait3A_257 = tpu.memref_slice %arg9[%dma_wait3A_255, %dma_wait3A_256] : memref<4x80xi32, #tpu.memory_space<vmem>> -> memref<1x80xi32, #tpu.memory_space<vmem>>
      %dma_wait3A_258 = tpu.memref_squeeze %dma_wait3A_257 : memref<1x80xi32, #tpu.memory_space<vmem>> -> memref<80xi32, #tpu.memory_space<vmem>>
      %dma_wait3A_259 = tpu.memref_slice %arg5[%add3A_254] : memref<320000xi32, #tpu.memory_space<hbm>> -> memref<80xi32, #tpu.memory_space<hbm>>
      %dma_wait3A_260 = arith.constant 0 : i32
      %dma_wait3A_261 = tpu.memref_slice %arg9[%dma_wait3A_255, %dma_wait3A_260] : memref<4x80xi32, #tpu.memory_space<vmem>> -> memref<1x80xi32, #tpu.memory_space<vmem>>
      %dma_wait3A_262 = tpu.memref_squeeze %dma_wait3A_261 : memref<1x80xi32, #tpu.memory_space<vmem>> -> memref<80xi32, #tpu.memory_space<vmem>>
      %dma_wait3A_263 = tpu.memref_slice %arg5[%add3A_254] : memref<320000xi32, #tpu.memory_space<hbm>> -> memref<80xi32, #tpu.memory_space<hbm>>
      tpu.wait_dma2 semaphore(%arg23 : memref<!tpu.dma_semaphore, #tpu.memory_space<semaphore_mem>>) src(%dma_wait3A_263 : memref<80xi32, #tpu.memory_space<hbm>>) dst(%dma_wait3A_262 : memref<80xi32, #tpu.memory_space<vmem>>)
      %dma_wait3A_264 = arith.constant 2 : i32
      %dma_wait3A_265 = arith.constant 0 : i32
      %dma_wait3A_266 = tpu.memref_slice %arg10[%dma_wait3A_264, %dma_wait3A_265] : memref<4x80xi32, #tpu.memory_space<vmem>> -> memref<1x80xi32, #tpu.memory_space<vmem>>
      %dma_wait3A_267 = tpu.memref_squeeze %dma_wait3A_266 : memref<1x80xi32, #tpu.memory_space<vmem>> -> memref<80xi32, #tpu.memory_space<vmem>>
      %dma_wait3A_268 = tpu.memref_slice %arg6[%add3A_254] : memref<320000xi32, #tpu.memory_space<hbm>> -> memref<80xi32, #tpu.memory_space<hbm>>
      %dma_wait3A_269 = arith.constant 0 : i32
      %dma_wait3A_270 = tpu.memref_slice %arg10[%dma_wait3A_264, %dma_wait3A_269] : memref<4x80xi32, #tpu.memory_space<vmem>> -> memref<1x80xi32, #tpu.memory_space<vmem>>
      %dma_wait3A_271 = tpu.memref_squeeze %dma_wait3A_270 : memref<1x80xi32, #tpu.memory_space<vmem>> -> memref<80xi32, #tpu.memory_space<vmem>>
      %dma_wait3A_272 = tpu.memref_slice %arg6[%add3A_254] : memref<320000xi32, #tpu.memory_space<hbm>> -> memref<80xi32, #tpu.memory_space<hbm>>
      tpu.wait_dma2 semaphore(%arg23 : memref<!tpu.dma_semaphore, #tpu.memory_space<semaphore_mem>>) src(%dma_wait3A_272 : memref<80xi32, #tpu.memory_space<hbm>>) dst(%dma_wait3A_271 : memref<80xi32, #tpu.memory_space<vmem>>)
      %dma_wait3A_273 = arith.constant 2 : i32
      %dma_wait3A_274 = arith.constant 0 : i32
      %dma_wait3A_275 = tpu.memref_slice %arg11[%dma_wait3A_273, %dma_wait3A_274] : memref<4x80xi32, #tpu.memory_space<vmem>> -> memref<1x80xi32, #tpu.memory_space<vmem>>
      %dma_wait3A_276 = tpu.memref_squeeze %dma_wait3A_275 : memref<1x80xi32, #tpu.memory_space<vmem>> -> memref<80xi32, #tpu.memory_space<vmem>>
      %dma_wait3A_277 = tpu.memref_slice %arg7[%add3A_254] : memref<320000xi32, #tpu.memory_space<hbm>> -> memref<80xi32, #tpu.memory_space<hbm>>
      %dma_wait3A_278 = arith.constant 0 : i32
      %dma_wait3A_279 = tpu.memref_slice %arg11[%dma_wait3A_273, %dma_wait3A_278] : memref<4x80xi32, #tpu.memory_space<vmem>> -> memref<1x80xi32, #tpu.memory_space<vmem>>
      %dma_wait3A_280 = tpu.memref_squeeze %dma_wait3A_279 : memref<1x80xi32, #tpu.memory_space<vmem>> -> memref<80xi32, #tpu.memory_space<vmem>>
      %dma_wait3A_281 = tpu.memref_slice %arg7[%add3A_254] : memref<320000xi32, #tpu.memory_space<hbm>> -> memref<80xi32, #tpu.memory_space<hbm>>
      tpu.wait_dma2 semaphore(%arg23 : memref<!tpu.dma_semaphore, #tpu.memory_space<semaphore_mem>>) src(%dma_wait3A_281 : memref<80xi32, #tpu.memory_space<hbm>>) dst(%dma_wait3A_280 : memref<80xi32, #tpu.memory_space<vmem>>)
      %add3A_282 = arith.constant 1 : i32
      %add3A_283 = arith.addi %add3A_235, %add3A_282 : i32
      %dma_start3A_284 = arith.constant 2 : i32
      %dma_start3A_285 = arith.constant 0 : i32
      %dma_start3A_286 = tpu.memref_slice %arg9[%dma_start3A_284, %dma_start3A_285] : memref<4x80xi32, #tpu.memory_space<vmem>> -> memref<1x80xi32, #tpu.memory_space<vmem>>
      %dma_start3A_287 = tpu.memref_squeeze %dma_start3A_286 : memref<1x80xi32, #tpu.memory_space<vmem>> -> memref<80xi32, #tpu.memory_space<vmem>>
      %dma_start3A_288 = arith.constant 0 : i32
      %dma_start3A_289 = arith.constant 0 : i32
      %dma_start3A_290 = tpu.memref_slice %arg2[%dma_start3A_288, %dma_start3A_289] : memref<10000x128xf32, #tpu.memory_space<hbm>> -> memref<10000x128xf32, #tpu.memory_space<hbm>>
      tpu.enqueue_indirect_dma source(%dma_start3A_290 : memref<10000x128xf32, #tpu.memory_space<hbm>>) target(%arg12 : memref<80x128xf32, #tpu.memory_space<vmem>>) offsets(%dma_start3A_287 : memref<80xi32, #tpu.memory_space<vmem>>) semaphore(%arg19 : memref<!tpu.dma_semaphore, #tpu.memory_space<semaphore_mem>>)
      %dma_start3A_291 = arith.constant 2 : i32
      %dma_start3A_292 = arith.constant 0 : i32
      %dma_start3A_293 = tpu.memref_slice %arg10[%dma_start3A_291, %dma_start3A_292] : memref<4x80xi32, #tpu.memory_space<vmem>> -> memref<1x80xi32, #tpu.memory_space<vmem>>
      %dma_start3A_294 = tpu.memref_squeeze %dma_start3A_293 : memref<1x80xi32, #tpu.memory_space<vmem>> -> memref<80xi32, #tpu.memory_space<vmem>>
      %dma_start3A_295 = arith.constant 0 : i32
      %dma_start3A_296 = arith.constant 0 : i32
      %dma_start3A_297 = tpu.memref_slice %arg3[%dma_start3A_295, %dma_start3A_296] : memref<10000x128xf32, #tpu.memory_space<hbm>> -> memref<10000x128xf32, #tpu.memory_space<hbm>>
      tpu.enqueue_indirect_dma source(%dma_start3A_297 : memref<10000x128xf32, #tpu.memory_space<hbm>>) target(%arg14 : memref<80x128xf32, #tpu.memory_space<vmem>>) offsets(%dma_start3A_294 : memref<80xi32, #tpu.memory_space<vmem>>) semaphore(%arg19 : memref<!tpu.dma_semaphore, #tpu.memory_space<semaphore_mem>>)
      %mul3A_298 = arith.constant 80 : i32
      %mul3A_299 = arith.muli %add3A_235, %mul3A_298 : i32
      %parallel_loop3A_300 = arith.constant 0 : i32
      %parallel_loop3A_301 = arith.constant 80 : i32
      %parallel_loop3A_302 = arith.constant 1 : i32
      scf.for %parallel_loop3A_471 = %parallel_loop3A_300 to %parallel_loop3A_301 step %parallel_loop3A_302  : i32 {
        %parallel_loop3A_472 = arith.constant 15 : i32
        %parallel_loop3A_473 = arith.andi %parallel_loop3A_471, %parallel_loop3A_472 : i32
        %parallel_loop3A_474 = arith.subi %parallel_loop3A_471, %parallel_loop3A_473 : i32
        %parallel_loop3A_475 = arith.constant 1 : i32
        %parallel_loop3A_476 = arith.index_cast %parallel_loop3A_475 : i32 to index
        %parallel_loop3A_477 = arith.index_cast %parallel_loop3A_474 : i32 to index
        %parallel_loop3A_478 = tpu.vector_load %arg11[%parallel_loop3A_476, %parallel_loop3A_477] {strides = array<i32>} : memref<4x80xi32, #tpu.memory_space<vmem>>, vector<16xi32>,
        %parallel_loop3A_479 = arith.constant 15 : i32
        %parallel_loop3A_480 = arith.andi %parallel_loop3A_471, %parallel_loop3A_479 : i32
        %parallel_loop3A_481 = vector.broadcast %parallel_loop3A_480 : i32 to vector<16xi32>
        %parallel_loop3A_482 = vector.shape_cast %parallel_loop3A_481 : vector<16xi32> to vector<16x1xi32>
        %parallel_loop3A_483 = vector.shape_cast %parallel_loop3A_482 : vector<16x1xi32> to vector<16xi32>
        %parallel_loop3A_484 = tpu.dynamic_gather %parallel_loop3A_478[%parallel_loop3A_483] in [0] : vector<16xi32>, vector<16xi32> -> vector<16xi32>
        %parallel_loop3A_485 = arith.constant 0.000000e+00 : f32
        %parallel_loop3A_486 = vector.broadcast %parallel_loop3A_485 : f32 to vector<16xf32>
        %parallel_loop3A_487 = arith.constant 0 : i32
        %parallel_loop3A_488 = vector.broadcast %parallel_loop3A_487 : i32 to vector<16xi32>
        %parallel_loop3A_489 = arith.addi %iota3A, %parallel_loop3A_488 : vector<16xi32>
        %parallel_loop3A_490 = tpu.vector_load_idx %arg16[%parallel_loop3A_484, %parallel_loop3A_489] : memref<500x128xf32, #tpu.memory_space<vmem>>[vector<16xi32>, vector<16xi32>], vector<16xf32>,
        %parallel_loop3A_491 = arith.index_cast %parallel_loop3A_471 : i32 to index
        %parallel_loop3A_492 = arith.constant 0 : index
        %parallel_loop3A_493 = tpu.vector_load %arg13[%parallel_loop3A_491, %parallel_loop3A_492] {strides = array<i32>} : memref<80x128xf32, #tpu.memory_space<vmem>>, vector<16xf32>,
        %parallel_loop3A_494 = arith.mulf %parallel_loop3A_493, %parallel_loop3A_490 : vector<16xf32>
        %parallel_loop3A_495 = arith.index_cast %parallel_loop3A_471 : i32 to index
        %parallel_loop3A_496 = arith.constant 0 : index
        %parallel_loop3A_497 = tpu.vector_load %arg15[%parallel_loop3A_495, %parallel_loop3A_496] {strides = array<i32>} : memref<80x128xf32, #tpu.memory_space<vmem>>, vector<16xf32>,
        %parallel_loop3A_498 = arith.mulf %parallel_loop3A_494, %parallel_loop3A_497 : vector<16xf32>
        %parallel_loop3A_499 = arith.addf %parallel_loop3A_486, %parallel_loop3A_498 : vector<16xf32>
        %parallel_loop3A_500 = arith.constant 16 : i32
        %parallel_loop3A_501 = vector.broadcast %parallel_loop3A_500 : i32 to vector<16xi32>
        %parallel_loop3A_502 = arith.addi %iota3A, %parallel_loop3A_501 : vector<16xi32>
        %parallel_loop3A_503 = tpu.vector_load_idx %arg16[%parallel_loop3A_484, %parallel_loop3A_502] : memref<500x128xf32, #tpu.memory_space<vmem>>[vector<16xi32>, vector<16xi32>], vector<16xf32>,
        %parallel_loop3A_504 = arith.index_cast %parallel_loop3A_471 : i32 to index
        %parallel_loop3A_505 = arith.constant 16 : index
        %parallel_loop3A_506 = tpu.vector_load %arg13[%parallel_loop3A_504, %parallel_loop3A_505] {strides = array<i32>} : memref<80x128xf32, #tpu.memory_space<vmem>>, vector<16xf32>,
        %parallel_loop3A_507 = arith.mulf %parallel_loop3A_506, %parallel_loop3A_503 : vector<16xf32>
        %parallel_loop3A_508 = arith.index_cast %parallel_loop3A_471 : i32 to index
        %parallel_loop3A_509 = arith.constant 16 : index
        %parallel_loop3A_510 = tpu.vector_load %arg15[%parallel_loop3A_508, %parallel_loop3A_509] {strides = array<i32>} : memref<80x128xf32, #tpu.memory_space<vmem>>, vector<16xf32>,
        %parallel_loop3A_511 = arith.mulf %parallel_loop3A_507, %parallel_loop3A_510 : vector<16xf32>
        %parallel_loop3A_512 = arith.addf %parallel_loop3A_499, %parallel_loop3A_511 : vector<16xf32>
        %parallel_loop3A_513 = arith.constant 32 : i32
        %parallel_loop3A_514 = vector.broadcast %parallel_loop3A_513 : i32 to vector<16xi32>
        %parallel_loop3A_515 = arith.addi %iota3A, %parallel_loop3A_514 : vector<16xi32>
        %parallel_loop3A_516 = tpu.vector_load_idx %arg16[%parallel_loop3A_484, %parallel_loop3A_515] : memref<500x128xf32, #tpu.memory_space<vmem>>[vector<16xi32>, vector<16xi32>], vector<16xf32>,
        %parallel_loop3A_517 = arith.index_cast %parallel_loop3A_471 : i32 to index
        %parallel_loop3A_518 = arith.constant 32 : index
        %parallel_loop3A_519 = tpu.vector_load %arg13[%parallel_loop3A_517, %parallel_loop3A_518] {strides = array<i32>} : memref<80x128xf32, #tpu.memory_space<vmem>>, vector<16xf32>,
        %parallel_loop3A_520 = arith.mulf %parallel_loop3A_519, %parallel_loop3A_516 : vector<16xf32>
        %parallel_loop3A_521 = arith.index_cast %parallel_loop3A_471 : i32 to index
        %parallel_loop3A_522 = arith.constant 32 : index
        %parallel_loop3A_523 = tpu.vector_load %arg15[%parallel_loop3A_521, %parallel_loop3A_522] {strides = array<i32>} : memref<80x128xf32, #tpu.memory_space<vmem>>, vector<16xf32>,
        %parallel_loop3A_524 = arith.mulf %parallel_loop3A_520, %parallel_loop3A_523 : vector<16xf32>
        %parallel_loop3A_525 = arith.addf %parallel_loop3A_512, %parallel_loop3A_524 : vector<16xf32>
        %parallel_loop3A_526 = arith.constant 48 : i32
        %parallel_loop3A_527 = vector.broadcast %parallel_loop3A_526 : i32 to vector<16xi32>
        %parallel_loop3A_528 = arith.addi %iota3A, %parallel_loop3A_527 : vector<16xi32>
        %parallel_loop3A_529 = tpu.vector_load_idx %arg16[%parallel_loop3A_484, %parallel_loop3A_528] : memref<500x128xf32, #tpu.memory_space<vmem>>[vector<16xi32>, vector<16xi32>], vector<16xf32>,
        %parallel_loop3A_530 = arith.index_cast %parallel_loop3A_471 : i32 to index
        %parallel_loop3A_531 = arith.constant 48 : index
        %parallel_loop3A_532 = tpu.vector_load %arg13[%parallel_loop3A_530, %parallel_loop3A_531] {strides = array<i32>} : memref<80x128xf32, #tpu.memory_space<vmem>>, vector<16xf32>,
        %parallel_loop3A_533 = arith.mulf %parallel_loop3A_532, %parallel_loop3A_529 : vector<16xf32>
        %parallel_loop3A_534 = arith.index_cast %parallel_loop3A_471 : i32 to index
        %parallel_loop3A_535 = arith.constant 48 : index
        %parallel_loop3A_536 = tpu.vector_load %arg15[%parallel_loop3A_534, %parallel_loop3A_535] {strides = array<i32>} : memref<80x128xf32, #tpu.memory_space<vmem>>, vector<16xf32>,
        %parallel_loop3A_537 = arith.mulf %parallel_loop3A_533, %parallel_loop3A_536 : vector<16xf32>
        %parallel_loop3A_538 = arith.addf %parallel_loop3A_525, %parallel_loop3A_537 : vector<16xf32>
        %parallel_loop3A_539 = arith.constant 64 : i32
        %parallel_loop3A_540 = vector.broadcast %parallel_loop3A_539 : i32 to vector<16xi32>
        %parallel_loop3A_541 = arith.addi %iota3A, %parallel_loop3A_540 : vector<16xi32>
        %parallel_loop3A_542 = tpu.vector_load_idx %arg16[%parallel_loop3A_484, %parallel_loop3A_541] : memref<500x128xf32, #tpu.memory_space<vmem>>[vector<16xi32>, vector<16xi32>], vector<16xf32>,
        %parallel_loop3A_543 = arith.index_cast %parallel_loop3A_471 : i32 to index
        %parallel_loop3A_544 = arith.constant 64 : index
        %parallel_loop3A_545 = tpu.vector_load %arg13[%parallel_loop3A_543, %parallel_loop3A_544] {strides = array<i32>} : memref<80x128xf32, #tpu.memory_space<vmem>>, vector<16xf32>,
        %parallel_loop3A_546 = arith.mulf %parallel_loop3A_545, %parallel_loop3A_542 : vector<16xf32>
        %parallel_loop3A_547 = arith.index_cast %parallel_loop3A_471 : i32 to index
        %parallel_loop3A_548 = arith.constant 64 : index
        %parallel_loop3A_549 = tpu.vector_load %arg15[%parallel_loop3A_547, %parallel_loop3A_548] {strides = array<i32>} : memref<80x128xf32, #tpu.memory_space<vmem>>, vector<16xf32>,
        %parallel_loop3A_550 = arith.mulf %parallel_loop3A_546, %parallel_loop3A_549 : vector<16xf32>
        %parallel_loop3A_551 = arith.addf %parallel_loop3A_538, %parallel_loop3A_550 : vector<16xf32>
        %parallel_loop3A_552 = arith.constant 80 : i32
        %parallel_loop3A_553 = vector.broadcast %parallel_loop3A_552 : i32 to vector<16xi32>
        %parallel_loop3A_554 = arith.addi %iota3A, %parallel_loop3A_553 : vector<16xi32>
        %parallel_loop3A_555 = tpu.vector_load_idx %arg16[%parallel_loop3A_484, %parallel_loop3A_554] : memref<500x128xf32, #tpu.memory_space<vmem>>[vector<16xi32>, vector<16xi32>], vector<16xf32>,
        %parallel_loop3A_556 = arith.index_cast %parallel_loop3A_471 : i32 to index
        %parallel_loop3A_557 = arith.constant 80 : index
        %parallel_loop3A_558 = tpu.vector_load %arg13[%parallel_loop3A_556, %parallel_loop3A_557] {strides = array<i32>} : memref<80x128xf32, #tpu.memory_space<vmem>>, vector<16xf32>,
        %parallel_loop3A_559 = arith.mulf %parallel_loop3A_558, %parallel_loop3A_555 : vector<16xf32>
        %parallel_loop3A_560 = arith.index_cast %parallel_loop3A_471 : i32 to index
        %parallel_loop3A_561 = arith.constant 80 : index
        %parallel_loop3A_562 = tpu.vector_load %arg15[%parallel_loop3A_560, %parallel_loop3A_561] {strides = array<i32>} : memref<80x128xf32, #tpu.memory_space<vmem>>, vector<16xf32>,
        %parallel_loop3A_563 = arith.mulf %parallel_loop3A_559, %parallel_loop3A_562 : vector<16xf32>
        %parallel_loop3A_564 = arith.addf %parallel_loop3A_551, %parallel_loop3A_563 : vector<16xf32>
        %parallel_loop3A_565 = arith.constant 96 : i32
        %parallel_loop3A_566 = vector.broadcast %parallel_loop3A_565 : i32 to vector<16xi32>
        %parallel_loop3A_567 = arith.addi %iota3A, %parallel_loop3A_566 : vector<16xi32>
        %parallel_loop3A_568 = tpu.vector_load_idx %arg16[%parallel_loop3A_484, %parallel_loop3A_567] : memref<500x128xf32, #tpu.memory_space<vmem>>[vector<16xi32>, vector<16xi32>], vector<16xf32>,
        %parallel_loop3A_569 = arith.index_cast %parallel_loop3A_471 : i32 to index
        %parallel_loop3A_570 = arith.constant 96 : index
        %parallel_loop3A_571 = tpu.vector_load %arg13[%parallel_loop3A_569, %parallel_loop3A_570] {strides = array<i32>} : memref<80x128xf32, #tpu.memory_space<vmem>>, vector<16xf32>,
        %parallel_loop3A_572 = arith.mulf %parallel_loop3A_571, %parallel_loop3A_568 : vector<16xf32>
        %parallel_loop3A_573 = arith.index_cast %parallel_loop3A_471 : i32 to index
        %parallel_loop3A_574 = arith.constant 96 : index
        %parallel_loop3A_575 = tpu.vector_load %arg15[%parallel_loop3A_573, %parallel_loop3A_574] {strides = array<i32>} : memref<80x128xf32, #tpu.memory_space<vmem>>, vector<16xf32>,
        %parallel_loop3A_576 = arith.mulf %parallel_loop3A_572, %parallel_loop3A_575 : vector<16xf32>
        %parallel_loop3A_577 = arith.addf %parallel_loop3A_564, %parallel_loop3A_576 : vector<16xf32>
        %parallel_loop3A_578 = arith.constant 112 : i32
        %parallel_loop3A_579 = vector.broadcast %parallel_loop3A_578 : i32 to vector<16xi32>
        %parallel_loop3A_580 = arith.addi %iota3A, %parallel_loop3A_579 : vector<16xi32>
        %parallel_loop3A_581 = tpu.vector_load_idx %arg16[%parallel_loop3A_484, %parallel_loop3A_580] : memref<500x128xf32, #tpu.memory_space<vmem>>[vector<16xi32>, vector<16xi32>], vector<16xf32>,
        %parallel_loop3A_582 = arith.index_cast %parallel_loop3A_471 : i32 to index
        %parallel_loop3A_583 = arith.constant 112 : index
        %parallel_loop3A_584 = tpu.vector_load %arg13[%parallel_loop3A_582, %parallel_loop3A_583] {strides = array<i32>} : memref<80x128xf32, #tpu.memory_space<vmem>>, vector<16xf32>,
        %parallel_loop3A_585 = arith.mulf %parallel_loop3A_584, %parallel_loop3A_581 : vector<16xf32>
        %parallel_loop3A_586 = arith.index_cast %parallel_loop3A_471 : i32 to index
        %parallel_loop3A_587 = arith.constant 112 : index
        %parallel_loop3A_588 = tpu.vector_load %arg15[%parallel_loop3A_586, %parallel_loop3A_587] {strides = array<i32>} : memref<80x128xf32, #tpu.memory_space<vmem>>, vector<16xf32>,
        %parallel_loop3A_589 = arith.mulf %parallel_loop3A_585, %parallel_loop3A_588 : vector<16xf32>
        %parallel_loop3A_590 = arith.addf %parallel_loop3A_577, %parallel_loop3A_589 : vector<16xf32>
        %parallel_loop3A_591 = arith.constant 4 : i32
        %parallel_loop3A_592 = arith.shrsi %parallel_loop3A_471, %parallel_loop3A_591 : i32
        %parallel_loop3A_593 = arith.constant 15 : i32
        %parallel_loop3A_594 = arith.andi %parallel_loop3A_471, %parallel_loop3A_593 : i32
        %parallel_loop3A_595 = arith.index_cast %parallel_loop3A_592 : i32 to index
        %parallel_loop3A_596 = arith.index_cast %parallel_loop3A_594 : i32 to index
        %parallel_loop3A_597 = arith.constant 0 : index
        %parallel_loop3A_598 = tpu.vector_load %arg18[%parallel_loop3A_595, %parallel_loop3A_596, %parallel_loop3A_597] {strides = array<i32>} : memref<5x16x17xf32, #tpu.memory_space<vmem>>, vector<16xf32>,
        tpu.vector_store %arg18[%parallel_loop3A_595, %parallel_loop3A_596, %parallel_loop3A_597], %parallel_loop3A_590 {strides = array<i32>} : memref<5x16x17xf32, #tpu.memory_space<vmem>>, vector<16xf32>,
      } {sc.loop_unroll_factor = 2 : i64, sc.parallel_access}
      %parallel_loop3A_303 = arith.constant 0 : i32
      %parallel_loop3A_304 = arith.constant 5 : i32
      %parallel_loop3A_305 = arith.constant 1 : i32
      scf.for %parallel_loop3A_471 = %parallel_loop3A_303 to %parallel_loop3A_304 step %parallel_loop3A_305  : i32 {
        %parallel_loop3A_472 = vector.broadcast %parallel_loop3A_471 : i32 to vector<16xi32>
        %parallel_loop3A_473 = arith.constant 0.000000e+00 : f32
        %parallel_loop3A_474 = vector.broadcast %parallel_loop3A_473 : f32 to vector<16xf32>
        %parallel_loop3A_475 = arith.constant 0 : i32
        %parallel_loop3A_476 = vector.broadcast %parallel_loop3A_475 : i32 to vector<16xi32>
        %parallel_loop3A_477 = tpu.vector_load_idx %arg18[%parallel_loop3A_472, %iota3A, %parallel_loop3A_476] : memref<5x16x17xf32, #tpu.memory_space<vmem>>[vector<16xi32>, vector<16xi32>, vector<16xi32>], vector<16xf32>,
        %parallel_loop3A_478 = arith.addf %parallel_loop3A_474, %parallel_loop3A_477 : vector<16xf32>
        %parallel_loop3A_479 = arith.constant 1 : i32
        %parallel_loop3A_480 = vector.broadcast %parallel_loop3A_479 : i32 to vector<16xi32>
        %parallel_loop3A_481 = tpu.vector_load_idx %arg18[%parallel_loop3A_472, %iota3A, %parallel_loop3A_480] : memref<5x16x17xf32, #tpu.memory_space<vmem>>[vector<16xi32>, vector<16xi32>, vector<16xi32>], vector<16xf32>,
        %parallel_loop3A_482 = arith.addf %parallel_loop3A_478, %parallel_loop3A_481 : vector<16xf32>
        %parallel_loop3A_483 = arith.constant 2 : i32
        %parallel_loop3A_484 = vector.broadcast %parallel_loop3A_483 : i32 to vector<16xi32>
        %parallel_loop3A_485 = tpu.vector_load_idx %arg18[%parallel_loop3A_472, %iota3A, %parallel_loop3A_484] : memref<5x16x17xf32, #tpu.memory_space<vmem>>[vector<16xi32>, vector<16xi32>, vector<16xi32>], vector<16xf32>,
        %parallel_loop3A_486 = arith.addf %parallel_loop3A_482, %parallel_loop3A_485 : vector<16xf32>
        %parallel_loop3A_487 = arith.constant 3 : i32
        %parallel_loop3A_488 = vector.broadcast %parallel_loop3A_487 : i32 to vector<16xi32>
        %parallel_loop3A_489 = tpu.vector_load_idx %arg18[%parallel_loop3A_472, %iota3A, %parallel_loop3A_488] : memref<5x16x17xf32, #tpu.memory_space<vmem>>[vector<16xi32>, vector<16xi32>, vector<16xi32>], vector<16xf32>,
        %parallel_loop3A_490 = arith.addf %parallel_loop3A_486, %parallel_loop3A_489 : vector<16xf32>
        %parallel_loop3A_491 = arith.constant 4 : i32
        %parallel_loop3A_492 = vector.broadcast %parallel_loop3A_491 : i32 to vector<16xi32>
        %parallel_loop3A_493 = tpu.vector_load_idx %arg18[%parallel_loop3A_472, %iota3A, %parallel_loop3A_492] : memref<5x16x17xf32, #tpu.memory_space<vmem>>[vector<16xi32>, vector<16xi32>, vector<16xi32>], vector<16xf32>,
        %parallel_loop3A_494 = arith.addf %parallel_loop3A_490, %parallel_loop3A_493 : vector<16xf32>
        %parallel_loop3A_495 = arith.constant 5 : i32
        %parallel_loop3A_496 = vector.broadcast %parallel_loop3A_495 : i32 to vector<16xi32>
        %parallel_loop3A_497 = tpu.vector_load_idx %arg18[%parallel_loop3A_472, %iota3A, %parallel_loop3A_496] : memref<5x16x17xf32, #tpu.memory_space<vmem>>[vector<16xi32>, vector<16xi32>, vector<16xi32>], vector<16xf32>,
        %parallel_loop3A_498 = arith.addf %parallel_loop3A_494, %parallel_loop3A_497 : vector<16xf32>
        %parallel_loop3A_499 = arith.constant 6 : i32
        %parallel_loop3A_500 = vector.broadcast %parallel_loop3A_499 : i32 to vector<16xi32>
        %parallel_loop3A_501 = tpu.vector_load_idx %arg18[%parallel_loop3A_472, %iota3A, %parallel_loop3A_500] : memref<5x16x17xf32, #tpu.memory_space<vmem>>[vector<16xi32>, vector<16xi32>, vector<16xi32>], vector<16xf32>,
        %parallel_loop3A_502 = arith.addf %parallel_loop3A_498, %parallel_loop3A_501 : vector<16xf32>
        %parallel_loop3A_503 = arith.constant 7 : i32
        %parallel_loop3A_504 = vector.broadcast %parallel_loop3A_503 : i32 to vector<16xi32>
        %parallel_loop3A_505 = tpu.vector_load_idx %arg18[%parallel_loop3A_472, %iota3A, %parallel_loop3A_504] : memref<5x16x17xf32, #tpu.memory_space<vmem>>[vector<16xi32>, vector<16xi32>, vector<16xi32>], vector<16xf32>,
        %parallel_loop3A_506 = arith.addf %parallel_loop3A_502, %parallel_loop3A_505 : vector<16xf32>
        %parallel_loop3A_507 = arith.constant 8 : i32
        %parallel_loop3A_508 = vector.broadcast %parallel_loop3A_507 : i32 to vector<16xi32>
        %parallel_loop3A_509 = tpu.vector_load_idx %arg18[%parallel_loop3A_472, %iota3A, %parallel_loop3A_508] : memref<5x16x17xf32, #tpu.memory_space<vmem>>[vector<16xi32>, vector<16xi32>, vector<16xi32>], vector<16xf32>,
        %parallel_loop3A_510 = arith.addf %parallel_loop3A_506, %parallel_loop3A_509 : vector<16xf32>
        %parallel_loop3A_511 = arith.constant 9 : i32
        %parallel_loop3A_512 = vector.broadcast %parallel_loop3A_511 : i32 to vector<16xi32>
        %parallel_loop3A_513 = tpu.vector_load_idx %arg18[%parallel_loop3A_472, %iota3A, %parallel_loop3A_512] : memref<5x16x17xf32, #tpu.memory_space<vmem>>[vector<16xi32>, vector<16xi32>, vector<16xi32>], vector<16xf32>,
        %parallel_loop3A_514 = arith.addf %parallel_loop3A_510, %parallel_loop3A_513 : vector<16xf32>
        %parallel_loop3A_515 = arith.constant 10 : i32
        %parallel_loop3A_516 = vector.broadcast %parallel_loop3A_515 : i32 to vector<16xi32>
        %parallel_loop3A_517 = tpu.vector_load_idx %arg18[%parallel_loop3A_472, %iota3A, %parallel_loop3A_516] : memref<5x16x17xf32, #tpu.memory_space<vmem>>[vector<16xi32>, vector<16xi32>, vector<16xi32>], vector<16xf32>,
        %parallel_loop3A_518 = arith.addf %parallel_loop3A_514, %parallel_loop3A_517 : vector<16xf32>
        %parallel_loop3A_519 = arith.constant 11 : i32
        %parallel_loop3A_520 = vector.broadcast %parallel_loop3A_519 : i32 to vector<16xi32>
        %parallel_loop3A_521 = tpu.vector_load_idx %arg18[%parallel_loop3A_472, %iota3A, %parallel_loop3A_520] : memref<5x16x17xf32, #tpu.memory_space<vmem>>[vector<16xi32>, vector<16xi32>, vector<16xi32>], vector<16xf32>,
        %parallel_loop3A_522 = arith.addf %parallel_loop3A_518, %parallel_loop3A_521 : vector<16xf32>
        %parallel_loop3A_523 = arith.constant 12 : i32
        %parallel_loop3A_524 = vector.broadcast %parallel_loop3A_523 : i32 to vector<16xi32>
        %parallel_loop3A_525 = tpu.vector_load_idx %arg18[%parallel_loop3A_472, %iota3A, %parallel_loop3A_524] : memref<5x16x17xf32, #tpu.memory_space<vmem>>[vector<16xi32>, vector<16xi32>, vector<16xi32>], vector<16xf32>,
        %parallel_loop3A_526 = arith.addf %parallel_loop3A_522, %parallel_loop3A_525 : vector<16xf32>
        %parallel_loop3A_527 = arith.constant 13 : i32
        %parallel_loop3A_528 = vector.broadcast %parallel_loop3A_527 : i32 to vector<16xi32>
        %parallel_loop3A_529 = tpu.vector_load_idx %arg18[%parallel_loop3A_472, %iota3A, %parallel_loop3A_528] : memref<5x16x17xf32, #tpu.memory_space<vmem>>[vector<16xi32>, vector<16xi32>, vector<16xi32>], vector<16xf32>,
        %parallel_loop3A_530 = arith.addf %parallel_loop3A_526, %parallel_loop3A_529 : vector<16xf32>
        %parallel_loop3A_531 = arith.constant 14 : i32
        %parallel_loop3A_532 = vector.broadcast %parallel_loop3A_531 : i32 to vector<16xi32>
        %parallel_loop3A_533 = tpu.vector_load_idx %arg18[%parallel_loop3A_472, %iota3A, %parallel_loop3A_532] : memref<5x16x17xf32, #tpu.memory_space<vmem>>[vector<16xi32>, vector<16xi32>, vector<16xi32>], vector<16xf32>,
        %parallel_loop3A_534 = arith.addf %parallel_loop3A_530, %parallel_loop3A_533 : vector<16xf32>
        %parallel_loop3A_535 = arith.constant 15 : i32
        %parallel_loop3A_536 = vector.broadcast %parallel_loop3A_535 : i32 to vector<16xi32>
        %parallel_loop3A_537 = tpu.vector_load_idx %arg18[%parallel_loop3A_472, %iota3A, %parallel_loop3A_536] : memref<5x16x17xf32, #tpu.memory_space<vmem>>[vector<16xi32>, vector<16xi32>, vector<16xi32>], vector<16xf32>,
        %parallel_loop3A_538 = arith.addf %parallel_loop3A_534, %parallel_loop3A_537 : vector<16xf32>
        %parallel_loop3A_539 = arith.constant 0.000000e+00 : f32
        %parallel_loop3A_540 = vector.broadcast %parallel_loop3A_539 : f32 to vector<16xf32>
        %parallel_loop3A_541 = arith.subf %parallel_loop3A_540, %parallel_loop3A_538 : vector<16xf32>
        %parallel_loop3A_542 = math.exp %parallel_loop3A_541 : vector<16xf32>
        %parallel_loop3A_543 = arith.constant 1.000000e+00 : f32
        %parallel_loop3A_544 = vector.broadcast %parallel_loop3A_543 : f32 to vector<16xf32>
        %parallel_loop3A_545 = arith.addf %parallel_loop3A_544, %parallel_loop3A_542 : vector<16xf32>
        %parallel_loop3A_546 = arith.constant 1.000000e+00 : f32
        %parallel_loop3A_547 = vector.broadcast %parallel_loop3A_546 : f32 to vector<16xf32>
        %parallel_loop3A_548 = arith.divf %parallel_loop3A_547, %parallel_loop3A_545 : vector<16xf32>
        %parallel_loop3A_549 = arith.constant 16 : i32
        %parallel_loop3A_550 = arith.muli %parallel_loop3A_471, %parallel_loop3A_549 : i32
        %parallel_loop3A_551 = arith.addi %mul3A_299, %parallel_loop3A_550 : i32
        %parallel_loop3A_552 = arith.index_cast %parallel_loop3A_551 : i32 to index
        %parallel_loop3A_553 = tpu.vector_load %arg17[%parallel_loop3A_552] {strides = array<i32>} : memref<10000xf32, #tpu.memory_space<vmem>>, vector<16xf32>,
        tpu.vector_store %arg17[%parallel_loop3A_552], %parallel_loop3A_548 {strides = array<i32>} : memref<10000xf32, #tpu.memory_space<vmem>>, vector<16xf32>,
      } {sc.loop_unroll_factor = 1 : i64, sc.parallel_access}
      %add3A_306 = arith.constant 3 : i32
      %add3A_307 = arith.addi %add3A_235, %add3A_306 : i32
      %lt3A_308 = arith.constant 125 : i32
      %lt3A_309 = arith.cmpi slt, %add3A_307, %lt3A_308 : i32
      %convert_element_type3A_310 = arith.extui %lt3A_309 : i1 to i32
      %cond3A_311 = arith.constant 0 : i32
      %cond3A_312 = arith.cmpi ne, %convert_element_type3A_310, %cond3A_311 : i32
      scf.if %cond3A_312 {
        %add3A_471 = arith.constant 3 : i32
        %add3A_472 = arith.addi %add3A_235, %add3A_471 : i32
        %mul3A_473 = arith.constant 80 : i32
        %mul3A_474 = arith.muli %add3A_472, %mul3A_473 : i32
        %add3A_475 = arith.addi %mul3A_2, %mul3A_474 : i32
        %dma_start3A_476 = arith.constant 0 : i32
        %dma_start3A_477 = arith.constant 0 : i32
        %dma_start3A_478 = tpu.memref_slice %arg9[%dma_start3A_476, %dma_start3A_477] : memref<4x80xi32, #tpu.memory_space<vmem>> -> memref<1x80xi32, #tpu.memory_space<vmem>>
        %dma_start3A_479 = tpu.memref_squeeze %dma_start3A_478 : memref<1x80xi32, #tpu.memory_space<vmem>> -> memref<80xi32, #tpu.memory_space<vmem>>
        %dma_start3A_480 = tpu.memref_slice %arg5[%add3A_475] : memref<320000xi32, #tpu.memory_space<hbm>> -> memref<80xi32, #tpu.memory_space<hbm>>
        %dma_start3A_481 = arith.constant 0 : i32
        %dma_start3A_482 = tpu.memref_slice %arg9[%dma_start3A_476, %dma_start3A_481] : memref<4x80xi32, #tpu.memory_space<vmem>> -> memref<1x80xi32, #tpu.memory_space<vmem>>
        %dma_start3A_483 = tpu.memref_squeeze %dma_start3A_482 : memref<1x80xi32, #tpu.memory_space<vmem>> -> memref<80xi32, #tpu.memory_space<vmem>>
        %dma_start3A_484 = tpu.memref_slice %arg5[%add3A_475] : memref<320000xi32, #tpu.memory_space<hbm>> -> memref<80xi32, #tpu.memory_space<hbm>>
        tpu.enqueue_dma source(%dma_start3A_484 : memref<80xi32, #tpu.memory_space<hbm>>) target(%dma_start3A_483 : memref<80xi32, #tpu.memory_space<vmem>>) target_semaphore(%arg21 : memref<!tpu.dma_semaphore, #tpu.memory_space<semaphore_mem>>)
        %dma_start3A_485 = arith.constant 0 : i32
        %dma_start3A_486 = arith.constant 0 : i32
        %dma_start3A_487 = tpu.memref_slice %arg10[%dma_start3A_485, %dma_start3A_486] : memref<4x80xi32, #tpu.memory_space<vmem>> -> memref<1x80xi32, #tpu.memory_space<vmem>>
        %dma_start3A_488 = tpu.memref_squeeze %dma_start3A_487 : memref<1x80xi32, #tpu.memory_space<vmem>> -> memref<80xi32, #tpu.memory_space<vmem>>
        %dma_start3A_489 = tpu.memref_slice %arg6[%add3A_475] : memref<320000xi32, #tpu.memory_space<hbm>> -> memref<80xi32, #tpu.memory_space<hbm>>
        %dma_start3A_490 = arith.constant 0 : i32
        %dma_start3A_491 = tpu.memref_slice %arg10[%dma_start3A_485, %dma_start3A_490] : memref<4x80xi32, #tpu.memory_space<vmem>> -> memref<1x80xi32, #tpu.memory_space<vmem>>
        %dma_start3A_492 = tpu.memref_squeeze %dma_start3A_491 : memref<1x80xi32, #tpu.memory_space<vmem>> -> memref<80xi32, #tpu.memory_space<vmem>>
        %dma_start3A_493 = tpu.memref_slice %arg6[%add3A_475] : memref<320000xi32, #tpu.memory_space<hbm>> -> memref<80xi32, #tpu.memory_space<hbm>>
        tpu.enqueue_dma source(%dma_start3A_493 : memref<80xi32, #tpu.memory_space<hbm>>) target(%dma_start3A_492 : memref<80xi32, #tpu.memory_space<vmem>>) target_semaphore(%arg21 : memref<!tpu.dma_semaphore, #tpu.memory_space<semaphore_mem>>)
        %dma_start3A_494 = arith.constant 0 : i32
        %dma_start3A_495 = arith.constant 0 : i32
        %dma_start3A_496 = tpu.memref_slice %arg11[%dma_start3A_494, %dma_start3A_495] : memref<4x80xi32, #tpu.memory_space<vmem>> -> memref<1x80xi32, #tpu.memory_space<vmem>>
        %dma_start3A_497 = tpu.memref_squeeze %dma_start3A_496 : memref<1x80xi32, #tpu.memory_space<vmem>> -> memref<80xi32, #tpu.memory_space<vmem>>
        %dma_start3A_498 = tpu.memref_slice %arg7[%add3A_475] : memref<320000xi32, #tpu.memory_space<hbm>> -> memref<80xi32, #tpu.memory_space<hbm>>
        %dma_start3A_499 = arith.constant 0 : i32
        %dma_start3A_500 = tpu.memref_slice %arg11[%dma_start3A_494, %dma_start3A_499] : memref<4x80xi32, #tpu.memory_space<vmem>> -> memref<1x80xi32, #tpu.memory_space<vmem>>
        %dma_start3A_501 = tpu.memref_squeeze %dma_start3A_500 : memref<1x80xi32, #tpu.memory_space<vmem>> -> memref<80xi32, #tpu.memory_space<vmem>>
        %dma_start3A_502 = tpu.memref_slice %arg7[%add3A_475] : memref<320000xi32, #tpu.memory_space<hbm>> -> memref<80xi32, #tpu.memory_space<hbm>>
        tpu.enqueue_dma source(%dma_start3A_502 : memref<80xi32, #tpu.memory_space<hbm>>) target(%dma_start3A_501 : memref<80xi32, #tpu.memory_space<vmem>>) target_semaphore(%arg21 : memref<!tpu.dma_semaphore, #tpu.memory_space<semaphore_mem>>)
      } else {
      }
      %add3A_313 = arith.constant 2 : i32
      %add3A_314 = arith.addi %mul3A_157, %add3A_313 : i32
      %dma_wait3A_315 = arith.constant 2 : i32
      %dma_wait3A_316 = arith.constant 0 : i32
      %dma_wait3A_317 = tpu.memref_slice %arg9[%dma_wait3A_315, %dma_wait3A_316] : memref<4x80xi32, #tpu.memory_space<vmem>> -> memref<1x80xi32, #tpu.memory_space<vmem>>
      %dma_wait3A_318 = tpu.memref_squeeze %dma_wait3A_317 : memref<1x80xi32, #tpu.memory_space<vmem>> -> memref<80xi32, #tpu.memory_space<vmem>>
      %dma_wait3A_319 = arith.constant 0 : i32
      %dma_wait3A_320 = arith.constant 0 : i32
      %dma_wait3A_321 = tpu.memref_slice %arg2[%dma_wait3A_319, %dma_wait3A_320] : memref<10000x128xf32, #tpu.memory_space<hbm>> -> memref<10000x128xf32, #tpu.memory_space<hbm>>
      tpu.wait_indirect_dma semaphore(%arg19 : memref<!tpu.dma_semaphore, #tpu.memory_space<semaphore_mem>>) src(%dma_wait3A_321 : memref<10000x128xf32, #tpu.memory_space<hbm>>) dst(%arg12 : memref<80x128xf32, #tpu.memory_space<vmem>>)
      %dma_wait3A_322 = arith.constant 2 : i32
      %dma_wait3A_323 = arith.constant 0 : i32
      %dma_wait3A_324 = tpu.memref_slice %arg10[%dma_wait3A_322, %dma_wait3A_323] : memref<4x80xi32, #tpu.memory_space<vmem>> -> memref<1x80xi32, #tpu.memory_space<vmem>>
      %dma_wait3A_325 = tpu.memref_squeeze %dma_wait3A_324 : memref<1x80xi32, #tpu.memory_space<vmem>> -> memref<80xi32, #tpu.memory_space<vmem>>
      %dma_wait3A_326 = arith.constant 0 : i32
      %dma_wait3A_327 = arith.constant 0 : i32
      %dma_wait3A_328 = tpu.memref_slice %arg3[%dma_wait3A_326, %dma_wait3A_327] : memref<10000x128xf32, #tpu.memory_space<hbm>> -> memref<10000x128xf32, #tpu.memory_space<hbm>>
      tpu.wait_indirect_dma semaphore(%arg19 : memref<!tpu.dma_semaphore, #tpu.memory_space<semaphore_mem>>) src(%dma_wait3A_328 : memref<10000x128xf32, #tpu.memory_space<hbm>>) dst(%arg14 : memref<80x128xf32, #tpu.memory_space<vmem>>)
      %add3A_329 = arith.constant 1 : i32
      %add3A_330 = arith.addi %add3A_314, %add3A_329 : i32
      %mul3A_331 = arith.constant 80 : i32
      %mul3A_332 = arith.muli %add3A_330, %mul3A_331 : i32
      %add3A_333 = arith.addi %mul3A_2, %mul3A_332 : i32
      %dma_wait3A_334 = arith.constant 3 : i32
      %dma_wait3A_335 = arith.constant 0 : i32
      %dma_wait3A_336 = tpu.memref_slice %arg9[%dma_wait3A_334, %dma_wait3A_335] : memref<4x80xi32, #tpu.memory_space<vmem>> -> memref<1x80xi32, #tpu.memory_space<vmem>>
      %dma_wait3A_337 = tpu.memref_squeeze %dma_wait3A_336 : memref<1x80xi32, #tpu.memory_space<vmem>> -> memref<80xi32, #tpu.memory_space<vmem>>
      %dma_wait3A_338 = tpu.memref_slice %arg5[%add3A_333] : memref<320000xi32, #tpu.memory_space<hbm>> -> memref<80xi32, #tpu.memory_space<hbm>>
      %dma_wait3A_339 = arith.constant 0 : i32
      %dma_wait3A_340 = tpu.memref_slice %arg9[%dma_wait3A_334, %dma_wait3A_339] : memref<4x80xi32, #tpu.memory_space<vmem>> -> memref<1x80xi32, #tpu.memory_space<vmem>>
      %dma_wait3A_341 = tpu.memref_squeeze %dma_wait3A_340 : memref<1x80xi32, #tpu.memory_space<vmem>> -> memref<80xi32, #tpu.memory_space<vmem>>
      %dma_wait3A_342 = tpu.memref_slice %arg5[%add3A_333] : memref<320000xi32, #tpu.memory_space<hbm>> -> memref<80xi32, #tpu.memory_space<hbm>>
      tpu.wait_dma2 semaphore(%arg24 : memref<!tpu.dma_semaphore, #tpu.memory_space<semaphore_mem>>) src(%dma_wait3A_342 : memref<80xi32, #tpu.memory_space<hbm>>) dst(%dma_wait3A_341 : memref<80xi32, #tpu.memory_space<vmem>>)
      %dma_wait3A_343 = arith.constant 3 : i32
      %dma_wait3A_344 = arith.constant 0 : i32
      %dma_wait3A_345 = tpu.memref_slice %arg10[%dma_wait3A_343, %dma_wait3A_344] : memref<4x80xi32, #tpu.memory_space<vmem>> -> memref<1x80xi32, #tpu.memory_space<vmem>>
      %dma_wait3A_346 = tpu.memref_squeeze %dma_wait3A_345 : memref<1x80xi32, #tpu.memory_space<vmem>> -> memref<80xi32, #tpu.memory_space<vmem>>
      %dma_wait3A_347 = tpu.memref_slice %arg6[%add3A_333] : memref<320000xi32, #tpu.memory_space<hbm>> -> memref<80xi32, #tpu.memory_space<hbm>>
      %dma_wait3A_348 = arith.constant 0 : i32
      %dma_wait3A_349 = tpu.memref_slice %arg10[%dma_wait3A_343, %dma_wait3A_348] : memref<4x80xi32, #tpu.memory_space<vmem>> -> memref<1x80xi32, #tpu.memory_space<vmem>>
      %dma_wait3A_350 = tpu.memref_squeeze %dma_wait3A_349 : memref<1x80xi32, #tpu.memory_space<vmem>> -> memref<80xi32, #tpu.memory_space<vmem>>
      %dma_wait3A_351 = tpu.memref_slice %arg6[%add3A_333] : memref<320000xi32, #tpu.memory_space<hbm>> -> memref<80xi32, #tpu.memory_space<hbm>>
      tpu.wait_dma2 semaphore(%arg24 : memref<!tpu.dma_semaphore, #tpu.memory_space<semaphore_mem>>) src(%dma_wait3A_351 : memref<80xi32, #tpu.memory_space<hbm>>) dst(%dma_wait3A_350 : memref<80xi32, #tpu.memory_space<vmem>>)
      %dma_wait3A_352 = arith.constant 3 : i32
      %dma_wait3A_353 = arith.constant 0 : i32
      %dma_wait3A_354 = tpu.memref_slice %arg11[%dma_wait3A_352, %dma_wait3A_353] : memref<4x80xi32, #tpu.memory_space<vmem>> -> memref<1x80xi32, #tpu.memory_space<vmem>>
      %dma_wait3A_355 = tpu.memref_squeeze %dma_wait3A_354 : memref<1x80xi32, #tpu.memory_space<vmem>> -> memref<80xi32, #tpu.memory_space<vmem>>
      %dma_wait3A_356 = tpu.memref_slice %arg7[%add3A_333] : memref<320000xi32, #tpu.memory_space<hbm>> -> memref<80xi32, #tpu.memory_space<hbm>>
      %dma_wait3A_357 = arith.constant 0 : i32
      %dma_wait3A_358 = tpu.memref_slice %arg11[%dma_wait3A_352, %dma_wait3A_357] : memref<4x80xi32, #tpu.memory_space<vmem>> -> memref<1x80xi32, #tpu.memory_space<vmem>>
      %dma_wait3A_359 = tpu.memref_squeeze %dma_wait3A_358 : memref<1x80xi32, #tpu.memory_space<vmem>> -> memref<80xi32, #tpu.memory_space<vmem>>
      %dma_wait3A_360 = tpu.memref_slice %arg7[%add3A_333] : memref<320000xi32, #tpu.memory_space<hbm>> -> memref<80xi32, #tpu.memory_space<hbm>>
      tpu.wait_dma2 semaphore(%arg24 : memref<!tpu.dma_semaphore, #tpu.memory_space<semaphore_mem>>) src(%dma_wait3A_360 : memref<80xi32, #tpu.memory_space<hbm>>) dst(%dma_wait3A_359 : memref<80xi32, #tpu.memory_space<vmem>>)
      %add3A_361 = arith.constant 1 : i32
      %add3A_362 = arith.addi %add3A_314, %add3A_361 : i32
      %dma_start3A_363 = arith.constant 3 : i32
      %dma_start3A_364 = arith.constant 0 : i32
      %dma_start3A_365 = tpu.memref_slice %arg9[%dma_start3A_363, %dma_start3A_364] : memref<4x80xi32, #tpu.memory_space<vmem>> -> memref<1x80xi32, #tpu.memory_space<vmem>>
      %dma_start3A_366 = tpu.memref_squeeze %dma_start3A_365 : memref<1x80xi32, #tpu.memory_space<vmem>> -> memref<80xi32, #tpu.memory_space<vmem>>
      %dma_start3A_367 = arith.constant 0 : i32
      %dma_start3A_368 = arith.constant 0 : i32
      %dma_start3A_369 = tpu.memref_slice %arg2[%dma_start3A_367, %dma_start3A_368] : memref<10000x128xf32, #tpu.memory_space<hbm>> -> memref<10000x128xf32, #tpu.memory_space<hbm>>
      tpu.enqueue_indirect_dma source(%dma_start3A_369 : memref<10000x128xf32, #tpu.memory_space<hbm>>) target(%arg13 : memref<80x128xf32, #tpu.memory_space<vmem>>) offsets(%dma_start3A_366 : memref<80xi32, #tpu.memory_space<vmem>>) semaphore(%arg20 : memref<!tpu.dma_semaphore, #tpu.memory_space<semaphore_mem>>)
      %dma_start3A_370 = arith.constant 3 : i32
      %dma_start3A_371 = arith.constant 0 : i32
      %dma_start3A_372 = tpu.memref_slice %arg10[%dma_start3A_370, %dma_start3A_371] : memref<4x80xi32, #tpu.memory_space<vmem>> -> memref<1x80xi32, #tpu.memory_space<vmem>>
      %dma_start3A_373 = tpu.memref_squeeze %dma_start3A_372 : memref<1x80xi32, #tpu.memory_space<vmem>> -> memref<80xi32, #tpu.memory_space<vmem>>
      %dma_start3A_374 = arith.constant 0 : i32
      %dma_start3A_375 = arith.constant 0 : i32
      %dma_start3A_376 = tpu.memref_slice %arg3[%dma_start3A_374, %dma_start3A_375] : memref<10000x128xf32, #tpu.memory_space<hbm>> -> memref<10000x128xf32, #tpu.memory_space<hbm>>
      tpu.enqueue_indirect_dma source(%dma_start3A_376 : memref<10000x128xf32, #tpu.memory_space<hbm>>) target(%arg15 : memref<80x128xf32, #tpu.memory_space<vmem>>) offsets(%dma_start3A_373 : memref<80xi32, #tpu.memory_space<vmem>>) semaphore(%arg20 : memref<!tpu.dma_semaphore, #tpu.memory_space<semaphore_mem>>)
      %mul3A_377 = arith.constant 80 : i32
      %mul3A_378 = arith.muli %add3A_314, %mul3A_377 : i32
      %parallel_loop3A_379 = arith.constant 0 : i32
      %parallel_loop3A_380 = arith.constant 80 : i32
      %parallel_loop3A_381 = arith.constant 1 : i32
      scf.for %parallel_loop3A_471 = %parallel_loop3A_379 to %parallel_loop3A_380 step %parallel_loop3A_381  : i32 {
        %parallel_loop3A_472 = arith.constant 15 : i32
        %parallel_loop3A_473 = arith.andi %parallel_loop3A_471, %parallel_loop3A_472 : i32
        %parallel_loop3A_474 = arith.subi %parallel_loop3A_471, %parallel_loop3A_473 : i32
        %parallel_loop3A_475 = arith.constant 2 : i32
        %parallel_loop3A_476 = arith.index_cast %parallel_loop3A_475 : i32 to index
        %parallel_loop3A_477 = arith.index_cast %parallel_loop3A_474 : i32 to index
        %parallel_loop3A_478 = tpu.vector_load %arg11[%parallel_loop3A_476, %parallel_loop3A_477] {strides = array<i32>} : memref<4x80xi32, #tpu.memory_space<vmem>>, vector<16xi32>,
        %parallel_loop3A_479 = arith.constant 15 : i32
        %parallel_loop3A_480 = arith.andi %parallel_loop3A_471, %parallel_loop3A_479 : i32
        %parallel_loop3A_481 = vector.broadcast %parallel_loop3A_480 : i32 to vector<16xi32>
        %parallel_loop3A_482 = vector.shape_cast %parallel_loop3A_481 : vector<16xi32> to vector<16x1xi32>
        %parallel_loop3A_483 = vector.shape_cast %parallel_loop3A_482 : vector<16x1xi32> to vector<16xi32>
        %parallel_loop3A_484 = tpu.dynamic_gather %parallel_loop3A_478[%parallel_loop3A_483] in [0] : vector<16xi32>, vector<16xi32> -> vector<16xi32>
        %parallel_loop3A_485 = arith.constant 0.000000e+00 : f32
        %parallel_loop3A_486 = vector.broadcast %parallel_loop3A_485 : f32 to vector<16xf32>
        %parallel_loop3A_487 = arith.constant 0 : i32
        %parallel_loop3A_488 = vector.broadcast %parallel_loop3A_487 : i32 to vector<16xi32>
        %parallel_loop3A_489 = arith.addi %iota3A, %parallel_loop3A_488 : vector<16xi32>
        %parallel_loop3A_490 = tpu.vector_load_idx %arg16[%parallel_loop3A_484, %parallel_loop3A_489] : memref<500x128xf32, #tpu.memory_space<vmem>>[vector<16xi32>, vector<16xi32>], vector<16xf32>,
        %parallel_loop3A_491 = arith.index_cast %parallel_loop3A_471 : i32 to index
        %parallel_loop3A_492 = arith.constant 0 : index
        %parallel_loop3A_493 = tpu.vector_load %arg12[%parallel_loop3A_491, %parallel_loop3A_492] {strides = array<i32>} : memref<80x128xf32, #tpu.memory_space<vmem>>, vector<16xf32>,
        %parallel_loop3A_494 = arith.mulf %parallel_loop3A_493, %parallel_loop3A_490 : vector<16xf32>
        %parallel_loop3A_495 = arith.index_cast %parallel_loop3A_471 : i32 to index
        %parallel_loop3A_496 = arith.constant 0 : index
        %parallel_loop3A_497 = tpu.vector_load %arg14[%parallel_loop3A_495, %parallel_loop3A_496] {strides = array<i32>} : memref<80x128xf32, #tpu.memory_space<vmem>>, vector<16xf32>,
        %parallel_loop3A_498 = arith.mulf %parallel_loop3A_494, %parallel_loop3A_497 : vector<16xf32>
        %parallel_loop3A_499 = arith.addf %parallel_loop3A_486, %parallel_loop3A_498 : vector<16xf32>
        %parallel_loop3A_500 = arith.constant 16 : i32
        %parallel_loop3A_501 = vector.broadcast %parallel_loop3A_500 : i32 to vector<16xi32>
        %parallel_loop3A_502 = arith.addi %iota3A, %parallel_loop3A_501 : vector<16xi32>
        %parallel_loop3A_503 = tpu.vector_load_idx %arg16[%parallel_loop3A_484, %parallel_loop3A_502] : memref<500x128xf32, #tpu.memory_space<vmem>>[vector<16xi32>, vector<16xi32>], vector<16xf32>,
        %parallel_loop3A_504 = arith.index_cast %parallel_loop3A_471 : i32 to index
        %parallel_loop3A_505 = arith.constant 16 : index
        %parallel_loop3A_506 = tpu.vector_load %arg12[%parallel_loop3A_504, %parallel_loop3A_505] {strides = array<i32>} : memref<80x128xf32, #tpu.memory_space<vmem>>, vector<16xf32>,
        %parallel_loop3A_507 = arith.mulf %parallel_loop3A_506, %parallel_loop3A_503 : vector<16xf32>
        %parallel_loop3A_508 = arith.index_cast %parallel_loop3A_471 : i32 to index
        %parallel_loop3A_509 = arith.constant 16 : index
        %parallel_loop3A_510 = tpu.vector_load %arg14[%parallel_loop3A_508, %parallel_loop3A_509] {strides = array<i32>} : memref<80x128xf32, #tpu.memory_space<vmem>>, vector<16xf32>,
        %parallel_loop3A_511 = arith.mulf %parallel_loop3A_507, %parallel_loop3A_510 : vector<16xf32>
        %parallel_loop3A_512 = arith.addf %parallel_loop3A_499, %parallel_loop3A_511 : vector<16xf32>
        %parallel_loop3A_513 = arith.constant 32 : i32
        %parallel_loop3A_514 = vector.broadcast %parallel_loop3A_513 : i32 to vector<16xi32>
        %parallel_loop3A_515 = arith.addi %iota3A, %parallel_loop3A_514 : vector<16xi32>
        %parallel_loop3A_516 = tpu.vector_load_idx %arg16[%parallel_loop3A_484, %parallel_loop3A_515] : memref<500x128xf32, #tpu.memory_space<vmem>>[vector<16xi32>, vector<16xi32>], vector<16xf32>,
        %parallel_loop3A_517 = arith.index_cast %parallel_loop3A_471 : i32 to index
        %parallel_loop3A_518 = arith.constant 32 : index
        %parallel_loop3A_519 = tpu.vector_load %arg12[%parallel_loop3A_517, %parallel_loop3A_518] {strides = array<i32>} : memref<80x128xf32, #tpu.memory_space<vmem>>, vector<16xf32>,
        %parallel_loop3A_520 = arith.mulf %parallel_loop3A_519, %parallel_loop3A_516 : vector<16xf32>
        %parallel_loop3A_521 = arith.index_cast %parallel_loop3A_471 : i32 to index
        %parallel_loop3A_522 = arith.constant 32 : index
        %parallel_loop3A_523 = tpu.vector_load %arg14[%parallel_loop3A_521, %parallel_loop3A_522] {strides = array<i32>} : memref<80x128xf32, #tpu.memory_space<vmem>>, vector<16xf32>,
        %parallel_loop3A_524 = arith.mulf %parallel_loop3A_520, %parallel_loop3A_523 : vector<16xf32>
        %parallel_loop3A_525 = arith.addf %parallel_loop3A_512, %parallel_loop3A_524 : vector<16xf32>
        %parallel_loop3A_526 = arith.constant 48 : i32
        %parallel_loop3A_527 = vector.broadcast %parallel_loop3A_526 : i32 to vector<16xi32>
        %parallel_loop3A_528 = arith.addi %iota3A, %parallel_loop3A_527 : vector<16xi32>
        %parallel_loop3A_529 = tpu.vector_load_idx %arg16[%parallel_loop3A_484, %parallel_loop3A_528] : memref<500x128xf32, #tpu.memory_space<vmem>>[vector<16xi32>, vector<16xi32>], vector<16xf32>,
        %parallel_loop3A_530 = arith.index_cast %parallel_loop3A_471 : i32 to index
        %parallel_loop3A_531 = arith.constant 48 : index
        %parallel_loop3A_532 = tpu.vector_load %arg12[%parallel_loop3A_530, %parallel_loop3A_531] {strides = array<i32>} : memref<80x128xf32, #tpu.memory_space<vmem>>, vector<16xf32>,
        %parallel_loop3A_533 = arith.mulf %parallel_loop3A_532, %parallel_loop3A_529 : vector<16xf32>
        %parallel_loop3A_534 = arith.index_cast %parallel_loop3A_471 : i32 to index
        %parallel_loop3A_535 = arith.constant 48 : index
        %parallel_loop3A_536 = tpu.vector_load %arg14[%parallel_loop3A_534, %parallel_loop3A_535] {strides = array<i32>} : memref<80x128xf32, #tpu.memory_space<vmem>>, vector<16xf32>,
        %parallel_loop3A_537 = arith.mulf %parallel_loop3A_533, %parallel_loop3A_536 : vector<16xf32>
        %parallel_loop3A_538 = arith.addf %parallel_loop3A_525, %parallel_loop3A_537 : vector<16xf32>
        %parallel_loop3A_539 = arith.constant 64 : i32
        %parallel_loop3A_540 = vector.broadcast %parallel_loop3A_539 : i32 to vector<16xi32>
        %parallel_loop3A_541 = arith.addi %iota3A, %parallel_loop3A_540 : vector<16xi32>
        %parallel_loop3A_542 = tpu.vector_load_idx %arg16[%parallel_loop3A_484, %parallel_loop3A_541] : memref<500x128xf32, #tpu.memory_space<vmem>>[vector<16xi32>, vector<16xi32>], vector<16xf32>,
        %parallel_loop3A_543 = arith.index_cast %parallel_loop3A_471 : i32 to index
        %parallel_loop3A_544 = arith.constant 64 : index
        %parallel_loop3A_545 = tpu.vector_load %arg12[%parallel_loop3A_543, %parallel_loop3A_544] {strides = array<i32>} : memref<80x128xf32, #tpu.memory_space<vmem>>, vector<16xf32>,
        %parallel_loop3A_546 = arith.mulf %parallel_loop3A_545, %parallel_loop3A_542 : vector<16xf32>
        %parallel_loop3A_547 = arith.index_cast %parallel_loop3A_471 : i32 to index
        %parallel_loop3A_548 = arith.constant 64 : index
        %parallel_loop3A_549 = tpu.vector_load %arg14[%parallel_loop3A_547, %parallel_loop3A_548] {strides = array<i32>} : memref<80x128xf32, #tpu.memory_space<vmem>>, vector<16xf32>,
        %parallel_loop3A_550 = arith.mulf %parallel_loop3A_546, %parallel_loop3A_549 : vector<16xf32>
        %parallel_loop3A_551 = arith.addf %parallel_loop3A_538, %parallel_loop3A_550 : vector<16xf32>
        %parallel_loop3A_552 = arith.constant 80 : i32
        %parallel_loop3A_553 = vector.broadcast %parallel_loop3A_552 : i32 to vector<16xi32>
        %parallel_loop3A_554 = arith.addi %iota3A, %parallel_loop3A_553 : vector<16xi32>
        %parallel_loop3A_555 = tpu.vector_load_idx %arg16[%parallel_loop3A_484, %parallel_loop3A_554] : memref<500x128xf32, #tpu.memory_space<vmem>>[vector<16xi32>, vector<16xi32>], vector<16xf32>,
        %parallel_loop3A_556 = arith.index_cast %parallel_loop3A_471 : i32 to index
        %parallel_loop3A_557 = arith.constant 80 : index
        %parallel_loop3A_558 = tpu.vector_load %arg12[%parallel_loop3A_556, %parallel_loop3A_557] {strides = array<i32>} : memref<80x128xf32, #tpu.memory_space<vmem>>, vector<16xf32>,
        %parallel_loop3A_559 = arith.mulf %parallel_loop3A_558, %parallel_loop3A_555 : vector<16xf32>
        %parallel_loop3A_560 = arith.index_cast %parallel_loop3A_471 : i32 to index
        %parallel_loop3A_561 = arith.constant 80 : index
        %parallel_loop3A_562 = tpu.vector_load %arg14[%parallel_loop3A_560, %parallel_loop3A_561] {strides = array<i32>} : memref<80x128xf32, #tpu.memory_space<vmem>>, vector<16xf32>,
        %parallel_loop3A_563 = arith.mulf %parallel_loop3A_559, %parallel_loop3A_562 : vector<16xf32>
        %parallel_loop3A_564 = arith.addf %parallel_loop3A_551, %parallel_loop3A_563 : vector<16xf32>
        %parallel_loop3A_565 = arith.constant 96 : i32
        %parallel_loop3A_566 = vector.broadcast %parallel_loop3A_565 : i32 to vector<16xi32>
        %parallel_loop3A_567 = arith.addi %iota3A, %parallel_loop3A_566 : vector<16xi32>
        %parallel_loop3A_568 = tpu.vector_load_idx %arg16[%parallel_loop3A_484, %parallel_loop3A_567] : memref<500x128xf32, #tpu.memory_space<vmem>>[vector<16xi32>, vector<16xi32>], vector<16xf32>,
        %parallel_loop3A_569 = arith.index_cast %parallel_loop3A_471 : i32 to index
        %parallel_loop3A_570 = arith.constant 96 : index
        %parallel_loop3A_571 = tpu.vector_load %arg12[%parallel_loop3A_569, %parallel_loop3A_570] {strides = array<i32>} : memref<80x128xf32, #tpu.memory_space<vmem>>, vector<16xf32>,
        %parallel_loop3A_572 = arith.mulf %parallel_loop3A_571, %parallel_loop3A_568 : vector<16xf32>
        %parallel_loop3A_573 = arith.index_cast %parallel_loop3A_471 : i32 to index
        %parallel_loop3A_574 = arith.constant 96 : index
        %parallel_loop3A_575 = tpu.vector_load %arg14[%parallel_loop3A_573, %parallel_loop3A_574] {strides = array<i32>} : memref<80x128xf32, #tpu.memory_space<vmem>>, vector<16xf32>,
        %parallel_loop3A_576 = arith.mulf %parallel_loop3A_572, %parallel_loop3A_575 : vector<16xf32>
        %parallel_loop3A_577 = arith.addf %parallel_loop3A_564, %parallel_loop3A_576 : vector<16xf32>
        %parallel_loop3A_578 = arith.constant 112 : i32
        %parallel_loop3A_579 = vector.broadcast %parallel_loop3A_578 : i32 to vector<16xi32>
        %parallel_loop3A_580 = arith.addi %iota3A, %parallel_loop3A_579 : vector<16xi32>
        %parallel_loop3A_581 = tpu.vector_load_idx %arg16[%parallel_loop3A_484, %parallel_loop3A_580] : memref<500x128xf32, #tpu.memory_space<vmem>>[vector<16xi32>, vector<16xi32>], vector<16xf32>,
        %parallel_loop3A_582 = arith.index_cast %parallel_loop3A_471 : i32 to index
        %parallel_loop3A_583 = arith.constant 112 : index
        %parallel_loop3A_584 = tpu.vector_load %arg12[%parallel_loop3A_582, %parallel_loop3A_583] {strides = array<i32>} : memref<80x128xf32, #tpu.memory_space<vmem>>, vector<16xf32>,
        %parallel_loop3A_585 = arith.mulf %parallel_loop3A_584, %parallel_loop3A_581 : vector<16xf32>
        %parallel_loop3A_586 = arith.index_cast %parallel_loop3A_471 : i32 to index
        %parallel_loop3A_587 = arith.constant 112 : index
        %parallel_loop3A_588 = tpu.vector_load %arg14[%parallel_loop3A_586, %parallel_loop3A_587] {strides = array<i32>} : memref<80x128xf32, #tpu.memory_space<vmem>>, vector<16xf32>,
        %parallel_loop3A_589 = arith.mulf %parallel_loop3A_585, %parallel_loop3A_588 : vector<16xf32>
        %parallel_loop3A_590 = arith.addf %parallel_loop3A_577, %parallel_loop3A_589 : vector<16xf32>
        %parallel_loop3A_591 = arith.constant 4 : i32
        %parallel_loop3A_592 = arith.shrsi %parallel_loop3A_471, %parallel_loop3A_591 : i32
        %parallel_loop3A_593 = arith.constant 15 : i32
        %parallel_loop3A_594 = arith.andi %parallel_loop3A_471, %parallel_loop3A_593 : i32
        %parallel_loop3A_595 = arith.index_cast %parallel_loop3A_592 : i32 to index
        %parallel_loop3A_596 = arith.index_cast %parallel_loop3A_594 : i32 to index
        %parallel_loop3A_597 = arith.constant 0 : index
        %parallel_loop3A_598 = tpu.vector_load %arg18[%parallel_loop3A_595, %parallel_loop3A_596, %parallel_loop3A_597] {strides = array<i32>} : memref<5x16x17xf32, #tpu.memory_space<vmem>>, vector<16xf32>,
        tpu.vector_store %arg18[%parallel_loop3A_595, %parallel_loop3A_596, %parallel_loop3A_597], %parallel_loop3A_590 {strides = array<i32>} : memref<5x16x17xf32, #tpu.memory_space<vmem>>, vector<16xf32>,
      } {sc.loop_unroll_factor = 2 : i64, sc.parallel_access}
      %parallel_loop3A_382 = arith.constant 0 : i32
      %parallel_loop3A_383 = arith.constant 5 : i32
      %parallel_loop3A_384 = arith.constant 1 : i32
      scf.for %parallel_loop3A_471 = %parallel_loop3A_382 to %parallel_loop3A_383 step %parallel_loop3A_384  : i32 {
        %parallel_loop3A_472 = vector.broadcast %parallel_loop3A_471 : i32 to vector<16xi32>
        %parallel_loop3A_473 = arith.constant 0.000000e+00 : f32
        %parallel_loop3A_474 = vector.broadcast %parallel_loop3A_473 : f32 to vector<16xf32>
        %parallel_loop3A_475 = arith.constant 0 : i32
        %parallel_loop3A_476 = vector.broadcast %parallel_loop3A_475 : i32 to vector<16xi32>
        %parallel_loop3A_477 = tpu.vector_load_idx %arg18[%parallel_loop3A_472, %iota3A, %parallel_loop3A_476] : memref<5x16x17xf32, #tpu.memory_space<vmem>>[vector<16xi32>, vector<16xi32>, vector<16xi32>], vector<16xf32>,
        %parallel_loop3A_478 = arith.addf %parallel_loop3A_474, %parallel_loop3A_477 : vector<16xf32>
        %parallel_loop3A_479 = arith.constant 1 : i32
        %parallel_loop3A_480 = vector.broadcast %parallel_loop3A_479 : i32 to vector<16xi32>
        %parallel_loop3A_481 = tpu.vector_load_idx %arg18[%parallel_loop3A_472, %iota3A, %parallel_loop3A_480] : memref<5x16x17xf32, #tpu.memory_space<vmem>>[vector<16xi32>, vector<16xi32>, vector<16xi32>], vector<16xf32>,
        %parallel_loop3A_482 = arith.addf %parallel_loop3A_478, %parallel_loop3A_481 : vector<16xf32>
        %parallel_loop3A_483 = arith.constant 2 : i32
        %parallel_loop3A_484 = vector.broadcast %parallel_loop3A_483 : i32 to vector<16xi32>
        %parallel_loop3A_485 = tpu.vector_load_idx %arg18[%parallel_loop3A_472, %iota3A, %parallel_loop3A_484] : memref<5x16x17xf32, #tpu.memory_space<vmem>>[vector<16xi32>, vector<16xi32>, vector<16xi32>], vector<16xf32>,
        %parallel_loop3A_486 = arith.addf %parallel_loop3A_482, %parallel_loop3A_485 : vector<16xf32>
        %parallel_loop3A_487 = arith.constant 3 : i32
        %parallel_loop3A_488 = vector.broadcast %parallel_loop3A_487 : i32 to vector<16xi32>
        %parallel_loop3A_489 = tpu.vector_load_idx %arg18[%parallel_loop3A_472, %iota3A, %parallel_loop3A_488] : memref<5x16x17xf32, #tpu.memory_space<vmem>>[vector<16xi32>, vector<16xi32>, vector<16xi32>], vector<16xf32>,
        %parallel_loop3A_490 = arith.addf %parallel_loop3A_486, %parallel_loop3A_489 : vector<16xf32>
        %parallel_loop3A_491 = arith.constant 4 : i32
        %parallel_loop3A_492 = vector.broadcast %parallel_loop3A_491 : i32 to vector<16xi32>
        %parallel_loop3A_493 = tpu.vector_load_idx %arg18[%parallel_loop3A_472, %iota3A, %parallel_loop3A_492] : memref<5x16x17xf32, #tpu.memory_space<vmem>>[vector<16xi32>, vector<16xi32>, vector<16xi32>], vector<16xf32>,
        %parallel_loop3A_494 = arith.addf %parallel_loop3A_490, %parallel_loop3A_493 : vector<16xf32>
        %parallel_loop3A_495 = arith.constant 5 : i32
        %parallel_loop3A_496 = vector.broadcast %parallel_loop3A_495 : i32 to vector<16xi32>
        %parallel_loop3A_497 = tpu.vector_load_idx %arg18[%parallel_loop3A_472, %iota3A, %parallel_loop3A_496] : memref<5x16x17xf32, #tpu.memory_space<vmem>>[vector<16xi32>, vector<16xi32>, vector<16xi32>], vector<16xf32>,
        %parallel_loop3A_498 = arith.addf %parallel_loop3A_494, %parallel_loop3A_497 : vector<16xf32>
        %parallel_loop3A_499 = arith.constant 6 : i32
        %parallel_loop3A_500 = vector.broadcast %parallel_loop3A_499 : i32 to vector<16xi32>
        %parallel_loop3A_501 = tpu.vector_load_idx %arg18[%parallel_loop3A_472, %iota3A, %parallel_loop3A_500] : memref<5x16x17xf32, #tpu.memory_space<vmem>>[vector<16xi32>, vector<16xi32>, vector<16xi32>], vector<16xf32>,
        %parallel_loop3A_502 = arith.addf %parallel_loop3A_498, %parallel_loop3A_501 : vector<16xf32>
        %parallel_loop3A_503 = arith.constant 7 : i32
        %parallel_loop3A_504 = vector.broadcast %parallel_loop3A_503 : i32 to vector<16xi32>
        %parallel_loop3A_505 = tpu.vector_load_idx %arg18[%parallel_loop3A_472, %iota3A, %parallel_loop3A_504] : memref<5x16x17xf32, #tpu.memory_space<vmem>>[vector<16xi32>, vector<16xi32>, vector<16xi32>], vector<16xf32>,
        %parallel_loop3A_506 = arith.addf %parallel_loop3A_502, %parallel_loop3A_505 : vector<16xf32>
        %parallel_loop3A_507 = arith.constant 8 : i32
        %parallel_loop3A_508 = vector.broadcast %parallel_loop3A_507 : i32 to vector<16xi32>
        %parallel_loop3A_509 = tpu.vector_load_idx %arg18[%parallel_loop3A_472, %iota3A, %parallel_loop3A_508] : memref<5x16x17xf32, #tpu.memory_space<vmem>>[vector<16xi32>, vector<16xi32>, vector<16xi32>], vector<16xf32>,
        %parallel_loop3A_510 = arith.addf %parallel_loop3A_506, %parallel_loop3A_509 : vector<16xf32>
        %parallel_loop3A_511 = arith.constant 9 : i32
        %parallel_loop3A_512 = vector.broadcast %parallel_loop3A_511 : i32 to vector<16xi32>
        %parallel_loop3A_513 = tpu.vector_load_idx %arg18[%parallel_loop3A_472, %iota3A, %parallel_loop3A_512] : memref<5x16x17xf32, #tpu.memory_space<vmem>>[vector<16xi32>, vector<16xi32>, vector<16xi32>], vector<16xf32>,
        %parallel_loop3A_514 = arith.addf %parallel_loop3A_510, %parallel_loop3A_513 : vector<16xf32>
        %parallel_loop3A_515 = arith.constant 10 : i32
        %parallel_loop3A_516 = vector.broadcast %parallel_loop3A_515 : i32 to vector<16xi32>
        %parallel_loop3A_517 = tpu.vector_load_idx %arg18[%parallel_loop3A_472, %iota3A, %parallel_loop3A_516] : memref<5x16x17xf32, #tpu.memory_space<vmem>>[vector<16xi32>, vector<16xi32>, vector<16xi32>], vector<16xf32>,
        %parallel_loop3A_518 = arith.addf %parallel_loop3A_514, %parallel_loop3A_517 : vector<16xf32>
        %parallel_loop3A_519 = arith.constant 11 : i32
        %parallel_loop3A_520 = vector.broadcast %parallel_loop3A_519 : i32 to vector<16xi32>
        %parallel_loop3A_521 = tpu.vector_load_idx %arg18[%parallel_loop3A_472, %iota3A, %parallel_loop3A_520] : memref<5x16x17xf32, #tpu.memory_space<vmem>>[vector<16xi32>, vector<16xi32>, vector<16xi32>], vector<16xf32>,
        %parallel_loop3A_522 = arith.addf %parallel_loop3A_518, %parallel_loop3A_521 : vector<16xf32>
        %parallel_loop3A_523 = arith.constant 12 : i32
        %parallel_loop3A_524 = vector.broadcast %parallel_loop3A_523 : i32 to vector<16xi32>
        %parallel_loop3A_525 = tpu.vector_load_idx %arg18[%parallel_loop3A_472, %iota3A, %parallel_loop3A_524] : memref<5x16x17xf32, #tpu.memory_space<vmem>>[vector<16xi32>, vector<16xi32>, vector<16xi32>], vector<16xf32>,
        %parallel_loop3A_526 = arith.addf %parallel_loop3A_522, %parallel_loop3A_525 : vector<16xf32>
        %parallel_loop3A_527 = arith.constant 13 : i32
        %parallel_loop3A_528 = vector.broadcast %parallel_loop3A_527 : i32 to vector<16xi32>
        %parallel_loop3A_529 = tpu.vector_load_idx %arg18[%parallel_loop3A_472, %iota3A, %parallel_loop3A_528] : memref<5x16x17xf32, #tpu.memory_space<vmem>>[vector<16xi32>, vector<16xi32>, vector<16xi32>], vector<16xf32>,
        %parallel_loop3A_530 = arith.addf %parallel_loop3A_526, %parallel_loop3A_529 : vector<16xf32>
        %parallel_loop3A_531 = arith.constant 14 : i32
        %parallel_loop3A_532 = vector.broadcast %parallel_loop3A_531 : i32 to vector<16xi32>
        %parallel_loop3A_533 = tpu.vector_load_idx %arg18[%parallel_loop3A_472, %iota3A, %parallel_loop3A_532] : memref<5x16x17xf32, #tpu.memory_space<vmem>>[vector<16xi32>, vector<16xi32>, vector<16xi32>], vector<16xf32>,
        %parallel_loop3A_534 = arith.addf %parallel_loop3A_530, %parallel_loop3A_533 : vector<16xf32>
        %parallel_loop3A_535 = arith.constant 15 : i32
        %parallel_loop3A_536 = vector.broadcast %parallel_loop3A_535 : i32 to vector<16xi32>
        %parallel_loop3A_537 = tpu.vector_load_idx %arg18[%parallel_loop3A_472, %iota3A, %parallel_loop3A_536] : memref<5x16x17xf32, #tpu.memory_space<vmem>>[vector<16xi32>, vector<16xi32>, vector<16xi32>], vector<16xf32>,
        %parallel_loop3A_538 = arith.addf %parallel_loop3A_534, %parallel_loop3A_537 : vector<16xf32>
        %parallel_loop3A_539 = arith.constant 0.000000e+00 : f32
        %parallel_loop3A_540 = vector.broadcast %parallel_loop3A_539 : f32 to vector<16xf32>
        %parallel_loop3A_541 = arith.subf %parallel_loop3A_540, %parallel_loop3A_538 : vector<16xf32>
        %parallel_loop3A_542 = math.exp %parallel_loop3A_541 : vector<16xf32>
        %parallel_loop3A_543 = arith.constant 1.000000e+00 : f32
        %parallel_loop3A_544 = vector.broadcast %parallel_loop3A_543 : f32 to vector<16xf32>
        %parallel_loop3A_545 = arith.addf %parallel_loop3A_544, %parallel_loop3A_542 : vector<16xf32>
        %parallel_loop3A_546 = arith.constant 1.000000e+00 : f32
        %parallel_loop3A_547 = vector.broadcast %parallel_loop3A_546 : f32 to vector<16xf32>
        %parallel_loop3A_548 = arith.divf %parallel_loop3A_547, %parallel_loop3A_545 : vector<16xf32>
        %parallel_loop3A_549 = arith.constant 16 : i32
        %parallel_loop3A_550 = arith.muli %parallel_loop3A_471, %parallel_loop3A_549 : i32
        %parallel_loop3A_551 = arith.addi %mul3A_378, %parallel_loop3A_550 : i32
        %parallel_loop3A_552 = arith.index_cast %parallel_loop3A_551 : i32 to index
        %parallel_loop3A_553 = tpu.vector_load %arg17[%parallel_loop3A_552] {strides = array<i32>} : memref<10000xf32, #tpu.memory_space<vmem>>, vector<16xf32>,
        tpu.vector_store %arg17[%parallel_loop3A_552], %parallel_loop3A_548 {strides = array<i32>} : memref<10000xf32, #tpu.memory_space<vmem>>, vector<16xf32>,
      } {sc.loop_unroll_factor = 1 : i64, sc.parallel_access}
      %add3A_385 = arith.constant 3 : i32
      %add3A_386 = arith.addi %add3A_314, %add3A_385 : i32
      %lt3A_387 = arith.constant 125 : i32
      %lt3A_388 = arith.cmpi slt, %add3A_386, %lt3A_387 : i32
      %convert_element_type3A_389 = arith.extui %lt3A_388 : i1 to i32
      %cond3A_390 = arith.constant 0 : i32
      %cond3A_391 = arith.cmpi ne, %convert_element_type3A_389, %cond3A_390 : i32
      scf.if %cond3A_391 {
        %add3A_471 = arith.constant 3 : i32
        %add3A_472 = arith.addi %add3A_314, %add3A_471 : i32
        %mul3A_473 = arith.constant 80 : i32
        %mul3A_474 = arith.muli %add3A_472, %mul3A_473 : i32
        %add3A_475 = arith.addi %mul3A_2, %mul3A_474 : i32
        %dma_start3A_476 = arith.constant 1 : i32
        %dma_start3A_477 = arith.constant 0 : i32
        %dma_start3A_478 = tpu.memref_slice %arg9[%dma_start3A_476, %dma_start3A_477] : memref<4x80xi32, #tpu.memory_space<vmem>> -> memref<1x80xi32, #tpu.memory_space<vmem>>
        %dma_start3A_479 = tpu.memref_squeeze %dma_start3A_478 : memref<1x80xi32, #tpu.memory_space<vmem>> -> memref<80xi32, #tpu.memory_space<vmem>>
        %dma_start3A_480 = tpu.memref_slice %arg5[%add3A_475] : memref<320000xi32, #tpu.memory_space<hbm>> -> memref<80xi32, #tpu.memory_space<hbm>>
        %dma_start3A_481 = arith.constant 0 : i32
        %dma_start3A_482 = tpu.memref_slice %arg9[%dma_start3A_476, %dma_start3A_481] : memref<4x80xi32, #tpu.memory_space<vmem>> -> memref<1x80xi32, #tpu.memory_space<vmem>>
        %dma_start3A_483 = tpu.memref_squeeze %dma_start3A_482 : memref<1x80xi32, #tpu.memory_space<vmem>> -> memref<80xi32, #tpu.memory_space<vmem>>
        %dma_start3A_484 = tpu.memref_slice %arg5[%add3A_475] : memref<320000xi32, #tpu.memory_space<hbm>> -> memref<80xi32, #tpu.memory_space<hbm>>
        tpu.enqueue_dma source(%dma_start3A_484 : memref<80xi32, #tpu.memory_space<hbm>>) target(%dma_start3A_483 : memref<80xi32, #tpu.memory_space<vmem>>) target_semaphore(%arg22 : memref<!tpu.dma_semaphore, #tpu.memory_space<semaphore_mem>>)
        %dma_start3A_485 = arith.constant 1 : i32
        %dma_start3A_486 = arith.constant 0 : i32
        %dma_start3A_487 = tpu.memref_slice %arg10[%dma_start3A_485, %dma_start3A_486] : memref<4x80xi32, #tpu.memory_space<vmem>> -> memref<1x80xi32, #tpu.memory_space<vmem>>
        %dma_start3A_488 = tpu.memref_squeeze %dma_start3A_487 : memref<1x80xi32, #tpu.memory_space<vmem>> -> memref<80xi32, #tpu.memory_space<vmem>>
        %dma_start3A_489 = tpu.memref_slice %arg6[%add3A_475] : memref<320000xi32, #tpu.memory_space<hbm>> -> memref<80xi32, #tpu.memory_space<hbm>>
        %dma_start3A_490 = arith.constant 0 : i32
        %dma_start3A_491 = tpu.memref_slice %arg10[%dma_start3A_485, %dma_start3A_490] : memref<4x80xi32, #tpu.memory_space<vmem>> -> memref<1x80xi32, #tpu.memory_space<vmem>>
        %dma_start3A_492 = tpu.memref_squeeze %dma_start3A_491 : memref<1x80xi32, #tpu.memory_space<vmem>> -> memref<80xi32, #tpu.memory_space<vmem>>
        %dma_start3A_493 = tpu.memref_slice %arg6[%add3A_475] : memref<320000xi32, #tpu.memory_space<hbm>> -> memref<80xi32, #tpu.memory_space<hbm>>
        tpu.enqueue_dma source(%dma_start3A_493 : memref<80xi32, #tpu.memory_space<hbm>>) target(%dma_start3A_492 : memref<80xi32, #tpu.memory_space<vmem>>) target_semaphore(%arg22 : memref<!tpu.dma_semaphore, #tpu.memory_space<semaphore_mem>>)
        %dma_start3A_494 = arith.constant 1 : i32
        %dma_start3A_495 = arith.constant 0 : i32
        %dma_start3A_496 = tpu.memref_slice %arg11[%dma_start3A_494, %dma_start3A_495] : memref<4x80xi32, #tpu.memory_space<vmem>> -> memref<1x80xi32, #tpu.memory_space<vmem>>
        %dma_start3A_497 = tpu.memref_squeeze %dma_start3A_496 : memref<1x80xi32, #tpu.memory_space<vmem>> -> memref<80xi32, #tpu.memory_space<vmem>>
        %dma_start3A_498 = tpu.memref_slice %arg7[%add3A_475] : memref<320000xi32, #tpu.memory_space<hbm>> -> memref<80xi32, #tpu.memory_space<hbm>>
        %dma_start3A_499 = arith.constant 0 : i32
        %dma_start3A_500 = tpu.memref_slice %arg11[%dma_start3A_494, %dma_start3A_499] : memref<4x80xi32, #tpu.memory_space<vmem>> -> memref<1x80xi32, #tpu.memory_space<vmem>>
        %dma_start3A_501 = tpu.memref_squeeze %dma_start3A_500 : memref<1x80xi32, #tpu.memory_space<vmem>> -> memref<80xi32, #tpu.memory_space<vmem>>
        %dma_start3A_502 = tpu.memref_slice %arg7[%add3A_475] : memref<320000xi32, #tpu.memory_space<hbm>> -> memref<80xi32, #tpu.memory_space<hbm>>
        tpu.enqueue_dma source(%dma_start3A_502 : memref<80xi32, #tpu.memory_space<hbm>>) target(%dma_start3A_501 : memref<80xi32, #tpu.memory_space<vmem>>) target_semaphore(%arg22 : memref<!tpu.dma_semaphore, #tpu.memory_space<semaphore_mem>>)
      } else {
      }
      %add3A_392 = arith.constant 3 : i32
      %add3A_393 = arith.addi %mul3A_157, %add3A_392 : i32
      %dma_wait3A_394 = arith.constant 3 : i32
      %dma_wait3A_395 = arith.constant 0 : i32
      %dma_wait3A_396 = tpu.memref_slice %arg9[%dma_wait3A_394, %dma_wait3A_395] : memref<4x80xi32, #tpu.memory_space<vmem>> -> memref<1x80xi32, #tpu.memory_space<vmem>>
      %dma_wait3A_397 = tpu.memref_squeeze %dma_wait3A_396 : memref<1x80xi32, #tpu.memory_space<vmem>> -> memref<80xi32, #tpu.memory_space<vmem>>
      %dma_wait3A_398 = arith.constant 0 : i32
      %dma_wait3A_399 = arith.constant 0 : i32
      %dma_wait3A_400 = tpu.memref_slice %arg2[%dma_wait3A_398, %dma_wait3A_399] : memref<10000x128xf32, #tpu.memory_space<hbm>> -> memref<10000x128xf32, #tpu.memory_space<hbm>>
      tpu.wait_indirect_dma semaphore(%arg20 : memref<!tpu.dma_semaphore, #tpu.memory_space<semaphore_mem>>) src(%dma_wait3A_400 : memref<10000x128xf32, #tpu.memory_space<hbm>>) dst(%arg13 : memref<80x128xf32, #tpu.memory_space<vmem>>)
      %dma_wait3A_401 = arith.constant 3 : i32
      %dma_wait3A_402 = arith.constant 0 : i32
      %dma_wait3A_403 = tpu.memref_slice %arg10[%dma_wait3A_401, %dma_wait3A_402] : memref<4x80xi32, #tpu.memory_space<vmem>> -> memref<1x80xi32, #tpu.memory_space<vmem>>
      %dma_wait3A_404 = tpu.memref_squeeze %dma_wait3A_403 : memref<1x80xi32, #tpu.memory_space<vmem>> -> memref<80xi32, #tpu.memory_space<vmem>>
      %dma_wait3A_405 = arith.constant 0 : i32
      %dma_wait3A_406 = arith.constant 0 : i32
      %dma_wait3A_407 = tpu.memref_slice %arg3[%dma_wait3A_405, %dma_wait3A_406] : memref<10000x128xf32, #tpu.memory_space<hbm>> -> memref<10000x128xf32, #tpu.memory_space<hbm>>
      tpu.wait_indirect_dma semaphore(%arg20 : memref<!tpu.dma_semaphore, #tpu.memory_space<semaphore_mem>>) src(%dma_wait3A_407 : memref<10000x128xf32, #tpu.memory_space<hbm>>) dst(%arg15 : memref<80x128xf32, #tpu.memory_space<vmem>>)
      %add3A_408 = arith.constant 1 : i32
      %add3A_409 = arith.addi %add3A_393, %add3A_408 : i32
      %mul3A_410 = arith.constant 80 : i32
      %mul3A_411 = arith.muli %add3A_409, %mul3A_410 : i32
      %add3A_412 = arith.addi %mul3A_2, %mul3A_411 : i32
      %dma_wait3A_413 = arith.constant 0 : i32
      %dma_wait3A_414 = arith.constant 0 : i32
      %dma_wait3A_415 = tpu.memref_slice %arg9[%dma_wait3A_413, %dma_wait3A_414] : memref<4x80xi32, #tpu.memory_space<vmem>> -> memref<1x80xi32, #tpu.memory_space<vmem>>
      %dma_wait3A_416 = tpu.memref_squeeze %dma_wait3A_415 : memref<1x80xi32, #tpu.memory_space<vmem>> -> memref<80xi32, #tpu.memory_space<vmem>>
      %dma_wait3A_417 = tpu.memref_slice %arg5[%add3A_412] : memref<320000xi32, #tpu.memory_space<hbm>> -> memref<80xi32, #tpu.memory_space<hbm>>
      %dma_wait3A_418 = arith.constant 0 : i32
      %dma_wait3A_419 = tpu.memref_slice %arg9[%dma_wait3A_413, %dma_wait3A_418] : memref<4x80xi32, #tpu.memory_space<vmem>> -> memref<1x80xi32, #tpu.memory_space<vmem>>
      %dma_wait3A_420 = tpu.memref_squeeze %dma_wait3A_419 : memref<1x80xi32, #tpu.memory_space<vmem>> -> memref<80xi32, #tpu.memory_space<vmem>>
      %dma_wait3A_421 = tpu.memref_slice %arg5[%add3A_412] : memref<320000xi32, #tpu.memory_space<hbm>> -> memref<80xi32, #tpu.memory_space<hbm>>
      tpu.wait_dma2 semaphore(%arg21 : memref<!tpu.dma_semaphore, #tpu.memory_space<semaphore_mem>>) src(%dma_wait3A_421 : memref<80xi32, #tpu.memory_space<hbm>>) dst(%dma_wait3A_420 : memref<80xi32, #tpu.memory_space<vmem>>)
      %dma_wait3A_422 = arith.constant 0 : i32
      %dma_wait3A_423 = arith.constant 0 : i32
      %dma_wait3A_424 = tpu.memref_slice %arg10[%dma_wait3A_422, %dma_wait3A_423] : memref<4x80xi32, #tpu.memory_space<vmem>> -> memref<1x80xi32, #tpu.memory_space<vmem>>
      %dma_wait3A_425 = tpu.memref_squeeze %dma_wait3A_424 : memref<1x80xi32, #tpu.memory_space<vmem>> -> memref<80xi32, #tpu.memory_space<vmem>>
      %dma_wait3A_426 = tpu.memref_slice %arg6[%add3A_412] : memref<320000xi32, #tpu.memory_space<hbm>> -> memref<80xi32, #tpu.memory_space<hbm>>
      %dma_wait3A_427 = arith.constant 0 : i32
      %dma_wait3A_428 = tpu.memref_slice %arg10[%dma_wait3A_422, %dma_wait3A_427] : memref<4x80xi32, #tpu.memory_space<vmem>> -> memref<1x80xi32, #tpu.memory_space<vmem>>
      %dma_wait3A_429 = tpu.memref_squeeze %dma_wait3A_428 : memref<1x80xi32, #tpu.memory_space<vmem>> -> memref<80xi32, #tpu.memory_space<vmem>>
      %dma_wait3A_430 = tpu.memref_slice %arg6[%add3A_412] : memref<320000xi32, #tpu.memory_space<hbm>> -> memref<80xi32, #tpu.memory_space<hbm>>
      tpu.wait_dma2 semaphore(%arg21 : memref<!tpu.dma_semaphore, #tpu.memory_space<semaphore_mem>>) src(%dma_wait3A_430 : memref<80xi32, #tpu.memory_space<hbm>>) dst(%dma_wait3A_429 : memref<80xi32, #tpu.memory_space<vmem>>)
      %dma_wait3A_431 = arith.constant 0 : i32
      %dma_wait3A_432 = arith.constant 0 : i32
      %dma_wait3A_433 = tpu.memref_slice %arg11[%dma_wait3A_431, %dma_wait3A_432] : memref<4x80xi32, #tpu.memory_space<vmem>> -> memref<1x80xi32, #tpu.memory_space<vmem>>
      %dma_wait3A_434 = tpu.memref_squeeze %dma_wait3A_433 : memref<1x80xi32, #tpu.memory_space<vmem>> -> memref<80xi32, #tpu.memory_space<vmem>>
      %dma_wait3A_435 = tpu.memref_slice %arg7[%add3A_412] : memref<320000xi32, #tpu.memory_space<hbm>> -> memref<80xi32, #tpu.memory_space<hbm>>
      %dma_wait3A_436 = arith.constant 0 : i32
      %dma_wait3A_437 = tpu.memref_slice %arg11[%dma_wait3A_431, %dma_wait3A_436] : memref<4x80xi32, #tpu.memory_space<vmem>> -> memref<1x80xi32, #tpu.memory_space<vmem>>
      %dma_wait3A_438 = tpu.memref_squeeze %dma_wait3A_437 : memref<1x80xi32, #tpu.memory_space<vmem>> -> memref<80xi32, #tpu.memory_space<vmem>>
      %dma_wait3A_439 = tpu.memref_slice %arg7[%add3A_412] : memref<320000xi32, #tpu.memory_space<hbm>> -> memref<80xi32, #tpu.memory_space<hbm>>
      tpu.wait_dma2 semaphore(%arg21 : memref<!tpu.dma_semaphore, #tpu.memory_space<semaphore_mem>>) src(%dma_wait3A_439 : memref<80xi32, #tpu.memory_space<hbm>>) dst(%dma_wait3A_438 : memref<80xi32, #tpu.memory_space<vmem>>)
      %add3A_440 = arith.constant 1 : i32
      %add3A_441 = arith.addi %add3A_393, %add3A_440 : i32
      %dma_start3A_442 = arith.constant 0 : i32
      %dma_start3A_443 = arith.constant 0 : i32
      %dma_start3A_444 = tpu.memref_slice %arg9[%dma_start3A_442, %dma_start3A_443] : memref<4x80xi32, #tpu.memory_space<vmem>> -> memref<1x80xi32, #tpu.memory_space<vmem>>
      %dma_start3A_445 = tpu.memref_squeeze %dma_start3A_444 : memref<1x80xi32, #tpu.memory_space<vmem>> -> memref<80xi32, #tpu.memory_space<vmem>>
      %dma_start3A_446 = arith.constant 0 : i32
      %dma_start3A_447 = arith.constant 0 : i32
      %dma_start3A_448 = tpu.memref_slice %arg2[%dma_start3A_446, %dma_start3A_447] : memref<10000x128xf32, #tpu.memory_space<hbm>> -> memref<10000x128xf32, #tpu.memory_space<hbm>>
      tpu.enqueue_indirect_dma source(%dma_start3A_448 : memref<10000x128xf32, #tpu.memory_space<hbm>>) target(%arg12 : memref<80x128xf32, #tpu.memory_space<vmem>>) offsets(%dma_start3A_445 : memref<80xi32, #tpu.memory_space<vmem>>) semaphore(%arg19 : memref<!tpu.dma_semaphore, #tpu.memory_space<semaphore_mem>>)
      %dma_start3A_449 = arith.constant 0 : i32
      %dma_start3A_450 = arith.constant 0 : i32
      %dma_start3A_451 = tpu.memref_slice %arg10[%dma_start3A_449, %dma_start3A_450] : memref<4x80xi32, #tpu.memory_space<vmem>> -> memref<1x80xi32, #tpu.memory_space<vmem>>
      %dma_start3A_452 = tpu.memref_squeeze %dma_start3A_451 : memref<1x80xi32, #tpu.memory_space<vmem>> -> memref<80xi32, #tpu.memory_space<vmem>>
      %dma_start3A_453 = arith.constant 0 : i32
      %dma_start3A_454 = arith.constant 0 : i32
      %dma_start3A_455 = tpu.memref_slice %arg3[%dma_start3A_453, %dma_start3A_454] : memref<10000x128xf32, #tpu.memory_space<hbm>> -> memref<10000x128xf32, #tpu.memory_space<hbm>>
      tpu.enqueue_indirect_dma source(%dma_start3A_455 : memref<10000x128xf32, #tpu.memory_space<hbm>>) target(%arg14 : memref<80x128xf32, #tpu.memory_space<vmem>>) offsets(%dma_start3A_452 : memref<80xi32, #tpu.memory_space<vmem>>) semaphore(%arg19 : memref<!tpu.dma_semaphore, #tpu.memory_space<semaphore_mem>>)
      %mul3A_456 = arith.constant 80 : i32
      %mul3A_457 = arith.muli %add3A_393, %mul3A_456 : i32
      %parallel_loop3A_458 = arith.constant 0 : i32
      %parallel_loop3A_459 = arith.constant 80 : i32
      %parallel_loop3A_460 = arith.constant 1 : i32
      scf.for %parallel_loop3A_471 = %parallel_loop3A_458 to %parallel_loop3A_459 step %parallel_loop3A_460  : i32 {
        %parallel_loop3A_472 = arith.constant 15 : i32
        %parallel_loop3A_473 = arith.andi %parallel_loop3A_471, %parallel_loop3A_472 : i32
        %parallel_loop3A_474 = arith.subi %parallel_loop3A_471, %parallel_loop3A_473 : i32
        %parallel_loop3A_475 = arith.constant 3 : i32
        %parallel_loop3A_476 = arith.index_cast %parallel_loop3A_475 : i32 to index
        %parallel_loop3A_477 = arith.index_cast %parallel_loop3A_474 : i32 to index
        %parallel_loop3A_478 = tpu.vector_load %arg11[%parallel_loop3A_476, %parallel_loop3A_477] {strides = array<i32>} : memref<4x80xi32, #tpu.memory_space<vmem>>, vector<16xi32>,
        %parallel_loop3A_479 = arith.constant 15 : i32
        %parallel_loop3A_480 = arith.andi %parallel_loop3A_471, %parallel_loop3A_479 : i32
        %parallel_loop3A_481 = vector.broadcast %parallel_loop3A_480 : i32 to vector<16xi32>
        %parallel_loop3A_482 = vector.shape_cast %parallel_loop3A_481 : vector<16xi32> to vector<16x1xi32>
        %parallel_loop3A_483 = vector.shape_cast %parallel_loop3A_482 : vector<16x1xi32> to vector<16xi32>
        %parallel_loop3A_484 = tpu.dynamic_gather %parallel_loop3A_478[%parallel_loop3A_483] in [0] : vector<16xi32>, vector<16xi32> -> vector<16xi32>
        %parallel_loop3A_485 = arith.constant 0.000000e+00 : f32
        %parallel_loop3A_486 = vector.broadcast %parallel_loop3A_485 : f32 to vector<16xf32>
        %parallel_loop3A_487 = arith.constant 0 : i32
        %parallel_loop3A_488 = vector.broadcast %parallel_loop3A_487 : i32 to vector<16xi32>
        %parallel_loop3A_489 = arith.addi %iota3A, %parallel_loop3A_488 : vector<16xi32>
        %parallel_loop3A_490 = tpu.vector_load_idx %arg16[%parallel_loop3A_484, %parallel_loop3A_489] : memref<500x128xf32, #tpu.memory_space<vmem>>[vector<16xi32>, vector<16xi32>], vector<16xf32>,
        %parallel_loop3A_491 = arith.index_cast %parallel_loop3A_471 : i32 to index
        %parallel_loop3A_492 = arith.constant 0 : index
        %parallel_loop3A_493 = tpu.vector_load %arg13[%parallel_loop3A_491, %parallel_loop3A_492] {strides = array<i32>} : memref<80x128xf32, #tpu.memory_space<vmem>>, vector<16xf32>,
        %parallel_loop3A_494 = arith.mulf %parallel_loop3A_493, %parallel_loop3A_490 : vector<16xf32>
        %parallel_loop3A_495 = arith.index_cast %parallel_loop3A_471 : i32 to index
        %parallel_loop3A_496 = arith.constant 0 : index
        %parallel_loop3A_497 = tpu.vector_load %arg15[%parallel_loop3A_495, %parallel_loop3A_496] {strides = array<i32>} : memref<80x128xf32, #tpu.memory_space<vmem>>, vector<16xf32>,
        %parallel_loop3A_498 = arith.mulf %parallel_loop3A_494, %parallel_loop3A_497 : vector<16xf32>
        %parallel_loop3A_499 = arith.addf %parallel_loop3A_486, %parallel_loop3A_498 : vector<16xf32>
        %parallel_loop3A_500 = arith.constant 16 : i32
        %parallel_loop3A_501 = vector.broadcast %parallel_loop3A_500 : i32 to vector<16xi32>
        %parallel_loop3A_502 = arith.addi %iota3A, %parallel_loop3A_501 : vector<16xi32>
        %parallel_loop3A_503 = tpu.vector_load_idx %arg16[%parallel_loop3A_484, %parallel_loop3A_502] : memref<500x128xf32, #tpu.memory_space<vmem>>[vector<16xi32>, vector<16xi32>], vector<16xf32>,
        %parallel_loop3A_504 = arith.index_cast %parallel_loop3A_471 : i32 to index
        %parallel_loop3A_505 = arith.constant 16 : index
        %parallel_loop3A_506 = tpu.vector_load %arg13[%parallel_loop3A_504, %parallel_loop3A_505] {strides = array<i32>} : memref<80x128xf32, #tpu.memory_space<vmem>>, vector<16xf32>,
        %parallel_loop3A_507 = arith.mulf %parallel_loop3A_506, %parallel_loop3A_503 : vector<16xf32>
        %parallel_loop3A_508 = arith.index_cast %parallel_loop3A_471 : i32 to index
        %parallel_loop3A_509 = arith.constant 16 : index
        %parallel_loop3A_510 = tpu.vector_load %arg15[%parallel_loop3A_508, %parallel_loop3A_509] {strides = array<i32>} : memref<80x128xf32, #tpu.memory_space<vmem>>, vector<16xf32>,
        %parallel_loop3A_511 = arith.mulf %parallel_loop3A_507, %parallel_loop3A_510 : vector<16xf32>
        %parallel_loop3A_512 = arith.addf %parallel_loop3A_499, %parallel_loop3A_511 : vector<16xf32>
        %parallel_loop3A_513 = arith.constant 32 : i32
        %parallel_loop3A_514 = vector.broadcast %parallel_loop3A_513 : i32 to vector<16xi32>
        %parallel_loop3A_515 = arith.addi %iota3A, %parallel_loop3A_514 : vector<16xi32>
        %parallel_loop3A_516 = tpu.vector_load_idx %arg16[%parallel_loop3A_484, %parallel_loop3A_515] : memref<500x128xf32, #tpu.memory_space<vmem>>[vector<16xi32>, vector<16xi32>], vector<16xf32>,
        %parallel_loop3A_517 = arith.index_cast %parallel_loop3A_471 : i32 to index
        %parallel_loop3A_518 = arith.constant 32 : index
        %parallel_loop3A_519 = tpu.vector_load %arg13[%parallel_loop3A_517, %parallel_loop3A_518] {strides = array<i32>} : memref<80x128xf32, #tpu.memory_space<vmem>>, vector<16xf32>,
        %parallel_loop3A_520 = arith.mulf %parallel_loop3A_519, %parallel_loop3A_516 : vector<16xf32>
        %parallel_loop3A_521 = arith.index_cast %parallel_loop3A_471 : i32 to index
        %parallel_loop3A_522 = arith.constant 32 : index
        %parallel_loop3A_523 = tpu.vector_load %arg15[%parallel_loop3A_521, %parallel_loop3A_522] {strides = array<i32>} : memref<80x128xf32, #tpu.memory_space<vmem>>, vector<16xf32>,
        %parallel_loop3A_524 = arith.mulf %parallel_loop3A_520, %parallel_loop3A_523 : vector<16xf32>
        %parallel_loop3A_525 = arith.addf %parallel_loop3A_512, %parallel_loop3A_524 : vector<16xf32>
        %parallel_loop3A_526 = arith.constant 48 : i32
        %parallel_loop3A_527 = vector.broadcast %parallel_loop3A_526 : i32 to vector<16xi32>
        %parallel_loop3A_528 = arith.addi %iota3A, %parallel_loop3A_527 : vector<16xi32>
        %parallel_loop3A_529 = tpu.vector_load_idx %arg16[%parallel_loop3A_484, %parallel_loop3A_528] : memref<500x128xf32, #tpu.memory_space<vmem>>[vector<16xi32>, vector<16xi32>], vector<16xf32>,
        %parallel_loop3A_530 = arith.index_cast %parallel_loop3A_471 : i32 to index
        %parallel_loop3A_531 = arith.constant 48 : index
        %parallel_loop3A_532 = tpu.vector_load %arg13[%parallel_loop3A_530, %parallel_loop3A_531] {strides = array<i32>} : memref<80x128xf32, #tpu.memory_space<vmem>>, vector<16xf32>,
        %parallel_loop3A_533 = arith.mulf %parallel_loop3A_532, %parallel_loop3A_529 : vector<16xf32>
        %parallel_loop3A_534 = arith.index_cast %parallel_loop3A_471 : i32 to index
        %parallel_loop3A_535 = arith.constant 48 : index
        %parallel_loop3A_536 = tpu.vector_load %arg15[%parallel_loop3A_534, %parallel_loop3A_535] {strides = array<i32>} : memref<80x128xf32, #tpu.memory_space<vmem>>, vector<16xf32>,
        %parallel_loop3A_537 = arith.mulf %parallel_loop3A_533, %parallel_loop3A_536 : vector<16xf32>
        %parallel_loop3A_538 = arith.addf %parallel_loop3A_525, %parallel_loop3A_537 : vector<16xf32>
        %parallel_loop3A_539 = arith.constant 64 : i32
        %parallel_loop3A_540 = vector.broadcast %parallel_loop3A_539 : i32 to vector<16xi32>
        %parallel_loop3A_541 = arith.addi %iota3A, %parallel_loop3A_540 : vector<16xi32>
        %parallel_loop3A_542 = tpu.vector_load_idx %arg16[%parallel_loop3A_484, %parallel_loop3A_541] : memref<500x128xf32, #tpu.memory_space<vmem>>[vector<16xi32>, vector<16xi32>], vector<16xf32>,
        %parallel_loop3A_543 = arith.index_cast %parallel_loop3A_471 : i32 to index
        %parallel_loop3A_544 = arith.constant 64 : index
        %parallel_loop3A_545 = tpu.vector_load %arg13[%parallel_loop3A_543, %parallel_loop3A_544] {strides = array<i32>} : memref<80x128xf32, #tpu.memory_space<vmem>>, vector<16xf32>,
        %parallel_loop3A_546 = arith.mulf %parallel_loop3A_545, %parallel_loop3A_542 : vector<16xf32>
        %parallel_loop3A_547 = arith.index_cast %parallel_loop3A_471 : i32 to index
        %parallel_loop3A_548 = arith.constant 64 : index
        %parallel_loop3A_549 = tpu.vector_load %arg15[%parallel_loop3A_547, %parallel_loop3A_548] {strides = array<i32>} : memref<80x128xf32, #tpu.memory_space<vmem>>, vector<16xf32>,
        %parallel_loop3A_550 = arith.mulf %parallel_loop3A_546, %parallel_loop3A_549 : vector<16xf32>
        %parallel_loop3A_551 = arith.addf %parallel_loop3A_538, %parallel_loop3A_550 : vector<16xf32>
        %parallel_loop3A_552 = arith.constant 80 : i32
        %parallel_loop3A_553 = vector.broadcast %parallel_loop3A_552 : i32 to vector<16xi32>
        %parallel_loop3A_554 = arith.addi %iota3A, %parallel_loop3A_553 : vector<16xi32>
        %parallel_loop3A_555 = tpu.vector_load_idx %arg16[%parallel_loop3A_484, %parallel_loop3A_554] : memref<500x128xf32, #tpu.memory_space<vmem>>[vector<16xi32>, vector<16xi32>], vector<16xf32>,
        %parallel_loop3A_556 = arith.index_cast %parallel_loop3A_471 : i32 to index
        %parallel_loop3A_557 = arith.constant 80 : index
        %parallel_loop3A_558 = tpu.vector_load %arg13[%parallel_loop3A_556, %parallel_loop3A_557] {strides = array<i32>} : memref<80x128xf32, #tpu.memory_space<vmem>>, vector<16xf32>,
        %parallel_loop3A_559 = arith.mulf %parallel_loop3A_558, %parallel_loop3A_555 : vector<16xf32>
        %parallel_loop3A_560 = arith.index_cast %parallel_loop3A_471 : i32 to index
        %parallel_loop3A_561 = arith.constant 80 : index
        %parallel_loop3A_562 = tpu.vector_load %arg15[%parallel_loop3A_560, %parallel_loop3A_561] {strides = array<i32>} : memref<80x128xf32, #tpu.memory_space<vmem>>, vector<16xf32>,
        %parallel_loop3A_563 = arith.mulf %parallel_loop3A_559, %parallel_loop3A_562 : vector<16xf32>
        %parallel_loop3A_564 = arith.addf %parallel_loop3A_551, %parallel_loop3A_563 : vector<16xf32>
        %parallel_loop3A_565 = arith.constant 96 : i32
        %parallel_loop3A_566 = vector.broadcast %parallel_loop3A_565 : i32 to vector<16xi32>
        %parallel_loop3A_567 = arith.addi %iota3A, %parallel_loop3A_566 : vector<16xi32>
        %parallel_loop3A_568 = tpu.vector_load_idx %arg16[%parallel_loop3A_484, %parallel_loop3A_567] : memref<500x128xf32, #tpu.memory_space<vmem>>[vector<16xi32>, vector<16xi32>], vector<16xf32>,
        %parallel_loop3A_569 = arith.index_cast %parallel_loop3A_471 : i32 to index
        %parallel_loop3A_570 = arith.constant 96 : index
        %parallel_loop3A_571 = tpu.vector_load %arg13[%parallel_loop3A_569, %parallel_loop3A_570] {strides = array<i32>} : memref<80x128xf32, #tpu.memory_space<vmem>>, vector<16xf32>,
        %parallel_loop3A_572 = arith.mulf %parallel_loop3A_571, %parallel_loop3A_568 : vector<16xf32>
        %parallel_loop3A_573 = arith.index_cast %parallel_loop3A_471 : i32 to index
        %parallel_loop3A_574 = arith.constant 96 : index
        %parallel_loop3A_575 = tpu.vector_load %arg15[%parallel_loop3A_573, %parallel_loop3A_574] {strides = array<i32>} : memref<80x128xf32, #tpu.memory_space<vmem>>, vector<16xf32>,
        %parallel_loop3A_576 = arith.mulf %parallel_loop3A_572, %parallel_loop3A_575 : vector<16xf32>
        %parallel_loop3A_577 = arith.addf %parallel_loop3A_564, %parallel_loop3A_576 : vector<16xf32>
        %parallel_loop3A_578 = arith.constant 112 : i32
        %parallel_loop3A_579 = vector.broadcast %parallel_loop3A_578 : i32 to vector<16xi32>
        %parallel_loop3A_580 = arith.addi %iota3A, %parallel_loop3A_579 : vector<16xi32>
        %parallel_loop3A_581 = tpu.vector_load_idx %arg16[%parallel_loop3A_484, %parallel_loop3A_580] : memref<500x128xf32, #tpu.memory_space<vmem>>[vector<16xi32>, vector<16xi32>], vector<16xf32>,
        %parallel_loop3A_582 = arith.index_cast %parallel_loop3A_471 : i32 to index
        %parallel_loop3A_583 = arith.constant 112 : index
        %parallel_loop3A_584 = tpu.vector_load %arg13[%parallel_loop3A_582, %parallel_loop3A_583] {strides = array<i32>} : memref<80x128xf32, #tpu.memory_space<vmem>>, vector<16xf32>,
        %parallel_loop3A_585 = arith.mulf %parallel_loop3A_584, %parallel_loop3A_581 : vector<16xf32>
        %parallel_loop3A_586 = arith.index_cast %parallel_loop3A_471 : i32 to index
        %parallel_loop3A_587 = arith.constant 112 : index
        %parallel_loop3A_588 = tpu.vector_load %arg15[%parallel_loop3A_586, %parallel_loop3A_587] {strides = array<i32>} : memref<80x128xf32, #tpu.memory_space<vmem>>, vector<16xf32>,
        %parallel_loop3A_589 = arith.mulf %parallel_loop3A_585, %parallel_loop3A_588 : vector<16xf32>
        %parallel_loop3A_590 = arith.addf %parallel_loop3A_577, %parallel_loop3A_589 : vector<16xf32>
        %parallel_loop3A_591 = arith.constant 4 : i32
        %parallel_loop3A_592 = arith.shrsi %parallel_loop3A_471, %parallel_loop3A_591 : i32
        %parallel_loop3A_593 = arith.constant 15 : i32
        %parallel_loop3A_594 = arith.andi %parallel_loop3A_471, %parallel_loop3A_593 : i32
        %parallel_loop3A_595 = arith.index_cast %parallel_loop3A_592 : i32 to index
        %parallel_loop3A_596 = arith.index_cast %parallel_loop3A_594 : i32 to index
        %parallel_loop3A_597 = arith.constant 0 : index
        %parallel_loop3A_598 = tpu.vector_load %arg18[%parallel_loop3A_595, %parallel_loop3A_596, %parallel_loop3A_597] {strides = array<i32>} : memref<5x16x17xf32, #tpu.memory_space<vmem>>, vector<16xf32>,
        tpu.vector_store %arg18[%parallel_loop3A_595, %parallel_loop3A_596, %parallel_loop3A_597], %parallel_loop3A_590 {strides = array<i32>} : memref<5x16x17xf32, #tpu.memory_space<vmem>>, vector<16xf32>,
      } {sc.loop_unroll_factor = 2 : i64, sc.parallel_access}
      %parallel_loop3A_461 = arith.constant 0 : i32
      %parallel_loop3A_462 = arith.constant 5 : i32
      %parallel_loop3A_463 = arith.constant 1 : i32
      scf.for %parallel_loop3A_471 = %parallel_loop3A_461 to %parallel_loop3A_462 step %parallel_loop3A_463  : i32 {
        %parallel_loop3A_472 = vector.broadcast %parallel_loop3A_471 : i32 to vector<16xi32>
        %parallel_loop3A_473 = arith.constant 0.000000e+00 : f32
        %parallel_loop3A_474 = vector.broadcast %parallel_loop3A_473 : f32 to vector<16xf32>
        %parallel_loop3A_475 = arith.constant 0 : i32
        %parallel_loop3A_476 = vector.broadcast %parallel_loop3A_475 : i32 to vector<16xi32>
        %parallel_loop3A_477 = tpu.vector_load_idx %arg18[%parallel_loop3A_472, %iota3A, %parallel_loop3A_476] : memref<5x16x17xf32, #tpu.memory_space<vmem>>[vector<16xi32>, vector<16xi32>, vector<16xi32>], vector<16xf32>,
        %parallel_loop3A_478 = arith.addf %parallel_loop3A_474, %parallel_loop3A_477 : vector<16xf32>
        %parallel_loop3A_479 = arith.constant 1 : i32
        %parallel_loop3A_480 = vector.broadcast %parallel_loop3A_479 : i32 to vector<16xi32>
        %parallel_loop3A_481 = tpu.vector_load_idx %arg18[%parallel_loop3A_472, %iota3A, %parallel_loop3A_480] : memref<5x16x17xf32, #tpu.memory_space<vmem>>[vector<16xi32>, vector<16xi32>, vector<16xi32>], vector<16xf32>,
        %parallel_loop3A_482 = arith.addf %parallel_loop3A_478, %parallel_loop3A_481 : vector<16xf32>
        %parallel_loop3A_483 = arith.constant 2 : i32
        %parallel_loop3A_484 = vector.broadcast %parallel_loop3A_483 : i32 to vector<16xi32>
        %parallel_loop3A_485 = tpu.vector_load_idx %arg18[%parallel_loop3A_472, %iota3A, %parallel_loop3A_484] : memref<5x16x17xf32, #tpu.memory_space<vmem>>[vector<16xi32>, vector<16xi32>, vector<16xi32>], vector<16xf32>,
        %parallel_loop3A_486 = arith.addf %parallel_loop3A_482, %parallel_loop3A_485 : vector<16xf32>
        %parallel_loop3A_487 = arith.constant 3 : i32
        %parallel_loop3A_488 = vector.broadcast %parallel_loop3A_487 : i32 to vector<16xi32>
        %parallel_loop3A_489 = tpu.vector_load_idx %arg18[%parallel_loop3A_472, %iota3A, %parallel_loop3A_488] : memref<5x16x17xf32, #tpu.memory_space<vmem>>[vector<16xi32>, vector<16xi32>, vector<16xi32>], vector<16xf32>,
        %parallel_loop3A_490 = arith.addf %parallel_loop3A_486, %parallel_loop3A_489 : vector<16xf32>
        %parallel_loop3A_491 = arith.constant 4 : i32
        %parallel_loop3A_492 = vector.broadcast %parallel_loop3A_491 : i32 to vector<16xi32>
        %parallel_loop3A_493 = tpu.vector_load_idx %arg18[%parallel_loop3A_472, %iota3A, %parallel_loop3A_492] : memref<5x16x17xf32, #tpu.memory_space<vmem>>[vector<16xi32>, vector<16xi32>, vector<16xi32>], vector<16xf32>,
        %parallel_loop3A_494 = arith.addf %parallel_loop3A_490, %parallel_loop3A_493 : vector<16xf32>
        %parallel_loop3A_495 = arith.constant 5 : i32
        %parallel_loop3A_496 = vector.broadcast %parallel_loop3A_495 : i32 to vector<16xi32>
        %parallel_loop3A_497 = tpu.vector_load_idx %arg18[%parallel_loop3A_472, %iota3A, %parallel_loop3A_496] : memref<5x16x17xf32, #tpu.memory_space<vmem>>[vector<16xi32>, vector<16xi32>, vector<16xi32>], vector<16xf32>,
        %parallel_loop3A_498 = arith.addf %parallel_loop3A_494, %parallel_loop3A_497 : vector<16xf32>
        %parallel_loop3A_499 = arith.constant 6 : i32
        %parallel_loop3A_500 = vector.broadcast %parallel_loop3A_499 : i32 to vector<16xi32>
        %parallel_loop3A_501 = tpu.vector_load_idx %arg18[%parallel_loop3A_472, %iota3A, %parallel_loop3A_500] : memref<5x16x17xf32, #tpu.memory_space<vmem>>[vector<16xi32>, vector<16xi32>, vector<16xi32>], vector<16xf32>,
        %parallel_loop3A_502 = arith.addf %parallel_loop3A_498, %parallel_loop3A_501 : vector<16xf32>
        %parallel_loop3A_503 = arith.constant 7 : i32
        %parallel_loop3A_504 = vector.broadcast %parallel_loop3A_503 : i32 to vector<16xi32>
        %parallel_loop3A_505 = tpu.vector_load_idx %arg18[%parallel_loop3A_472, %iota3A, %parallel_loop3A_504] : memref<5x16x17xf32, #tpu.memory_space<vmem>>[vector<16xi32>, vector<16xi32>, vector<16xi32>], vector<16xf32>,
        %parallel_loop3A_506 = arith.addf %parallel_loop3A_502, %parallel_loop3A_505 : vector<16xf32>
        %parallel_loop3A_507 = arith.constant 8 : i32
        %parallel_loop3A_508 = vector.broadcast %parallel_loop3A_507 : i32 to vector<16xi32>
        %parallel_loop3A_509 = tpu.vector_load_idx %arg18[%parallel_loop3A_472, %iota3A, %parallel_loop3A_508] : memref<5x16x17xf32, #tpu.memory_space<vmem>>[vector<16xi32>, vector<16xi32>, vector<16xi32>], vector<16xf32>,
        %parallel_loop3A_510 = arith.addf %parallel_loop3A_506, %parallel_loop3A_509 : vector<16xf32>
        %parallel_loop3A_511 = arith.constant 9 : i32
        %parallel_loop3A_512 = vector.broadcast %parallel_loop3A_511 : i32 to vector<16xi32>
        %parallel_loop3A_513 = tpu.vector_load_idx %arg18[%parallel_loop3A_472, %iota3A, %parallel_loop3A_512] : memref<5x16x17xf32, #tpu.memory_space<vmem>>[vector<16xi32>, vector<16xi32>, vector<16xi32>], vector<16xf32>,
        %parallel_loop3A_514 = arith.addf %parallel_loop3A_510, %parallel_loop3A_513 : vector<16xf32>
        %parallel_loop3A_515 = arith.constant 10 : i32
        %parallel_loop3A_516 = vector.broadcast %parallel_loop3A_515 : i32 to vector<16xi32>
        %parallel_loop3A_517 = tpu.vector_load_idx %arg18[%parallel_loop3A_472, %iota3A, %parallel_loop3A_516] : memref<5x16x17xf32, #tpu.memory_space<vmem>>[vector<16xi32>, vector<16xi32>, vector<16xi32>], vector<16xf32>,
        %parallel_loop3A_518 = arith.addf %parallel_loop3A_514, %parallel_loop3A_517 : vector<16xf32>
        %parallel_loop3A_519 = arith.constant 11 : i32
        %parallel_loop3A_520 = vector.broadcast %parallel_loop3A_519 : i32 to vector<16xi32>
        %parallel_loop3A_521 = tpu.vector_load_idx %arg18[%parallel_loop3A_472, %iota3A, %parallel_loop3A_520] : memref<5x16x17xf32, #tpu.memory_space<vmem>>[vector<16xi32>, vector<16xi32>, vector<16xi32>], vector<16xf32>,
        %parallel_loop3A_522 = arith.addf %parallel_loop3A_518, %parallel_loop3A_521 : vector<16xf32>
        %parallel_loop3A_523 = arith.constant 12 : i32
        %parallel_loop3A_524 = vector.broadcast %parallel_loop3A_523 : i32 to vector<16xi32>
        %parallel_loop3A_525 = tpu.vector_load_idx %arg18[%parallel_loop3A_472, %iota3A, %parallel_loop3A_524] : memref<5x16x17xf32, #tpu.memory_space<vmem>>[vector<16xi32>, vector<16xi32>, vector<16xi32>], vector<16xf32>,
        %parallel_loop3A_526 = arith.addf %parallel_loop3A_522, %parallel_loop3A_525 : vector<16xf32>
        %parallel_loop3A_527 = arith.constant 13 : i32
        %parallel_loop3A_528 = vector.broadcast %parallel_loop3A_527 : i32 to vector<16xi32>
        %parallel_loop3A_529 = tpu.vector_load_idx %arg18[%parallel_loop3A_472, %iota3A, %parallel_loop3A_528] : memref<5x16x17xf32, #tpu.memory_space<vmem>>[vector<16xi32>, vector<16xi32>, vector<16xi32>], vector<16xf32>,
        %parallel_loop3A_530 = arith.addf %parallel_loop3A_526, %parallel_loop3A_529 : vector<16xf32>
        %parallel_loop3A_531 = arith.constant 14 : i32
        %parallel_loop3A_532 = vector.broadcast %parallel_loop3A_531 : i32 to vector<16xi32>
        %parallel_loop3A_533 = tpu.vector_load_idx %arg18[%parallel_loop3A_472, %iota3A, %parallel_loop3A_532] : memref<5x16x17xf32, #tpu.memory_space<vmem>>[vector<16xi32>, vector<16xi32>, vector<16xi32>], vector<16xf32>,
        %parallel_loop3A_534 = arith.addf %parallel_loop3A_530, %parallel_loop3A_533 : vector<16xf32>
        %parallel_loop3A_535 = arith.constant 15 : i32
        %parallel_loop3A_536 = vector.broadcast %parallel_loop3A_535 : i32 to vector<16xi32>
        %parallel_loop3A_537 = tpu.vector_load_idx %arg18[%parallel_loop3A_472, %iota3A, %parallel_loop3A_536] : memref<5x16x17xf32, #tpu.memory_space<vmem>>[vector<16xi32>, vector<16xi32>, vector<16xi32>], vector<16xf32>,
        %parallel_loop3A_538 = arith.addf %parallel_loop3A_534, %parallel_loop3A_537 : vector<16xf32>
        %parallel_loop3A_539 = arith.constant 0.000000e+00 : f32
        %parallel_loop3A_540 = vector.broadcast %parallel_loop3A_539 : f32 to vector<16xf32>
        %parallel_loop3A_541 = arith.subf %parallel_loop3A_540, %parallel_loop3A_538 : vector<16xf32>
        %parallel_loop3A_542 = math.exp %parallel_loop3A_541 : vector<16xf32>
        %parallel_loop3A_543 = arith.constant 1.000000e+00 : f32
        %parallel_loop3A_544 = vector.broadcast %parallel_loop3A_543 : f32 to vector<16xf32>
        %parallel_loop3A_545 = arith.addf %parallel_loop3A_544, %parallel_loop3A_542 : vector<16xf32>
        %parallel_loop3A_546 = arith.constant 1.000000e+00 : f32
        %parallel_loop3A_547 = vector.broadcast %parallel_loop3A_546 : f32 to vector<16xf32>
        %parallel_loop3A_548 = arith.divf %parallel_loop3A_547, %parallel_loop3A_545 : vector<16xf32>
        %parallel_loop3A_549 = arith.constant 16 : i32
        %parallel_loop3A_550 = arith.muli %parallel_loop3A_471, %parallel_loop3A_549 : i32
        %parallel_loop3A_551 = arith.addi %mul3A_457, %parallel_loop3A_550 : i32
        %parallel_loop3A_552 = arith.index_cast %parallel_loop3A_551 : i32 to index
        %parallel_loop3A_553 = tpu.vector_load %arg17[%parallel_loop3A_552] {strides = array<i32>} : memref<10000xf32, #tpu.memory_space<vmem>>, vector<16xf32>,
        tpu.vector_store %arg17[%parallel_loop3A_552], %parallel_loop3A_548 {strides = array<i32>} : memref<10000xf32, #tpu.memory_space<vmem>>, vector<16xf32>,
      } {sc.loop_unroll_factor = 1 : i64, sc.parallel_access}
      %add3A_464 = arith.constant 3 : i32
      %add3A_465 = arith.addi %add3A_393, %add3A_464 : i32
      %lt3A_466 = arith.constant 125 : i32
      %lt3A_467 = arith.cmpi slt, %add3A_465, %lt3A_466 : i32
      %convert_element_type3A_468 = arith.extui %lt3A_467 : i1 to i32
      %cond3A_469 = arith.constant 0 : i32
      %cond3A_470 = arith.cmpi ne, %convert_element_type3A_468, %cond3A_469 : i32
      scf.if %cond3A_470 {
        %add3A_471 = arith.constant 3 : i32
        %add3A_472 = arith.addi %add3A_393, %add3A_471 : i32
        %mul3A_473 = arith.constant 80 : i32
        %mul3A_474 = arith.muli %add3A_472, %mul3A_473 : i32
        %add3A_475 = arith.addi %mul3A_2, %mul3A_474 : i32
        %dma_start3A_476 = arith.constant 2 : i32
        %dma_start3A_477 = arith.constant 0 : i32
        %dma_start3A_478 = tpu.memref_slice %arg9[%dma_start3A_476, %dma_start3A_477] : memref<4x80xi32, #tpu.memory_space<vmem>> -> memref<1x80xi32, #tpu.memory_space<vmem>>
        %dma_start3A_479 = tpu.memref_squeeze %dma_start3A_478 : memref<1x80xi32, #tpu.memory_space<vmem>> -> memref<80xi32, #tpu.memory_space<vmem>>
        %dma_start3A_480 = tpu.memref_slice %arg5[%add3A_475] : memref<320000xi32, #tpu.memory_space<hbm>> -> memref<80xi32, #tpu.memory_space<hbm>>
        %dma_start3A_481 = arith.constant 0 : i32
        %dma_start3A_482 = tpu.memref_slice %arg9[%dma_start3A_476, %dma_start3A_481] : memref<4x80xi32, #tpu.memory_space<vmem>> -> memref<1x80xi32, #tpu.memory_space<vmem>>
        %dma_start3A_483 = tpu.memref_squeeze %dma_start3A_482 : memref<1x80xi32, #tpu.memory_space<vmem>> -> memref<80xi32, #tpu.memory_space<vmem>>
        %dma_start3A_484 = tpu.memref_slice %arg5[%add3A_475] : memref<320000xi32, #tpu.memory_space<hbm>> -> memref<80xi32, #tpu.memory_space<hbm>>
        tpu.enqueue_dma source(%dma_start3A_484 : memref<80xi32, #tpu.memory_space<hbm>>) target(%dma_start3A_483 : memref<80xi32, #tpu.memory_space<vmem>>) target_semaphore(%arg23 : memref<!tpu.dma_semaphore, #tpu.memory_space<semaphore_mem>>)
        %dma_start3A_485 = arith.constant 2 : i32
        %dma_start3A_486 = arith.constant 0 : i32
        %dma_start3A_487 = tpu.memref_slice %arg10[%dma_start3A_485, %dma_start3A_486] : memref<4x80xi32, #tpu.memory_space<vmem>> -> memref<1x80xi32, #tpu.memory_space<vmem>>
        %dma_start3A_488 = tpu.memref_squeeze %dma_start3A_487 : memref<1x80xi32, #tpu.memory_space<vmem>> -> memref<80xi32, #tpu.memory_space<vmem>>
        %dma_start3A_489 = tpu.memref_slice %arg6[%add3A_475] : memref<320000xi32, #tpu.memory_space<hbm>> -> memref<80xi32, #tpu.memory_space<hbm>>
        %dma_start3A_490 = arith.constant 0 : i32
        %dma_start3A_491 = tpu.memref_slice %arg10[%dma_start3A_485, %dma_start3A_490] : memref<4x80xi32, #tpu.memory_space<vmem>> -> memref<1x80xi32, #tpu.memory_space<vmem>>
        %dma_start3A_492 = tpu.memref_squeeze %dma_start3A_491 : memref<1x80xi32, #tpu.memory_space<vmem>> -> memref<80xi32, #tpu.memory_space<vmem>>
        %dma_start3A_493 = tpu.memref_slice %arg6[%add3A_475] : memref<320000xi32, #tpu.memory_space<hbm>> -> memref<80xi32, #tpu.memory_space<hbm>>
        tpu.enqueue_dma source(%dma_start3A_493 : memref<80xi32, #tpu.memory_space<hbm>>) target(%dma_start3A_492 : memref<80xi32, #tpu.memory_space<vmem>>) target_semaphore(%arg23 : memref<!tpu.dma_semaphore, #tpu.memory_space<semaphore_mem>>)
        %dma_start3A_494 = arith.constant 2 : i32
        %dma_start3A_495 = arith.constant 0 : i32
        %dma_start3A_496 = tpu.memref_slice %arg11[%dma_start3A_494, %dma_start3A_495] : memref<4x80xi32, #tpu.memory_space<vmem>> -> memref<1x80xi32, #tpu.memory_space<vmem>>
        %dma_start3A_497 = tpu.memref_squeeze %dma_start3A_496 : memref<1x80xi32, #tpu.memory_space<vmem>> -> memref<80xi32, #tpu.memory_space<vmem>>
        %dma_start3A_498 = tpu.memref_slice %arg7[%add3A_475] : memref<320000xi32, #tpu.memory_space<hbm>> -> memref<80xi32, #tpu.memory_space<hbm>>
        %dma_start3A_499 = arith.constant 0 : i32
        %dma_start3A_500 = tpu.memref_slice %arg11[%dma_start3A_494, %dma_start3A_499] : memref<4x80xi32, #tpu.memory_space<vmem>> -> memref<1x80xi32, #tpu.memory_space<vmem>>
        %dma_start3A_501 = tpu.memref_squeeze %dma_start3A_500 : memref<1x80xi32, #tpu.memory_space<vmem>> -> memref<80xi32, #tpu.memory_space<vmem>>
        %dma_start3A_502 = tpu.memref_slice %arg7[%add3A_475] : memref<320000xi32, #tpu.memory_space<hbm>> -> memref<80xi32, #tpu.memory_space<hbm>>
        tpu.enqueue_dma source(%dma_start3A_502 : memref<80xi32, #tpu.memory_space<hbm>>) target(%dma_start3A_501 : memref<80xi32, #tpu.memory_space<vmem>>) target_semaphore(%arg23 : memref<!tpu.dma_semaphore, #tpu.memory_space<semaphore_mem>>)
      } else {
      }
    }
    %scan3A_135 = arith.constant 31 : i32
    %dma_wait3A_136 = arith.constant 0 : i32
    %dma_wait3A_137 = arith.constant 0 : i32
    %dma_wait3A_138 = tpu.memref_slice %arg9[%dma_wait3A_136, %dma_wait3A_137] : memref<4x80xi32, #tpu.memory_space<vmem>> -> memref<1x80xi32, #tpu.memory_space<vmem>>
    %dma_wait3A_139 = tpu.memref_squeeze %dma_wait3A_138 : memref<1x80xi32, #tpu.memory_space<vmem>> -> memref<80xi32, #tpu.memory_space<vmem>>
    %dma_wait3A_140 = arith.constant 0 : i32
    %dma_wait3A_141 = arith.constant 0 : i32
    %dma_wait3A_142 = tpu.memref_slice %arg2[%dma_wait3A_140, %dma_wait3A_141] : memref<10000x128xf32, #tpu.memory_space<hbm>> -> memref<10000x128xf32, #tpu.memory_space<hbm>>
    tpu.wait_indirect_dma semaphore(%arg19 : memref<!tpu.dma_semaphore, #tpu.memory_space<semaphore_mem>>) src(%dma_wait3A_142 : memref<10000x128xf32, #tpu.memory_space<hbm>>) dst(%arg12 : memref<80x128xf32, #tpu.memory_space<vmem>>)
    %dma_wait3A_143 = arith.constant 0 : i32
    %dma_wait3A_144 = arith.constant 0 : i32
    %dma_wait3A_145 = tpu.memref_slice %arg10[%dma_wait3A_143, %dma_wait3A_144] : memref<4x80xi32, #tpu.memory_space<vmem>> -> memref<1x80xi32, #tpu.memory_space<vmem>>
    %dma_wait3A_146 = tpu.memref_squeeze %dma_wait3A_145 : memref<1x80xi32, #tpu.memory_space<vmem>> -> memref<80xi32, #tpu.memory_space<vmem>>
    %dma_wait3A_147 = arith.constant 0 : i32
    %dma_wait3A_148 = arith.constant 0 : i32
    %dma_wait3A_149 = tpu.memref_slice %arg3[%dma_wait3A_147, %dma_wait3A_148] : memref<10000x128xf32, #tpu.memory_space<hbm>> -> memref<10000x128xf32, #tpu.memory_space<hbm>>
    tpu.wait_indirect_dma semaphore(%arg19 : memref<!tpu.dma_semaphore, #tpu.memory_space<semaphore_mem>>) src(%dma_wait3A_149 : memref<10000x128xf32, #tpu.memory_space<hbm>>) dst(%arg14 : memref<80x128xf32, #tpu.memory_space<vmem>>)
    %parallel_loop3A = arith.constant 0 : i32
    %parallel_loop3A_150 = arith.constant 80 : i32
    %parallel_loop3A_151 = arith.constant 1 : i32
    scf.for %parallel_loop3A_155 = %parallel_loop3A to %parallel_loop3A_150 step %parallel_loop3A_151  : i32 {
      %parallel_loop3A_156 = arith.constant 15 : i32
      %parallel_loop3A_157 = arith.andi %parallel_loop3A_155, %parallel_loop3A_156 : i32
      %parallel_loop3A_158 = arith.subi %parallel_loop3A_155, %parallel_loop3A_157 : i32
      %parallel_loop3A_159 = arith.constant 0 : i32
      %parallel_loop3A_160 = arith.index_cast %parallel_loop3A_159 : i32 to index
      %parallel_loop3A_161 = arith.index_cast %parallel_loop3A_158 : i32 to index
      %parallel_loop3A_162 = tpu.vector_load %arg11[%parallel_loop3A_160, %parallel_loop3A_161] {strides = array<i32>} : memref<4x80xi32, #tpu.memory_space<vmem>>, vector<16xi32>,
      %parallel_loop3A_163 = arith.constant 15 : i32
      %parallel_loop3A_164 = arith.andi %parallel_loop3A_155, %parallel_loop3A_163 : i32
      %parallel_loop3A_165 = vector.broadcast %parallel_loop3A_164 : i32 to vector<16xi32>
      %parallel_loop3A_166 = vector.shape_cast %parallel_loop3A_165 : vector<16xi32> to vector<16x1xi32>
      %parallel_loop3A_167 = vector.shape_cast %parallel_loop3A_166 : vector<16x1xi32> to vector<16xi32>
      %parallel_loop3A_168 = tpu.dynamic_gather %parallel_loop3A_162[%parallel_loop3A_167] in [0] : vector<16xi32>, vector<16xi32> -> vector<16xi32>
      %parallel_loop3A_169 = arith.constant 0.000000e+00 : f32
      %parallel_loop3A_170 = vector.broadcast %parallel_loop3A_169 : f32 to vector<16xf32>
      %parallel_loop3A_171 = arith.constant 0 : i32
      %parallel_loop3A_172 = vector.broadcast %parallel_loop3A_171 : i32 to vector<16xi32>
      %parallel_loop3A_173 = arith.addi %iota3A, %parallel_loop3A_172 : vector<16xi32>
      %parallel_loop3A_174 = tpu.vector_load_idx %arg16[%parallel_loop3A_168, %parallel_loop3A_173] : memref<500x128xf32, #tpu.memory_space<vmem>>[vector<16xi32>, vector<16xi32>], vector<16xf32>,
      %parallel_loop3A_175 = arith.index_cast %parallel_loop3A_155 : i32 to index
      %parallel_loop3A_176 = arith.constant 0 : index
      %parallel_loop3A_177 = tpu.vector_load %arg12[%parallel_loop3A_175, %parallel_loop3A_176] {strides = array<i32>} : memref<80x128xf32, #tpu.memory_space<vmem>>, vector<16xf32>,
      %parallel_loop3A_178 = arith.mulf %parallel_loop3A_177, %parallel_loop3A_174 : vector<16xf32>
      %parallel_loop3A_179 = arith.index_cast %parallel_loop3A_155 : i32 to index
      %parallel_loop3A_180 = arith.constant 0 : index
      %parallel_loop3A_181 = tpu.vector_load %arg14[%parallel_loop3A_179, %parallel_loop3A_180] {strides = array<i32>} : memref<80x128xf32, #tpu.memory_space<vmem>>, vector<16xf32>,
      %parallel_loop3A_182 = arith.mulf %parallel_loop3A_178, %parallel_loop3A_181 : vector<16xf32>
      %parallel_loop3A_183 = arith.addf %parallel_loop3A_170, %parallel_loop3A_182 : vector<16xf32>
      %parallel_loop3A_184 = arith.constant 16 : i32
      %parallel_loop3A_185 = vector.broadcast %parallel_loop3A_184 : i32 to vector<16xi32>
      %parallel_loop3A_186 = arith.addi %iota3A, %parallel_loop3A_185 : vector<16xi32>
      %parallel_loop3A_187 = tpu.vector_load_idx %arg16[%parallel_loop3A_168, %parallel_loop3A_186] : memref<500x128xf32, #tpu.memory_space<vmem>>[vector<16xi32>, vector<16xi32>], vector<16xf32>,
      %parallel_loop3A_188 = arith.index_cast %parallel_loop3A_155 : i32 to index
      %parallel_loop3A_189 = arith.constant 16 : index
      %parallel_loop3A_190 = tpu.vector_load %arg12[%parallel_loop3A_188, %parallel_loop3A_189] {strides = array<i32>} : memref<80x128xf32, #tpu.memory_space<vmem>>, vector<16xf32>,
      %parallel_loop3A_191 = arith.mulf %parallel_loop3A_190, %parallel_loop3A_187 : vector<16xf32>
      %parallel_loop3A_192 = arith.index_cast %parallel_loop3A_155 : i32 to index
      %parallel_loop3A_193 = arith.constant 16 : index
      %parallel_loop3A_194 = tpu.vector_load %arg14[%parallel_loop3A_192, %parallel_loop3A_193] {strides = array<i32>} : memref<80x128xf32, #tpu.memory_space<vmem>>, vector<16xf32>,
      %parallel_loop3A_195 = arith.mulf %parallel_loop3A_191, %parallel_loop3A_194 : vector<16xf32>
      %parallel_loop3A_196 = arith.addf %parallel_loop3A_183, %parallel_loop3A_195 : vector<16xf32>
      %parallel_loop3A_197 = arith.constant 32 : i32
      %parallel_loop3A_198 = vector.broadcast %parallel_loop3A_197 : i32 to vector<16xi32>
      %parallel_loop3A_199 = arith.addi %iota3A, %parallel_loop3A_198 : vector<16xi32>
      %parallel_loop3A_200 = tpu.vector_load_idx %arg16[%parallel_loop3A_168, %parallel_loop3A_199] : memref<500x128xf32, #tpu.memory_space<vmem>>[vector<16xi32>, vector<16xi32>], vector<16xf32>,
      %parallel_loop3A_201 = arith.index_cast %parallel_loop3A_155 : i32 to index
      %parallel_loop3A_202 = arith.constant 32 : index
      %parallel_loop3A_203 = tpu.vector_load %arg12[%parallel_loop3A_201, %parallel_loop3A_202] {strides = array<i32>} : memref<80x128xf32, #tpu.memory_space<vmem>>, vector<16xf32>,
      %parallel_loop3A_204 = arith.mulf %parallel_loop3A_203, %parallel_loop3A_200 : vector<16xf32>
      %parallel_loop3A_205 = arith.index_cast %parallel_loop3A_155 : i32 to index
      %parallel_loop3A_206 = arith.constant 32 : index
      %parallel_loop3A_207 = tpu.vector_load %arg14[%parallel_loop3A_205, %parallel_loop3A_206] {strides = array<i32>} : memref<80x128xf32, #tpu.memory_space<vmem>>, vector<16xf32>,
      %parallel_loop3A_208 = arith.mulf %parallel_loop3A_204, %parallel_loop3A_207 : vector<16xf32>
      %parallel_loop3A_209 = arith.addf %parallel_loop3A_196, %parallel_loop3A_208 : vector<16xf32>
      %parallel_loop3A_210 = arith.constant 48 : i32
      %parallel_loop3A_211 = vector.broadcast %parallel_loop3A_210 : i32 to vector<16xi32>
      %parallel_loop3A_212 = arith.addi %iota3A, %parallel_loop3A_211 : vector<16xi32>
      %parallel_loop3A_213 = tpu.vector_load_idx %arg16[%parallel_loop3A_168, %parallel_loop3A_212] : memref<500x128xf32, #tpu.memory_space<vmem>>[vector<16xi32>, vector<16xi32>], vector<16xf32>,
      %parallel_loop3A_214 = arith.index_cast %parallel_loop3A_155 : i32 to index
      %parallel_loop3A_215 = arith.constant 48 : index
      %parallel_loop3A_216 = tpu.vector_load %arg12[%parallel_loop3A_214, %parallel_loop3A_215] {strides = array<i32>} : memref<80x128xf32, #tpu.memory_space<vmem>>, vector<16xf32>,
      %parallel_loop3A_217 = arith.mulf %parallel_loop3A_216, %parallel_loop3A_213 : vector<16xf32>
      %parallel_loop3A_218 = arith.index_cast %parallel_loop3A_155 : i32 to index
      %parallel_loop3A_219 = arith.constant 48 : index
      %parallel_loop3A_220 = tpu.vector_load %arg14[%parallel_loop3A_218, %parallel_loop3A_219] {strides = array<i32>} : memref<80x128xf32, #tpu.memory_space<vmem>>, vector<16xf32>,
      %parallel_loop3A_221 = arith.mulf %parallel_loop3A_217, %parallel_loop3A_220 : vector<16xf32>
      %parallel_loop3A_222 = arith.addf %parallel_loop3A_209, %parallel_loop3A_221 : vector<16xf32>
      %parallel_loop3A_223 = arith.constant 64 : i32
      %parallel_loop3A_224 = vector.broadcast %parallel_loop3A_223 : i32 to vector<16xi32>
      %parallel_loop3A_225 = arith.addi %iota3A, %parallel_loop3A_224 : vector<16xi32>
      %parallel_loop3A_226 = tpu.vector_load_idx %arg16[%parallel_loop3A_168, %parallel_loop3A_225] : memref<500x128xf32, #tpu.memory_space<vmem>>[vector<16xi32>, vector<16xi32>], vector<16xf32>,
      %parallel_loop3A_227 = arith.index_cast %parallel_loop3A_155 : i32 to index
      %parallel_loop3A_228 = arith.constant 64 : index
      %parallel_loop3A_229 = tpu.vector_load %arg12[%parallel_loop3A_227, %parallel_loop3A_228] {strides = array<i32>} : memref<80x128xf32, #tpu.memory_space<vmem>>, vector<16xf32>,
      %parallel_loop3A_230 = arith.mulf %parallel_loop3A_229, %parallel_loop3A_226 : vector<16xf32>
      %parallel_loop3A_231 = arith.index_cast %parallel_loop3A_155 : i32 to index
      %parallel_loop3A_232 = arith.constant 64 : index
      %parallel_loop3A_233 = tpu.vector_load %arg14[%parallel_loop3A_231, %parallel_loop3A_232] {strides = array<i32>} : memref<80x128xf32, #tpu.memory_space<vmem>>, vector<16xf32>,
      %parallel_loop3A_234 = arith.mulf %parallel_loop3A_230, %parallel_loop3A_233 : vector<16xf32>
      %parallel_loop3A_235 = arith.addf %parallel_loop3A_222, %parallel_loop3A_234 : vector<16xf32>
      %parallel_loop3A_236 = arith.constant 80 : i32
      %parallel_loop3A_237 = vector.broadcast %parallel_loop3A_236 : i32 to vector<16xi32>
      %parallel_loop3A_238 = arith.addi %iota3A, %parallel_loop3A_237 : vector<16xi32>
      %parallel_loop3A_239 = tpu.vector_load_idx %arg16[%parallel_loop3A_168, %parallel_loop3A_238] : memref<500x128xf32, #tpu.memory_space<vmem>>[vector<16xi32>, vector<16xi32>], vector<16xf32>,
      %parallel_loop3A_240 = arith.index_cast %parallel_loop3A_155 : i32 to index
      %parallel_loop3A_241 = arith.constant 80 : index
      %parallel_loop3A_242 = tpu.vector_load %arg12[%parallel_loop3A_240, %parallel_loop3A_241] {strides = array<i32>} : memref<80x128xf32, #tpu.memory_space<vmem>>, vector<16xf32>,
      %parallel_loop3A_243 = arith.mulf %parallel_loop3A_242, %parallel_loop3A_239 : vector<16xf32>
      %parallel_loop3A_244 = arith.index_cast %parallel_loop3A_155 : i32 to index
      %parallel_loop3A_245 = arith.constant 80 : index
      %parallel_loop3A_246 = tpu.vector_load %arg14[%parallel_loop3A_244, %parallel_loop3A_245] {strides = array<i32>} : memref<80x128xf32, #tpu.memory_space<vmem>>, vector<16xf32>,
      %parallel_loop3A_247 = arith.mulf %parallel_loop3A_243, %parallel_loop3A_246 : vector<16xf32>
      %parallel_loop3A_248 = arith.addf %parallel_loop3A_235, %parallel_loop3A_247 : vector<16xf32>
      %parallel_loop3A_249 = arith.constant 96 : i32
      %parallel_loop3A_250 = vector.broadcast %parallel_loop3A_249 : i32 to vector<16xi32>
      %parallel_loop3A_251 = arith.addi %iota3A, %parallel_loop3A_250 : vector<16xi32>
      %parallel_loop3A_252 = tpu.vector_load_idx %arg16[%parallel_loop3A_168, %parallel_loop3A_251] : memref<500x128xf32, #tpu.memory_space<vmem>>[vector<16xi32>, vector<16xi32>], vector<16xf32>,
      %parallel_loop3A_253 = arith.index_cast %parallel_loop3A_155 : i32 to index
      %parallel_loop3A_254 = arith.constant 96 : index
      %parallel_loop3A_255 = tpu.vector_load %arg12[%parallel_loop3A_253, %parallel_loop3A_254] {strides = array<i32>} : memref<80x128xf32, #tpu.memory_space<vmem>>, vector<16xf32>,
      %parallel_loop3A_256 = arith.mulf %parallel_loop3A_255, %parallel_loop3A_252 : vector<16xf32>
      %parallel_loop3A_257 = arith.index_cast %parallel_loop3A_155 : i32 to index
      %parallel_loop3A_258 = arith.constant 96 : index
      %parallel_loop3A_259 = tpu.vector_load %arg14[%parallel_loop3A_257, %parallel_loop3A_258] {strides = array<i32>} : memref<80x128xf32, #tpu.memory_space<vmem>>, vector<16xf32>,
      %parallel_loop3A_260 = arith.mulf %parallel_loop3A_256, %parallel_loop3A_259 : vector<16xf32>
      %parallel_loop3A_261 = arith.addf %parallel_loop3A_248, %parallel_loop3A_260 : vector<16xf32>
      %parallel_loop3A_262 = arith.constant 112 : i32
      %parallel_loop3A_263 = vector.broadcast %parallel_loop3A_262 : i32 to vector<16xi32>
      %parallel_loop3A_264 = arith.addi %iota3A, %parallel_loop3A_263 : vector<16xi32>
      %parallel_loop3A_265 = tpu.vector_load_idx %arg16[%parallel_loop3A_168, %parallel_loop3A_264] : memref<500x128xf32, #tpu.memory_space<vmem>>[vector<16xi32>, vector<16xi32>], vector<16xf32>,
      %parallel_loop3A_266 = arith.index_cast %parallel_loop3A_155 : i32 to index
      %parallel_loop3A_267 = arith.constant 112 : index
      %parallel_loop3A_268 = tpu.vector_load %arg12[%parallel_loop3A_266, %parallel_loop3A_267] {strides = array<i32>} : memref<80x128xf32, #tpu.memory_space<vmem>>, vector<16xf32>,
      %parallel_loop3A_269 = arith.mulf %parallel_loop3A_268, %parallel_loop3A_265 : vector<16xf32>
      %parallel_loop3A_270 = arith.index_cast %parallel_loop3A_155 : i32 to index
      %parallel_loop3A_271 = arith.constant 112 : index
      %parallel_loop3A_272 = tpu.vector_load %arg14[%parallel_loop3A_270, %parallel_loop3A_271] {strides = array<i32>} : memref<80x128xf32, #tpu.memory_space<vmem>>, vector<16xf32>,
      %parallel_loop3A_273 = arith.mulf %parallel_loop3A_269, %parallel_loop3A_272 : vector<16xf32>
      %parallel_loop3A_274 = arith.addf %parallel_loop3A_261, %parallel_loop3A_273 : vector<16xf32>
      %parallel_loop3A_275 = arith.constant 4 : i32
      %parallel_loop3A_276 = arith.shrsi %parallel_loop3A_155, %parallel_loop3A_275 : i32
      %parallel_loop3A_277 = arith.constant 15 : i32
      %parallel_loop3A_278 = arith.andi %parallel_loop3A_155, %parallel_loop3A_277 : i32
      %parallel_loop3A_279 = arith.index_cast %parallel_loop3A_276 : i32 to index
      %parallel_loop3A_280 = arith.index_cast %parallel_loop3A_278 : i32 to index
      %parallel_loop3A_281 = arith.constant 0 : index
      %parallel_loop3A_282 = tpu.vector_load %arg18[%parallel_loop3A_279, %parallel_loop3A_280, %parallel_loop3A_281] {strides = array<i32>} : memref<5x16x17xf32, #tpu.memory_space<vmem>>, vector<16xf32>,
      tpu.vector_store %arg18[%parallel_loop3A_279, %parallel_loop3A_280, %parallel_loop3A_281], %parallel_loop3A_274 {strides = array<i32>} : memref<5x16x17xf32, #tpu.memory_space<vmem>>, vector<16xf32>,
    } {sc.loop_unroll_factor = 2 : i64, sc.parallel_access}
    %parallel_loop3A_152 = arith.constant 0 : i32
    %parallel_loop3A_153 = arith.constant 5 : i32
    %parallel_loop3A_154 = arith.constant 1 : i32
    scf.for %parallel_loop3A_155 = %parallel_loop3A_152 to %parallel_loop3A_153 step %parallel_loop3A_154  : i32 {
      %parallel_loop3A_156 = vector.broadcast %parallel_loop3A_155 : i32 to vector<16xi32>
      %parallel_loop3A_157 = arith.constant 0.000000e+00 : f32
      %parallel_loop3A_158 = vector.broadcast %parallel_loop3A_157 : f32 to vector<16xf32>
      %parallel_loop3A_159 = arith.constant 0 : i32
      %parallel_loop3A_160 = vector.broadcast %parallel_loop3A_159 : i32 to vector<16xi32>
      %parallel_loop3A_161 = tpu.vector_load_idx %arg18[%parallel_loop3A_156, %iota3A, %parallel_loop3A_160] : memref<5x16x17xf32, #tpu.memory_space<vmem>>[vector<16xi32>, vector<16xi32>, vector<16xi32>], vector<16xf32>,
      %parallel_loop3A_162 = arith.addf %parallel_loop3A_158, %parallel_loop3A_161 : vector<16xf32>
      %parallel_loop3A_163 = arith.constant 1 : i32
      %parallel_loop3A_164 = vector.broadcast %parallel_loop3A_163 : i32 to vector<16xi32>
      %parallel_loop3A_165 = tpu.vector_load_idx %arg18[%parallel_loop3A_156, %iota3A, %parallel_loop3A_164] : memref<5x16x17xf32, #tpu.memory_space<vmem>>[vector<16xi32>, vector<16xi32>, vector<16xi32>], vector<16xf32>,
      %parallel_loop3A_166 = arith.addf %parallel_loop3A_162, %parallel_loop3A_165 : vector<16xf32>
      %parallel_loop3A_167 = arith.constant 2 : i32
      %parallel_loop3A_168 = vector.broadcast %parallel_loop3A_167 : i32 to vector<16xi32>
      %parallel_loop3A_169 = tpu.vector_load_idx %arg18[%parallel_loop3A_156, %iota3A, %parallel_loop3A_168] : memref<5x16x17xf32, #tpu.memory_space<vmem>>[vector<16xi32>, vector<16xi32>, vector<16xi32>], vector<16xf32>,
      %parallel_loop3A_170 = arith.addf %parallel_loop3A_166, %parallel_loop3A_169 : vector<16xf32>
      %parallel_loop3A_171 = arith.constant 3 : i32
      %parallel_loop3A_172 = vector.broadcast %parallel_loop3A_171 : i32 to vector<16xi32>
      %parallel_loop3A_173 = tpu.vector_load_idx %arg18[%parallel_loop3A_156, %iota3A, %parallel_loop3A_172] : memref<5x16x17xf32, #tpu.memory_space<vmem>>[vector<16xi32>, vector<16xi32>, vector<16xi32>], vector<16xf32>,
      %parallel_loop3A_174 = arith.addf %parallel_loop3A_170, %parallel_loop3A_173 : vector<16xf32>
      %parallel_loop3A_175 = arith.constant 4 : i32
      %parallel_loop3A_176 = vector.broadcast %parallel_loop3A_175 : i32 to vector<16xi32>
      %parallel_loop3A_177 = tpu.vector_load_idx %arg18[%parallel_loop3A_156, %iota3A, %parallel_loop3A_176] : memref<5x16x17xf32, #tpu.memory_space<vmem>>[vector<16xi32>, vector<16xi32>, vector<16xi32>], vector<16xf32>,
      %parallel_loop3A_178 = arith.addf %parallel_loop3A_174, %parallel_loop3A_177 : vector<16xf32>
      %parallel_loop3A_179 = arith.constant 5 : i32
      %parallel_loop3A_180 = vector.broadcast %parallel_loop3A_179 : i32 to vector<16xi32>
      %parallel_loop3A_181 = tpu.vector_load_idx %arg18[%parallel_loop3A_156, %iota3A, %parallel_loop3A_180] : memref<5x16x17xf32, #tpu.memory_space<vmem>>[vector<16xi32>, vector<16xi32>, vector<16xi32>], vector<16xf32>,
      %parallel_loop3A_182 = arith.addf %parallel_loop3A_178, %parallel_loop3A_181 : vector<16xf32>
      %parallel_loop3A_183 = arith.constant 6 : i32
      %parallel_loop3A_184 = vector.broadcast %parallel_loop3A_183 : i32 to vector<16xi32>
      %parallel_loop3A_185 = tpu.vector_load_idx %arg18[%parallel_loop3A_156, %iota3A, %parallel_loop3A_184] : memref<5x16x17xf32, #tpu.memory_space<vmem>>[vector<16xi32>, vector<16xi32>, vector<16xi32>], vector<16xf32>,
      %parallel_loop3A_186 = arith.addf %parallel_loop3A_182, %parallel_loop3A_185 : vector<16xf32>
      %parallel_loop3A_187 = arith.constant 7 : i32
      %parallel_loop3A_188 = vector.broadcast %parallel_loop3A_187 : i32 to vector<16xi32>
      %parallel_loop3A_189 = tpu.vector_load_idx %arg18[%parallel_loop3A_156, %iota3A, %parallel_loop3A_188] : memref<5x16x17xf32, #tpu.memory_space<vmem>>[vector<16xi32>, vector<16xi32>, vector<16xi32>], vector<16xf32>,
      %parallel_loop3A_190 = arith.addf %parallel_loop3A_186, %parallel_loop3A_189 : vector<16xf32>
      %parallel_loop3A_191 = arith.constant 8 : i32
      %parallel_loop3A_192 = vector.broadcast %parallel_loop3A_191 : i32 to vector<16xi32>
      %parallel_loop3A_193 = tpu.vector_load_idx %arg18[%parallel_loop3A_156, %iota3A, %parallel_loop3A_192] : memref<5x16x17xf32, #tpu.memory_space<vmem>>[vector<16xi32>, vector<16xi32>, vector<16xi32>], vector<16xf32>,
      %parallel_loop3A_194 = arith.addf %parallel_loop3A_190, %parallel_loop3A_193 : vector<16xf32>
      %parallel_loop3A_195 = arith.constant 9 : i32
      %parallel_loop3A_196 = vector.broadcast %parallel_loop3A_195 : i32 to vector<16xi32>
      %parallel_loop3A_197 = tpu.vector_load_idx %arg18[%parallel_loop3A_156, %iota3A, %parallel_loop3A_196] : memref<5x16x17xf32, #tpu.memory_space<vmem>>[vector<16xi32>, vector<16xi32>, vector<16xi32>], vector<16xf32>,
      %parallel_loop3A_198 = arith.addf %parallel_loop3A_194, %parallel_loop3A_197 : vector<16xf32>
      %parallel_loop3A_199 = arith.constant 10 : i32
      %parallel_loop3A_200 = vector.broadcast %parallel_loop3A_199 : i32 to vector<16xi32>
      %parallel_loop3A_201 = tpu.vector_load_idx %arg18[%parallel_loop3A_156, %iota3A, %parallel_loop3A_200] : memref<5x16x17xf32, #tpu.memory_space<vmem>>[vector<16xi32>, vector<16xi32>, vector<16xi32>], vector<16xf32>,
      %parallel_loop3A_202 = arith.addf %parallel_loop3A_198, %parallel_loop3A_201 : vector<16xf32>
      %parallel_loop3A_203 = arith.constant 11 : i32
      %parallel_loop3A_204 = vector.broadcast %parallel_loop3A_203 : i32 to vector<16xi32>
      %parallel_loop3A_205 = tpu.vector_load_idx %arg18[%parallel_loop3A_156, %iota3A, %parallel_loop3A_204] : memref<5x16x17xf32, #tpu.memory_space<vmem>>[vector<16xi32>, vector<16xi32>, vector<16xi32>], vector<16xf32>,
      %parallel_loop3A_206 = arith.addf %parallel_loop3A_202, %parallel_loop3A_205 : vector<16xf32>
      %parallel_loop3A_207 = arith.constant 12 : i32
      %parallel_loop3A_208 = vector.broadcast %parallel_loop3A_207 : i32 to vector<16xi32>
      %parallel_loop3A_209 = tpu.vector_load_idx %arg18[%parallel_loop3A_156, %iota3A, %parallel_loop3A_208] : memref<5x16x17xf32, #tpu.memory_space<vmem>>[vector<16xi32>, vector<16xi32>, vector<16xi32>], vector<16xf32>,
      %parallel_loop3A_210 = arith.addf %parallel_loop3A_206, %parallel_loop3A_209 : vector<16xf32>
      %parallel_loop3A_211 = arith.constant 13 : i32
      %parallel_loop3A_212 = vector.broadcast %parallel_loop3A_211 : i32 to vector<16xi32>
      %parallel_loop3A_213 = tpu.vector_load_idx %arg18[%parallel_loop3A_156, %iota3A, %parallel_loop3A_212] : memref<5x16x17xf32, #tpu.memory_space<vmem>>[vector<16xi32>, vector<16xi32>, vector<16xi32>], vector<16xf32>,
      %parallel_loop3A_214 = arith.addf %parallel_loop3A_210, %parallel_loop3A_213 : vector<16xf32>
      %parallel_loop3A_215 = arith.constant 14 : i32
      %parallel_loop3A_216 = vector.broadcast %parallel_loop3A_215 : i32 to vector<16xi32>
      %parallel_loop3A_217 = tpu.vector_load_idx %arg18[%parallel_loop3A_156, %iota3A, %parallel_loop3A_216] : memref<5x16x17xf32, #tpu.memory_space<vmem>>[vector<16xi32>, vector<16xi32>, vector<16xi32>], vector<16xf32>,
      %parallel_loop3A_218 = arith.addf %parallel_loop3A_214, %parallel_loop3A_217 : vector<16xf32>
      %parallel_loop3A_219 = arith.constant 15 : i32
      %parallel_loop3A_220 = vector.broadcast %parallel_loop3A_219 : i32 to vector<16xi32>
      %parallel_loop3A_221 = tpu.vector_load_idx %arg18[%parallel_loop3A_156, %iota3A, %parallel_loop3A_220] : memref<5x16x17xf32, #tpu.memory_space<vmem>>[vector<16xi32>, vector<16xi32>, vector<16xi32>], vector<16xf32>,
      %parallel_loop3A_222 = arith.addf %parallel_loop3A_218, %parallel_loop3A_221 : vector<16xf32>
      %parallel_loop3A_223 = arith.constant 0.000000e+00 : f32
      %parallel_loop3A_224 = vector.broadcast %parallel_loop3A_223 : f32 to vector<16xf32>
      %parallel_loop3A_225 = arith.subf %parallel_loop3A_224, %parallel_loop3A_222 : vector<16xf32>
      %parallel_loop3A_226 = math.exp %parallel_loop3A_225 : vector<16xf32>
      %parallel_loop3A_227 = arith.constant 1.000000e+00 : f32
      %parallel_loop3A_228 = vector.broadcast %parallel_loop3A_227 : f32 to vector<16xf32>
      %parallel_loop3A_229 = arith.addf %parallel_loop3A_228, %parallel_loop3A_226 : vector<16xf32>
      %parallel_loop3A_230 = arith.constant 1.000000e+00 : f32
      %parallel_loop3A_231 = vector.broadcast %parallel_loop3A_230 : f32 to vector<16xf32>
      %parallel_loop3A_232 = arith.divf %parallel_loop3A_231, %parallel_loop3A_229 : vector<16xf32>
      %parallel_loop3A_233 = arith.constant 16 : i32
      %parallel_loop3A_234 = arith.muli %parallel_loop3A_155, %parallel_loop3A_233 : i32
      %parallel_loop3A_235 = arith.constant 9920 : i32
      %parallel_loop3A_236 = arith.addi %parallel_loop3A_235, %parallel_loop3A_234 : i32
      %parallel_loop3A_237 = arith.index_cast %parallel_loop3A_236 : i32 to index
      %parallel_loop3A_238 = tpu.vector_load %arg17[%parallel_loop3A_237] {strides = array<i32>} : memref<10000xf32, #tpu.memory_space<vmem>>, vector<16xf32>,
      tpu.vector_store %arg17[%parallel_loop3A_237], %parallel_loop3A_232 {strides = array<i32>} : memref<10000xf32, #tpu.memory_space<vmem>>, vector<16xf32>,
    } {sc.loop_unroll_factor = 1 : i64, sc.parallel_access}
    "tpu.region"() ({
      %run_scoped3A = tpu.sem_alloc : memref<!tpu.dma_semaphore, #tpu.memory_space<semaphore_mem>>
      %dma_start3A_155 = tpu.memref_slice %arg8[%mul3A_2] : memref<320000xf32, #tpu.memory_space<hbm>> -> memref<10000xf32, #tpu.memory_space<hbm>>
      %dma_start3A_156 = tpu.memref_slice %arg8[%mul3A_2] : memref<320000xf32, #tpu.memory_space<hbm>> -> memref<10000xf32, #tpu.memory_space<hbm>>
      tpu.enqueue_dma source(%arg17 : memref<10000xf32, #tpu.memory_space<vmem>>) target(%dma_start3A_156 : memref<10000xf32, #tpu.memory_space<hbm>>) target_semaphore(%run_scoped3A : memref<!tpu.dma_semaphore, #tpu.memory_space<semaphore_mem>>)
      %dma_wait3A_157 = tpu.memref_slice %arg8[%mul3A_2] : memref<320000xf32, #tpu.memory_space<hbm>> -> memref<10000xf32, #tpu.memory_space<hbm>>
      %dma_wait3A_158 = tpu.memref_slice %arg8[%mul3A_2] : memref<320000xf32, #tpu.memory_space<hbm>> -> memref<10000xf32, #tpu.memory_space<hbm>>
      tpu.wait_dma2 semaphore(%run_scoped3A : memref<!tpu.dma_semaphore, #tpu.memory_space<semaphore_mem>>) src(%arg17 : memref<10000xf32, #tpu.memory_space<vmem>>) dst(%dma_wait3A_158 : memref<10000xf32, #tpu.memory_space<hbm>>)
      tpu.yield
    }) : () -> ()
    return
  }
}

module attributes {stable_mosaic.version = 14 : i64} {
  func.func @_transform_body(%arg0: i32, %arg1: memref<400x128xf32, #tpu.memory_space<vmem>>, %arg2: memref<128x128xf32, #tpu.memory_space<vmem>>, %arg3: memref<128x128xf32, #tpu.memory_space<vmem>>, %arg4: memref<1x128xf32, #tpu.memory_space<vmem>>, %arg5: memref<1x128xf32, #tpu.memory_space<vmem>>, %arg6: memref<400x128xf32, #tpu.memory_space<vmem>>, %arg7: memref<400x128xf32, #tpu.memory_space<vmem>>) attributes {dimension_semantics = [#tpu.dimension_semantics<arbitrary>], iteration_bounds = array<i64: 25>, scalar_prefetch = 0 : i64, scratch_operands = 0 : i64, tpu.core_type = #tpu.core_type<tc>, window_params = [{transform_indices = @transform_0, window_bounds = array<i64: 400, 128>}, {pipeline_mode = #tpu.pipeline_mode<synchronous>, transform_indices = @transform_1, window_bounds = array<i64: 128, 128>}, {pipeline_mode = #tpu.pipeline_mode<synchronous>, transform_indices = @transform_2, window_bounds = array<i64: 128, 128>}, {pipeline_mode = #tpu.pipeline_mode<synchronous>, transform_indices = @transform_3, window_bounds = array<i64: 1, 128>}, {pipeline_mode = #tpu.pipeline_mode<synchronous>, transform_indices = @transform_4, window_bounds = array<i64: 1, 128>}, {transform_indices = @transform_5, window_bounds = array<i64: 400, 128>}, {transform_indices = @transform_6, window_bounds = array<i64: 400, 128>}]} {
    %get3A = arith.constant 0 : index
    %get3A_0 = arith.constant 0 : index
    %get3A_1 = vector.load %arg1[%get3A, %get3A_0] : memref<400x128xf32, #tpu.memory_space<vmem>>, vector<400x128xf32>
    %get3A_2 = arith.constant 0 : index
    %get3A_3 = arith.constant 0 : index
    %get3A_4 = vector.load %arg2[%get3A_2, %get3A_3] : memref<128x128xf32, #tpu.memory_space<vmem>>, vector<128x128xf32>
    %dot_general3A = arith.constant dense<0.000000e+00> : vector<400x128xf32>
    %dot_general3A_5 = tpu.matmul %get3A_1, %get3A_4, %dot_general3A {dimension_numbers = #tpu.dot_dimension_numbers<[1], [0], [0], [1], [0, 0, 1, 1], [], []>, transpose_lhs_hint = false} : vector<400x128xf32>, vector<128x128xf32>, vector<400x128xf32> -> vector<400x128xf32>
    %get3A_6 = arith.constant 0 : index
    %get3A_7 = arith.constant 0 : index
    %get3A_8 = vector.load %arg4[%get3A_6, %get3A_7] : memref<1x128xf32, #tpu.memory_space<vmem>>, vector<1x128xf32>
    %add3A = vector.broadcast %get3A_8 : vector<1x128xf32> to vector<400x128xf32>
    %add3A_9 = arith.addf %dot_general3A_5, %add3A : vector<400x128xf32>
    %swap3A = arith.constant 0 : index
    %swap3A_10 = arith.constant 0 : index
    %swap3A_11 = vector.load %arg6[%swap3A, %swap3A_10] : memref<400x128xf32, #tpu.memory_space<vmem>>, vector<400x128xf32>
    tpu.vector_store %arg6[%swap3A, %swap3A_10], %add3A_9 {strides = array<i32>} : memref<400x128xf32, #tpu.memory_space<vmem>>, vector<400x128xf32>,
    %get3A_12 = arith.constant 0 : index
    %get3A_13 = arith.constant 0 : index
    %get3A_14 = vector.load %arg3[%get3A_12, %get3A_13] : memref<128x128xf32, #tpu.memory_space<vmem>>, vector<128x128xf32>
    %dot_general3A_15 = arith.constant dense<0.000000e+00> : vector<400x128xf32>
    %dot_general3A_16 = tpu.matmul %get3A_1, %get3A_14, %dot_general3A_15 {dimension_numbers = #tpu.dot_dimension_numbers<[1], [0], [0], [1], [0, 0, 1, 1], [], []>, transpose_lhs_hint = false} : vector<400x128xf32>, vector<128x128xf32>, vector<400x128xf32> -> vector<400x128xf32>
    %get3A_17 = arith.constant 0 : index
    %get3A_18 = arith.constant 0 : index
    %get3A_19 = vector.load %arg5[%get3A_17, %get3A_18] : memref<1x128xf32, #tpu.memory_space<vmem>>, vector<1x128xf32>
    %add3A_20 = vector.broadcast %get3A_19 : vector<1x128xf32> to vector<400x128xf32>
    %add3A_21 = arith.addf %dot_general3A_16, %add3A_20 : vector<400x128xf32>
    %swap3A_22 = arith.constant 0 : index
    %swap3A_23 = arith.constant 0 : index
    %swap3A_24 = vector.load %arg7[%swap3A_22, %swap3A_23] : memref<400x128xf32, #tpu.memory_space<vmem>>, vector<400x128xf32>
    tpu.vector_store %arg7[%swap3A_22, %swap3A_23], %add3A_21 {strides = array<i32>} : memref<400x128xf32, #tpu.memory_space<vmem>>, vector<400x128xf32>,
    return
  }
  func.func @transform_0(%arg0: i32) -> (i32, i32) {
    %c0_i32 = arith.constant 0 : i32
    %c0_i32_0 = arith.constant 0 : i32
    return %arg0, %c0_i32 : i32, i32
  }
  func.func @transform_1(%arg0: i32) -> (i32, i32) {
    %c0_i32 = arith.constant 0 : i32
    %c0_i32_0 = arith.constant 0 : i32
    %c0_i32_1 = arith.constant 0 : i32
    return %c0_i32, %c0_i32_0 : i32, i32
  }
  func.func @transform_2(%arg0: i32) -> (i32, i32) {
    %c0_i32 = arith.constant 0 : i32
    %c0_i32_0 = arith.constant 0 : i32
    %c0_i32_1 = arith.constant 0 : i32
    return %c0_i32, %c0_i32_0 : i32, i32
  }
  func.func @transform_3(%arg0: i32) -> (i32, i32) {
    %c0_i32 = arith.constant 0 : i32
    %c0_i32_0 = arith.constant 0 : i32
    %c0_i32_1 = arith.constant 0 : i32
    return %c0_i32, %c0_i32_0 : i32, i32
  }
  func.func @transform_4(%arg0: i32) -> (i32, i32) {
    %c0_i32 = arith.constant 0 : i32
    %c0_i32_0 = arith.constant 0 : i32
    %c0_i32_1 = arith.constant 0 : i32
    return %c0_i32, %c0_i32_0 : i32, i32
  }
  func.func @transform_5(%arg0: i32) -> (i32, i32) {
    %c0_i32 = arith.constant 0 : i32
    %c0_i32_0 = arith.constant 0 : i32
    return %arg0, %c0_i32 : i32, i32
  }
  func.func @transform_6(%arg0: i32) -> (i32, i32) {
    %c0_i32 = arith.constant 0 : i32
    %c0_i32_0 = arith.constant 0 : i32
    return %arg0, %c0_i32 : i32, i32
  }
}

</mosaic_0001>

<sc_bundles>
// kernel: kernel.4.cloned.1.call-start
scs
__scs_entry_jumppad:
0x0: {  	(pc) =	sbr.rel $0x88, $3  }
0x1: {  	(tag) =	ssettag $0x0;
	lr =	simm.s32 $0x1  }
0x2: {  	[smem:$0x3F99] =	sst lr;
	_ =	strace $0xD0000000  }
0x3: {  	_ = 	snop  }
0x4: {  	_ = 	snop  }
0x5: {  	_ = 	snop  }
0x6: {  	_ = 	snop  }
0x7: {  	_ = 	snop  }
__scs_overlays_trampoline_lowered:
0x8: {  	[smem:$0x3FA8] =	sst s0  }
0x9: {  	[smem:$0x3FA9] =	sst s1  }
0xa: {  	[smem:$0x3FAA] =	sst s2  }
0xb: {  	[smem:$0x3FAB] =	sst s3  }
0xc: {  	[smem:$0x3FAC] =	sst s4  }
0xd: {  	[smem:$0x3FAD] =	sst s5  }
0xe: {  	[smem:$0x3FAE] =	sst s6  }
0xf: {  	[smem:$0x3FAF] =	sst s7  }
0x10: {  	[smem:$0x3FB0] =	sst s8  }
0x11: {  	[smem:$0x3FB1] =	sst s9;
	s0 =	simm.s32 @!p0 $0x0  }
0x12: {  	s1 =	sld [smem:$0x3F97];
	s0 =	simm.s32 @p0 $0x1  }
0x13: {  	[smem:$0x3FB2] =	sst s0;
	s0 =	simm.s32 @!p1 $0x0  }
0x14: {  	s2 =	sld [smem:$0x3F96];
	s0 =	simm.s32 @p1 $0x1  }
0x15: {  	[smem:$0x3FB3] =	sst s0;
	s0 =	simm.s32 @!p2 $0x0  }
0x16: {  	s3 =	sld [smem:$0x3FDB];
	s0 =	simm.s32 @p2 $0x1  }
0x17: {  	s4 =	simm.s32 $0x1BF5;
	[smem:$0x3FB5] =	sst s0  }
0x18: {  	s0 =	sld [smem:$0x3F98];
	_ =	swait.ge [sflag:s4], $0x0  }
0x19: {  	s7 =	sld [smem:$0x3F99]  }
0x1a: {  	s8 =	sadd.s32 $0xFFFFE003, lr  }
0x1b: {  	s9 =	sadd.s32 $0xFFFFFEF7, lr;
	s5 =	simm.s32 $0xFFFFFFFF;
	p2 =	slt.u32 s8, $0xFFFFF086  }
0x1c: {  	p1 =	slt.u32 s9, $0xF7A;
	s5 =	simm.s32 @!p2 $0x0  }
0x1d: {  	s5 =	simm.s32 @p1 $0x1;
	p0 =	seq.s32 s7, s2  }
0x1e: {  	s7 =	smul.u32 @!p0 $0xF7A, s2;
	p2 =	seq.s32 @!p0 s5, $0x0  }
0x1f: {  	s9 =	smul.u32 $0xF7A, s1;
	s8 =	simm.s32 @!p0 $0x1BF5;
	p2 =	por !p2, p0  }
0x20: {  	[sflag:s8] =	ssyncset.s32 @!p0 $0xFFFFF086;
	s6 =	sadd.s32 @!p0 s3, s7;
	s7 =	simm.s32 @!p0 $0x108  }
0x21: {  	s3 =	sadd.s32 s3, s9;
	s6 =	sadd.s32 @!p0 $0x88, s6;
	s7 =	simm.s32 @p2 $0x1082  }
0x22: {  	[simem:s7], [sflag:s8] =	dma.local @!p0 [hbm:s6], $0xF7A  }
0x23: {  	s9 =	sor.u32 $0xD0000000, s2;
	s6 =	simm.s32 $0x108;
	_ =	swait.ge @!p0 [sflag:s8], $0x0  }
0x24: {  	s3 =	sadd.s32 $0x88, s3;
	s6 =	simm.s32 @!p1 $0x1082;
	[sflag:s4] =	ssyncset.s32 $0xFFFFF086  }
0x25: {  	[simem:s6], [sflag:s4] =	dma.local [hbm:s3], $0xF7A  }
0x26: {  	[smem:$0x3F99] =	sst s1;
	(tag) =	ssettag s2;
	_ =	strace s9  }
0x27: {  	s1 =	sld [smem:$0x3FA9]  }
0x28: {  	s2 =	sld [smem:$0x3FAA]  }
0x29: {  	s4 =	sld [smem:$0x3FAC]  }
0x2a: {  	p0 =	seq.s32 s5, $0x0;
	s5 =	sld [smem:$0x3FAD]  }
0x2b: {  	s6 =	sld [smem:$0x3FAE]  }
0x2c: {  	s7 =	sld [smem:$0x3FAF]  }
0x2d: {  	s3 =	simm.s32 $0x108;
	s8 =	sld [smem:$0x3FB0]  }
0x2e: {  	s3 =	simm.s32 @!p0 $0x1082;
	s9 =	sld [smem:$0x3FB1]  }
0x2f: {  	lr =	sadd.s32 s0, s3;
	s0 =	sld [smem:$0x3FA8]  }
0x30: {  	s3 =	sld [smem:$0x3FAB]  }
0x31: {  	[smem:$0x3FB4] =	sst s10  }
0x32: {  	s10 =	sld [smem:$0x3FB2];
	_ =	sdelay $0x3  }
0x33: {  	p0 =	seq.s32 s10, $0x1;
	s10 =	sld [smem:$0x3FB4];
	_ =	sdelay $0x3  }
0x34: {  	[smem:$0x3FB4] =	sst s10  }
0x35: {  	s10 =	sld [smem:$0x3FB3];
	_ =	sdelay $0x3  }
0x36: {  	p1 =	seq.s32 s10, $0x1;
	s10 =	sld [smem:$0x3FB4];
	_ =	sdelay $0x3  }
0x37: {  	[smem:$0x3FB4] =	sst s10  }
0x38: {  	s10 =	sld [smem:$0x3FB5]  }
0x39: {  	_ = 	snop;
	(pc) =	sbr.ind lr, $3  }
0x3a: {  	_ = 	snop  }
0x3b: {  	_ = 	snop  }
0x3c: {  	p2 =	seq.s32 s10, $0x1;
	s10 =	sld [smem:$0x3FB4]  }
0x3d: {  	_ =	shalt  }
0x3e: {  	_ =	shalt  }
0x3f: {  	_ =	shalt  }
0x40: {  	_ =	shalt  }
0x41: {  	_ =	shalt  }
0x42: {  	_ =	shalt  }
0x43: {  	_ =	shalt  }
0x44: {  	_ =	shalt  }
0x45: {  	_ =	shalt  }
0x46: {  	_ =	shalt  }
0x47: {  	_ =	shalt  }
0x48: {  	_ =	shalt  }
0x49: {  	_ =	shalt  }
0x4a: {  	_ =	shalt  }
0x4b: {  	_ =	shalt  }
0x4c: {  	_ =	shalt  }
0x4d: {  	_ =	shalt  }
0x4e: {  	_ =	shalt  }
0x4f: {  	_ =	shalt  }
0x50: {  	_ =	shalt  }
0x51: {  	_ =	shalt  }
0x52: {  	_ =	shalt  }
0x53: {  	_ =	shalt  }
0x54: {  	_ =	shalt  }
0x55: {  	_ =	shalt  }
0x56: {  	_ =	shalt  }
0x57: {  	_ =	shalt  }
0x58: {  	_ =	shalt  }
0x59: {  	_ =	shalt  }
0x5a: {  	_ =	shalt  }
0x5b: {  	_ =	shalt  }
0x5c: {  	_ =	shalt  }
0x5d: {  	_ =	shalt  }
0x5e: {  	_ =	shalt  }
0x5f: {  	_ =	shalt  }
0x60: {  	_ =	shalt  }
0x61: {  	_ =	shalt  }
0x62: {  	_ =	shalt  }
0x63: {  	_ =	shalt  }
0x64: {  	_ =	shalt  }
0x65: {  	_ =	shalt  }
0x66: {  	_ =	shalt  }
0x67: {  	_ =	shalt  }
0x68: {  	_ =	shalt  }
0x69: {  	_ =	shalt  }
0x6a: {  	_ =	shalt  }
0x6b: {  	_ =	shalt  }
0x6c: {  	_ =	shalt  }
0x6d: {  	_ =	shalt  }
0x6e: {  	_ =	shalt  }
0x6f: {  	_ =	shalt  }
0x70: {  	_ =	shalt  }
0x71: {  	_ =	shalt  }
0x72: {  	_ =	shalt  }
0x73: {  	_ =	shalt  }
0x74: {  	_ =	shalt  }
0x75: {  	_ =	shalt  }
0x76: {  	_ =	shalt  }
0x77: {  	_ =	shalt  }
0x78: {  	_ =	shalt  }
0x79: {  	_ =	shalt  }
0x7a: {  	_ =	shalt  }
0x7b: {  	_ =	shalt  }
0x7c: {  	_ =	shalt  }
0x7d: {  	_ =	shalt  }
0x7e: {  	_ =	shalt  }
0x7f: {  	_ =	shalt  }
0x80: {  	_ =	shalt  }
0x81: {  	_ =	shalt  }
0x82: {  	_ =	shalt  }
0x83: {  	_ =	shalt  }
0x84: {  	_ =	shalt  }
0x85: {  	_ =	shalt  }
0x86: {  	_ =	shalt  }
0x87: {  	_ =	shalt  }
.Lfunc_end0:
.L_simem_size_0:
called_computation_lowered:
.L_overlay_start_0:
0x88: {  	s2 =	sld [smem:$0x3FD9]  }
0x89: {  	s3 =	sld [smem:$0x3FFE];
	_ =	sdelay $0x1  }
0x8a: {  	s1 =	srdreg.scid  }
0x8b: {  	s0 =	sand.u32 $0x1, s1  }
0x8c: {  	s17 =	sshll.u32 s0, $0xA;
	s2 =	sadd.s32 s3, s2  }
0x8d: {  	s2 =	sadd.s32 s2, s17  }
0x8e: {  	[smem:$0x3FC0] =	sst s2  }
0x8f: {  	_ = 	snop  }
0x90: {  	s2 =	sld [smem:$0x3FC7]  }
0x91: {  	s18 =	sld [smem:$0x3FC2]  }
0x92: {  	s4 =	sld [smem:$0x3FD0];
	(tm) =	ssettm $0x1  }
0x93: {  	s5 =	sld [smem:$0x3FFB];
	_ =	sdelay $0x3  }
0x94: {  	_ =	strace s5  }
0x95: {  	s5 =	sld [smem:$0x3FFC];
	_ =	sdelay $0x3  }
0x96: {  	_ =	strace s5  }
0x97: {  	s5 =	sld [smem:$0x3FFD];
	_ =	sdelay $0x3  }
0x98: {  	_ =	strace s5  }
0x99: {  	_ =	strace $0x8FFFFFFF  }
0x9a: {  	s19 =	sld [smem:$0x3FDB];
	_ =	sdelay $0x1  }
0x9b: {  	s6 =	simm.s32 $_scs_section_size  }
0x9c: {  	s7 =	simm.s32 $_size__tile_overlayer_lowered;
	s8 =	simm.s32 $_tile_overlayer_lowered  }
0x9d: {  	s22 =	simm.s32 $0x1BFF;
	s21 =	sshll.u32 s8, $0x1;
	s5 =	sadd.s32 s6, s19  }
0x9e: {  	s9 =	simm.s32 $0x0;
	s20 =	sshll.u32 s7, $0x1;
	s7 =	sadd.s32 s21, s5  }
0x9f: {  	[timem:s9], [sflag:s22] =	dma.local [hbm:s7], s20  }
0xa0: {  	_ =	swait.ge [sflag:s22], s20  }
0xa1: {  	s6 =	ssub.s32 $0x0, s20;
	[sflag:s22] =	ssyncset.done $0x0  }
0xa2: {  	[sflag:s22] =	ssyncadd.s32 s6;
	_ =	sdelay $0x1  }
0xa3: {  	s23 =	simm.s32 $0x1B8B  }
0xa4: {  	_ =	swait.ge [sflag:s23], $0x1  }
0xa5: {  	[sflag:s23] =	ssyncset.done $0x0  }
0xa6: {  	s25 =	simm.s32 $0x1B8E;
	s24 =	sld [smem:$0x3FFE];
	[sflag:s23] =	ssyncadd.s32 $0xFFFFFFFF  }
0xa7: {  	s26 =	simm.s32 $execute0_lowered;
	[smem:$0x3FD2] =	sst s25  }
0xa8: {  	s7 =	sshll.u32 s26, $0x1;
	_ =	strace $0x80000046;
	[dreg:$0x1] =	wrdreg $0xFFFFFFFF  }
0xa9: {  	s28 =	simm.s32 $_size_execute0_lowered;
	s5 =	sadd.s32 s5, s7;
	[dreg:$0x0] =	wrdreg $0x0  }
0xaa: {  	s7 =	sshll.u32 s28, $0x1;
	[dreg:$0x2] =	wrdreg s5  }
0xab: {  	[dreg:$0x3] =	wrdreg s7  }
0xac: {  	[dreg:$0x4] =	wrdreg $0xC0  }
0xad: {  	_ =	task [dreg:s9], $0x5FFFF  }
0xae: {  	[dreg:$0x1] =	wrdreg $0xFFFFFFFF  }
0xaf: {  	[dreg:$0x0] =	wrdreg $0x60  }
0xb0: {  	[dreg:$0x2] =	wrdreg s24  }
0xb1: {  	[dreg:$0x3] =	wrdreg s18  }
0xb2: {  	[dreg:$0x4] =	wrdreg s2  }
0xb3: {  	[dreg:$0x5] =	wrdreg s4  }
0xb4: {  	[dreg:$0x6] =	wrdreg $0x9  }
0xb5: {  	_ =	task.clear_ibuf [dreg:s9], $0x7FFFF;
	_ =	strace $0x90000046  }
0xb6: {  	s29 =	simm.s32 $0x9;
	_ =	strace $0x80000048  }
0xb7: {  	_ =	swait.ge [sflag:s29], $0x1  }
0xb8: {  	[sflag:s29] =	ssyncadd.s32 $0xFFFFFFFF  }
0xb9: {  	_ =	strace $0x90000048  }
0xba: {  	_ =	sfence  }
0xbb: {  	s30 =	sld [smem:$0x0];
	_ =	sdelay $0x2  }
0xbc: {  	s31 =	sshll.u32 s1, $0xD;
	s1 =	sshrl.u32 s1, $0x2  }
0xbd: {  	s3 =	sand.u32 $0x4000, s31;
	s1 =	sadd.s32 s1, s30  }
0xbe: {  	s0 =	sor.u32 s3, s0;
	s1 =	sshll.u32 s1, $0x11  }
0xbf: {  	s0 =	sor.u32 s1, s0  }
0xc0: {  	s0 =	sadd.s32 $0x8F2B, s0  }
0xc1: {  	[sflag:s0] =	ssyncadd.remote.s32 $0x1  }
0xc2: {  	_ =	sfence.sel $0xFFFF  }
0xc3: {  	[dreg:$0x0] =	wrdreg $0xFFFFFFFF;
	(pc) =	sbr.abs _section_cstart, $3  }
0xc4: {  	[dreg:$0x1] =	wrdreg $0xFFFFFFFF  }
0xc5: {  	_ =	task.clear_ibuf [dreg:s9], $0x2FFFF;
	_ =	strace $0x9FFFFFFF  }
0xc6: {  	(tm) =	ssettm $0x7FFFFFFF  }
0xc7: {  	_ =	shalt  }
tec
execute0_lowered:
.L_overlay_start_1:
0x0: {  	(tag) =	ssettag $0x1  }
0x1: {  	s0 =	rddreg [dreg:$0x0]  }
0x2: {  	s3 =	rddreg [dreg:$0x2]  }
0x3: {  	s1 =	rddreg [dreg:$0x3]  }
0x4: {  	s2 =	srdreg.scid;
	s5 =	stileid.u32;
	s4 =	simm.s32 $0x0  }
0x5: {  	s31 =	simm.s32 $0x3;
	s2 =	sand.u32 $0x1, s2;
	s5 =	sshll.u32 s5, $0x1  }
0x6: {  	s12 =	simm.s32 $0x5600;
	[smem:$0x7FF] =	sst s4;
	s5 =	sor.u32 s2, s5  }
0x7: {  	s6 =	sadd.s32 $0x14400, s0;
	s7 =	sadd.s32 $0x3B600, s0;
	s11 =	smul.u32 $0x2710, s5  }
0x8: {  	s8 =	sadd.s32 $0xA600, s0;
	s9 =	sadd.s32 $0x800, s0;
	_ =	strace $0x80000047  }
0x9: {  	s2 =	ssub.s32 $0x2, s2;
	s28 =	sadd.s32 $0x140, s11;
	[dreg:$0x5] =	wrdreg s11  }
0xa: {  	s15 =	sshrl.u32 s2, $0x1;
	s29 =	sadd.s32 $0x190, s11;
	[dreg:$0xf] =	wrdreg s28  }
0xb: {  	s16 =	ssub.s32 s2, s15;
	s30 =	sadd.s32 $0x1E0, s11;
	[dreg:$0x10] =	wrdreg s29  }
0xc: {  	s10 =	sshrl.u32 s11, $0x3;
	s0 =	smax.u32 s16, $0x1;
	[dreg:$0x11] =	wrdreg s30  }
0xd: {  	s13 =	simm.s32 $0x1;
	s17 =	sadd.s32 s8, s10;
	[dreg:$0x13] =	wrdreg s0  }
0xe: {  	s14 =	simm.s32 $0x4;
	s18 =	sadd.s32 s9, s10;
	[dreg:$0x6] =	wrdreg s17  }
0xf: {  	s5 =	simm.s32 $0x0;
	s19 =	sadd.s32 s3, s10;
	[dreg:$0x7] =	wrdreg s18  }
0x10: {  	v0 =	vlaneseq.u32;
	s20 =	sadd.s32 $0xA, s10;
	s1 =	sadd.s32 s1, s10;
	[dreg:$0x8] =	wrdreg s19  }
0x11: {  	v1 =	vor.u32 $0x10, v0;
	v2 =	vor.u32 $0x20, v0;
	s11 =	simm.s32 $0x600;
	s21 =	sadd.s32 s8, s20;
	[dreg:$0x12] =	wrdreg s1  }
0x12: {  	v3 =	vor.u32 $0x30, v0;
	v4 =	vor.u32 $0x40, v0;
	v5 =	vmul.u32 $0x80, v0;
	s23 =	sadd.s32 $0x14, s10;
	s22 =	sadd.s32 s9, s20;
	[dreg:$0x9] =	wrdreg s21  }
0x13: {  	v6 =	vor.u32 $0x50, v0;
	v7 =	vor.u32 $0x60, v0;
	v8 =	vor.u32 $0x70, v0;
	s10 =	simm.s32 $0x50;
	s2 =	sadd.s32 s3, s20;
	[dreg:$0xa] =	wrdreg s22  }
0x14: {  	v9 =	vor.u32 $0x1, v5;
	v10 =	vor.u32 $0x2, v5;
	v11 =	vor.u32 $0x3, v5;
	s24 =	sadd.s32 s8, s23;
	s25 =	sadd.s32 s9, s23;
	[dreg:$0xb] =	wrdreg s2  }
0x15: {  	v12 =	vor.u32 $0x4, v5;
	v13 =	vor.u32 $0x5, v5;
	v14 =	vor.u32 $0x6, v5;
	s26 =	sadd.s32 s3, s23;
	s17 =	simm.s32 $0x1C980;
	[dreg:$0xc] =	wrdreg s24  }
0x16: {  	v15 =	vor.u32 $0x7, v5;
	v16 =	vor.u32 $0x8, v5;
	v17 =	vor.u32 $0x9, v5;
	s1 =	simm.s32 $0x5;
	s23 =	simm.s32 $0x6;
	[dreg:$0xd] =	wrdreg s25  }
0x17: {  	v18 =	vor.u32 $0xA, v5;
	v19 =	vor.u32 $0xB, v5;
	v20 =	vor.u32 $0xC, v5;
	[dreg:$0xe] =	wrdreg s26;
	s24 =	simm.s32 $0xA600;
	s2 =	simm.s32 $0x7  }
0x18: {  	v21 =	vor.u32 $0xD, v5;
	v22 =	vor.u32 $0xE, v5;
	v23 =	vor.u32 $0xF, v5;
	s26 =	simm.s32 $0x200;
	s22 =	simm.s32 $0x100;
	s25 =	simm.s32 $0x2  }
.LBB2_1:
0x19: {  	[dreg:$0x14] =	wrdreg s5  }
0x1a: {  	s0 =	rddreg [dreg:$0x1]  }
0x1b: {  	[tilespmem:s24], [sflag:$0x7] =	stream.linear.gather [hbm4b:s0+s4], $0xFA00, $0x38;
	[tilespmem:$0x1F180] =	vst v63  }
0x1c: {  	_ =	swait.ge [sflag:s2], $0xFA00  }
0x1d: {  	[sflag:s2] =	ssyncset.done $0x0  }
0x1e: {  	[sflag:s2] =	ssyncadd.s32 $0xFFFF0600;
	s2 =	rddreg [dreg:$0x6]  }
0x1f: {  	[tilespmem:s4], [sflag:$0x3] =	stream.linear.gather [hbm4b:s2+s4], $0x50, $0x38;
	[tilespmem:$0x1F180] =	vst v63  }
0x20: {  	s5 =	rddreg [dreg:$0x7]  }
0x21: {  	[tilespmem:s26], [sflag:$0x3] =	stream.linear.gather [hbm4b:s5+s4], $0x50, $0x38;
	[tilespmem:$0x1F180] =	vst v63  }
0x22: {  	s16 =	simm.s32 $0x400;
	s15 =	rddreg [dreg:$0x8]  }
0x23: {  	[tilespmem:s16], [sflag:$0x3] =	stream.linear.gather [hbm4b:s15+s4], $0x50, $0x38;
	[tilespmem:$0x1F180] =	vst v63  }
0x24: {  	s19 =	simm.s32 $0x80;
	s18 =	rddreg [dreg:$0x9]  }
0x25: {  	[tilespmem:s19], [sflag:$0x4] =	stream.linear.gather [hbm4b:s18+s4], $0x50, $0x38;
	[tilespmem:$0x1F180] =	vst v63  }
0x26: {  	s21 =	simm.s32 $0x280;
	s20 =	rddreg [dreg:$0xa]  }
0x27: {  	[tilespmem:s21], [sflag:$0x4] =	stream.linear.gather [hbm4b:s20+s4], $0x50, $0x38;
	[tilespmem:$0x1F180] =	vst v63  }
0x28: {  	s5 =	rddreg [dreg:$0xb];
	s15 =	simm.s32 $0x480  }
0x29: {  	[tilespmem:s15], [sflag:$0x4] =	stream.linear.gather [hbm4b:s5+s4], $0x50, $0x38;
	[tilespmem:$0x1F180] =	vst v63  }
0x2a: {  	s16 =	rddreg [dreg:$0xc]  }
0x2b: {  	[tilespmem:s22], [sflag:$0x5] =	stream.linear.gather [hbm4b:s16+s4], $0x50, $0x38;
	[tilespmem:$0x1F180] =	vst v63  }
0x2c: {  	s18 =	rddreg [dreg:$0xd];
	s19 =	simm.s32 $0x300  }
0x2d: {  	[tilespmem:s19], [sflag:$0x5] =	stream.linear.gather [hbm4b:s18+s4], $0x50, $0x38;
	[tilespmem:$0x1F180] =	vst v63  }
0x2e: {  	s20 =	rddreg [dreg:$0xe];
	s21 =	simm.s32 $0x500  }
0x2f: {  	[tilespmem:s21], [sflag:$0x5] =	stream.linear.gather [hbm4b:s20+s4], $0x50, $0x38;
	[tilespmem:$0x1F180] =	vst v63  }
0x30: {  	_ =	swait.ge [sflag:s31], $0x50  }
0x31: {  	[sflag:s31] =	ssyncset.done $0x0  }
0x32: {  	[sflag:s31] =	ssyncadd.s32 $0xFFFFFFB0  }
0x33: {  	_ =	swait.ge [sflag:s31], $0x50  }
0x34: {  	[sflag:s31] =	ssyncset.done $0x0  }
0x35: {  	[sflag:s31] =	ssyncadd.s32 $0xFFFFFFB0  }
0x36: {  	_ =	swait.ge [sflag:s31], $0x50  }
0x37: {  	[sflag:s31] =	ssyncset.done $0x0  }
0x38: {  	s28 =	simm.s32 $0x1A250;
	s29 =	simm.s32 $0x1A2A0;
	[sflag:s31] =	ssyncadd.s32 $0xFFFFFFB0  }
0x39: {  	[tilespmem:s11], [sflag:$0x1] =	stream.indirect.gather [hbm4b:s6+s10], $0x80, s4, s10, $0xb8;
	[tilespmem:$0x1F180] =	vst v63  }
0x3a: {  	s30 =	simm.s32 $0x1A2F0;
	s5 =	simm.s32 $0x0;
	s21 =	simm.s32 $0x1A200  }
0x3b: {  	[tilespmem:s12], [sflag:$0x1] =	stream.indirect.gather [hbm4b:s7+s10], $0x80, s26, s10, $0xb8;
	[tilespmem:$0x1F180] =	vst v63  }
.LBB2_2:
0x3c: {  	_ =	swait.ge [sflag:s13], $0x2800  }
0x3d: {  	[sflag:s13] =	ssyncset.done $0x0  }
0x3e: {  	[sflag:s13] =	ssyncadd.s32 $0xFFFFD800  }
0x3f: {  	_ =	swait.ge [sflag:s13], $0x2800  }
0x40: {  	[sflag:s13] =	ssyncset.done $0x0  }
0x41: {  	[sflag:s13] =	ssyncadd.s32 $0xFFFFD800  }
0x42: {  	_ =	swait.ge [sflag:s14], $0x50  }
0x43: {  	[sflag:s14] =	ssyncset.done $0x0  }
0x44: {  	[sflag:s14] =	ssyncadd.s32 $0xFFFFFFB0  }
0x45: {  	_ =	swait.ge [sflag:s14], $0x50  }
0x46: {  	[sflag:s14] =	ssyncset.done $0x0  }
0x47: {  	[sflag:s14] =	ssyncadd.s32 $0xFFFFFFB0  }
0x48: {  	_ =	swait.ge [sflag:s14], $0x50  }
0x49: {  	[sflag:s14] =	ssyncset.done $0x0  }
0x4a: {  	s0 =	simm.s32 $0x80;
	s2 =	simm.s32 $0x2E00;
	[sflag:s14] =	ssyncadd.s32 $0xFFFFFFB0  }
0x4b: {  	[tilespmem:s2], [sflag:$0x2] =	stream.indirect.gather [hbm4b:s6+s10], $0x80, s0, s10, $0xb8;
	[tilespmem:$0x1F180] =	vst v63  }
0x4c: {  	s19 =	simm.s32 $0x280;
	s20 =	simm.s32 $0x7E00  }
0x4d: {  	[tilespmem:s20], [sflag:$0x2] =	stream.indirect.gather [hbm4b:s7+s10], $0x80, s19, s10, $0xb8;
	[tilespmem:$0x1F180] =	vst v63  }
0x4e: {  	s20 =	simm.s32 $0x0;
	s19 =	simm.s32 $0x5680  }
0x4f: {  	s15 =	sand.u32 $0x70, s20;
	v26 =	vld [tilespmem:s19+$0x60]  }
0x50: {  	v24 =	vld [tilespmem:s15+$0x400]  }
0x51: {  	v27 =	vld [tilespmem:s19+$0x50]  }
0x52: {  	v29 =	vld [tilespmem:s19+$0x40]  }
0x53: {  	s16 =	simm.s32 $0x1;
	v30 =	vld [tilespmem:s19+$0x30]  }
0x54: {  	v25 =	vmov s16;
	v32 =	vld [tilespmem:s19+$0x20]  }
0x55: {  	v33 =	vld [tilespmem:s19+$0x10];
	v25 =	vperm.xlane v24, v25  }
0x56: {  	s0 =	simm.s32 $0x680;
	v34 =	vld [tilespmem:s19+$0x0]  }
0x57: {  	v36 =	vld [tilespmem:s0+$0x0];
	v25 =	vshll.u32 v25, $0x7  }
0x58: {  	v38 =	vld [tilespmem:s0+$0x10];
	v28 =	vor.u32 v0, v25  }
0x59: {  	v40 =	vld [tilespmem:s0+$0x20]  }
0x5a: {  	v43 =	vld [tilespmem:s0+$0x30];
	v31 =	vor.u32 v1, v25  }
0x5b: {  	v59 =	vld [tilespmem:s0+$0x40]  }
0x5c: {  	v46 =	vld [tilespmem:s0+$0x50];
	v35 =	vor.u32 v2, v25  }
0x5d: {  	v28 =	vld.idx.msk [tilespmem:v28+s24+$0x0], $0xffff  }
0x5e: {  	v61 =	vld [tilespmem:s0+$0x60];
	v37 =	vor.u32 v3, v25  }
0x5f: {  	s18 =	sand.u32 $0xE, s20;
	v31 =	vld.idx.msk [tilespmem:v31+s24+$0x0], $0xffff  }
0x60: {  	v62 =	vld [tilespmem:s0+$0x70];
	v42 =	vmov s18;
	v39 =	vor.u32 v4, v25  }
0x61: {  	v24 =	vperm.xlane v24, v42;
	v35 =	vld.idx.msk [tilespmem:v35+s24+$0x0], $0xffff  }
0x62: {  	v49 =	vld [tilespmem:s19+$0x70];
	v41 =	vor.u32 v6, v25;
	v28 =	vmul.f32 v36, v28  }
0x63: {  	v24 =	vshll.u32 v24, $0x7;
	v37 =	vld.idx.msk [tilespmem:v37+s24+$0x0], $0xffff  }
0x64: {  	v51 =	vld [tilespmem:s0+$0xFFFFFF80];
	v44 =	vor.u32 v7, v25;
	v31 =	vmul.f32 v38, v31;
	v28 =	vmul.f32 v34, v28  }
0x65: {  	v25 =	vor.u32 v8, v25;
	v45 =	vor.u32 v0, v24;
	v39 =	vld.idx.msk [tilespmem:v39+s24+$0x0], $0xffff  }
0x66: {  	v54 =	vld [tilespmem:s19+$0xFFFFFF80];
	v63 =	vmul.f32 v40, v35;
	v31 =	vmul.f32 v33, v31;
	v28 =	vadd.f32 $0.0e+00, v28  }
0x67: {  	v47 =	vor.u32 v1, v24;
	v41 =	vld.idx.msk [tilespmem:v41+s24+$0x0], $0xffff  }
0x68: {  	v55 =	vld [tilespmem:s0+$0xFFFFFF90];
	v50 =	vmul.f32 v43, v37;
	v28 =	vadd.f32 v31, v28;
	v31 =	vmul.f32 v32, v63  }
0x69: {  	v48 =	vor.u32 v2, v24;
	v60 =	vld.idx.msk [tilespmem:v44+s24+$0x0], $0xffff  }
0x6a: {  	v45 =	vld.idx.msk [tilespmem:v45+s24+$0x0], $0xffff;
	v30 =	vmul.f32 v30, v50;
	v28 =	vadd.f32 v31, v28;
	v31 =	vmul.f32 v59, v39  }
0x6b: {  	v52 =	vor.u32 v3, v24;
	v25 =	vld.idx.msk [tilespmem:v25+s24+$0x0], $0xffff  }
0x6c: {  	v53 =	vld.idx.msk [tilespmem:v47+s24+$0x0], $0xffff;
	v28 =	vadd.f32 v30, v28;
	v29 =	vmul.f32 v29, v31;
	v30 =	vmul.f32 v46, v41  }
0x6d: {  	v57 =	vld [tilespmem:s19+$0xFFFFFF90];
	v56 =	vor.u32 v4, v24  }
0x6e: {  	v31 =	vld.idx.msk [tilespmem:v48+s24+$0x0], $0xffff;
	v28 =	vadd.f32 v29, v28;
	v27 =	vmul.f32 v27, v30;
	v29 =	vmul.f32 v61, v60  }
0x6f: {  	v33 =	vmul.f32 v51, v45;
	v30 =	vld [tilespmem:s0+$0xFFFFFFA0]  }
0x70: {  	v25 =	vmul.f32 v62, v25;
	v59 =	vld.idx.msk [tilespmem:v52+s24+$0x0], $0xffff;
	v27 =	vadd.f32 v27, v28;
	v26 =	vmul.f32 v26, v29  }
0x71: {  	v58 =	vor.u32 v6, v24;
	v60 =	vmul.f32 v55, v53;
	v29 =	vld [tilespmem:s19+$0xFFFFFFA0];
	v28 =	vmul.f32 v54, v33  }
0x72: {  	v25 =	vmul.f32 v49, v25;
	v61 =	vld [tilespmem:s0+$0xFFFFFFB0];
	v27 =	vadd.f32 v26, v27  }
0x73: {  	v32 =	vmul.f32 v57, v60;
	v26 =	vld.idx.msk [tilespmem:v56+s24+$0x0], $0xffff;
	v62 =	vadd.f32 $0.0e+00, v28  }
0x74: {  	v31 =	vmul.f32 v30, v31;
	v30 =	vld [tilespmem:s19+$0xFFFFFFB0];
	v63 =	vadd.f32 v25, v27;
	v25 =	vor.u32 v7, v24  }
0x75: {  	v28 =	vld [tilespmem:s0+$0xFFFFFFC0]  }
0x76: {  	v32 =	vadd.f32 v32, v62;
	v27 =	vld.idx.msk [tilespmem:v58+s24+$0x0], $0xffff;
	v31 =	vmul.f32 v29, v31  }
0x77: {  	s2 =	simm.s32 $0x1CA00;
	v33 =	vmul.f32 v61, v59;
	v29 =	vld [tilespmem:s19+$0xFFFFFFC0]  }
0x78: {  	v24 =	vor.u32 v8, v24;
	[tilespmem:s2+$0x0] =	vst v63;
	v32 =	vadd.f32 v31, v32;
	v31 =	vld [tilespmem:s0+$0xFFFFFFD0]  }
.LBB2_3:
0x79: {  	v30 =	vmul.f32 v30, v33;
	v25 =	vld.idx.msk [tilespmem:v25+s24+$0x0], $0xffff;
	s15 =	smov.u32 s20;
	s20 =	sadd.s32 $0x2, s20  }
0x7a: {  	s16 =	sand.u32 $0xE, s20;
	s18 =	sand.u32 $0x70, s20;
	p0 =	slt.u32 s20, $0x4E;
	v26 =	vmul.f32 v28, v26;
	v28 =	vld [tilespmem:s19+$0xFFFFFFD0]  }
0x7b: {  	v33 =	vld [tilespmem:s18+$0x400];
	v34 =	vmov s16;
	v30 =	vadd.f32 v30, v32  }
0x7c: {  	v26 =	vmul.f32 v29, v26;
	v29 =	vld [tilespmem:s0+$0xFFFFFFE0]  }
0x7d: {  	v27 =	vmul.f32 v31, v27;
	v31 =	vld.idx.msk [tilespmem:v24+s24+$0x0], $0xffff  }
0x7e: {  	s15 =	sadd.s32 $0x3, s15;
	v24 =	vadd.f32 v26, v30;
	v26 =	vld [tilespmem:s19+$0xFFFFFFE0]  }
0x7f: {  	v30 =	vmov s15;
	v27 =	vmul.f32 v28, v27;
	v28 =	vld [tilespmem:s0+$0xFFFFFFF0]  }
0x80: {  	v32 =	vperm.xlane v33, v34;
	v30 =	vperm.xlane v33, v30;
	v33 =	vld [tilespmem:s19+$0xFFFFFFF0];
	s19 =	sadd.s32 $0x100, s19  }
0x81: {  	v34 =	vld [tilespmem:s19+$0x60];
	v27 =	vadd.f32 v27, v24;
	v29 =	vmul.f32 v29, v25  }
0x82: {  	v24 =	vshll.u32 v32, $0x7;
	v30 =	vshll.u32 v30, $0x7;
	v32 =	vld [tilespmem:s19+$0x50]  }
0x83: {  	v35 =	vor.u32 v0, v24;
	v36 =	vor.u32 v1, v24;
	v37 =	vor.u32 v0, v30;
	v38 =	vld [tilespmem:s19+$0x40]  }
0x84: {  	v39 =	vor.u32 v2, v24;
	v40 =	vor.u32 v3, v24;
	v41 =	vor.u32 v4, v24;
	v42 =	vld [tilespmem:s19+$0x30]  }
0x85: {  	v43 =	vor.u32 v6, v24;
	v25 =	vor.u32 v7, v24;
	v44 =	vor.u32 v1, v30;
	v45 =	vld [tilespmem:s19+$0x20]  }
0x86: {  	v24 =	vor.u32 v8, v24;
	v26 =	vmul.f32 v26, v29;
	v28 =	vmul.f32 v28, v31;
	v46 =	vld [tilespmem:s19+$0x10]  }
0x87: {  	v31 =	vor.u32 v2, v30;
	v29 =	vld [tilespmem:s19+$0x0]  }
0x88: {  	s0 =	sadd.s32 $0x100, s0;
	v26 =	vadd.f32 v26, v27;
	v27 =	vmul.f32 v33, v28;
	v37 =	vld.idx.msk [tilespmem:v37+s24+$0x0], $0xffff  }
0x89: {  	v33 =	vor.u32 v3, v30;
	v28 =	vld [tilespmem:s0+$0x0]  }
0x8a: {  	v26 =	vadd.f32 v27, v26;
	v44 =	vld.idx.msk [tilespmem:v44+s24+$0x0], $0xffff  }
0x8b: {  	v47 =	vor.u32 v4, v30;
	v27 =	vld [tilespmem:s0+$0x10]  }
0x8c: {  	v31 =	vld.idx.msk [tilespmem:v31+s24+$0x0], $0xffff;
	[tilespmem:s2+$0xFFFFFF80] =	vst v26  }
0x8d: {  	v48 =	vor.u32 v6, v30;
	v26 =	vld [tilespmem:s0+$0x20]  }
0x8e: {  	v28 =	vmul.f32 v28, v37;
	v33 =	vld.idx.msk [tilespmem:v33+s24+$0x0], $0xffff  }
0x8f: {  	v49 =	vor.u32 v7, v30;
	v37 =	vld [tilespmem:s0+$0x30]  }
0x90: {  	v28 =	vmul.f32 v29, v28;
	v27 =	vmul.f32 v27, v44;
	v29 =	vld.idx.msk [tilespmem:v47+s24+$0x0], $0xffff  }
0x91: {  	v30 =	vor.u32 v8, v30;
	v44 =	vld [tilespmem:s0+$0x40]  }
0x92: {  	v28 =	vadd.f32 $0.0e+00, v28;
	v27 =	vmul.f32 v46, v27;
	v26 =	vmul.f32 v26, v31;
	v31 =	vld.idx.msk [tilespmem:v48+s24+$0x0], $0xffff  }
0x93: {  	v46 =	vld [tilespmem:s0+$0x50]  }
0x94: {  	v27 =	vadd.f32 v27, v28;
	v26 =	vmul.f32 v45, v26;
	v28 =	vmul.f32 v37, v33;
	v33 =	vld.idx.msk [tilespmem:v49+s24+$0x0], $0xffff  }
0x95: {  	v37 =	vld [tilespmem:s0+$0x60]  }
0x96: {  	v26 =	vadd.f32 v26, v27;
	v27 =	vmul.f32 v42, v28;
	v28 =	vmul.f32 v44, v29;
	v29 =	vld.idx.msk [tilespmem:v30+s24+$0x0], $0xffff  }
0x97: {  	v30 =	vld [tilespmem:s0+$0x70]  }
0x98: {  	v35 =	vld.idx.msk [tilespmem:v35+s24+$0x0], $0xffff;
	v26 =	vadd.f32 v27, v26;
	v27 =	vmul.f32 v38, v28;
	v28 =	vmul.f32 v46, v31  }
0x99: {  	v31 =	vld [tilespmem:s19+$0x70]  }
0x9a: {  	v38 =	vld [tilespmem:s0+$0xFFFFFF80];
	v26 =	vadd.f32 v27, v26;
	v27 =	vmul.f32 v32, v28;
	v28 =	vmul.f32 v37, v33  }
0x9b: {  	v32 =	vld.idx.msk [tilespmem:v36+s24+$0x0], $0xffff  }
0x9c: {  	v33 =	vld [tilespmem:s19+$0xFFFFFF80];
	v26 =	vadd.f32 v27, v26;
	v27 =	vmul.f32 v34, v28;
	v28 =	vmul.f32 v30, v29  }
0x9d: {  	v29 =	vld [tilespmem:s0+$0xFFFFFF90]  }
0x9e: {  	v30 =	vld.idx.msk [tilespmem:v39+s24+$0x0], $0xffff;
	v26 =	vadd.f32 v27, v26;
	v27 =	vmul.f32 v31, v28  }
0x9f: {  	v28 =	vmul.f32 v38, v35;
	v31 =	vld [tilespmem:s19+$0xFFFFFF90]  }
0xa0: {  	v34 =	vld [tilespmem:s0+$0xFFFFFFA0];
	v26 =	vadd.f32 v27, v26  }
0xa1: {  	s2 =	sadd.s32 $0x100, s2;
	v27 =	vmul.f32 v33, v28;
	v33 =	vld.idx.msk [tilespmem:v40+s24+$0x0], $0xffff  }
0xa2: {  	v28 =	vmul.f32 v29, v32;
	v29 =	vld [tilespmem:s19+$0xFFFFFFA0];
	[tilespmem:s2+$0x0] =	vst v26  }
0xa3: {  	v27 =	vadd.f32 $0.0e+00, v27;
	v32 =	vld [tilespmem:s0+$0xFFFFFFB0]  }
0xa4: {  	v28 =	vmul.f32 v31, v28;
	v26 =	vld.idx.msk [tilespmem:v41+s24+$0x0], $0xffff  }
.Ltmp0:
0xa5: {  	v31 =	vmul.f32 v34, v30;
	v30 =	vld [tilespmem:s19+$0xFFFFFFB0];
	(pc) =	sbr.rel @p0 .LBB2_3-.Ltmp0, $4  }
0xa6: {  	v34 =	vadd.f32 v28, v27;
	v28 =	vld [tilespmem:s0+$0xFFFFFFC0]  }
0xa7: {  	v31 =	vmul.f32 v29, v31;
	v27 =	vld.idx.msk [tilespmem:v43+s24+$0x0], $0xffff  }
0xa8: {  	v33 =	vmul.f32 v32, v33;
	v29 =	vld [tilespmem:s19+$0xFFFFFFC0]  }
0xa9: {  	v32 =	vadd.f32 v31, v34;
	v31 =	vld [tilespmem:s0+$0xFFFFFFD0]  }
0xaa: {  	_ =	sdelay $0x3  }
0xab: {  	v25 =	vld.idx.msk [tilespmem:v25+s24+$0x0], $0xffff  }
0xac: {  	v34 =	vld [tilespmem:s19+$0xFFFFFFD0]  }
0xad: {  	v35 =	vld [tilespmem:s0+$0xFFFFFFE0]  }
0xae: {  	v24 =	vld.idx.msk [tilespmem:v24+s24+$0x0], $0xffff  }
0xaf: {  	v30 =	vmul.f32 v30, v33;
	v54 =	vld [tilespmem:s0+$0xFFFFFFF0];
	v26 =	vmul.f32 v28, v26  }
0xb0: {  	v28 =	vld [tilespmem:s19+$0xFFFFFFE0]  }
0xb1: {  	v30 =	vadd.f32 v30, v32;
	v26 =	vmul.f32 v29, v26;
	v27 =	vmul.f32 v31, v27  }
0xb2: {  	v29 =	vld [tilespmem:s19+$0xFFFFFFF0]  }
0xb3: {  	v26 =	vadd.f32 v26, v30;
	v25 =	vmul.f32 v35, v25;
	v27 =	vmul.f32 v34, v27;
	_ =	sdelay $0x1  }
0xb4: {  	v24 =	vmul.f32 v54, v24;
	v25 =	vmul.f32 v28, v25;
	v26 =	vadd.f32 v27, v26  }
0xb5: {  	s15 =	simm.s32 $0x0  }
0xb6: {  	v24 =	vmul.f32 v29, v24;
	v25 =	vadd.f32 v25, v26;
	v26 =	vor.u32 s15, v5;
	_ =	sdelay $0x1  }
0xb7: {  	v24 =	vadd.f32 v24, v25;
	v25 =	vor.u32 s15, v9;
	_ =	sdelay $0x1  }
0xb8: {  	[tilespmem:s2+$0xFFFFFF80] =	vst v24;
	v24 =	vor.u32 s15, v10  }
0xb9: {  	v26 =	vld.idx.msk [tilespmem:v26+s17+$0x0], $0xffff  }
0xba: {  	v27 =	vor.u32 s15, v11  }
0xbb: {  	v25 =	vld.idx.msk [tilespmem:v25+s17+$0x0], $0xffff  }
0xbc: {  	v28 =	vor.u32 s15, v12  }
0xbd: {  	v24 =	vld.idx.msk [tilespmem:v24+s17+$0x0], $0xffff  }
0xbe: {  	v29 =	vor.u32 s15, v13;
	v26 =	vadd.f32 $0.0e+00, v26  }
0xbf: {  	v27 =	vld.idx.msk [tilespmem:v27+s17+$0x0], $0xffff  }
0xc0: {  	v30 =	vor.u32 s15, v14;
	v25 =	vadd.f32 v25, v26  }
0xc1: {  	v26 =	vld.idx.msk [tilespmem:v28+s17+$0x0], $0xffff  }
0xc2: {  	v28 =	vor.u32 s15, v15;
	v24 =	vadd.f32 v24, v25  }
0xc3: {  	v25 =	vld.idx.msk [tilespmem:v29+s17+$0x0], $0xffff  }
0xc4: {  	v29 =	vor.u32 s15, v16;
	v24 =	vadd.f32 v27, v24  }
0xc5: {  	v27 =	vld.idx.msk [tilespmem:v30+s17+$0x0], $0xffff  }
0xc6: {  	v30 =	vor.u32 s15, v17;
	v24 =	vadd.f32 v26, v24  }
0xc7: {  	v26 =	vld.idx.msk [tilespmem:v28+s17+$0x0], $0xffff  }
0xc8: {  	v28 =	vor.u32 s15, v18;
	v24 =	vadd.f32 v25, v24  }
0xc9: {  	v25 =	vld.idx.msk [tilespmem:v29+s17+$0x0], $0xffff  }
0xca: {  	v29 =	vor.u32 s15, v19;
	v24 =	vadd.f32 v27, v24  }
0xcb: {  	v27 =	vld.idx.msk [tilespmem:v30+s17+$0x0], $0xffff  }
0xcc: {  	s19 =	simm.s32 $0x800;
	v30 =	vor.u32 s15, v20;
	v24 =	vadd.f32 v26, v24  }
0xcd: {  	v28 =	vld.idx.msk [tilespmem:v28+s17+$0x0], $0xffff;
	v26 =	vor.u32 s19, v5  }
0xce: {  	v31 =	vor.u32 s15, v21;
	v24 =	vadd.f32 v25, v24  }
0xcf: {  	v29 =	vld.idx.msk [tilespmem:v29+s17+$0x0], $0xffff;
	v25 =	vor.u32 s19, v9  }
0xd0: {  	v55 =	vor.u32 s15, v22;
	v24 =	vadd.f32 v27, v24  }
0xd1: {  	v30 =	vld.idx.msk [tilespmem:v30+s17+$0x0], $0xffff;
	v27 =	vor.u32 s19, v10  }
0xd2: {  	v56 =	vor.u32 s15, v23;
	v26 =	vld.idx.msk [tilespmem:v26+s17+$0x0], $0xffff;
	v24 =	vadd.f32 v28, v24  }
0xd3: {  	v31 =	vld.idx.msk [tilespmem:v31+s17+$0x0], $0xffff;
	v28 =	vor.u32 s19, v11  }
0xd4: {  	v25 =	vld.idx.msk [tilespmem:v25+s17+$0x0], $0xffff;
	v24 =	vadd.f32 v29, v24  }
0xd5: {  	v32 =	vld.idx.msk [tilespmem:v55+s17+$0x0], $0xffff;
	v29 =	vor.u32 s19, v12  }
0xd6: {  	v27 =	vld.idx.msk [tilespmem:v27+s17+$0x0], $0xffff;
	v24 =	vadd.f32 v30, v24  }
0xd7: {  	v33 =	vld.idx.msk [tilespmem:v56+s17+$0x0], $0xffff;
	v30 =	vor.u32 s19, v13;
	v26 =	vadd.f32 $0.0e+00, v26  }
0xd8: {  	v28 =	vld.idx.msk [tilespmem:v28+s17+$0x0], $0xffff;
	v24 =	vadd.f32 v31, v24  }
0xd9: {  	v31 =	vor.u32 s19, v14;
	v25 =	vadd.f32 v25, v26  }
0xda: {  	v26 =	vld.idx.msk [tilespmem:v29+s17+$0x0], $0xffff;
	v24 =	vadd.f32 v32, v24  }
0xdb: {  	v29 =	vor.u32 s19, v15;
	v25 =	vadd.f32 v27, v25  }
0xdc: {  	v27 =	vld.idx.msk [tilespmem:v30+s17+$0x0], $0xffff;
	v24 =	vadd.f32 v33, v24  }
0xdd: {  	v30 =	vor.u32 s19, v16;
	v25 =	vadd.f32 v28, v25  }
0xde: {  	v28 =	vld.idx.msk [tilespmem:v31+s17+$0x0], $0xffff;
	v24 =	vsub.f32 $0.0e+00, v24  }
0xdf: {  	v31 =	vor.u32 s19, v17;
	v25 =	vadd.f32 v26, v25  }
0xe0: {  	v26 =	vld.idx.msk [tilespmem:v29+s17+$0x0], $0xffff;
	v24 =	vmul.f32 $1.442695020e+00, v24  }
0xe1: {  	v29 =	vor.u32 s19, v18;
	v25 =	vadd.f32 v27, v25  }
0xe2: {  	v27 =	vld.idx.msk [tilespmem:v30+s17+$0x0], $0xffff;
	(erf) = vpow2.f32 v24  }
0xe3: {  	v24 =	vor.u32 s19, v19;
	v25 =	vadd.f32 v28, v25  }
0xe4: {  	s20 =	simm.s32 $0x1000;
	v28 =	vor.u32 s19, v20;
	v30 =	vld.idx.msk [tilespmem:v31+s17+$0x0], $0xffff  }
0xe5: {  	v31 =	vor.u32 s20, v5;
	v25 =	vadd.f32 v26, v25  }
0xe6: {  	v57 =	vor.u32 s20, v9;
	v29 =	vld.idx.msk [tilespmem:v29+s17+$0x0], $0xffff  }
0xe7: {  	v26 =	vor.u32 s19, v21;
	v25 =	vadd.f32 v27, v25  }
0xe8: {  	v27 =	vor.u32 s19, v22;
	v24 =	vld.idx.msk [tilespmem:v24+s17+$0x0], $0xffff  }
0xe9: {  	v58 =	vor.u32 s20, v10;
	v28 =	vld.idx.msk [tilespmem:v28+s17+$0x0], $0xffff;
	v25 =	vadd.f32 v30, v25  }
0xea: {  	v31 =	vld.idx.msk [tilespmem:v31+s17+$0x0], $0xffff;
	v30 =	vor.u32 s19, v23  }
0xeb: {  	v59 =	vor.u32 s20, v11;
	v32 =	vld.idx.msk [tilespmem:v57+s17+$0x0], $0xffff;
	v25 =	vadd.f32 v29, v25;
	v29 =	vpop (erf)  }
0xec: {  	v26 =	vld.idx.msk [tilespmem:v26+s17+$0x0], $0xffff;
	v29 =	vadd.f32 $1.000000000e+00, v29  }
0xed: {  	v60 =	vor.u32 s20, v12;
	v27 =	vld.idx.msk [tilespmem:v27+s17+$0x0], $0xffff;
	v24 =	vadd.f32 v24, v25  }
0xee: {  	v25 =	vld.idx.msk [tilespmem:v58+s17+$0x0], $0xffff;
	(erf) = vrcp.f32 v29  }
0xef: {  	v36 =	vor.u32 s20, v13;
	v61 =	vld.idx.msk [tilespmem:v30+s17+$0x0], $0xffff;
	v30 =	vadd.f32 $0.0e+00, v31;
	v24 =	vadd.f32 v28, v24  }
0xf0: {  	v38 =	vor.u32 s20, v14;
	v37 =	vld.idx.msk [tilespmem:v59+s17+$0x0], $0xffff  }
0xf1: {  	v29 =	vor.u32 s20, v16;
	v28 =	vadd.f32 v32, v30;
	v24 =	vadd.f32 v26, v24  }
0xf2: {  	v62 =	vor.u32 s20, v15;
	v39 =	vld.idx.msk [tilespmem:v60+s17+$0x0], $0xffff  }
0xf3: {  	v25 =	vadd.f32 v25, v28;
	v24 =	vadd.f32 v27, v24  }
0xf4: {  	v34 =	vld.idx.msk [tilespmem:v36+s17+$0x0], $0xffff;
	v30 =	vor.u32 s20, v17;
	v26 =	vor.u32 s20, v19  }
0xf5: {  	v35 =	vld.idx.msk [tilespmem:v38+s17+$0x0], $0xffff;
	v28 =	vor.u32 s20, v18;
	v63 =	vadd.f32 v37, v25;
	v40 =	vadd.f32 v61, v24  }
0xf6: {  	v27 =	vor.u32 s20, v20;
	v31 =	vld.idx.msk [tilespmem:v29+s17+$0x0], $0xffff;
	v25 =	vor.u32 s20, v21;
	v29 =	vor.u32 s20, v22  }
0xf7: {  	s0 =	smov.u32 s21;
	s2 =	simm.s32 $0x3;
	v33 =	vld.idx.msk [tilespmem:v62+s17+$0x0], $0xffff;
	v24 =	vor.u32 s20, v23;
	v37 =	vadd.f32 v39, v63;
	v36 =	vsub.f32 $0.0e+00, v40;
	v32 =	vpop (erf)  }
.LBB2_5:
0xf8: {  	p0 =	sne.s32 s2, $0x4  }
0xf9: {  	v34 =	vadd.f32 v34, v37;
	v36 =	vmul.f32 $1.442695020e+00, v36;
	[tilespmem:s0+$0x0] =	vst v32;
	s0 =	sadd.s32 $0x10, s0;
	s15 =	smov.u32 s2;
	s2 =	sadd.s32 $0x1, s2  }
0xfa: {  	_ = 	snop  }
0xfb: {  	s15 =	sshll.u32 s15, $0xB;
	v32 =	vadd.f32 v35, v34;
	v34 =	vld.idx.msk [tilespmem:v30+s17+$0x0], $0xffff;
	(erf) = vpow2.f32 v36  }
0xfc: {  	v35 =	vor.u32 s15, v5;
	v36 =	vor.u32 s15, v9;
	v37 =	vor.u32 s15, v10  }
0xfd: {  	v38 =	vor.u32 s15, v11;
	v39 =	vor.u32 s15, v12;
	v32 =	vadd.f32 v33, v32;
	v33 =	vld.idx.msk [tilespmem:v28+s17+$0x0], $0xffff  }
0xfe: {  	v40 =	vor.u32 s15, v13;
	v41 =	vor.u32 s15, v14;
	v42 =	vor.u32 s15, v15;
	v43 =	vld.idx.msk [tilespmem:v29+s17+$0x0], $0xffff  }
0xff: {  	v44 =	vor.u32 s15, v16;
	v30 =	vor.u32 s15, v17;
	v31 =	vadd.f32 v31, v32;
	v32 =	vld.idx.msk [tilespmem:v26+s17+$0x0], $0xffff  }
0x100: {  	v28 =	vor.u32 s15, v18;
	v26 =	vor.u32 s15, v19;
	v45 =	vld.idx.msk [tilespmem:v27+s17+$0x0], $0xffff;
	v27 =	vor.u32 s15, v20  }
0x101: {  	v46 =	vor.u32 s15, v21;
	v29 =	vor.u32 s15, v22;
	v35 =	vld.idx.msk [tilespmem:v35+s17+$0x0], $0xffff;
	v31 =	vadd.f32 v34, v31  }
0x102: {  	v34 =	vor.u32 s15, v23;
	v47 =	vld.idx.msk [tilespmem:v25+s17+$0x0], $0xffff;
	v25 =	vmov v46  }
0x103: {  	v36 =	vld.idx.msk [tilespmem:v36+s17+$0x0], $0xffff;
	v33 =	vadd.f32 v33, v31  }
0x104: {  	v31 =	vld.idx.msk [tilespmem:v44+s17+$0x0], $0xffff;
	v44 =	vpop (erf)  }
0x105: {  	v37 =	vld.idx.msk [tilespmem:v37+s17+$0x0], $0xffff;
	v32 =	vadd.f32 v32, v33;
	v33 =	vadd.f32 $1.000000000e+00, v44  }
0x106: {  	v44 =	vld.idx.msk [tilespmem:v24+s17+$0x0], $0xffff;
	v24 =	vmov v34  }
0x107: {  	v34 =	vadd.f32 $0.0e+00, v35;
	v35 =	vld.idx.msk [tilespmem:v38+s17+$0x0], $0xffff;
	v32 =	vadd.f32 v45, v32;
	(erf) = vrcp.f32 v33;
	_ =	sdelay $0x1  }
0x108: {  	v33 =	vadd.f32 v36, v34;
	v36 =	vld.idx.msk [tilespmem:v39+s17+$0x0], $0xffff;
	v32 =	vadd.f32 v47, v32;
	_ =	sdelay $0x1  }
0x109: {  	v33 =	vadd.f32 v37, v33;
	v34 =	vld.idx.msk [tilespmem:v40+s17+$0x0], $0xffff;
	v32 =	vadd.f32 v43, v32  }
.Ltmp1:
0x10a: {  	(pc) =	sbr.rel @p0 .LBB2_5-.Ltmp1, $3  }
0x10b: {  	v33 =	vadd.f32 v35, v33;
	v35 =	vld.idx.msk [tilespmem:v41+s17+$0x0], $0xffff;
	v38 =	vadd.f32 v44, v32;
	_ =	sdelay $0x1  }
0x10c: {  	v37 =	vadd.f32 v36, v33;
	v33 =	vld.idx.msk [tilespmem:v42+s17+$0x0], $0xffff;
	v36 =	vsub.f32 $0.0e+00, v38  }
0x10d: {  	v32 =	vpop (erf)  }
0x10e: {  	_ = 	snop  }
0x10f: {  	v34 =	vadd.f32 v34, v37;
	_ =	sdelay $0x1  }
0x110: {  	v34 =	vadd.f32 v35, v34  }
0x111: {  	v30 =	vld.idx.msk [tilespmem:v30+s17+$0x0], $0xffff  }
0x112: {  	v33 =	vadd.f32 v33, v34  }
0x113: {  	v28 =	vld.idx.msk [tilespmem:v28+s17+$0x0], $0xffff  }
0x114: {  	v31 =	vadd.f32 v31, v33  }
0x115: {  	v26 =	vld.idx.msk [tilespmem:v26+s17+$0x0], $0xffff  }
0x116: {  	v30 =	vadd.f32 v30, v31  }
0x117: {  	v27 =	vld.idx.msk [tilespmem:v27+s17+$0x0], $0xffff  }
0x118: {  	v28 =	vadd.f32 v28, v30  }
0x119: {  	v25 =	vld.idx.msk [tilespmem:v25+s17+$0x0], $0xffff;
	v30 =	vmul.f32 $1.442695020e+00, v36  }
0x11a: {  	v26 =	vadd.f32 v26, v28  }
0x11b: {  	(erf) = vpow2.f32 v30;
	v28 =	vld.idx.msk [tilespmem:v29+s17+$0x0], $0xffff  }
0x11c: {  	v26 =	vadd.f32 v27, v26  }
0x11d: {  	v24 =	vld.idx.msk [tilespmem:v24+s17+$0x0], $0xffff  }
0x11e: {  	v25 =	vadd.f32 v25, v26;
	_ =	sdelay $0x1  }
0x11f: {  	v25 =	vadd.f32 v28, v25;
	_ =	sdelay $0x1  }
0x120: {  	v24 =	vadd.f32 v24, v25;
	_ =	sdelay $0x1  }
0x121: {  	v25 =	vpop (erf);
	v24 =	vsub.f32 $0.0e+00, v24  }
0x122: {  	v25 =	vadd.f32 $1.000000000e+00, v25  }
0x123: {  	v24 =	vmul.f32 $1.442695020e+00, v24  }
0x124: {  	(erf) = vrcp.f32 v25  }
0x125: {  	(erf) = vpow2.f32 v24;
	_ =	sdelay $0x7  }
0x126: {  	v24 =	vpop (erf)  }
0x127: {  	v25 =	vpop (erf)  }
0x128: {  	v25 =	vadd.f32 $1.000000000e+00, v25;
	_ =	sdelay $0x1  }
0x129: {  	(erf) = vrcp.f32 v25;
	_ =	sdelay $0x4  }
0x12a: {  	s2 =	sshllo.u32 s5, $0x2  }
0x12b: {  	[tilespmem:s0+$0x0] =	vst v32;
	s2 =	smul.u32 $0x50, s2  }
0x12c: {  	s15 =	rddreg [dreg:$0x5]  }
0x12d: {  	s20 =	sadd.s32 $0x10, s0;
	s2 =	sadd.s32 s15, s2  }
0x12e: {  	s0 =	sadd.s32 $0x10, s20;
	s2 =	sshrl.u32 s2, $0x3;
	[tilespmem:s20+$0x0] =	vst v24;
	v24 =	vpop (erf)  }
0x12f: {  	s18 =	simm.s32 $0x180;
	s16 =	sadd.s32 s8, s2;
	[tilespmem:s0+$0x0] =	vst v24  }
0x130: {  	[tilespmem:s18], [sflag:$0x6] =	stream.linear.gather [hbm4b:s16+s4], $0x50, $0x38;
	[tilespmem:$0x1F180] =	vst v63  }
0x131: {  	s19 =	sadd.s32 s9, s2;
	s20 =	simm.s32 $0x380  }
0x132: {  	[tilespmem:s20], [sflag:$0x6] =	stream.linear.gather [hbm4b:s19+s4], $0x50, $0x38;
	[tilespmem:$0x1F180] =	vst v63  }
0x133: {  	s15 =	simm.s32 $0x580;
	s2 =	sadd.s32 s3, s2  }
0x134: {  	[tilespmem:s15], [sflag:$0x6] =	stream.linear.gather [hbm4b:s2+s4], $0x50, $0x38;
	[tilespmem:$0x1F180] =	vst v63  }
0x135: {  	_ =	swait.ge [sflag:s25], $0x2800  }
0x136: {  	[sflag:s25] =	ssyncset.done $0x0  }
0x137: {  	[sflag:s25] =	ssyncadd.s32 $0xFFFFD800  }
0x138: {  	_ =	swait.ge [sflag:s25], $0x2800  }
0x139: {  	[sflag:s25] =	ssyncset.done $0x0  }
0x13a: {  	[sflag:s25] =	ssyncadd.s32 $0xFFFFD800  }
0x13b: {  	_ =	swait.ge [sflag:s1], $0x50  }
0x13c: {  	[sflag:s1] =	ssyncset.done $0x0  }
0x13d: {  	[sflag:s1] =	ssyncadd.s32 $0xFFFFFFB0  }
0x13e: {  	_ =	swait.ge [sflag:s1], $0x50  }
0x13f: {  	[sflag:s1] =	ssyncset.done $0x0  }
0x140: {  	[sflag:s1] =	ssyncadd.s32 $0xFFFFFFB0  }
0x141: {  	_ =	swait.ge [sflag:s1], $0x50  }
0x142: {  	[sflag:s1] =	ssyncset.done $0x0  }
0x143: {  	s20 =	simm.s32 $0x0;
	[sflag:s1] =	ssyncadd.s32 $0xFFFFFFB0  }
0x144: {  	[tilespmem:s11], [sflag:$0x1] =	stream.indirect.gather [hbm4b:s6+s10], $0x80, s22, s10, $0xb8;
	[tilespmem:$0x1F180] =	vst v63  }
0x145: {  	s16 =	simm.s32 $0x300;
	s19 =	simm.s32 $0x1;
	s18 =	sand.u32 $0x70, s20  }
0x146: {  	[tilespmem:s12], [sflag:$0x1] =	stream.indirect.gather [hbm4b:s7+s10], $0x80, s16, s10, $0xb8;
	[tilespmem:$0x1F180] =	vst v63  }
0x147: {  	v25 =	vmov s19;
	s19 =	simm.s32 $0x7E80;
	v24 =	vld [tilespmem:s18+$0x480]  }
0x148: {  	v26 =	vld [tilespmem:s19+$0x60]  }
0x149: {  	v27 =	vld [tilespmem:s19+$0x50]  }
0x14a: {  	v29 =	vld [tilespmem:s19+$0x40]  }
0x14b: {  	v30 =	vld [tilespmem:s19+$0x30]  }
0x14c: {  	v53 =	vld [tilespmem:s19+$0x20]  }
0x14d: {  	v54 =	vld [tilespmem:s19+$0x10];
	v25 =	vperm.xlane v24, v25  }
0x14e: {  	s0 =	simm.s32 $0x2E80;
	v55 =	vld [tilespmem:s19+$0x0]  }
0x14f: {  	v57 =	vld [tilespmem:s0+$0x0];
	v25 =	vshll.u32 v25, $0x7  }
0x150: {  	v38 =	vld [tilespmem:s0+$0x10];
	v28 =	vor.u32 v0, v25  }
0x151: {  	v40 =	vld [tilespmem:s0+$0x20]  }
0x152: {  	v43 =	vld [tilespmem:s0+$0x30];
	v31 =	vor.u32 v1, v25  }
0x153: {  	v59 =	vld [tilespmem:s0+$0x40]  }
0x154: {  	v46 =	vld [tilespmem:s0+$0x50];
	v56 =	vor.u32 v2, v25  }
0x155: {  	v28 =	vld.idx.msk [tilespmem:v28+s24+$0x0], $0xffff  }
0x156: {  	v61 =	vld [tilespmem:s0+$0x60];
	v58 =	vor.u32 v3, v25  }
0x157: {  	s22 =	sand.u32 $0xE, s20;
	v31 =	vld.idx.msk [tilespmem:v31+s24+$0x0], $0xffff  }
0x158: {  	v42 =	vmov s22;
	v62 =	vld [tilespmem:s0+$0x70];
	v39 =	vor.u32 v4, v25  }
0x159: {  	v24 =	vperm.xlane v24, v42;
	v41 =	vor.u32 v6, v25;
	v35 =	vld.idx.msk [tilespmem:v56+s24+$0x0], $0xffff  }
0x15a: {  	v49 =	vld [tilespmem:s19+$0x70];
	v44 =	vor.u32 v7, v25;
	v28 =	vmul.f32 v57, v28  }
0x15b: {  	v24 =	vshll.u32 v24, $0x7;
	v25 =	vor.u32 v8, v25;
	v37 =	vld.idx.msk [tilespmem:v58+s24+$0x0], $0xffff  }
0x15c: {  	v51 =	vld [tilespmem:s0+$0xFFFFFF80];
	v45 =	vor.u32 v0, v24;
	v31 =	vmul.f32 v38, v31;
	v28 =	vmul.f32 v55, v28  }
0x15d: {  	v39 =	vld.idx.msk [tilespmem:v39+s24+$0x0], $0xffff  }
0x15e: {  	v41 =	vld.idx.msk [tilespmem:v41+s24+$0x0], $0xffff;
	v63 =	vmul.f32 v40, v35;
	v31 =	vmul.f32 v54, v31;
	v28 =	vadd.f32 $0.0e+00, v28  }
0x15f: {  	v47 =	vor.u32 v1, v24;
	v60 =	vld.idx.msk [tilespmem:v44+s24+$0x0], $0xffff  }
0x160: {  	v25 =	vld.idx.msk [tilespmem:v25+s24+$0x0], $0xffff;
	v50 =	vmul.f32 v43, v37;
	v28 =	vadd.f32 v31, v28;
	v31 =	vmul.f32 v53, v63  }
0x161: {  	v48 =	vor.u32 v2, v24;
	v45 =	vld.idx.msk [tilespmem:v45+s24+$0x0], $0xffff  }
0x162: {  	v30 =	vmul.f32 v30, v50;
	v54 =	vld [tilespmem:s19+$0xFFFFFF80];
	v28 =	vadd.f32 v31, v28;
	v31 =	vmul.f32 v59, v39  }
0x163: {  	v52 =	vor.u32 v3, v24;
	v55 =	vld [tilespmem:s0+$0xFFFFFF90]  }
0x164: {  	v53 =	vld.idx.msk [tilespmem:v47+s24+$0x0], $0xffff;
	v28 =	vadd.f32 v30, v28;
	v29 =	vmul.f32 v29, v31;
	v30 =	vmul.f32 v46, v41  }
0x165: {  	v56 =	vor.u32 v4, v24;
	v57 =	vld [tilespmem:s19+$0xFFFFFF90]  }
0x166: {  	v31 =	vld.idx.msk [tilespmem:v48+s24+$0x0], $0xffff;
	v28 =	vadd.f32 v29, v28;
	v27 =	vmul.f32 v27, v30;
	v29 =	vmul.f32 v61, v60  }
0x167: {  	v33 =	vmul.f32 v51, v45;
	v30 =	vld [tilespmem:s0+$0xFFFFFFA0]  }
0x168: {  	v25 =	vmul.f32 v62, v25;
	v59 =	vld.idx.msk [tilespmem:v52+s24+$0x0], $0xffff;
	v27 =	vadd.f32 v27, v28;
	v26 =	vmul.f32 v26, v29  }
0x169: {  	v58 =	vor.u32 v6, v24;
	v60 =	vmul.f32 v55, v53;
	v29 =	vld [tilespmem:s19+$0xFFFFFFA0];
	v28 =	vmul.f32 v54, v33  }
0x16a: {  	v25 =	vmul.f32 v49, v25;
	v61 =	vld [tilespmem:s0+$0xFFFFFFB0];
	v27 =	vadd.f32 v26, v27  }
0x16b: {  	v32 =	vmul.f32 v57, v60;
	v26 =	vld.idx.msk [tilespmem:v56+s24+$0x0], $0xffff;
	v62 =	vadd.f32 $0.0e+00, v28  }
0x16c: {  	v31 =	vmul.f32 v30, v31;
	v30 =	vld [tilespmem:s19+$0xFFFFFFB0];
	v63 =	vadd.f32 v25, v27;
	v25 =	vor.u32 v7, v24  }
0x16d: {  	v28 =	vld [tilespmem:s0+$0xFFFFFFC0]  }
0x16e: {  	v32 =	vadd.f32 v32, v62;
	v27 =	vld.idx.msk [tilespmem:v58+s24+$0x0], $0xffff;
	v31 =	vmul.f32 v29, v31  }
0x16f: {  	s2 =	simm.s32 $0x1CA00;
	v33 =	vmul.f32 v61, v59;
	v29 =	vld [tilespmem:s19+$0xFFFFFFC0]  }
0x170: {  	v24 =	vor.u32 v8, v24;
	[tilespmem:s2+$0x0] =	vst v63;
	v32 =	vadd.f32 v31, v32;
	v31 =	vld [tilespmem:s0+$0xFFFFFFD0]  }
.LBB2_7:
0x171: {  	v30 =	vmul.f32 v30, v33;
	v25 =	vld.idx.msk [tilespmem:v25+s24+$0x0], $0xffff;
	s15 =	smov.u32 s20;
	s20 =	sadd.s32 $0x2, s20  }
0x172: {  	s16 =	sand.u32 $0xE, s20;
	s18 =	sand.u32 $0x70, s20;
	p0 =	slt.u32 s20, $0x4E;
	v26 =	vmul.f32 v28, v26;
	v28 =	vld [tilespmem:s19+$0xFFFFFFD0]  }
0x173: {  	v33 =	vld [tilespmem:s18+$0x480];
	v34 =	vmov s16;
	v30 =	vadd.f32 v30, v32  }
0x174: {  	v26 =	vmul.f32 v29, v26;
	v29 =	vld [tilespmem:s0+$0xFFFFFFE0]  }
0x175: {  	v27 =	vmul.f32 v31, v27;
	v31 =	vld.idx.msk [tilespmem:v24+s24+$0x0], $0xffff  }
0x176: {  	s15 =	sadd.s32 $0x3, s15;
	v24 =	vadd.f32 v26, v30;
	v26 =	vld [tilespmem:s19+$0xFFFFFFE0]  }
0x177: {  	v30 =	vmov s15;
	v27 =	vmul.f32 v28, v27;
	v28 =	vld [tilespmem:s0+$0xFFFFFFF0]  }
0x178: {  	v32 =	vperm.xlane v33, v34;
	v30 =	vperm.xlane v33, v30;
	v33 =	vld [tilespmem:s19+$0xFFFFFFF0];
	s19 =	sadd.s32 $0x100, s19  }
0x179: {  	v34 =	vld [tilespmem:s19+$0x60];
	v27 =	vadd.f32 v27, v24;
	v29 =	vmul.f32 v29, v25  }
0x17a: {  	v24 =	vshll.u32 v32, $0x7;
	v30 =	vshll.u32 v30, $0x7;
	v32 =	vld [tilespmem:s19+$0x50]  }
0x17b: {  	v35 =	vor.u32 v0, v24;
	v36 =	vor.u32 v1, v24;
	v37 =	vor.u32 v0, v30;
	v38 =	vld [tilespmem:s19+$0x40]  }
0x17c: {  	v39 =	vor.u32 v2, v24;
	v40 =	vor.u32 v3, v24;
	v41 =	vor.u32 v4, v24;
	v42 =	vld [tilespmem:s19+$0x30]  }
0x17d: {  	v43 =	vor.u32 v6, v24;
	v25 =	vor.u32 v7, v24;
	v44 =	vor.u32 v1, v30;
	v45 =	vld [tilespmem:s19+$0x20]  }
0x17e: {  	v24 =	vor.u32 v8, v24;
	v26 =	vmul.f32 v26, v29;
	v28 =	vmul.f32 v28, v31;
	v46 =	vld [tilespmem:s19+$0x10]  }
0x17f: {  	v31 =	vor.u32 v2, v30;
	v29 =	vld [tilespmem:s19+$0x0]  }
0x180: {  	s0 =	sadd.s32 $0x100, s0;
	v26 =	vadd.f32 v26, v27;
	v27 =	vmul.f32 v33, v28;
	v37 =	vld.idx.msk [tilespmem:v37+s24+$0x0], $0xffff  }
0x181: {  	v33 =	vor.u32 v3, v30;
	v28 =	vld [tilespmem:s0+$0x0]  }
0x182: {  	v26 =	vadd.f32 v27, v26;
	v44 =	vld.idx.msk [tilespmem:v44+s24+$0x0], $0xffff  }
0x183: {  	v47 =	vor.u32 v4, v30;
	v27 =	vld [tilespmem:s0+$0x10]  }
0x184: {  	v31 =	vld.idx.msk [tilespmem:v31+s24+$0x0], $0xffff;
	[tilespmem:s2+$0xFFFFFF80] =	vst v26  }
0x185: {  	v48 =	vor.u32 v6, v30;
	v26 =	vld [tilespmem:s0+$0x20]  }
0x186: {  	v28 =	vmul.f32 v28, v37;
	v33 =	vld.idx.msk [tilespmem:v33+s24+$0x0], $0xffff  }
0x187: {  	v49 =	vor.u32 v7, v30;
	v37 =	vld [tilespmem:s0+$0x30]  }
0x188: {  	v28 =	vmul.f32 v29, v28;
	v27 =	vmul.f32 v27, v44;
	v29 =	vld.idx.msk [tilespmem:v47+s24+$0x0], $0xffff  }
0x189: {  	v30 =	vor.u32 v8, v30;
	v44 =	vld [tilespmem:s0+$0x40]  }
0x18a: {  	v28 =	vadd.f32 $0.0e+00, v28;
	v27 =	vmul.f32 v46, v27;
	v26 =	vmul.f32 v26, v31;
	v31 =	vld.idx.msk [tilespmem:v48+s24+$0x0], $0xffff  }
0x18b: {  	v46 =	vld [tilespmem:s0+$0x50]  }
0x18c: {  	v27 =	vadd.f32 v27, v28;
	v26 =	vmul.f32 v45, v26;
	v28 =	vmul.f32 v37, v33;
	v33 =	vld.idx.msk [tilespmem:v49+s24+$0x0], $0xffff  }
0x18d: {  	v37 =	vld [tilespmem:s0+$0x60]  }
0x18e: {  	v26 =	vadd.f32 v26, v27;
	v27 =	vmul.f32 v42, v28;
	v28 =	vmul.f32 v44, v29;
	v29 =	vld.idx.msk [tilespmem:v30+s24+$0x0], $0xffff  }
0x18f: {  	v30 =	vld [tilespmem:s0+$0x70]  }
0x190: {  	v35 =	vld.idx.msk [tilespmem:v35+s24+$0x0], $0xffff;
	v26 =	vadd.f32 v27, v26;
	v27 =	vmul.f32 v38, v28;
	v28 =	vmul.f32 v46, v31  }
0x191: {  	v31 =	vld [tilespmem:s19+$0x70]  }
0x192: {  	v38 =	vld [tilespmem:s0+$0xFFFFFF80];
	v26 =	vadd.f32 v27, v26;
	v27 =	vmul.f32 v32, v28;
	v28 =	vmul.f32 v37, v33  }
0x193: {  	v32 =	vld.idx.msk [tilespmem:v36+s24+$0x0], $0xffff  }
0x194: {  	v33 =	vld [tilespmem:s19+$0xFFFFFF80];
	v26 =	vadd.f32 v27, v26;
	v27 =	vmul.f32 v34, v28;
	v28 =	vmul.f32 v30, v29  }
0x195: {  	v29 =	vld [tilespmem:s0+$0xFFFFFF90]  }
0x196: {  	v30 =	vld.idx.msk [tilespmem:v39+s24+$0x0], $0xffff;
	v26 =	vadd.f32 v27, v26;
	v27 =	vmul.f32 v31, v28  }
0x197: {  	v28 =	vmul.f32 v38, v35;
	v31 =	vld [tilespmem:s19+$0xFFFFFF90]  }
0x198: {  	v34 =	vld [tilespmem:s0+$0xFFFFFFA0];
	v26 =	vadd.f32 v27, v26  }
0x199: {  	s2 =	sadd.s32 $0x100, s2;
	v27 =	vmul.f32 v33, v28;
	v33 =	vld.idx.msk [tilespmem:v40+s24+$0x0], $0xffff  }
0x19a: {  	v28 =	vmul.f32 v29, v32;
	v29 =	vld [tilespmem:s19+$0xFFFFFFA0];
	[tilespmem:s2+$0x0] =	vst v26  }
0x19b: {  	v27 =	vadd.f32 $0.0e+00, v27;
	v32 =	vld [tilespmem:s0+$0xFFFFFFB0]  }
0x19c: {  	v28 =	vmul.f32 v31, v28;
	v26 =	vld.idx.msk [tilespmem:v41+s24+$0x0], $0xffff  }
.Ltmp2:
0x19d: {  	v31 =	vmul.f32 v34, v30;
	v30 =	vld [tilespmem:s19+$0xFFFFFFB0];
	(pc) =	sbr.rel @p0 .LBB2_7-.Ltmp2, $4  }
0x19e: {  	v34 =	vadd.f32 v28, v27;
	v28 =	vld [tilespmem:s0+$0xFFFFFFC0]  }
0x19f: {  	v31 =	vmul.f32 v29, v31;
	v27 =	vld.idx.msk [tilespmem:v43+s24+$0x0], $0xffff  }
0x1a0: {  	v33 =	vmul.f32 v32, v33;
	v29 =	vld [tilespmem:s19+$0xFFFFFFC0]  }
0x1a1: {  	v32 =	vadd.f32 v31, v34;
	v31 =	vld [tilespmem:s0+$0xFFFFFFD0]  }
0x1a2: {  	_ =	sdelay $0x3  }
0x1a3: {  	v25 =	vld.idx.msk [tilespmem:v25+s24+$0x0], $0xffff  }
0x1a4: {  	v34 =	vld [tilespmem:s19+$0xFFFFFFD0]  }
0x1a5: {  	v35 =	vld [tilespmem:s0+$0xFFFFFFE0]  }
0x1a6: {  	v24 =	vld.idx.msk [tilespmem:v24+s24+$0x0], $0xffff  }
0x1a7: {  	v30 =	vmul.f32 v30, v33;
	v54 =	vld [tilespmem:s0+$0xFFFFFFF0];
	v26 =	vmul.f32 v28, v26  }
0x1a8: {  	v28 =	vld [tilespmem:s19+$0xFFFFFFE0]  }
0x1a9: {  	v30 =	vadd.f32 v30, v32;
	v26 =	vmul.f32 v29, v26;
	v27 =	vmul.f32 v31, v27  }
0x1aa: {  	v29 =	vld [tilespmem:s19+$0xFFFFFFF0]  }
0x1ab: {  	v26 =	vadd.f32 v26, v30;
	v25 =	vmul.f32 v35, v25;
	v27 =	vmul.f32 v34, v27;
	_ =	sdelay $0x1  }
0x1ac: {  	v24 =	vmul.f32 v54, v24;
	v25 =	vmul.f32 v28, v25;
	v26 =	vadd.f32 v27, v26  }
0x1ad: {  	s15 =	simm.s32 $0x0  }
0x1ae: {  	v24 =	vmul.f32 v29, v24;
	v25 =	vadd.f32 v25, v26;
	v26 =	vor.u32 s15, v5;
	_ =	sdelay $0x1  }
0x1af: {  	v24 =	vadd.f32 v24, v25;
	v25 =	vor.u32 s15, v9;
	_ =	sdelay $0x1  }
0x1b0: {  	[tilespmem:s2+$0xFFFFFF80] =	vst v24;
	v24 =	vor.u32 s15, v10  }
0x1b1: {  	v26 =	vld.idx.msk [tilespmem:v26+s17+$0x0], $0xffff  }
0x1b2: {  	v27 =	vor.u32 s15, v11  }
0x1b3: {  	v25 =	vld.idx.msk [tilespmem:v25+s17+$0x0], $0xffff  }
0x1b4: {  	v28 =	vor.u32 s15, v12  }
0x1b5: {  	v24 =	vld.idx.msk [tilespmem:v24+s17+$0x0], $0xffff  }
0x1b6: {  	v29 =	vor.u32 s15, v13;
	v26 =	vadd.f32 $0.0e+00, v26  }
0x1b7: {  	v27 =	vld.idx.msk [tilespmem:v27+s17+$0x0], $0xffff  }
0x1b8: {  	v30 =	vor.u32 s15, v14;
	v25 =	vadd.f32 v25, v26  }
0x1b9: {  	v26 =	vld.idx.msk [tilespmem:v28+s17+$0x0], $0xffff  }
0x1ba: {  	v28 =	vor.u32 s15, v15;
	v24 =	vadd.f32 v24, v25  }
0x1bb: {  	v25 =	vld.idx.msk [tilespmem:v29+s17+$0x0], $0xffff  }
0x1bc: {  	v29 =	vor.u32 s15, v16;
	v24 =	vadd.f32 v27, v24  }
0x1bd: {  	v27 =	vld.idx.msk [tilespmem:v30+s17+$0x0], $0xffff  }
0x1be: {  	v30 =	vor.u32 s15, v17;
	v24 =	vadd.f32 v26, v24  }
0x1bf: {  	v26 =	vld.idx.msk [tilespmem:v28+s17+$0x0], $0xffff  }
0x1c0: {  	v28 =	vor.u32 s15, v18;
	v24 =	vadd.f32 v25, v24  }
0x1c1: {  	v25 =	vld.idx.msk [tilespmem:v29+s17+$0x0], $0xffff  }
0x1c2: {  	v29 =	vor.u32 s15, v19;
	v24 =	vadd.f32 v27, v24  }
0x1c3: {  	v27 =	vld.idx.msk [tilespmem:v30+s17+$0x0], $0xffff  }
0x1c4: {  	s20 =	simm.s32 $0x800;
	v30 =	vor.u32 s15, v20;
	v24 =	vadd.f32 v26, v24  }
0x1c5: {  	v28 =	vld.idx.msk [tilespmem:v28+s17+$0x0], $0xffff;
	v26 =	vor.u32 s20, v5  }
0x1c6: {  	v31 =	vor.u32 s15, v21;
	v24 =	vadd.f32 v25, v24  }
0x1c7: {  	v29 =	vld.idx.msk [tilespmem:v29+s17+$0x0], $0xffff;
	v25 =	vor.u32 s20, v9  }
0x1c8: {  	v55 =	vor.u32 s15, v22;
	v24 =	vadd.f32 v27, v24  }
0x1c9: {  	v30 =	vld.idx.msk [tilespmem:v30+s17+$0x0], $0xffff;
	v27 =	vor.u32 s20, v10  }
0x1ca: {  	v56 =	vor.u32 s15, v23;
	v26 =	vld.idx.msk [tilespmem:v26+s17+$0x0], $0xffff;
	v24 =	vadd.f32 v28, v24  }
0x1cb: {  	v31 =	vld.idx.msk [tilespmem:v31+s17+$0x0], $0xffff;
	v28 =	vor.u32 s20, v11  }
0x1cc: {  	v25 =	vld.idx.msk [tilespmem:v25+s17+$0x0], $0xffff;
	v24 =	vadd.f32 v29, v24  }
0x1cd: {  	v32 =	vld.idx.msk [tilespmem:v55+s17+$0x0], $0xffff;
	v29 =	vor.u32 s20, v12  }
0x1ce: {  	v27 =	vld.idx.msk [tilespmem:v27+s17+$0x0], $0xffff;
	v24 =	vadd.f32 v30, v24  }
0x1cf: {  	v33 =	vld.idx.msk [tilespmem:v56+s17+$0x0], $0xffff;
	v30 =	vor.u32 s20, v13;
	v26 =	vadd.f32 $0.0e+00, v26  }
0x1d0: {  	v28 =	vld.idx.msk [tilespmem:v28+s17+$0x0], $0xffff;
	v24 =	vadd.f32 v31, v24  }
0x1d1: {  	v31 =	vor.u32 s20, v14;
	v25 =	vadd.f32 v25, v26  }
0x1d2: {  	v26 =	vld.idx.msk [tilespmem:v29+s17+$0x0], $0xffff;
	v24 =	vadd.f32 v32, v24  }
0x1d3: {  	v29 =	vor.u32 s20, v15;
	v25 =	vadd.f32 v27, v25  }
0x1d4: {  	v27 =	vld.idx.msk [tilespmem:v30+s17+$0x0], $0xffff;
	v24 =	vadd.f32 v33, v24  }
0x1d5: {  	v30 =	vor.u32 s20, v16;
	v25 =	vadd.f32 v28, v25  }
0x1d6: {  	v28 =	vld.idx.msk [tilespmem:v31+s17+$0x0], $0xffff;
	v24 =	vsub.f32 $0.0e+00, v24  }
0x1d7: {  	v31 =	vor.u32 s20, v17;
	v25 =	vadd.f32 v26, v25  }
0x1d8: {  	v26 =	vld.idx.msk [tilespmem:v29+s17+$0x0], $0xffff;
	v24 =	vmul.f32 $1.442695020e+00, v24  }
0x1d9: {  	v29 =	vor.u32 s20, v18;
	v25 =	vadd.f32 v27, v25  }
0x1da: {  	v27 =	vld.idx.msk [tilespmem:v30+s17+$0x0], $0xffff;
	(erf) = vpow2.f32 v24  }
0x1db: {  	v24 =	vor.u32 s20, v19;
	v25 =	vadd.f32 v28, v25  }
0x1dc: {  	s22 =	simm.s32 $0x1000;
	v28 =	vor.u32 s20, v20;
	v30 =	vld.idx.msk [tilespmem:v31+s17+$0x0], $0xffff  }
0x1dd: {  	v31 =	vor.u32 s22, v5;
	v25 =	vadd.f32 v26, v25  }
0x1de: {  	v57 =	vor.u32 s22, v9;
	v29 =	vld.idx.msk [tilespmem:v29+s17+$0x0], $0xffff  }
0x1df: {  	v26 =	vor.u32 s20, v21;
	v25 =	vadd.f32 v27, v25  }
0x1e0: {  	v27 =	vor.u32 s20, v22;
	v24 =	vld.idx.msk [tilespmem:v24+s17+$0x0], $0xffff  }
0x1e1: {  	v58 =	vor.u32 s22, v10;
	v28 =	vld.idx.msk [tilespmem:v28+s17+$0x0], $0xffff;
	v25 =	vadd.f32 v30, v25  }
0x1e2: {  	v31 =	vld.idx.msk [tilespmem:v31+s17+$0x0], $0xffff;
	v30 =	vor.u32 s20, v23  }
0x1e3: {  	v59 =	vor.u32 s22, v11;
	v32 =	vld.idx.msk [tilespmem:v57+s17+$0x0], $0xffff;
	v25 =	vadd.f32 v29, v25;
	v29 =	vpop (erf)  }
0x1e4: {  	v26 =	vld.idx.msk [tilespmem:v26+s17+$0x0], $0xffff;
	v29 =	vadd.f32 $1.000000000e+00, v29  }
0x1e5: {  	v60 =	vor.u32 s22, v12;
	v27 =	vld.idx.msk [tilespmem:v27+s17+$0x0], $0xffff;
	v24 =	vadd.f32 v24, v25  }
0x1e6: {  	v25 =	vld.idx.msk [tilespmem:v58+s17+$0x0], $0xffff;
	(erf) = vrcp.f32 v29  }
0x1e7: {  	v36 =	vor.u32 s22, v13;
	v61 =	vld.idx.msk [tilespmem:v30+s17+$0x0], $0xffff;
	v30 =	vadd.f32 $0.0e+00, v31;
	v24 =	vadd.f32 v28, v24  }
0x1e8: {  	v38 =	vor.u32 s22, v14;
	v37 =	vld.idx.msk [tilespmem:v59+s17+$0x0], $0xffff  }
0x1e9: {  	v29 =	vor.u32 s22, v16;
	v28 =	vadd.f32 v32, v30;
	v24 =	vadd.f32 v26, v24  }
0x1ea: {  	v62 =	vor.u32 s22, v15;
	v39 =	vld.idx.msk [tilespmem:v60+s17+$0x0], $0xffff  }
0x1eb: {  	v25 =	vadd.f32 v25, v28;
	v24 =	vadd.f32 v27, v24  }
0x1ec: {  	v34 =	vld.idx.msk [tilespmem:v36+s17+$0x0], $0xffff;
	v30 =	vor.u32 s22, v17;
	v26 =	vor.u32 s22, v19  }
0x1ed: {  	v35 =	vld.idx.msk [tilespmem:v38+s17+$0x0], $0xffff;
	v28 =	vor.u32 s22, v18;
	v63 =	vadd.f32 v37, v25;
	v40 =	vadd.f32 v61, v24  }
0x1ee: {  	v27 =	vor.u32 s22, v20;
	v31 =	vld.idx.msk [tilespmem:v29+s17+$0x0], $0xffff;
	v25 =	vor.u32 s22, v21;
	v29 =	vor.u32 s22, v22  }
0x1ef: {  	s0 =	smov.u32 s28;
	s2 =	simm.s32 $0x3;
	v33 =	vld.idx.msk [tilespmem:v62+s17+$0x0], $0xffff;
	v24 =	vor.u32 s22, v23;
	v37 =	vadd.f32 v39, v63;
	v36 =	vsub.f32 $0.0e+00, v40;
	v32 =	vpop (erf)  }
.LBB2_9:
0x1f0: {  	p0 =	sne.s32 s2, $0x4  }
0x1f1: {  	v34 =	vadd.f32 v34, v37;
	v36 =	vmul.f32 $1.442695020e+00, v36;
	[tilespmem:s0+$0x0] =	vst v32;
	s0 =	sadd.s32 $0x10, s0;
	s15 =	smov.u32 s2;
	s2 =	sadd.s32 $0x1, s2  }
0x1f2: {  	_ = 	snop  }
0x1f3: {  	s15 =	sshll.u32 s15, $0xB;
	v32 =	vadd.f32 v35, v34;
	v34 =	vld.idx.msk [tilespmem:v30+s17+$0x0], $0xffff;
	(erf) = vpow2.f32 v36  }
0x1f4: {  	v35 =	vor.u32 s15, v5;
	v36 =	vor.u32 s15, v9;
	v37 =	vor.u32 s15, v10  }
0x1f5: {  	v38 =	vor.u32 s15, v11;
	v39 =	vor.u32 s15, v12;
	v32 =	vadd.f32 v33, v32;
	v33 =	vld.idx.msk [tilespmem:v28+s17+$0x0], $0xffff  }
0x1f6: {  	v40 =	vor.u32 s15, v13;
	v41 =	vor.u32 s15, v14;
	v42 =	vor.u32 s15, v15;
	v43 =	vld.idx.msk [tilespmem:v29+s17+$0x0], $0xffff  }
0x1f7: {  	v44 =	vor.u32 s15, v16;
	v30 =	vor.u32 s15, v17;
	v31 =	vadd.f32 v31, v32;
	v32 =	vld.idx.msk [tilespmem:v26+s17+$0x0], $0xffff  }
0x1f8: {  	v28 =	vor.u32 s15, v18;
	v26 =	vor.u32 s15, v19;
	v45 =	vld.idx.msk [tilespmem:v27+s17+$0x0], $0xffff;
	v27 =	vor.u32 s15, v20  }
0x1f9: {  	v46 =	vor.u32 s15, v21;
	v29 =	vor.u32 s15, v22;
	v35 =	vld.idx.msk [tilespmem:v35+s17+$0x0], $0xffff;
	v31 =	vadd.f32 v34, v31  }
0x1fa: {  	v34 =	vor.u32 s15, v23;
	v47 =	vld.idx.msk [tilespmem:v25+s17+$0x0], $0xffff;
	v25 =	vmov v46  }
0x1fb: {  	v36 =	vld.idx.msk [tilespmem:v36+s17+$0x0], $0xffff;
	v33 =	vadd.f32 v33, v31  }
0x1fc: {  	v31 =	vld.idx.msk [tilespmem:v44+s17+$0x0], $0xffff;
	v44 =	vpop (erf)  }
0x1fd: {  	v37 =	vld.idx.msk [tilespmem:v37+s17+$0x0], $0xffff;
	v32 =	vadd.f32 v32, v33;
	v33 =	vadd.f32 $1.000000000e+00, v44  }
0x1fe: {  	v44 =	vld.idx.msk [tilespmem:v24+s17+$0x0], $0xffff;
	v24 =	vmov v34  }
0x1ff: {  	v34 =	vadd.f32 $0.0e+00, v35;
	v35 =	vld.idx.msk [tilespmem:v38+s17+$0x0], $0xffff;
	v32 =	vadd.f32 v45, v32;
	(erf) = vrcp.f32 v33;
	_ =	sdelay $0x1  }
0x200: {  	v33 =	vadd.f32 v36, v34;
	v36 =	vld.idx.msk [tilespmem:v39+s17+$0x0], $0xffff;
	v32 =	vadd.f32 v47, v32;
	_ =	sdelay $0x1  }
0x201: {  	v33 =	vadd.f32 v37, v33;
	v34 =	vld.idx.msk [tilespmem:v40+s17+$0x0], $0xffff;
	v32 =	vadd.f32 v43, v32  }
.Ltmp3:
0x202: {  	(pc) =	sbr.rel @p0 .LBB2_9-.Ltmp3, $3  }
0x203: {  	v33 =	vadd.f32 v35, v33;
	v35 =	vld.idx.msk [tilespmem:v41+s17+$0x0], $0xffff;
	v38 =	vadd.f32 v44, v32;
	_ =	sdelay $0x1  }
0x204: {  	v37 =	vadd.f32 v36, v33;
	v33 =	vld.idx.msk [tilespmem:v42+s17+$0x0], $0xffff;
	v36 =	vsub.f32 $0.0e+00, v38  }
0x205: {  	v32 =	vpop (erf)  }
0x206: {  	_ = 	snop  }
0x207: {  	v34 =	vadd.f32 v34, v37;
	_ =	sdelay $0x1  }
0x208: {  	v34 =	vadd.f32 v35, v34  }
0x209: {  	v30 =	vld.idx.msk [tilespmem:v30+s17+$0x0], $0xffff  }
0x20a: {  	v33 =	vadd.f32 v33, v34  }
0x20b: {  	v28 =	vld.idx.msk [tilespmem:v28+s17+$0x0], $0xffff  }
0x20c: {  	v31 =	vadd.f32 v31, v33  }
0x20d: {  	v26 =	vld.idx.msk [tilespmem:v26+s17+$0x0], $0xffff  }
0x20e: {  	v30 =	vadd.f32 v30, v31  }
0x20f: {  	v27 =	vld.idx.msk [tilespmem:v27+s17+$0x0], $0xffff  }
0x210: {  	v28 =	vadd.f32 v28, v30  }
0x211: {  	v25 =	vld.idx.msk [tilespmem:v25+s17+$0x0], $0xffff;
	v30 =	vmul.f32 $1.442695020e+00, v36  }
0x212: {  	v26 =	vadd.f32 v26, v28  }
0x213: {  	(erf) = vpow2.f32 v30;
	v28 =	vld.idx.msk [tilespmem:v29+s17+$0x0], $0xffff  }
0x214: {  	v26 =	vadd.f32 v27, v26  }
0x215: {  	v24 =	vld.idx.msk [tilespmem:v24+s17+$0x0], $0xffff  }
0x216: {  	v25 =	vadd.f32 v25, v26;
	_ =	sdelay $0x1  }
0x217: {  	v25 =	vadd.f32 v28, v25;
	_ =	sdelay $0x1  }
0x218: {  	v24 =	vadd.f32 v24, v25;
	_ =	sdelay $0x1  }
0x219: {  	v25 =	vpop (erf);
	v24 =	vsub.f32 $0.0e+00, v24  }
0x21a: {  	v25 =	vadd.f32 $1.000000000e+00, v25  }
0x21b: {  	v24 =	vmul.f32 $1.442695020e+00, v24  }
0x21c: {  	(erf) = vrcp.f32 v25  }
0x21d: {  	(erf) = vpow2.f32 v24;
	_ =	sdelay $0x7  }
0x21e: {  	v24 =	vpop (erf)  }
0x21f: {  	v25 =	vpop (erf)  }
0x220: {  	v25 =	vadd.f32 $1.000000000e+00, v25;
	_ =	sdelay $0x1  }
0x221: {  	(erf) = vrcp.f32 v25;
	_ =	sdelay $0x5  }
0x222: {  	s19 =	smul.u32 $0x140, s5;
	[tilespmem:s0+$0x0] =	vst v32  }
0x223: {  	s2 =	rddreg [dreg:$0xf]  }
0x224: {  	s15 =	sadd.s32 $0x10, s0;
	s2 =	sadd.s32 s19, s2  }
0x225: {  	s0 =	sadd.s32 $0x10, s15;
	s2 =	sshrl.u32 s2, $0x3;
	[tilespmem:s15+$0x0] =	vst v24;
	v24 =	vpop (erf)  }
0x226: {  	s16 =	sadd.s32 s8, s2;
	[tilespmem:s0+$0x0] =	vst v24  }
0x227: {  	[tilespmem:s4], [sflag:$0x3] =	stream.linear.gather [hbm4b:s16+s4], $0x50, $0x38;
	[tilespmem:$0x1F180] =	vst v63  }
0x228: {  	s18 =	sadd.s32 s9, s2  }
0x229: {  	[tilespmem:s26], [sflag:$0x3] =	stream.linear.gather [hbm4b:s18+s4], $0x50, $0x38;
	[tilespmem:$0x1F180] =	vst v63  }
0x22a: {  	s22 =	simm.s32 $0x400;
	s20 =	sadd.s32 s3, s2  }
0x22b: {  	[tilespmem:s22], [sflag:$0x3] =	stream.linear.gather [hbm4b:s20+s4], $0x50, $0x38;
	[tilespmem:$0x1F180] =	vst v63  }
0x22c: {  	_ =	swait.ge [sflag:s13], $0x2800  }
0x22d: {  	[sflag:s13] =	ssyncset.done $0x0  }
0x22e: {  	[sflag:s13] =	ssyncadd.s32 $0xFFFFD800  }
0x22f: {  	_ =	swait.ge [sflag:s13], $0x2800  }
0x230: {  	[sflag:s13] =	ssyncset.done $0x0  }
0x231: {  	[sflag:s13] =	ssyncadd.s32 $0xFFFFD800  }
0x232: {  	_ =	swait.ge [sflag:s23], $0x50  }
0x233: {  	[sflag:s23] =	ssyncset.done $0x0  }
0x234: {  	[sflag:s23] =	ssyncadd.s32 $0xFFFFFFB0  }
0x235: {  	_ =	swait.ge [sflag:s23], $0x50  }
0x236: {  	[sflag:s23] =	ssyncset.done $0x0  }
0x237: {  	[sflag:s23] =	ssyncadd.s32 $0xFFFFFFB0  }
0x238: {  	_ =	swait.ge [sflag:s23], $0x50  }
0x239: {  	s2 =	simm.s32 $0x2E00;
	[sflag:s23] =	ssyncset.done $0x0  }
0x23a: {  	s15 =	simm.s32 $0x180;
	s0 =	simm.s32 $0x0;
	[sflag:s23] =	ssyncadd.s32 $0xFFFFFFB0  }
0x23b: {  	[tilespmem:s2], [sflag:$0x2] =	stream.indirect.gather [hbm4b:s6+s10], $0x80, s15, s10, $0xb8;
	[tilespmem:$0x1F180] =	vst v63  }
0x23c: {  	s16 =	simm.s32 $0x7E00;
	s18 =	simm.s32 $0x380;
	s20 =	sand.u32 $0x70, s0  }
0x23d: {  	[tilespmem:s16], [sflag:$0x2] =	stream.indirect.gather [hbm4b:s7+s10], $0x80, s18, s10, $0xb8;
	[tilespmem:$0x1F180] =	vst v63  }
0x23e: {  	s2 =	simm.s32 $0x680;
	v24 =	vld [tilespmem:s20+$0x500]  }
0x23f: {  	v57 =	vld [tilespmem:s2+$0x0]  }
0x240: {  	v38 =	vld [tilespmem:s2+$0x10]  }
0x241: {  	v40 =	vld [tilespmem:s2+$0x20]  }
0x242: {  	s22 =	simm.s32 $0x1;
	v43 =	vld [tilespmem:s2+$0x30]  }
0x243: {  	v25 =	vmov s22;
	v59 =	vld [tilespmem:s2+$0x40]  }
0x244: {  	v46 =	vld [tilespmem:s2+$0x50];
	v25 =	vperm.xlane v24, v25  }
0x245: {  	v61 =	vld [tilespmem:s2+$0x60]  }
0x246: {  	v62 =	vld [tilespmem:s2+$0x70];
	v25 =	vshll.u32 v25, $0x7  }
0x247: {  	s20 =	simm.s32 $0x5680;
	v51 =	vld [tilespmem:s2+$0xFFFFFF80];
	v28 =	vor.u32 v0, v25  }
0x248: {  	v26 =	vld [tilespmem:s20+$0x60]  }
0x249: {  	v27 =	vld [tilespmem:s20+$0x50];
	v31 =	vor.u32 v1, v25  }
0x24a: {  	v29 =	vld [tilespmem:s20+$0x40]  }
0x24b: {  	v30 =	vld [tilespmem:s20+$0x30];
	v56 =	vor.u32 v2, v25  }
0x24c: {  	v28 =	vld.idx.msk [tilespmem:v28+s24+$0x0], $0xffff  }
0x24d: {  	v55 =	vld [tilespmem:s20+$0x0];
	v58 =	vor.u32 v3, v25  }
0x24e: {  	s15 =	sand.u32 $0xE, s0;
	v31 =	vld.idx.msk [tilespmem:v31+s24+$0x0], $0xffff  }
0x24f: {  	v42 =	vmov s15;
	v54 =	vld [tilespmem:s20+$0x10];
	v39 =	vor.u32 v4, v25  }
0x250: {  	v24 =	vperm.xlane v24, v42;
	v41 =	vor.u32 v6, v25;
	v35 =	vld.idx.msk [tilespmem:v56+s24+$0x0], $0xffff  }
0x251: {  	v53 =	vld [tilespmem:s20+$0x20];
	v44 =	vor.u32 v7, v25;
	v28 =	vmul.f32 v57, v28  }
0x252: {  	v24 =	vshll.u32 v24, $0x7;
	v25 =	vor.u32 v8, v25;
	v37 =	vld.idx.msk [tilespmem:v58+s24+$0x0], $0xffff  }
0x253: {  	v49 =	vld [tilespmem:s20+$0x70];
	v45 =	vor.u32 v0, v24;
	v31 =	vmul.f32 v38, v31;
	v28 =	vmul.f32 v55, v28  }
0x254: {  	v39 =	vld.idx.msk [tilespmem:v39+s24+$0x0], $0xffff  }
0x255: {  	v41 =	vld.idx.msk [tilespmem:v41+s24+$0x0], $0xffff;
	v63 =	vmul.f32 v40, v35;
	v31 =	vmul.f32 v54, v31;
	v28 =	vadd.f32 $0.0e+00, v28  }
0x256: {  	v47 =	vor.u32 v1, v24;
	v60 =	vld.idx.msk [tilespmem:v44+s24+$0x0], $0xffff  }
0x257: {  	v25 =	vld.idx.msk [tilespmem:v25+s24+$0x0], $0xffff;
	v50 =	vmul.f32 v43, v37;
	v28 =	vadd.f32 v31, v28;
	v31 =	vmul.f32 v53, v63  }
0x258: {  	v48 =	vor.u32 v2, v24;
	v45 =	vld.idx.msk [tilespmem:v45+s24+$0x0], $0xffff  }
0x259: {  	v30 =	vmul.f32 v30, v50;
	v54 =	vld [tilespmem:s20+$0xFFFFFF80];
	v28 =	vadd.f32 v31, v28;
	v31 =	vmul.f32 v59, v39  }
0x25a: {  	v52 =	vor.u32 v3, v24;
	v55 =	vld [tilespmem:s2+$0xFFFFFF90]  }
0x25b: {  	v53 =	vld.idx.msk [tilespmem:v47+s24+$0x0], $0xffff;
	v28 =	vadd.f32 v30, v28;
	v29 =	vmul.f32 v29, v31;
	v30 =	vmul.f32 v46, v41  }
0x25c: {  	v56 =	vor.u32 v4, v24;
	v57 =	vld [tilespmem:s20+$0xFFFFFF90]  }
0x25d: {  	v31 =	vld.idx.msk [tilespmem:v48+s24+$0x0], $0xffff;
	v28 =	vadd.f32 v29, v28;
	v27 =	vmul.f32 v27, v30;
	v29 =	vmul.f32 v61, v60  }
0x25e: {  	v33 =	vmul.f32 v51, v45;
	v30 =	vld [tilespmem:s2+$0xFFFFFFA0]  }
0x25f: {  	v25 =	vmul.f32 v62, v25;
	v59 =	vld.idx.msk [tilespmem:v52+s24+$0x0], $0xffff;
	v27 =	vadd.f32 v27, v28;
	v26 =	vmul.f32 v26, v29  }
0x260: {  	v58 =	vor.u32 v6, v24;
	v60 =	vmul.f32 v55, v53;
	v29 =	vld [tilespmem:s20+$0xFFFFFFA0];
	v28 =	vmul.f32 v54, v33  }
0x261: {  	v25 =	vmul.f32 v49, v25;
	v61 =	vld [tilespmem:s2+$0xFFFFFFB0];
	v27 =	vadd.f32 v26, v27  }
0x262: {  	v32 =	vmul.f32 v57, v60;
	v26 =	vld.idx.msk [tilespmem:v56+s24+$0x0], $0xffff;
	v62 =	vadd.f32 $0.0e+00, v28  }
0x263: {  	v31 =	vmul.f32 v30, v31;
	v30 =	vld [tilespmem:s20+$0xFFFFFFB0];
	v63 =	vadd.f32 v25, v27;
	v25 =	vor.u32 v7, v24  }
0x264: {  	v28 =	vld [tilespmem:s2+$0xFFFFFFC0]  }
0x265: {  	v32 =	vadd.f32 v32, v62;
	v27 =	vld.idx.msk [tilespmem:v58+s24+$0x0], $0xffff;
	v31 =	vmul.f32 v29, v31  }
0x266: {  	s15 =	simm.s32 $0x1CA00;
	v33 =	vmul.f32 v61, v59;
	v29 =	vld [tilespmem:s20+$0xFFFFFFC0]  }
0x267: {  	v24 =	vor.u32 v8, v24;
	[tilespmem:s15+$0x0] =	vst v63;
	v32 =	vadd.f32 v31, v32;
	v31 =	vld [tilespmem:s2+$0xFFFFFFD0]  }
.LBB2_11:
0x268: {  	v30 =	vmul.f32 v30, v33;
	v25 =	vld.idx.msk [tilespmem:v25+s24+$0x0], $0xffff;
	s16 =	smov.u32 s0;
	s0 =	sadd.s32 $0x2, s0  }
0x269: {  	s18 =	sand.u32 $0xE, s0;
	s22 =	sand.u32 $0x70, s0;
	p0 =	slt.u32 s0, $0x4E;
	v26 =	vmul.f32 v28, v26;
	v28 =	vld [tilespmem:s20+$0xFFFFFFD0]  }
0x26a: {  	v33 =	vld [tilespmem:s22+$0x500];
	v34 =	vmov s18;
	v30 =	vadd.f32 v30, v32  }
0x26b: {  	v26 =	vmul.f32 v29, v26;
	v29 =	vld [tilespmem:s2+$0xFFFFFFE0]  }
0x26c: {  	v27 =	vmul.f32 v31, v27;
	v31 =	vld.idx.msk [tilespmem:v24+s24+$0x0], $0xffff  }
0x26d: {  	s16 =	sadd.s32 $0x3, s16;
	v24 =	vadd.f32 v26, v30;
	v26 =	vld [tilespmem:s20+$0xFFFFFFE0]  }
0x26e: {  	v30 =	vmov s16;
	v27 =	vmul.f32 v28, v27;
	v28 =	vld [tilespmem:s2+$0xFFFFFFF0]  }
0x26f: {  	v32 =	vperm.xlane v33, v34;
	v30 =	vperm.xlane v33, v30;
	v33 =	vld [tilespmem:s20+$0xFFFFFFF0];
	s20 =	sadd.s32 $0x100, s20  }
0x270: {  	v34 =	vld [tilespmem:s20+$0x60];
	v27 =	vadd.f32 v27, v24;
	v29 =	vmul.f32 v29, v25  }
0x271: {  	v24 =	vshll.u32 v32, $0x7;
	v30 =	vshll.u32 v30, $0x7;
	v32 =	vld [tilespmem:s20+$0x50]  }
0x272: {  	v35 =	vor.u32 v0, v24;
	v36 =	vor.u32 v1, v24;
	v37 =	vor.u32 v0, v30;
	v38 =	vld [tilespmem:s20+$0x40]  }
0x273: {  	v39 =	vor.u32 v2, v24;
	v40 =	vor.u32 v3, v24;
	v41 =	vor.u32 v4, v24;
	v42 =	vld [tilespmem:s20+$0x30]  }
0x274: {  	v43 =	vor.u32 v6, v24;
	v25 =	vor.u32 v7, v24;
	v44 =	vor.u32 v1, v30;
	v45 =	vld [tilespmem:s20+$0x20]  }
0x275: {  	v24 =	vor.u32 v8, v24;
	v26 =	vmul.f32 v26, v29;
	v28 =	vmul.f32 v28, v31;
	v46 =	vld [tilespmem:s20+$0x10]  }
0x276: {  	v31 =	vor.u32 v2, v30;
	v29 =	vld [tilespmem:s20+$0x0]  }
0x277: {  	s2 =	sadd.s32 $0x100, s2;
	v26 =	vadd.f32 v26, v27;
	v27 =	vmul.f32 v33, v28;
	v37 =	vld.idx.msk [tilespmem:v37+s24+$0x0], $0xffff  }
0x278: {  	v33 =	vor.u32 v3, v30;
	v28 =	vld [tilespmem:s2+$0x0]  }
0x279: {  	v26 =	vadd.f32 v27, v26;
	v44 =	vld.idx.msk [tilespmem:v44+s24+$0x0], $0xffff  }
0x27a: {  	v47 =	vor.u32 v4, v30;
	v27 =	vld [tilespmem:s2+$0x10]  }
0x27b: {  	v31 =	vld.idx.msk [tilespmem:v31+s24+$0x0], $0xffff;
	[tilespmem:s15+$0xFFFFFF80] =	vst v26  }
0x27c: {  	v48 =	vor.u32 v6, v30;
	v26 =	vld [tilespmem:s2+$0x20]  }
0x27d: {  	v28 =	vmul.f32 v28, v37;
	v33 =	vld.idx.msk [tilespmem:v33+s24+$0x0], $0xffff  }
0x27e: {  	v49 =	vor.u32 v7, v30;
	v37 =	vld [tilespmem:s2+$0x30]  }
0x27f: {  	v28 =	vmul.f32 v29, v28;
	v27 =	vmul.f32 v27, v44;
	v29 =	vld.idx.msk [tilespmem:v47+s24+$0x0], $0xffff  }
0x280: {  	v30 =	vor.u32 v8, v30;
	v44 =	vld [tilespmem:s2+$0x40]  }
0x281: {  	v28 =	vadd.f32 $0.0e+00, v28;
	v27 =	vmul.f32 v46, v27;
	v26 =	vmul.f32 v26, v31;
	v31 =	vld.idx.msk [tilespmem:v48+s24+$0x0], $0xffff  }
0x282: {  	v46 =	vld [tilespmem:s2+$0x50]  }
0x283: {  	v27 =	vadd.f32 v27, v28;
	v26 =	vmul.f32 v45, v26;
	v28 =	vmul.f32 v37, v33;
	v33 =	vld.idx.msk [tilespmem:v49+s24+$0x0], $0xffff  }
0x284: {  	v37 =	vld [tilespmem:s2+$0x60]  }
0x285: {  	v26 =	vadd.f32 v26, v27;
	v27 =	vmul.f32 v42, v28;
	v28 =	vmul.f32 v44, v29;
	v29 =	vld.idx.msk [tilespmem:v30+s24+$0x0], $0xffff  }
0x286: {  	v30 =	vld [tilespmem:s2+$0x70]  }
0x287: {  	v35 =	vld.idx.msk [tilespmem:v35+s24+$0x0], $0xffff;
	v26 =	vadd.f32 v27, v26;
	v27 =	vmul.f32 v38, v28;
	v28 =	vmul.f32 v46, v31  }
0x288: {  	v31 =	vld [tilespmem:s20+$0x70]  }
0x289: {  	v38 =	vld [tilespmem:s2+$0xFFFFFF80];
	v26 =	vadd.f32 v27, v26;
	v27 =	vmul.f32 v32, v28;
	v28 =	vmul.f32 v37, v33  }
0x28a: {  	v32 =	vld.idx.msk [tilespmem:v36+s24+$0x0], $0xffff  }
0x28b: {  	v33 =	vld [tilespmem:s20+$0xFFFFFF80];
	v26 =	vadd.f32 v27, v26;
	v27 =	vmul.f32 v34, v28;
	v28 =	vmul.f32 v30, v29  }
0x28c: {  	v29 =	vld [tilespmem:s2+$0xFFFFFF90]  }
0x28d: {  	v30 =	vld.idx.msk [tilespmem:v39+s24+$0x0], $0xffff;
	v26 =	vadd.f32 v27, v26;
	v27 =	vmul.f32 v31, v28  }
0x28e: {  	v28 =	vmul.f32 v38, v35;
	v31 =	vld [tilespmem:s20+$0xFFFFFF90]  }
0x28f: {  	v34 =	vld [tilespmem:s2+$0xFFFFFFA0];
	v26 =	vadd.f32 v27, v26  }
0x290: {  	s15 =	sadd.s32 $0x100, s15;
	v27 =	vmul.f32 v33, v28;
	v33 =	vld.idx.msk [tilespmem:v40+s24+$0x0], $0xffff  }
0x291: {  	v28 =	vmul.f32 v29, v32;
	v29 =	vld [tilespmem:s20+$0xFFFFFFA0];
	[tilespmem:s15+$0x0] =	vst v26  }
0x292: {  	v27 =	vadd.f32 $0.0e+00, v27;
	v32 =	vld [tilespmem:s2+$0xFFFFFFB0]  }
0x293: {  	v28 =	vmul.f32 v31, v28;
	v26 =	vld.idx.msk [tilespmem:v41+s24+$0x0], $0xffff  }
.Ltmp4:
0x294: {  	v31 =	vmul.f32 v34, v30;
	v30 =	vld [tilespmem:s20+$0xFFFFFFB0];
	(pc) =	sbr.rel @p0 .LBB2_11-.Ltmp4, $4  }
0x295: {  	v34 =	vadd.f32 v28, v27;
	v28 =	vld [tilespmem:s2+$0xFFFFFFC0]  }
0x296: {  	v31 =	vmul.f32 v29, v31;
	v27 =	vld.idx.msk [tilespmem:v43+s24+$0x0], $0xffff  }
0x297: {  	v33 =	vmul.f32 v32, v33;
	v29 =	vld [tilespmem:s20+$0xFFFFFFC0]  }
0x298: {  	v32 =	vadd.f32 v31, v34;
	v31 =	vld [tilespmem:s2+$0xFFFFFFD0]  }
0x299: {  	_ =	sdelay $0x3  }
0x29a: {  	v25 =	vld.idx.msk [tilespmem:v25+s24+$0x0], $0xffff  }
0x29b: {  	v34 =	vld [tilespmem:s20+$0xFFFFFFD0]  }
0x29c: {  	v35 =	vld [tilespmem:s2+$0xFFFFFFE0]  }
0x29d: {  	v24 =	vld.idx.msk [tilespmem:v24+s24+$0x0], $0xffff  }
0x29e: {  	v30 =	vmul.f32 v30, v33;
	v54 =	vld [tilespmem:s2+$0xFFFFFFF0];
	v26 =	vmul.f32 v28, v26  }
0x29f: {  	v28 =	vld [tilespmem:s20+$0xFFFFFFE0]  }
0x2a0: {  	v30 =	vadd.f32 v30, v32;
	v26 =	vmul.f32 v29, v26;
	v27 =	vmul.f32 v31, v27  }
0x2a1: {  	v29 =	vld [tilespmem:s20+$0xFFFFFFF0]  }
0x2a2: {  	v26 =	vadd.f32 v26, v30;
	v25 =	vmul.f32 v35, v25;
	v27 =	vmul.f32 v34, v27;
	_ =	sdelay $0x1  }
0x2a3: {  	v24 =	vmul.f32 v54, v24;
	v25 =	vmul.f32 v28, v25;
	v26 =	vadd.f32 v27, v26  }
0x2a4: {  	s20 =	simm.s32 $0x0  }
0x2a5: {  	v24 =	vmul.f32 v29, v24;
	v25 =	vadd.f32 v25, v26;
	v26 =	vor.u32 s20, v5;
	_ =	sdelay $0x1  }
0x2a6: {  	v24 =	vadd.f32 v24, v25;
	v25 =	vor.u32 s20, v9;
	_ =	sdelay $0x1  }
0x2a7: {  	[tilespmem:s15+$0xFFFFFF80] =	vst v24;
	v24 =	vor.u32 s20, v10  }
0x2a8: {  	v26 =	vld.idx.msk [tilespmem:v26+s17+$0x0], $0xffff  }
0x2a9: {  	v27 =	vor.u32 s20, v11  }
0x2aa: {  	v25 =	vld.idx.msk [tilespmem:v25+s17+$0x0], $0xffff  }
0x2ab: {  	v28 =	vor.u32 s20, v12  }
0x2ac: {  	v24 =	vld.idx.msk [tilespmem:v24+s17+$0x0], $0xffff  }
0x2ad: {  	v29 =	vor.u32 s20, v13;
	v26 =	vadd.f32 $0.0e+00, v26  }
0x2ae: {  	v27 =	vld.idx.msk [tilespmem:v27+s17+$0x0], $0xffff  }
0x2af: {  	v30 =	vor.u32 s20, v14;
	v25 =	vadd.f32 v25, v26  }
0x2b0: {  	v26 =	vld.idx.msk [tilespmem:v28+s17+$0x0], $0xffff  }
0x2b1: {  	v28 =	vor.u32 s20, v15;
	v24 =	vadd.f32 v24, v25  }
0x2b2: {  	v25 =	vld.idx.msk [tilespmem:v29+s17+$0x0], $0xffff  }
0x2b3: {  	v29 =	vor.u32 s20, v16;
	v24 =	vadd.f32 v27, v24  }
0x2b4: {  	v27 =	vld.idx.msk [tilespmem:v30+s17+$0x0], $0xffff  }
0x2b5: {  	v30 =	vor.u32 s20, v17;
	v24 =	vadd.f32 v26, v24  }
0x2b6: {  	v26 =	vld.idx.msk [tilespmem:v28+s17+$0x0], $0xffff  }
0x2b7: {  	v28 =	vor.u32 s20, v18;
	v24 =	vadd.f32 v25, v24  }
0x2b8: {  	v25 =	vld.idx.msk [tilespmem:v29+s17+$0x0], $0xffff  }
0x2b9: {  	v29 =	vor.u32 s20, v19;
	v24 =	vadd.f32 v27, v24  }
0x2ba: {  	v27 =	vld.idx.msk [tilespmem:v30+s17+$0x0], $0xffff  }
0x2bb: {  	s0 =	simm.s32 $0x800;
	v30 =	vor.u32 s20, v20;
	v24 =	vadd.f32 v26, v24  }
0x2bc: {  	v28 =	vld.idx.msk [tilespmem:v28+s17+$0x0], $0xffff;
	v26 =	vor.u32 s0, v5  }
0x2bd: {  	v31 =	vor.u32 s20, v21;
	v24 =	vadd.f32 v25, v24  }
0x2be: {  	v29 =	vld.idx.msk [tilespmem:v29+s17+$0x0], $0xffff;
	v25 =	vor.u32 s0, v9  }
0x2bf: {  	v55 =	vor.u32 s20, v22;
	v24 =	vadd.f32 v27, v24  }
0x2c0: {  	v30 =	vld.idx.msk [tilespmem:v30+s17+$0x0], $0xffff;
	v27 =	vor.u32 s0, v10  }
0x2c1: {  	v56 =	vor.u32 s20, v23;
	v26 =	vld.idx.msk [tilespmem:v26+s17+$0x0], $0xffff;
	v24 =	vadd.f32 v28, v24  }
0x2c2: {  	v31 =	vld.idx.msk [tilespmem:v31+s17+$0x0], $0xffff;
	v28 =	vor.u32 s0, v11  }
0x2c3: {  	v25 =	vld.idx.msk [tilespmem:v25+s17+$0x0], $0xffff;
	v24 =	vadd.f32 v29, v24  }
0x2c4: {  	v32 =	vld.idx.msk [tilespmem:v55+s17+$0x0], $0xffff;
	v29 =	vor.u32 s0, v12  }
0x2c5: {  	v27 =	vld.idx.msk [tilespmem:v27+s17+$0x0], $0xffff;
	v24 =	vadd.f32 v30, v24  }
0x2c6: {  	v33 =	vld.idx.msk [tilespmem:v56+s17+$0x0], $0xffff;
	v30 =	vor.u32 s0, v13;
	v26 =	vadd.f32 $0.0e+00, v26  }
0x2c7: {  	v28 =	vld.idx.msk [tilespmem:v28+s17+$0x0], $0xffff;
	v24 =	vadd.f32 v31, v24  }
0x2c8: {  	v31 =	vor.u32 s0, v14;
	v25 =	vadd.f32 v25, v26  }
0x2c9: {  	v26 =	vld.idx.msk [tilespmem:v29+s17+$0x0], $0xffff;
	v24 =	vadd.f32 v32, v24  }
0x2ca: {  	v29 =	vor.u32 s0, v15;
	v25 =	vadd.f32 v27, v25  }
0x2cb: {  	v27 =	vld.idx.msk [tilespmem:v30+s17+$0x0], $0xffff;
	v24 =	vadd.f32 v33, v24  }
0x2cc: {  	v30 =	vor.u32 s0, v16;
	v25 =	vadd.f32 v28, v25  }
0x2cd: {  	v28 =	vld.idx.msk [tilespmem:v31+s17+$0x0], $0xffff;
	v24 =	vsub.f32 $0.0e+00, v24  }
0x2ce: {  	v31 =	vor.u32 s0, v17;
	v25 =	vadd.f32 v26, v25  }
0x2cf: {  	v26 =	vld.idx.msk [tilespmem:v29+s17+$0x0], $0xffff;
	v24 =	vmul.f32 $1.442695020e+00, v24  }
0x2d0: {  	v29 =	vor.u32 s0, v18;
	v25 =	vadd.f32 v27, v25  }
0x2d1: {  	v27 =	vld.idx.msk [tilespmem:v30+s17+$0x0], $0xffff;
	(erf) = vpow2.f32 v24  }
0x2d2: {  	v24 =	vor.u32 s0, v19;
	v25 =	vadd.f32 v28, v25  }
0x2d3: {  	s22 =	simm.s32 $0x1000;
	v28 =	vor.u32 s0, v20;
	v30 =	vld.idx.msk [tilespmem:v31+s17+$0x0], $0xffff  }
0x2d4: {  	v31 =	vor.u32 s22, v5;
	v25 =	vadd.f32 v26, v25  }
0x2d5: {  	v57 =	vor.u32 s22, v9;
	v29 =	vld.idx.msk [tilespmem:v29+s17+$0x0], $0xffff  }
0x2d6: {  	v26 =	vor.u32 s0, v21;
	v25 =	vadd.f32 v27, v25  }
0x2d7: {  	v27 =	vor.u32 s0, v22;
	v24 =	vld.idx.msk [tilespmem:v24+s17+$0x0], $0xffff  }
0x2d8: {  	v58 =	vor.u32 s22, v10;
	v28 =	vld.idx.msk [tilespmem:v28+s17+$0x0], $0xffff;
	v25 =	vadd.f32 v30, v25  }
0x2d9: {  	v31 =	vld.idx.msk [tilespmem:v31+s17+$0x0], $0xffff;
	v30 =	vor.u32 s0, v23  }
0x2da: {  	v59 =	vor.u32 s22, v11;
	v32 =	vld.idx.msk [tilespmem:v57+s17+$0x0], $0xffff;
	v25 =	vadd.f32 v29, v25;
	v29 =	vpop (erf)  }
0x2db: {  	v26 =	vld.idx.msk [tilespmem:v26+s17+$0x0], $0xffff;
	v29 =	vadd.f32 $1.000000000e+00, v29  }
0x2dc: {  	v60 =	vor.u32 s22, v12;
	v27 =	vld.idx.msk [tilespmem:v27+s17+$0x0], $0xffff;
	v24 =	vadd.f32 v24, v25  }
0x2dd: {  	v25 =	vld.idx.msk [tilespmem:v58+s17+$0x0], $0xffff;
	(erf) = vrcp.f32 v29  }
0x2de: {  	v36 =	vor.u32 s22, v13;
	v61 =	vld.idx.msk [tilespmem:v30+s17+$0x0], $0xffff;
	v30 =	vadd.f32 $0.0e+00, v31;
	v24 =	vadd.f32 v28, v24  }
0x2df: {  	v38 =	vor.u32 s22, v14;
	v37 =	vld.idx.msk [tilespmem:v59+s17+$0x0], $0xffff  }
0x2e0: {  	v29 =	vor.u32 s22, v16;
	v28 =	vadd.f32 v32, v30;
	v24 =	vadd.f32 v26, v24  }
0x2e1: {  	v62 =	vor.u32 s22, v15;
	v39 =	vld.idx.msk [tilespmem:v60+s17+$0x0], $0xffff  }
0x2e2: {  	v25 =	vadd.f32 v25, v28;
	v24 =	vadd.f32 v27, v24  }
0x2e3: {  	v34 =	vld.idx.msk [tilespmem:v36+s17+$0x0], $0xffff;
	v30 =	vor.u32 s22, v17;
	v26 =	vor.u32 s22, v19  }
0x2e4: {  	v35 =	vld.idx.msk [tilespmem:v38+s17+$0x0], $0xffff;
	v28 =	vor.u32 s22, v18;
	v63 =	vadd.f32 v37, v25;
	v40 =	vadd.f32 v61, v24  }
0x2e5: {  	v27 =	vor.u32 s22, v20;
	v31 =	vld.idx.msk [tilespmem:v29+s17+$0x0], $0xffff;
	v25 =	vor.u32 s22, v21;
	v29 =	vor.u32 s22, v22  }
0x2e6: {  	s2 =	simm.s32 $0x3;
	v33 =	vld.idx.msk [tilespmem:v62+s17+$0x0], $0xffff;
	s0 =	smov.u32 s29;
	v24 =	vor.u32 s22, v23;
	v37 =	vadd.f32 v39, v63;
	v36 =	vsub.f32 $0.0e+00, v40;
	v32 =	vpop (erf)  }
.LBB2_13:
0x2e7: {  	p0 =	sne.s32 s2, $0x4  }
0x2e8: {  	v34 =	vadd.f32 v34, v37;
	v36 =	vmul.f32 $1.442695020e+00, v36;
	[tilespmem:s0+$0x0] =	vst v32;
	s0 =	sadd.s32 $0x10, s0;
	s15 =	smov.u32 s2;
	s2 =	sadd.s32 $0x1, s2  }
0x2e9: {  	_ = 	snop  }
0x2ea: {  	s15 =	sshll.u32 s15, $0xB;
	v32 =	vadd.f32 v35, v34;
	v34 =	vld.idx.msk [tilespmem:v30+s17+$0x0], $0xffff;
	(erf) = vpow2.f32 v36  }
0x2eb: {  	v35 =	vor.u32 s15, v5;
	v36 =	vor.u32 s15, v9;
	v37 =	vor.u32 s15, v10  }
0x2ec: {  	v38 =	vor.u32 s15, v11;
	v39 =	vor.u32 s15, v12;
	v32 =	vadd.f32 v33, v32;
	v33 =	vld.idx.msk [tilespmem:v28+s17+$0x0], $0xffff  }
0x2ed: {  	v40 =	vor.u32 s15, v13;
	v41 =	vor.u32 s15, v14;
	v42 =	vor.u32 s15, v15;
	v43 =	vld.idx.msk [tilespmem:v29+s17+$0x0], $0xffff  }
0x2ee: {  	v44 =	vor.u32 s15, v16;
	v30 =	vor.u32 s15, v17;
	v31 =	vadd.f32 v31, v32;
	v32 =	vld.idx.msk [tilespmem:v26+s17+$0x0], $0xffff  }
0x2ef: {  	v28 =	vor.u32 s15, v18;
	v26 =	vor.u32 s15, v19;
	v45 =	vld.idx.msk [tilespmem:v27+s17+$0x0], $0xffff;
	v27 =	vor.u32 s15, v20  }
0x2f0: {  	v46 =	vor.u32 s15, v21;
	v29 =	vor.u32 s15, v22;
	v35 =	vld.idx.msk [tilespmem:v35+s17+$0x0], $0xffff;
	v31 =	vadd.f32 v34, v31  }
0x2f1: {  	v34 =	vor.u32 s15, v23;
	v47 =	vld.idx.msk [tilespmem:v25+s17+$0x0], $0xffff;
	v25 =	vmov v46  }
0x2f2: {  	v36 =	vld.idx.msk [tilespmem:v36+s17+$0x0], $0xffff;
	v33 =	vadd.f32 v33, v31  }
0x2f3: {  	v31 =	vld.idx.msk [tilespmem:v44+s17+$0x0], $0xffff;
	v44 =	vpop (erf)  }
0x2f4: {  	v37 =	vld.idx.msk [tilespmem:v37+s17+$0x0], $0xffff;
	v32 =	vadd.f32 v32, v33;
	v33 =	vadd.f32 $1.000000000e+00, v44  }
0x2f5: {  	v44 =	vld.idx.msk [tilespmem:v24+s17+$0x0], $0xffff;
	v24 =	vmov v34  }
0x2f6: {  	v34 =	vadd.f32 $0.0e+00, v35;
	v35 =	vld.idx.msk [tilespmem:v38+s17+$0x0], $0xffff;
	v32 =	vadd.f32 v45, v32;
	(erf) = vrcp.f32 v33;
	_ =	sdelay $0x1  }
0x2f7: {  	v33 =	vadd.f32 v36, v34;
	v36 =	vld.idx.msk [tilespmem:v39+s17+$0x0], $0xffff;
	v32 =	vadd.f32 v47, v32;
	_ =	sdelay $0x1  }
0x2f8: {  	v33 =	vadd.f32 v37, v33;
	v34 =	vld.idx.msk [tilespmem:v40+s17+$0x0], $0xffff;
	v32 =	vadd.f32 v43, v32  }
.Ltmp5:
0x2f9: {  	(pc) =	sbr.rel @p0 .LBB2_13-.Ltmp5, $3  }
0x2fa: {  	v33 =	vadd.f32 v35, v33;
	v35 =	vld.idx.msk [tilespmem:v41+s17+$0x0], $0xffff;
	v38 =	vadd.f32 v44, v32;
	_ =	sdelay $0x1  }
0x2fb: {  	v37 =	vadd.f32 v36, v33;
	v33 =	vld.idx.msk [tilespmem:v42+s17+$0x0], $0xffff;
	v36 =	vsub.f32 $0.0e+00, v38  }
0x2fc: {  	v32 =	vpop (erf)  }
0x2fd: {  	_ = 	snop  }
0x2fe: {  	v34 =	vadd.f32 v34, v37;
	_ =	sdelay $0x1  }
0x2ff: {  	v34 =	vadd.f32 v35, v34  }
0x300: {  	v30 =	vld.idx.msk [tilespmem:v30+s17+$0x0], $0xffff  }
0x301: {  	v33 =	vadd.f32 v33, v34  }
0x302: {  	v28 =	vld.idx.msk [tilespmem:v28+s17+$0x0], $0xffff  }
0x303: {  	v31 =	vadd.f32 v31, v33  }
0x304: {  	v26 =	vld.idx.msk [tilespmem:v26+s17+$0x0], $0xffff  }
0x305: {  	v30 =	vadd.f32 v30, v31  }
0x306: {  	v27 =	vld.idx.msk [tilespmem:v27+s17+$0x0], $0xffff  }
0x307: {  	v28 =	vadd.f32 v28, v30  }
0x308: {  	v25 =	vld.idx.msk [tilespmem:v25+s17+$0x0], $0xffff;
	v30 =	vmul.f32 $1.442695020e+00, v36  }
0x309: {  	v26 =	vadd.f32 v26, v28  }
0x30a: {  	(erf) = vpow2.f32 v30;
	v28 =	vld.idx.msk [tilespmem:v29+s17+$0x0], $0xffff  }
0x30b: {  	v26 =	vadd.f32 v27, v26  }
0x30c: {  	v24 =	vld.idx.msk [tilespmem:v24+s17+$0x0], $0xffff  }
0x30d: {  	v25 =	vadd.f32 v25, v26;
	_ =	sdelay $0x1  }
0x30e: {  	v25 =	vadd.f32 v28, v25;
	_ =	sdelay $0x1  }
0x30f: {  	v24 =	vadd.f32 v24, v25;
	_ =	sdelay $0x1  }
0x310: {  	v25 =	vpop (erf);
	v24 =	vsub.f32 $0.0e+00, v24  }
0x311: {  	v25 =	vadd.f32 $1.000000000e+00, v25  }
0x312: {  	v24 =	vmul.f32 $1.442695020e+00, v24  }
0x313: {  	(erf) = vrcp.f32 v25  }
0x314: {  	(erf) = vpow2.f32 v24;
	_ =	sdelay $0x7  }
0x315: {  	v24 =	vpop (erf)  }
0x316: {  	v25 =	vpop (erf)  }
0x317: {  	v25 =	vadd.f32 $1.000000000e+00, v25;
	_ =	sdelay $0x1  }
0x318: {  	(erf) = vrcp.f32 v25;
	_ =	sdelay $0x5  }
0x319: {  	[tilespmem:s0+$0x0] =	vst v32  }
0x31a: {  	p0 =	seq.s32 s5, $0x1E;
	s2 =	rddreg [dreg:$0x10]  }
0x31b: {  	s16 =	sadd.s32 $0x10, s0;
	s2 =	sadd.s32 @!p0 s19, s2  }
0x31c: {  	s0 =	sadd.s32 $0x10, s16;
	s2 =	sshrl.u32 @!p0 s2, $0x3;
	[tilespmem:s16+$0x0] =	vst v24;
	v24 =	vpop (erf)  }
0x31d: {  	s15 =	simm.s32 @!p0 $0x0;
	s16 =	simm.s32 @!p0 $0x80;
	[tilespmem:s0+$0x0] =	vst v24;
	s0 =	sadd.s32 @!p0 s8, s2  }
0x31e: {  	[tilespmem:s16], [sflag:$0x4] =	stream.linear.gather @!p0 [hbm4b:s0+s15], $0x50, $0x38;
	[tilespmem:$0x1F180] =	vst v63  }
0x31f: {  	s0 =	sadd.s32 @!p0 s9, s2;
	s16 =	simm.s32 @!p0 $0x280  }
0x320: {  	[tilespmem:s16], [sflag:$0x4] =	stream.linear.gather @!p0 [hbm4b:s0+s15], $0x50, $0x38;
	[tilespmem:$0x1F180] =	vst v63  }
0x321: {  	s0 =	sadd.s32 @!p0 s3, s2;
	s2 =	simm.s32 @!p0 $0x480  }
0x322: {  	[tilespmem:s2], [sflag:$0x4] =	stream.linear.gather @!p0 [hbm4b:s0+s15], $0x50, $0x38;
	[tilespmem:$0x1F180] =	vst v63  }
0x323: {  	_ =	swait.ge [sflag:s25], $0x2800  }
0x324: {  	[sflag:s25] =	ssyncset.done $0x0  }
0x325: {  	[sflag:s25] =	ssyncadd.s32 $0xFFFFD800  }
0x326: {  	_ =	swait.ge [sflag:s25], $0x2800  }
0x327: {  	[sflag:s25] =	ssyncset.done $0x0  }
0x328: {  	[sflag:s25] =	ssyncadd.s32 $0xFFFFD800  }
0x329: {  	_ =	swait.ge [sflag:s31], $0x50  }
0x32a: {  	[sflag:s31] =	ssyncset.done $0x0  }
0x32b: {  	[sflag:s31] =	ssyncadd.s32 $0xFFFFFFB0  }
0x32c: {  	_ =	swait.ge [sflag:s31], $0x50  }
0x32d: {  	[sflag:s31] =	ssyncset.done $0x0  }
0x32e: {  	[sflag:s31] =	ssyncadd.s32 $0xFFFFFFB0  }
0x32f: {  	_ =	swait.ge [sflag:s31], $0x50  }
0x330: {  	[sflag:s31] =	ssyncset.done $0x0  }
0x331: {  	s0 =	simm.s32 $0x0;
	[sflag:s31] =	ssyncadd.s32 $0xFFFFFFB0  }
0x332: {  	[tilespmem:s11], [sflag:$0x1] =	stream.indirect.gather [hbm4b:s6+s10], $0x80, s4, s10, $0xb8;
	[tilespmem:$0x1F180] =	vst v63  }
0x333: {  	s20 =	simm.s32 $0x1;
	s18 =	sand.u32 $0x70, s0  }
0x334: {  	[tilespmem:s12], [sflag:$0x1] =	stream.indirect.gather [hbm4b:s7+s10], $0x80, s26, s10, $0xb8;
	[tilespmem:$0x1F180] =	vst v63  }
0x335: {  	v25 =	vmov s20;
	s20 =	simm.s32 $0x7E80;
	v24 =	vld [tilespmem:s18+$0x580]  }
0x336: {  	v26 =	vld [tilespmem:s20+$0x60]  }
0x337: {  	v27 =	vld [tilespmem:s20+$0x50]  }
0x338: {  	v29 =	vld [tilespmem:s20+$0x40]  }
0x339: {  	v30 =	vld [tilespmem:s20+$0x30]  }
0x33a: {  	v53 =	vld [tilespmem:s20+$0x20]  }
0x33b: {  	v54 =	vld [tilespmem:s20+$0x10];
	v25 =	vperm.xlane v24, v25  }
0x33c: {  	s2 =	simm.s32 $0x2E80;
	v55 =	vld [tilespmem:s20+$0x0]  }
0x33d: {  	v57 =	vld [tilespmem:s2+$0x0];
	v25 =	vshll.u32 v25, $0x7  }
0x33e: {  	v38 =	vld [tilespmem:s2+$0x10];
	v28 =	vor.u32 v0, v25  }
0x33f: {  	v40 =	vld [tilespmem:s2+$0x20]  }
0x340: {  	v43 =	vld [tilespmem:s2+$0x30];
	v31 =	vor.u32 v1, v25  }
0x341: {  	v59 =	vld [tilespmem:s2+$0x40]  }
0x342: {  	v46 =	vld [tilespmem:s2+$0x50];
	v56 =	vor.u32 v2, v25  }
0x343: {  	v28 =	vld.idx.msk [tilespmem:v28+s24+$0x0], $0xffff  }
0x344: {  	v61 =	vld [tilespmem:s2+$0x60];
	v58 =	vor.u32 v3, v25  }
0x345: {  	s22 =	sand.u32 $0xE, s0;
	v31 =	vld.idx.msk [tilespmem:v31+s24+$0x0], $0xffff  }
0x346: {  	v42 =	vmov s22;
	v62 =	vld [tilespmem:s2+$0x70];
	v39 =	vor.u32 v4, v25  }
0x347: {  	v24 =	vperm.xlane v24, v42;
	v41 =	vor.u32 v6, v25;
	v35 =	vld.idx.msk [tilespmem:v56+s24+$0x0], $0xffff  }
0x348: {  	v49 =	vld [tilespmem:s20+$0x70];
	v44 =	vor.u32 v7, v25;
	v28 =	vmul.f32 v57, v28  }
0x349: {  	v24 =	vshll.u32 v24, $0x7;
	v25 =	vor.u32 v8, v25;
	v37 =	vld.idx.msk [tilespmem:v58+s24+$0x0], $0xffff  }
0x34a: {  	v51 =	vld [tilespmem:s2+$0xFFFFFF80];
	v45 =	vor.u32 v0, v24;
	v31 =	vmul.f32 v38, v31;
	v28 =	vmul.f32 v55, v28  }
0x34b: {  	v39 =	vld.idx.msk [tilespmem:v39+s24+$0x0], $0xffff  }
0x34c: {  	v41 =	vld.idx.msk [tilespmem:v41+s24+$0x0], $0xffff;
	v63 =	vmul.f32 v40, v35;
	v31 =	vmul.f32 v54, v31;
	v28 =	vadd.f32 $0.0e+00, v28  }
0x34d: {  	v47 =	vor.u32 v1, v24;
	v60 =	vld.idx.msk [tilespmem:v44+s24+$0x0], $0xffff  }
0x34e: {  	v25 =	vld.idx.msk [tilespmem:v25+s24+$0x0], $0xffff;
	v50 =	vmul.f32 v43, v37;
	v28 =	vadd.f32 v31, v28;
	v31 =	vmul.f32 v53, v63  }
0x34f: {  	v48 =	vor.u32 v2, v24;
	v45 =	vld.idx.msk [tilespmem:v45+s24+$0x0], $0xffff  }
0x350: {  	v30 =	vmul.f32 v30, v50;
	v54 =	vld [tilespmem:s20+$0xFFFFFF80];
	v28 =	vadd.f32 v31, v28;
	v31 =	vmul.f32 v59, v39  }
0x351: {  	v52 =	vor.u32 v3, v24;
	v55 =	vld [tilespmem:s2+$0xFFFFFF90]  }
0x352: {  	v53 =	vld.idx.msk [tilespmem:v47+s24+$0x0], $0xffff;
	v28 =	vadd.f32 v30, v28;
	v29 =	vmul.f32 v29, v31;
	v30 =	vmul.f32 v46, v41  }
0x353: {  	v56 =	vor.u32 v4, v24;
	v57 =	vld [tilespmem:s20+$0xFFFFFF90]  }
0x354: {  	v31 =	vld.idx.msk [tilespmem:v48+s24+$0x0], $0xffff;
	v28 =	vadd.f32 v29, v28;
	v27 =	vmul.f32 v27, v30;
	v29 =	vmul.f32 v61, v60  }
0x355: {  	v33 =	vmul.f32 v51, v45;
	v30 =	vld [tilespmem:s2+$0xFFFFFFA0]  }
0x356: {  	v25 =	vmul.f32 v62, v25;
	v59 =	vld.idx.msk [tilespmem:v52+s24+$0x0], $0xffff;
	v27 =	vadd.f32 v27, v28;
	v26 =	vmul.f32 v26, v29  }
0x357: {  	v58 =	vor.u32 v6, v24;
	v60 =	vmul.f32 v55, v53;
	v29 =	vld [tilespmem:s20+$0xFFFFFFA0];
	v28 =	vmul.f32 v54, v33  }
0x358: {  	v25 =	vmul.f32 v49, v25;
	v61 =	vld [tilespmem:s2+$0xFFFFFFB0];
	v27 =	vadd.f32 v26, v27  }
0x359: {  	v32 =	vmul.f32 v57, v60;
	v26 =	vld.idx.msk [tilespmem:v56+s24+$0x0], $0xffff;
	v62 =	vadd.f32 $0.0e+00, v28  }
0x35a: {  	v31 =	vmul.f32 v30, v31;
	v30 =	vld [tilespmem:s20+$0xFFFFFFB0];
	v63 =	vadd.f32 v25, v27;
	v25 =	vor.u32 v7, v24  }
0x35b: {  	v28 =	vld [tilespmem:s2+$0xFFFFFFC0]  }
0x35c: {  	v32 =	vadd.f32 v32, v62;
	v27 =	vld.idx.msk [tilespmem:v58+s24+$0x0], $0xffff;
	v31 =	vmul.f32 v29, v31  }
0x35d: {  	s15 =	simm.s32 $0x1CA00;
	v33 =	vmul.f32 v61, v59;
	v29 =	vld [tilespmem:s20+$0xFFFFFFC0]  }
0x35e: {  	v24 =	vor.u32 v8, v24;
	[tilespmem:s15+$0x0] =	vst v63;
	v32 =	vadd.f32 v31, v32;
	v31 =	vld [tilespmem:s2+$0xFFFFFFD0]  }
.LBB2_15:
0x35f: {  	v30 =	vmul.f32 v30, v33;
	v25 =	vld.idx.msk [tilespmem:v25+s24+$0x0], $0xffff;
	s16 =	smov.u32 s0;
	s0 =	sadd.s32 $0x2, s0  }
0x360: {  	s18 =	sand.u32 $0xE, s0;
	s22 =	sand.u32 $0x70, s0;
	p1 =	slt.u32 s0, $0x4E;
	v26 =	vmul.f32 v28, v26;
	v28 =	vld [tilespmem:s20+$0xFFFFFFD0]  }
0x361: {  	v33 =	vld [tilespmem:s22+$0x580];
	v34 =	vmov s18;
	v30 =	vadd.f32 v30, v32  }
0x362: {  	v26 =	vmul.f32 v29, v26;
	v29 =	vld [tilespmem:s2+$0xFFFFFFE0]  }
0x363: {  	v27 =	vmul.f32 v31, v27;
	v31 =	vld.idx.msk [tilespmem:v24+s24+$0x0], $0xffff  }
0x364: {  	s16 =	sadd.s32 $0x3, s16;
	v24 =	vadd.f32 v26, v30;
	v26 =	vld [tilespmem:s20+$0xFFFFFFE0]  }
0x365: {  	v30 =	vmov s16;
	v27 =	vmul.f32 v28, v27;
	v28 =	vld [tilespmem:s2+$0xFFFFFFF0]  }
0x366: {  	v32 =	vperm.xlane v33, v34;
	v30 =	vperm.xlane v33, v30;
	v33 =	vld [tilespmem:s20+$0xFFFFFFF0];
	s20 =	sadd.s32 $0x100, s20  }
0x367: {  	v34 =	vld [tilespmem:s20+$0x60];
	v27 =	vadd.f32 v27, v24;
	v29 =	vmul.f32 v29, v25  }
0x368: {  	v24 =	vshll.u32 v32, $0x7;
	v30 =	vshll.u32 v30, $0x7;
	v32 =	vld [tilespmem:s20+$0x50]  }
0x369: {  	v35 =	vor.u32 v0, v24;
	v36 =	vor.u32 v1, v24;
	v37 =	vor.u32 v0, v30;
	v38 =	vld [tilespmem:s20+$0x40]  }
0x36a: {  	v39 =	vor.u32 v2, v24;
	v40 =	vor.u32 v3, v24;
	v41 =	vor.u32 v4, v24;
	v42 =	vld [tilespmem:s20+$0x30]  }
0x36b: {  	v43 =	vor.u32 v6, v24;
	v25 =	vor.u32 v7, v24;
	v44 =	vor.u32 v1, v30;
	v45 =	vld [tilespmem:s20+$0x20]  }
0x36c: {  	v24 =	vor.u32 v8, v24;
	v26 =	vmul.f32 v26, v29;
	v28 =	vmul.f32 v28, v31;
	v46 =	vld [tilespmem:s20+$0x10]  }
0x36d: {  	v31 =	vor.u32 v2, v30;
	v29 =	vld [tilespmem:s20+$0x0]  }
0x36e: {  	s2 =	sadd.s32 $0x100, s2;
	v26 =	vadd.f32 v26, v27;
	v27 =	vmul.f32 v33, v28;
	v37 =	vld.idx.msk [tilespmem:v37+s24+$0x0], $0xffff  }
0x36f: {  	v33 =	vor.u32 v3, v30;
	v28 =	vld [tilespmem:s2+$0x0]  }
0x370: {  	v26 =	vadd.f32 v27, v26;
	v44 =	vld.idx.msk [tilespmem:v44+s24+$0x0], $0xffff  }
0x371: {  	v47 =	vor.u32 v4, v30;
	v27 =	vld [tilespmem:s2+$0x10]  }
0x372: {  	v31 =	vld.idx.msk [tilespmem:v31+s24+$0x0], $0xffff;
	[tilespmem:s15+$0xFFFFFF80] =	vst v26  }
0x373: {  	v48 =	vor.u32 v6, v30;
	v26 =	vld [tilespmem:s2+$0x20]  }
0x374: {  	v28 =	vmul.f32 v28, v37;
	v33 =	vld.idx.msk [tilespmem:v33+s24+$0x0], $0xffff  }
0x375: {  	v49 =	vor.u32 v7, v30;
	v37 =	vld [tilespmem:s2+$0x30]  }
0x376: {  	v28 =	vmul.f32 v29, v28;
	v27 =	vmul.f32 v27, v44;
	v29 =	vld.idx.msk [tilespmem:v47+s24+$0x0], $0xffff  }
0x377: {  	v30 =	vor.u32 v8, v30;
	v44 =	vld [tilespmem:s2+$0x40]  }
0x378: {  	v28 =	vadd.f32 $0.0e+00, v28;
	v27 =	vmul.f32 v46, v27;
	v26 =	vmul.f32 v26, v31;
	v31 =	vld.idx.msk [tilespmem:v48+s24+$0x0], $0xffff  }
0x379: {  	v46 =	vld [tilespmem:s2+$0x50]  }
0x37a: {  	v27 =	vadd.f32 v27, v28;
	v26 =	vmul.f32 v45, v26;
	v28 =	vmul.f32 v37, v33;
	v33 =	vld.idx.msk [tilespmem:v49+s24+$0x0], $0xffff  }
0x37b: {  	v37 =	vld [tilespmem:s2+$0x60]  }
0x37c: {  	v26 =	vadd.f32 v26, v27;
	v27 =	vmul.f32 v42, v28;
	v28 =	vmul.f32 v44, v29;
	v29 =	vld.idx.msk [tilespmem:v30+s24+$0x0], $0xffff  }
0x37d: {  	v30 =	vld [tilespmem:s2+$0x70]  }
0x37e: {  	v35 =	vld.idx.msk [tilespmem:v35+s24+$0x0], $0xffff;
	v26 =	vadd.f32 v27, v26;
	v27 =	vmul.f32 v38, v28;
	v28 =	vmul.f32 v46, v31  }
0x37f: {  	v31 =	vld [tilespmem:s20+$0x70]  }
0x380: {  	v38 =	vld [tilespmem:s2+$0xFFFFFF80];
	v26 =	vadd.f32 v27, v26;
	v27 =	vmul.f32 v32, v28;
	v28 =	vmul.f32 v37, v33  }
0x381: {  	v32 =	vld.idx.msk [tilespmem:v36+s24+$0x0], $0xffff  }
0x382: {  	v33 =	vld [tilespmem:s20+$0xFFFFFF80];
	v26 =	vadd.f32 v27, v26;
	v27 =	vmul.f32 v34, v28;
	v28 =	vmul.f32 v30, v29  }
0x383: {  	v29 =	vld [tilespmem:s2+$0xFFFFFF90]  }
0x384: {  	v30 =	vld.idx.msk [tilespmem:v39+s24+$0x0], $0xffff;
	v26 =	vadd.f32 v27, v26;
	v27 =	vmul.f32 v31, v28  }
0x385: {  	v28 =	vmul.f32 v38, v35;
	v31 =	vld [tilespmem:s20+$0xFFFFFF90]  }
0x386: {  	v34 =	vld [tilespmem:s2+$0xFFFFFFA0];
	v26 =	vadd.f32 v27, v26  }
0x387: {  	s15 =	sadd.s32 $0x100, s15;
	v27 =	vmul.f32 v33, v28;
	v33 =	vld.idx.msk [tilespmem:v40+s24+$0x0], $0xffff  }
0x388: {  	v28 =	vmul.f32 v29, v32;
	v29 =	vld [tilespmem:s20+$0xFFFFFFA0];
	[tilespmem:s15+$0x0] =	vst v26  }
0x389: {  	v27 =	vadd.f32 $0.0e+00, v27;
	v32 =	vld [tilespmem:s2+$0xFFFFFFB0]  }
0x38a: {  	v28 =	vmul.f32 v31, v28;
	v26 =	vld.idx.msk [tilespmem:v41+s24+$0x0], $0xffff  }
.Ltmp6:
0x38b: {  	v31 =	vmul.f32 v34, v30;
	v30 =	vld [tilespmem:s20+$0xFFFFFFB0];
	(pc) =	sbr.rel @p1 .LBB2_15-.Ltmp6, $4  }
0x38c: {  	v34 =	vadd.f32 v28, v27;
	v28 =	vld [tilespmem:s2+$0xFFFFFFC0]  }
0x38d: {  	v31 =	vmul.f32 v29, v31;
	v27 =	vld.idx.msk [tilespmem:v43+s24+$0x0], $0xffff  }
0x38e: {  	v33 =	vmul.f32 v32, v33;
	v29 =	vld [tilespmem:s20+$0xFFFFFFC0]  }
0x38f: {  	v32 =	vadd.f32 v31, v34;
	v31 =	vld [tilespmem:s2+$0xFFFFFFD0]  }
0x390: {  	_ =	sdelay $0x3  }
0x391: {  	v25 =	vld.idx.msk [tilespmem:v25+s24+$0x0], $0xffff  }
0x392: {  	v34 =	vld [tilespmem:s20+$0xFFFFFFD0]  }
0x393: {  	v35 =	vld [tilespmem:s2+$0xFFFFFFE0]  }
0x394: {  	v24 =	vld.idx.msk [tilespmem:v24+s24+$0x0], $0xffff  }
0x395: {  	v30 =	vmul.f32 v30, v33;
	v54 =	vld [tilespmem:s2+$0xFFFFFFF0];
	v26 =	vmul.f32 v28, v26  }
0x396: {  	v28 =	vld [tilespmem:s20+$0xFFFFFFE0]  }
0x397: {  	v30 =	vadd.f32 v30, v32;
	v26 =	vmul.f32 v29, v26;
	v27 =	vmul.f32 v31, v27  }
0x398: {  	v29 =	vld [tilespmem:s20+$0xFFFFFFF0]  }
0x399: {  	v26 =	vadd.f32 v26, v30;
	v25 =	vmul.f32 v35, v25;
	v27 =	vmul.f32 v34, v27;
	_ =	sdelay $0x1  }
0x39a: {  	v24 =	vmul.f32 v54, v24;
	v25 =	vmul.f32 v28, v25;
	v26 =	vadd.f32 v27, v26  }
0x39b: {  	s20 =	simm.s32 $0x0  }
0x39c: {  	v24 =	vmul.f32 v29, v24;
	v25 =	vadd.f32 v25, v26;
	v26 =	vor.u32 s20, v5;
	_ =	sdelay $0x1  }
0x39d: {  	v24 =	vadd.f32 v24, v25;
	v25 =	vor.u32 s20, v9;
	_ =	sdelay $0x1  }
0x39e: {  	[tilespmem:s15+$0xFFFFFF80] =	vst v24;
	v24 =	vor.u32 s20, v10  }
0x39f: {  	v26 =	vld.idx.msk [tilespmem:v26+s17+$0x0], $0xffff  }
0x3a0: {  	v27 =	vor.u32 s20, v11  }
0x3a1: {  	v25 =	vld.idx.msk [tilespmem:v25+s17+$0x0], $0xffff  }
0x3a2: {  	v28 =	vor.u32 s20, v12  }
0x3a3: {  	v24 =	vld.idx.msk [tilespmem:v24+s17+$0x0], $0xffff  }
0x3a4: {  	v29 =	vor.u32 s20, v13;
	v26 =	vadd.f32 $0.0e+00, v26  }
0x3a5: {  	v27 =	vld.idx.msk [tilespmem:v27+s17+$0x0], $0xffff  }
0x3a6: {  	v30 =	vor.u32 s20, v14;
	v25 =	vadd.f32 v25, v26  }
0x3a7: {  	v26 =	vld.idx.msk [tilespmem:v28+s17+$0x0], $0xffff  }
0x3a8: {  	v28 =	vor.u32 s20, v15;
	v24 =	vadd.f32 v24, v25  }
0x3a9: {  	v25 =	vld.idx.msk [tilespmem:v29+s17+$0x0], $0xffff  }
0x3aa: {  	v29 =	vor.u32 s20, v16;
	v24 =	vadd.f32 v27, v24  }
0x3ab: {  	v27 =	vld.idx.msk [tilespmem:v30+s17+$0x0], $0xffff  }
0x3ac: {  	v30 =	vor.u32 s20, v17;
	v24 =	vadd.f32 v26, v24  }
0x3ad: {  	v26 =	vld.idx.msk [tilespmem:v28+s17+$0x0], $0xffff  }
0x3ae: {  	v28 =	vor.u32 s20, v18;
	v24 =	vadd.f32 v25, v24  }
0x3af: {  	v25 =	vld.idx.msk [tilespmem:v29+s17+$0x0], $0xffff  }
0x3b0: {  	v29 =	vor.u32 s20, v19;
	v24 =	vadd.f32 v27, v24  }
0x3b1: {  	v27 =	vld.idx.msk [tilespmem:v30+s17+$0x0], $0xffff  }
0x3b2: {  	s0 =	simm.s32 $0x800;
	v30 =	vor.u32 s20, v20;
	v24 =	vadd.f32 v26, v24  }
0x3b3: {  	v28 =	vld.idx.msk [tilespmem:v28+s17+$0x0], $0xffff;
	v26 =	vor.u32 s0, v5  }
0x3b4: {  	v31 =	vor.u32 s20, v21;
	v24 =	vadd.f32 v25, v24  }
0x3b5: {  	v29 =	vld.idx.msk [tilespmem:v29+s17+$0x0], $0xffff;
	v25 =	vor.u32 s0, v9  }
0x3b6: {  	v55 =	vor.u32 s20, v22;
	v24 =	vadd.f32 v27, v24  }
0x3b7: {  	v30 =	vld.idx.msk [tilespmem:v30+s17+$0x0], $0xffff;
	v27 =	vor.u32 s0, v10  }
0x3b8: {  	v56 =	vor.u32 s20, v23;
	v26 =	vld.idx.msk [tilespmem:v26+s17+$0x0], $0xffff;
	v24 =	vadd.f32 v28, v24  }
0x3b9: {  	v31 =	vld.idx.msk [tilespmem:v31+s17+$0x0], $0xffff;
	v28 =	vor.u32 s0, v11  }
0x3ba: {  	v25 =	vld.idx.msk [tilespmem:v25+s17+$0x0], $0xffff;
	v24 =	vadd.f32 v29, v24  }
0x3bb: {  	v32 =	vld.idx.msk [tilespmem:v55+s17+$0x0], $0xffff;
	v29 =	vor.u32 s0, v12  }
0x3bc: {  	v27 =	vld.idx.msk [tilespmem:v27+s17+$0x0], $0xffff;
	v24 =	vadd.f32 v30, v24  }
0x3bd: {  	v33 =	vld.idx.msk [tilespmem:v56+s17+$0x0], $0xffff;
	v30 =	vor.u32 s0, v13;
	v26 =	vadd.f32 $0.0e+00, v26  }
0x3be: {  	v28 =	vld.idx.msk [tilespmem:v28+s17+$0x0], $0xffff;
	v24 =	vadd.f32 v31, v24  }
0x3bf: {  	v31 =	vor.u32 s0, v14;
	v25 =	vadd.f32 v25, v26  }
0x3c0: {  	v26 =	vld.idx.msk [tilespmem:v29+s17+$0x0], $0xffff;
	v24 =	vadd.f32 v32, v24  }
0x3c1: {  	v29 =	vor.u32 s0, v15;
	v25 =	vadd.f32 v27, v25  }
0x3c2: {  	v27 =	vld.idx.msk [tilespmem:v30+s17+$0x0], $0xffff;
	v24 =	vadd.f32 v33, v24  }
0x3c3: {  	v30 =	vor.u32 s0, v16;
	v25 =	vadd.f32 v28, v25  }
0x3c4: {  	v28 =	vld.idx.msk [tilespmem:v31+s17+$0x0], $0xffff;
	v24 =	vsub.f32 $0.0e+00, v24  }
0x3c5: {  	v31 =	vor.u32 s0, v17;
	v25 =	vadd.f32 v26, v25  }
0x3c6: {  	v26 =	vld.idx.msk [tilespmem:v29+s17+$0x0], $0xffff;
	v24 =	vmul.f32 $1.442695020e+00, v24  }
0x3c7: {  	v29 =	vor.u32 s0, v18;
	v25 =	vadd.f32 v27, v25  }
0x3c8: {  	v27 =	vld.idx.msk [tilespmem:v30+s17+$0x0], $0xffff;
	(erf) = vpow2.f32 v24  }
0x3c9: {  	v24 =	vor.u32 s0, v19;
	v25 =	vadd.f32 v28, v25  }
0x3ca: {  	s22 =	simm.s32 $0x1000;
	v28 =	vor.u32 s0, v20;
	v30 =	vld.idx.msk [tilespmem:v31+s17+$0x0], $0xffff  }
0x3cb: {  	v31 =	vor.u32 s22, v5;
	v25 =	vadd.f32 v26, v25  }
0x3cc: {  	v57 =	vor.u32 s22, v9;
	v29 =	vld.idx.msk [tilespmem:v29+s17+$0x0], $0xffff  }
0x3cd: {  	v26 =	vor.u32 s0, v21;
	v25 =	vadd.f32 v27, v25  }
0x3ce: {  	v27 =	vor.u32 s0, v22;
	v24 =	vld.idx.msk [tilespmem:v24+s17+$0x0], $0xffff  }
0x3cf: {  	v58 =	vor.u32 s22, v10;
	v28 =	vld.idx.msk [tilespmem:v28+s17+$0x0], $0xffff;
	v25 =	vadd.f32 v30, v25  }
0x3d0: {  	v31 =	vld.idx.msk [tilespmem:v31+s17+$0x0], $0xffff;
	v30 =	vor.u32 s0, v23  }
0x3d1: {  	v59 =	vor.u32 s22, v11;
	v32 =	vld.idx.msk [tilespmem:v57+s17+$0x0], $0xffff;
	v25 =	vadd.f32 v29, v25;
	v29 =	vpop (erf)  }
0x3d2: {  	v26 =	vld.idx.msk [tilespmem:v26+s17+$0x0], $0xffff;
	v29 =	vadd.f32 $1.000000000e+00, v29  }
0x3d3: {  	v60 =	vor.u32 s22, v12;
	v27 =	vld.idx.msk [tilespmem:v27+s17+$0x0], $0xffff;
	v24 =	vadd.f32 v24, v25  }
0x3d4: {  	v25 =	vld.idx.msk [tilespmem:v58+s17+$0x0], $0xffff;
	(erf) = vrcp.f32 v29  }
0x3d5: {  	v36 =	vor.u32 s22, v13;
	v61 =	vld.idx.msk [tilespmem:v30+s17+$0x0], $0xffff;
	v30 =	vadd.f32 $0.0e+00, v31;
	v24 =	vadd.f32 v28, v24  }
0x3d6: {  	v38 =	vor.u32 s22, v14;
	v37 =	vld.idx.msk [tilespmem:v59+s17+$0x0], $0xffff  }
0x3d7: {  	v29 =	vor.u32 s22, v16;
	v28 =	vadd.f32 v32, v30;
	v24 =	vadd.f32 v26, v24  }
0x3d8: {  	v62 =	vor.u32 s22, v15;
	v39 =	vld.idx.msk [tilespmem:v60+s17+$0x0], $0xffff  }
0x3d9: {  	v25 =	vadd.f32 v25, v28;
	v24 =	vadd.f32 v27, v24  }
0x3da: {  	v34 =	vld.idx.msk [tilespmem:v36+s17+$0x0], $0xffff;
	v30 =	vor.u32 s22, v17;
	v26 =	vor.u32 s22, v19  }
0x3db: {  	v35 =	vld.idx.msk [tilespmem:v38+s17+$0x0], $0xffff;
	v28 =	vor.u32 s22, v18;
	v63 =	vadd.f32 v37, v25;
	v40 =	vadd.f32 v61, v24  }
0x3dc: {  	v27 =	vor.u32 s22, v20;
	v31 =	vld.idx.msk [tilespmem:v29+s17+$0x0], $0xffff;
	v25 =	vor.u32 s22, v21;
	v29 =	vor.u32 s22, v22  }
0x3dd: {  	s2 =	simm.s32 $0x3;
	v33 =	vld.idx.msk [tilespmem:v62+s17+$0x0], $0xffff;
	s0 =	smov.u32 s30;
	v24 =	vor.u32 s22, v23;
	v37 =	vadd.f32 v39, v63;
	v36 =	vsub.f32 $0.0e+00, v40;
	v32 =	vpop (erf)  }
.LBB2_17:
0x3de: {  	p1 =	sne.s32 s2, $0x4  }
0x3df: {  	v34 =	vadd.f32 v34, v37;
	v36 =	vmul.f32 $1.442695020e+00, v36;
	[tilespmem:s0+$0x0] =	vst v32;
	s0 =	sadd.s32 $0x10, s0;
	s15 =	smov.u32 s2;
	s2 =	sadd.s32 $0x1, s2  }
0x3e0: {  	_ = 	snop  }
0x3e1: {  	s15 =	sshll.u32 s15, $0xB;
	v32 =	vadd.f32 v35, v34;
	v34 =	vld.idx.msk [tilespmem:v30+s17+$0x0], $0xffff;
	(erf) = vpow2.f32 v36  }
0x3e2: {  	v35 =	vor.u32 s15, v5;
	v36 =	vor.u32 s15, v9;
	v37 =	vor.u32 s15, v10  }
0x3e3: {  	v38 =	vor.u32 s15, v11;
	v39 =	vor.u32 s15, v12;
	v32 =	vadd.f32 v33, v32;
	v33 =	vld.idx.msk [tilespmem:v28+s17+$0x0], $0xffff  }
0x3e4: {  	v40 =	vor.u32 s15, v13;
	v41 =	vor.u32 s15, v14;
	v42 =	vor.u32 s15, v15;
	v43 =	vld.idx.msk [tilespmem:v29+s17+$0x0], $0xffff  }
0x3e5: {  	v44 =	vor.u32 s15, v16;
	v30 =	vor.u32 s15, v17;
	v31 =	vadd.f32 v31, v32;
	v32 =	vld.idx.msk [tilespmem:v26+s17+$0x0], $0xffff  }
0x3e6: {  	v28 =	vor.u32 s15, v18;
	v26 =	vor.u32 s15, v19;
	v45 =	vld.idx.msk [tilespmem:v27+s17+$0x0], $0xffff;
	v27 =	vor.u32 s15, v20  }
0x3e7: {  	v46 =	vor.u32 s15, v21;
	v29 =	vor.u32 s15, v22;
	v35 =	vld.idx.msk [tilespmem:v35+s17+$0x0], $0xffff;
	v31 =	vadd.f32 v34, v31  }
0x3e8: {  	v34 =	vor.u32 s15, v23;
	v47 =	vld.idx.msk [tilespmem:v25+s17+$0x0], $0xffff;
	v25 =	vmov v46  }
0x3e9: {  	v36 =	vld.idx.msk [tilespmem:v36+s17+$0x0], $0xffff;
	v33 =	vadd.f32 v33, v31  }
0x3ea: {  	v31 =	vld.idx.msk [tilespmem:v44+s17+$0x0], $0xffff;
	v44 =	vpop (erf)  }
0x3eb: {  	v37 =	vld.idx.msk [tilespmem:v37+s17+$0x0], $0xffff;
	v32 =	vadd.f32 v32, v33;
	v33 =	vadd.f32 $1.000000000e+00, v44  }
0x3ec: {  	v44 =	vld.idx.msk [tilespmem:v24+s17+$0x0], $0xffff;
	v24 =	vmov v34  }
0x3ed: {  	v34 =	vadd.f32 $0.0e+00, v35;
	v35 =	vld.idx.msk [tilespmem:v38+s17+$0x0], $0xffff;
	v32 =	vadd.f32 v45, v32;
	(erf) = vrcp.f32 v33;
	_ =	sdelay $0x1  }
0x3ee: {  	v33 =	vadd.f32 v36, v34;
	v36 =	vld.idx.msk [tilespmem:v39+s17+$0x0], $0xffff;
	v32 =	vadd.f32 v47, v32;
	_ =	sdelay $0x1  }
0x3ef: {  	v33 =	vadd.f32 v37, v33;
	v34 =	vld.idx.msk [tilespmem:v40+s17+$0x0], $0xffff;
	v32 =	vadd.f32 v43, v32  }
.Ltmp7:
0x3f0: {  	(pc) =	sbr.rel @p1 .LBB2_17-.Ltmp7, $3  }
0x3f1: {  	v33 =	vadd.f32 v35, v33;
	v35 =	vld.idx.msk [tilespmem:v41+s17+$0x0], $0xffff;
	v38 =	vadd.f32 v44, v32;
	_ =	sdelay $0x1  }
0x3f2: {  	v37 =	vadd.f32 v36, v33;
	v33 =	vld.idx.msk [tilespmem:v42+s17+$0x0], $0xffff;
	v36 =	vsub.f32 $0.0e+00, v38  }
0x3f3: {  	v32 =	vpop (erf)  }
0x3f4: {  	_ = 	snop  }
0x3f5: {  	v34 =	vadd.f32 v34, v37;
	_ =	sdelay $0x1  }
0x3f6: {  	v34 =	vadd.f32 v35, v34  }
0x3f7: {  	v30 =	vld.idx.msk [tilespmem:v30+s17+$0x0], $0xffff  }
0x3f8: {  	v33 =	vadd.f32 v33, v34  }
0x3f9: {  	v28 =	vld.idx.msk [tilespmem:v28+s17+$0x0], $0xffff  }
0x3fa: {  	v31 =	vadd.f32 v31, v33  }
0x3fb: {  	v26 =	vld.idx.msk [tilespmem:v26+s17+$0x0], $0xffff  }
0x3fc: {  	v30 =	vadd.f32 v30, v31  }
0x3fd: {  	v27 =	vld.idx.msk [tilespmem:v27+s17+$0x0], $0xffff  }
0x3fe: {  	v28 =	vadd.f32 v28, v30  }
0x3ff: {  	v58 =	vmul.f32 $1.442695020e+00, v36;
	v25 =	vld.idx.msk [tilespmem:v25+s17+$0x0], $0xffff  }
0x400: {  	v26 =	vadd.f32 v26, v28  }
0x401: {  	v59 =	vld.idx.msk [tilespmem:v29+s17+$0x0], $0xffff;
	(erf) = vpow2.f32 v58  }
0x402: {  	v26 =	vadd.f32 v27, v26  }
0x403: {  	v24 =	vld.idx.msk [tilespmem:v24+s17+$0x0], $0xffff  }
0x404: {  	v25 =	vadd.f32 v25, v26;
	_ =	sdelay $0x1  }
0x405: {  	v25 =	vadd.f32 v59, v25;
	_ =	sdelay $0x1  }
0x406: {  	v24 =	vadd.f32 v24, v25;
	_ =	sdelay $0x1  }
0x407: {  	v60 =	vpop (erf);
	v24 =	vsub.f32 $0.0e+00, v24  }
0x408: {  	v25 =	vadd.f32 $1.000000000e+00, v60  }
0x409: {  	v24 =	vmul.f32 $1.442695020e+00, v24  }
0x40a: {  	(erf) = vrcp.f32 v25  }
0x40b: {  	(erf) = vpow2.f32 v24;
	_ =	sdelay $0x7  }
0x40c: {  	v61 =	vpop (erf)  }
0x40d: {  	v62 =	vpop (erf)  }
0x40e: {  	v25 =	vadd.f32 $1.000000000e+00, v62;
	_ =	sdelay $0x1  }
0x40f: {  	(erf) = vrcp.f32 v25;
	_ =	sdelay $0x5  }
.Ltmp8:
0x410: {  	_ = 	snop;
	(pc) =	sbr.rel @p0 .LBB2_20-.Ltmp8, $4  }
0x411: {  	_ = 	snop  }
0x412: {  	[tilespmem:s0+$0x0] =	vst v32;
	s22 =	sadd.s32 $0x10, s0  }
0x413: {  	s0 =	sadd.s32 $0x10, s22;
	[tilespmem:s22+$0x0] =	vst v61;
	v63 =	vpop (erf)  }
0x414: {  	s22 =	simm.s32 $0x100;
	[tilespmem:s0+$0x0] =	vst v63  }
0x415: {  	s0 =	rddreg [dreg:$0x11]  }
0x416: {  	s0 =	sadd.s32 s19, s0  }
0x417: {  	s0 =	sshrl.u32 s0, $0x3  }
0x418: {  	s15 =	simm.s32 $0x300;
	s2 =	sadd.s32 s8, s0  }
0x419: {  	[tilespmem:s22], [sflag:$0x5] =	stream.linear.gather [hbm4b:s2+s4], $0x50, $0x38;
	[tilespmem:$0x1F180] =	vst v63  }
.Ltmp9:
0x41a: {  	s20 =	simm.s32 $0x500;
	s5 =	sadd.s32 $0x1, s5;
	(pc) =	sbr.rel .LBB2_2-.Ltmp9, $4  }
0x41b: {  	s21 =	sadd.s32 $0x140, s21;
	s28 =	sadd.s32 $0x140, s28;
	s19 =	sadd.s32 s9, s0  }
0x41c: {  	[tilespmem:s15], [sflag:$0x5] =	stream.linear.gather [hbm4b:s19+s4], $0x50, $0x38;
	[tilespmem:$0x1F180] =	vst v63  }
0x41d: {  	s29 =	sadd.s32 $0x140, s29;
	s30 =	sadd.s32 $0x140, s30;
	s0 =	sadd.s32 s3, s0  }
0x41e: {  	[tilespmem:s20], [sflag:$0x5] =	stream.linear.gather [hbm4b:s0+s4], $0x50, $0x38;
	[tilespmem:$0x1F180] =	vst v63  }
.LBB2_20:
0x41f: {  	_ =	swait.ge [sflag:s13], $0x2800  }
0x420: {  	[sflag:s13] =	ssyncset.done $0x0  }
0x421: {  	[sflag:s13] =	ssyncadd.s32 $0xFFFFD800  }
0x422: {  	_ =	swait.ge [sflag:s13], $0x2800  }
0x423: {  	s20 =	simm.s32 $0x0;
	[sflag:s13] =	ssyncset.done $0x0  }
0x424: {  	s0 =	sand.u32 $0x70, s20;
	[sflag:s13] =	ssyncadd.s32 $0xFFFFD800  }
0x425: {  	s19 =	simm.s32 $0x5680;
	v24 =	vld [tilespmem:s0+$0x400]  }
0x426: {  	v26 =	vld [tilespmem:s19+$0x60]  }
0x427: {  	v27 =	vld [tilespmem:s19+$0x50]  }
0x428: {  	v29 =	vld [tilespmem:s19+$0x40]  }
0x429: {  	s30 =	simm.s32 $0x1;
	v30 =	vld [tilespmem:s19+$0x30]  }
0x42a: {  	v25 =	vmov s30;
	v32 =	vld [tilespmem:s19+$0x20]  }
0x42b: {  	v33 =	vld [tilespmem:s19+$0x10];
	v25 =	vperm.xlane v24, v25  }
0x42c: {  	v34 =	vld [tilespmem:s19+$0x0]  }
0x42d: {  	v49 =	vld [tilespmem:s19+$0x70];
	v25 =	vshll.u32 v25, $0x7  }
0x42e: {  	s0 =	simm.s32 $0x680;
	v54 =	vld [tilespmem:s19+$0xFFFFFF80];
	v28 =	vor.u32 v0, v25  }
0x42f: {  	v36 =	vld [tilespmem:s0+$0x0]  }
0x430: {  	v38 =	vld [tilespmem:s0+$0x10];
	v31 =	vor.u32 v1, v25  }
0x431: {  	v40 =	vld [tilespmem:s0+$0x20]  }
0x432: {  	v43 =	vld [tilespmem:s0+$0x30];
	v35 =	vor.u32 v2, v25  }
0x433: {  	v28 =	vld.idx.msk [tilespmem:v28+s24+$0x0], $0xffff  }
0x434: {  	v59 =	vld [tilespmem:s0+$0x40];
	v37 =	vor.u32 v3, v25  }
0x435: {  	s2 =	sand.u32 $0xE, s20;
	v31 =	vld.idx.msk [tilespmem:v31+s24+$0x0], $0xffff  }
0x436: {  	v42 =	vmov s2;
	v46 =	vld [tilespmem:s0+$0x50];
	v39 =	vor.u32 v4, v25  }
0x437: {  	v24 =	vperm.xlane v24, v42;
	v35 =	vld.idx.msk [tilespmem:v35+s24+$0x0], $0xffff  }
0x438: {  	v61 =	vld [tilespmem:s0+$0x60];
	v41 =	vor.u32 v6, v25;
	v28 =	vmul.f32 v36, v28  }
0x439: {  	v24 =	vshll.u32 v24, $0x7;
	v37 =	vld.idx.msk [tilespmem:v37+s24+$0x0], $0xffff  }
0x43a: {  	v62 =	vld [tilespmem:s0+$0x70];
	v44 =	vor.u32 v7, v25;
	v31 =	vmul.f32 v38, v31;
	v28 =	vmul.f32 v34, v28  }
0x43b: {  	v25 =	vor.u32 v8, v25;
	v45 =	vor.u32 v0, v24;
	v39 =	vld.idx.msk [tilespmem:v39+s24+$0x0], $0xffff  }
0x43c: {  	v51 =	vld [tilespmem:s0+$0xFFFFFF80];
	v63 =	vmul.f32 v40, v35;
	v31 =	vmul.f32 v33, v31;
	v28 =	vadd.f32 $0.0e+00, v28  }
0x43d: {  	v47 =	vor.u32 v1, v24;
	v41 =	vld.idx.msk [tilespmem:v41+s24+$0x0], $0xffff  }
0x43e: {  	v55 =	vld [tilespmem:s0+$0xFFFFFF90];
	v50 =	vmul.f32 v43, v37;
	v28 =	vadd.f32 v31, v28;
	v31 =	vmul.f32 v32, v63  }
0x43f: {  	v48 =	vor.u32 v2, v24;
	v60 =	vld.idx.msk [tilespmem:v44+s24+$0x0], $0xffff  }
0x440: {  	v45 =	vld.idx.msk [tilespmem:v45+s24+$0x0], $0xffff;
	v30 =	vmul.f32 v30, v50;
	v28 =	vadd.f32 v31, v28;
	v31 =	vmul.f32 v59, v39  }
0x441: {  	v52 =	vor.u32 v3, v24;
	v25 =	vld.idx.msk [tilespmem:v25+s24+$0x0], $0xffff  }
0x442: {  	v53 =	vld.idx.msk [tilespmem:v47+s24+$0x0], $0xffff;
	v28 =	vadd.f32 v30, v28;
	v29 =	vmul.f32 v29, v31;
	v30 =	vmul.f32 v46, v41  }
0x443: {  	v57 =	vld [tilespmem:s19+$0xFFFFFF90];
	v56 =	vor.u32 v4, v24  }
0x444: {  	v31 =	vld.idx.msk [tilespmem:v48+s24+$0x0], $0xffff;
	v28 =	vadd.f32 v29, v28;
	v27 =	vmul.f32 v27, v30;
	v29 =	vmul.f32 v61, v60  }
0x445: {  	v33 =	vmul.f32 v51, v45;
	v30 =	vld [tilespmem:s0+$0xFFFFFFA0]  }
0x446: {  	v25 =	vmul.f32 v62, v25;
	v59 =	vld.idx.msk [tilespmem:v52+s24+$0x0], $0xffff;
	v27 =	vadd.f32 v27, v28;
	v26 =	vmul.f32 v26, v29  }
0x447: {  	v58 =	vor.u32 v6, v24;
	v60 =	vmul.f32 v55, v53;
	v29 =	vld [tilespmem:s19+$0xFFFFFFA0];
	v28 =	vmul.f32 v54, v33  }
0x448: {  	v25 =	vmul.f32 v49, v25;
	v61 =	vld [tilespmem:s0+$0xFFFFFFB0];
	v27 =	vadd.f32 v26, v27  }
0x449: {  	v32 =	vmul.f32 v57, v60;
	v26 =	vld.idx.msk [tilespmem:v56+s24+$0x0], $0xffff;
	v62 =	vadd.f32 $0.0e+00, v28  }
0x44a: {  	v31 =	vmul.f32 v30, v31;
	v30 =	vld [tilespmem:s19+$0xFFFFFFB0];
	v63 =	vadd.f32 v25, v27;
	v25 =	vor.u32 v7, v24  }
0x44b: {  	v28 =	vld [tilespmem:s0+$0xFFFFFFC0]  }
0x44c: {  	v32 =	vadd.f32 v32, v62;
	v27 =	vld.idx.msk [tilespmem:v58+s24+$0x0], $0xffff;
	v31 =	vmul.f32 v29, v31  }
0x44d: {  	s2 =	simm.s32 $0x1CA00;
	v33 =	vmul.f32 v61, v59;
	v29 =	vld [tilespmem:s19+$0xFFFFFFC0]  }
0x44e: {  	s5 =	simm.s32 $0x1C8C0;
	v24 =	vor.u32 v8, v24;
	[tilespmem:s2+$0x0] =	vst v63;
	v32 =	vadd.f32 v31, v32;
	v31 =	vld [tilespmem:s0+$0xFFFFFFD0]  }
.LBB2_21:
0x44f: {  	v30 =	vmul.f32 v30, v33;
	v25 =	vld.idx.msk [tilespmem:v25+s24+$0x0], $0xffff;
	s15 =	smov.u32 s20;
	s20 =	sadd.s32 $0x2, s20  }
0x450: {  	s16 =	sand.u32 $0xE, s20;
	s18 =	sand.u32 $0x70, s20;
	p0 =	slt.u32 s20, $0x4E;
	v26 =	vmul.f32 v28, v26;
	v28 =	vld [tilespmem:s19+$0xFFFFFFD0]  }
0x451: {  	v33 =	vld [tilespmem:s18+$0x400];
	v34 =	vmov s16;
	v30 =	vadd.f32 v30, v32  }
0x452: {  	v26 =	vmul.f32 v29, v26;
	v29 =	vld [tilespmem:s0+$0xFFFFFFE0]  }
0x453: {  	v27 =	vmul.f32 v31, v27;
	v31 =	vld.idx.msk [tilespmem:v24+s24+$0x0], $0xffff  }
0x454: {  	s15 =	sadd.s32 $0x3, s15;
	v24 =	vadd.f32 v26, v30;
	v26 =	vld [tilespmem:s19+$0xFFFFFFE0]  }
0x455: {  	v30 =	vmov s15;
	v27 =	vmul.f32 v28, v27;
	v28 =	vld [tilespmem:s0+$0xFFFFFFF0]  }
0x456: {  	v32 =	vperm.xlane v33, v34;
	v30 =	vperm.xlane v33, v30;
	v33 =	vld [tilespmem:s19+$0xFFFFFFF0];
	s19 =	sadd.s32 $0x100, s19  }
0x457: {  	v34 =	vld [tilespmem:s19+$0x60];
	v27 =	vadd.f32 v27, v24;
	v29 =	vmul.f32 v29, v25  }
0x458: {  	v24 =	vshll.u32 v32, $0x7;
	v30 =	vshll.u32 v30, $0x7;
	v32 =	vld [tilespmem:s19+$0x50]  }
0x459: {  	v35 =	vor.u32 v0, v24;
	v36 =	vor.u32 v1, v24;
	v37 =	vor.u32 v0, v30;
	v38 =	vld [tilespmem:s19+$0x40]  }
0x45a: {  	v39 =	vor.u32 v2, v24;
	v40 =	vor.u32 v3, v24;
	v41 =	vor.u32 v4, v24;
	v42 =	vld [tilespmem:s19+$0x30]  }
0x45b: {  	v43 =	vor.u32 v6, v24;
	v25 =	vor.u32 v7, v24;
	v44 =	vor.u32 v1, v30;
	v45 =	vld [tilespmem:s19+$0x20]  }
0x45c: {  	v24 =	vor.u32 v8, v24;
	v26 =	vmul.f32 v26, v29;
	v28 =	vmul.f32 v28, v31;
	v46 =	vld [tilespmem:s19+$0x10]  }
0x45d: {  	v31 =	vor.u32 v2, v30;
	v29 =	vld [tilespmem:s19+$0x0]  }
0x45e: {  	s0 =	sadd.s32 $0x100, s0;
	v26 =	vadd.f32 v26, v27;
	v27 =	vmul.f32 v33, v28;
	v37 =	vld.idx.msk [tilespmem:v37+s24+$0x0], $0xffff  }
0x45f: {  	v33 =	vor.u32 v3, v30;
	v28 =	vld [tilespmem:s0+$0x0]  }
0x460: {  	v26 =	vadd.f32 v27, v26;
	v44 =	vld.idx.msk [tilespmem:v44+s24+$0x0], $0xffff  }
0x461: {  	v47 =	vor.u32 v4, v30;
	v27 =	vld [tilespmem:s0+$0x10]  }
0x462: {  	v31 =	vld.idx.msk [tilespmem:v31+s24+$0x0], $0xffff;
	[tilespmem:s2+$0xFFFFFF80] =	vst v26  }
0x463: {  	v48 =	vor.u32 v6, v30;
	v26 =	vld [tilespmem:s0+$0x20]  }
0x464: {  	v28 =	vmul.f32 v28, v37;
	v33 =	vld.idx.msk [tilespmem:v33+s24+$0x0], $0xffff  }
0x465: {  	v49 =	vor.u32 v7, v30;
	v37 =	vld [tilespmem:s0+$0x30]  }
0x466: {  	v28 =	vmul.f32 v29, v28;
	v27 =	vmul.f32 v27, v44;
	v29 =	vld.idx.msk [tilespmem:v47+s24+$0x0], $0xffff  }
0x467: {  	v30 =	vor.u32 v8, v30;
	v44 =	vld [tilespmem:s0+$0x40]  }
0x468: {  	v28 =	vadd.f32 $0.0e+00, v28;
	v27 =	vmul.f32 v46, v27;
	v26 =	vmul.f32 v26, v31;
	v31 =	vld.idx.msk [tilespmem:v48+s24+$0x0], $0xffff  }
0x469: {  	v46 =	vld [tilespmem:s0+$0x50]  }
0x46a: {  	v27 =	vadd.f32 v27, v28;
	v26 =	vmul.f32 v45, v26;
	v28 =	vmul.f32 v37, v33;
	v33 =	vld.idx.msk [tilespmem:v49+s24+$0x0], $0xffff  }
0x46b: {  	v37 =	vld [tilespmem:s0+$0x60]  }
0x46c: {  	v26 =	vadd.f32 v26, v27;
	v27 =	vmul.f32 v42, v28;
	v28 =	vmul.f32 v44, v29;
	v29 =	vld.idx.msk [tilespmem:v30+s24+$0x0], $0xffff  }
0x46d: {  	v30 =	vld [tilespmem:s0+$0x70]  }
0x46e: {  	v35 =	vld.idx.msk [tilespmem:v35+s24+$0x0], $0xffff;
	v26 =	vadd.f32 v27, v26;
	v27 =	vmul.f32 v38, v28;
	v28 =	vmul.f32 v46, v31  }
0x46f: {  	v31 =	vld [tilespmem:s19+$0x70]  }
0x470: {  	v38 =	vld [tilespmem:s0+$0xFFFFFF80];
	v26 =	vadd.f32 v27, v26;
	v27 =	vmul.f32 v32, v28;
	v28 =	vmul.f32 v37, v33  }
0x471: {  	v32 =	vld.idx.msk [tilespmem:v36+s24+$0x0], $0xffff  }
0x472: {  	v33 =	vld [tilespmem:s19+$0xFFFFFF80];
	v26 =	vadd.f32 v27, v26;
	v27 =	vmul.f32 v34, v28;
	v28 =	vmul.f32 v30, v29  }
0x473: {  	v29 =	vld [tilespmem:s0+$0xFFFFFF90]  }
0x474: {  	v30 =	vld.idx.msk [tilespmem:v39+s24+$0x0], $0xffff;
	v26 =	vadd.f32 v27, v26;
	v27 =	vmul.f32 v31, v28  }
0x475: {  	v28 =	vmul.f32 v38, v35;
	v31 =	vld [tilespmem:s19+$0xFFFFFF90]  }
0x476: {  	v34 =	vld [tilespmem:s0+$0xFFFFFFA0];
	v26 =	vadd.f32 v27, v26  }
0x477: {  	s2 =	sadd.s32 $0x100, s2;
	v27 =	vmul.f32 v33, v28;
	v33 =	vld.idx.msk [tilespmem:v40+s24+$0x0], $0xffff  }
0x478: {  	v28 =	vmul.f32 v29, v32;
	v29 =	vld [tilespmem:s19+$0xFFFFFFA0];
	[tilespmem:s2+$0x0] =	vst v26  }
0x479: {  	v27 =	vadd.f32 $0.0e+00, v27;
	v32 =	vld [tilespmem:s0+$0xFFFFFFB0]  }
0x47a: {  	v28 =	vmul.f32 v31, v28;
	v26 =	vld.idx.msk [tilespmem:v41+s24+$0x0], $0xffff  }
.Ltmp10:
0x47b: {  	v31 =	vmul.f32 v34, v30;
	v30 =	vld [tilespmem:s19+$0xFFFFFFB0];
	(pc) =	sbr.rel @p0 .LBB2_21-.Ltmp10, $4  }
0x47c: {  	v34 =	vadd.f32 v28, v27;
	v28 =	vld [tilespmem:s0+$0xFFFFFFC0]  }
0x47d: {  	v31 =	vmul.f32 v29, v31;
	v27 =	vld.idx.msk [tilespmem:v43+s24+$0x0], $0xffff  }
0x47e: {  	v33 =	vmul.f32 v32, v33;
	v29 =	vld [tilespmem:s19+$0xFFFFFFC0]  }
0x47f: {  	v32 =	vadd.f32 v31, v34;
	v31 =	vld [tilespmem:s0+$0xFFFFFFD0]  }
0x480: {  	_ =	sdelay $0x3  }
0x481: {  	v25 =	vld.idx.msk [tilespmem:v25+s24+$0x0], $0xffff  }
0x482: {  	v34 =	vld [tilespmem:s19+$0xFFFFFFD0]  }
0x483: {  	v35 =	vld [tilespmem:s0+$0xFFFFFFE0]  }
0x484: {  	v24 =	vld.idx.msk [tilespmem:v24+s24+$0x0], $0xffff  }
0x485: {  	v30 =	vmul.f32 v30, v33;
	v54 =	vld [tilespmem:s0+$0xFFFFFFF0];
	v26 =	vmul.f32 v28, v26  }
0x486: {  	v28 =	vld [tilespmem:s19+$0xFFFFFFE0]  }
0x487: {  	v30 =	vadd.f32 v30, v32;
	v26 =	vmul.f32 v29, v26;
	v27 =	vmul.f32 v31, v27  }
0x488: {  	v29 =	vld [tilespmem:s19+$0xFFFFFFF0]  }
0x489: {  	v26 =	vadd.f32 v26, v30;
	v25 =	vmul.f32 v35, v25;
	v27 =	vmul.f32 v34, v27;
	_ =	sdelay $0x1  }
0x48a: {  	v24 =	vmul.f32 v54, v24;
	v25 =	vmul.f32 v28, v25;
	v26 =	vadd.f32 v27, v26  }
0x48b: {  	s15 =	simm.s32 $0x0  }
0x48c: {  	v24 =	vmul.f32 v29, v24;
	v25 =	vadd.f32 v25, v26;
	v26 =	vor.u32 s15, v5;
	_ =	sdelay $0x1  }
0x48d: {  	v24 =	vadd.f32 v24, v25;
	v25 =	vor.u32 s15, v9;
	_ =	sdelay $0x1  }
0x48e: {  	[tilespmem:s2+$0xFFFFFF80] =	vst v24;
	v24 =	vor.u32 s15, v10  }
0x48f: {  	v26 =	vld.idx.msk [tilespmem:v26+s17+$0x0], $0xffff  }
0x490: {  	v27 =	vor.u32 s15, v11  }
0x491: {  	v25 =	vld.idx.msk [tilespmem:v25+s17+$0x0], $0xffff  }
0x492: {  	v28 =	vor.u32 s15, v12  }
0x493: {  	v24 =	vld.idx.msk [tilespmem:v24+s17+$0x0], $0xffff  }
0x494: {  	v29 =	vor.u32 s15, v13;
	v26 =	vadd.f32 $0.0e+00, v26  }
0x495: {  	v27 =	vld.idx.msk [tilespmem:v27+s17+$0x0], $0xffff  }
0x496: {  	v30 =	vor.u32 s15, v14;
	v25 =	vadd.f32 v25, v26  }
0x497: {  	v26 =	vld.idx.msk [tilespmem:v28+s17+$0x0], $0xffff  }
0x498: {  	v28 =	vor.u32 s15, v15;
	v24 =	vadd.f32 v24, v25  }
0x499: {  	v25 =	vld.idx.msk [tilespmem:v29+s17+$0x0], $0xffff  }
0x49a: {  	v29 =	vor.u32 s15, v16;
	v24 =	vadd.f32 v27, v24  }
0x49b: {  	v27 =	vld.idx.msk [tilespmem:v30+s17+$0x0], $0xffff  }
0x49c: {  	v30 =	vor.u32 s15, v17;
	v24 =	vadd.f32 v26, v24  }
0x49d: {  	v26 =	vld.idx.msk [tilespmem:v28+s17+$0x0], $0xffff  }
0x49e: {  	v28 =	vor.u32 s15, v18;
	v24 =	vadd.f32 v25, v24  }
0x49f: {  	v25 =	vld.idx.msk [tilespmem:v29+s17+$0x0], $0xffff  }
0x4a0: {  	v29 =	vor.u32 s15, v19;
	v24 =	vadd.f32 v27, v24  }
0x4a1: {  	v27 =	vld.idx.msk [tilespmem:v30+s17+$0x0], $0xffff  }
0x4a2: {  	s29 =	simm.s32 $0x800;
	v30 =	vor.u32 s15, v20;
	v24 =	vadd.f32 v26, v24  }
0x4a3: {  	v28 =	vld.idx.msk [tilespmem:v28+s17+$0x0], $0xffff;
	v26 =	vor.u32 s29, v5  }
0x4a4: {  	v31 =	vor.u32 s15, v21;
	v24 =	vadd.f32 v25, v24  }
0x4a5: {  	v29 =	vld.idx.msk [tilespmem:v29+s17+$0x0], $0xffff;
	v25 =	vor.u32 s29, v9  }
0x4a6: {  	v55 =	vor.u32 s15, v22;
	v24 =	vadd.f32 v27, v24  }
0x4a7: {  	v30 =	vld.idx.msk [tilespmem:v30+s17+$0x0], $0xffff;
	v27 =	vor.u32 s29, v10  }
0x4a8: {  	v56 =	vor.u32 s15, v23;
	v26 =	vld.idx.msk [tilespmem:v26+s17+$0x0], $0xffff;
	v24 =	vadd.f32 v28, v24  }
0x4a9: {  	v31 =	vld.idx.msk [tilespmem:v31+s17+$0x0], $0xffff;
	v28 =	vor.u32 s29, v11  }
0x4aa: {  	v25 =	vld.idx.msk [tilespmem:v25+s17+$0x0], $0xffff;
	v24 =	vadd.f32 v29, v24  }
0x4ab: {  	v32 =	vld.idx.msk [tilespmem:v55+s17+$0x0], $0xffff;
	v29 =	vor.u32 s29, v12  }
0x4ac: {  	v27 =	vld.idx.msk [tilespmem:v27+s17+$0x0], $0xffff;
	v24 =	vadd.f32 v30, v24  }
0x4ad: {  	v33 =	vld.idx.msk [tilespmem:v56+s17+$0x0], $0xffff;
	v30 =	vor.u32 s29, v13;
	v26 =	vadd.f32 $0.0e+00, v26  }
0x4ae: {  	v28 =	vld.idx.msk [tilespmem:v28+s17+$0x0], $0xffff;
	v24 =	vadd.f32 v31, v24  }
0x4af: {  	v31 =	vor.u32 s29, v14;
	v25 =	vadd.f32 v25, v26  }
0x4b0: {  	v26 =	vld.idx.msk [tilespmem:v29+s17+$0x0], $0xffff;
	v24 =	vadd.f32 v32, v24  }
0x4b1: {  	v29 =	vor.u32 s29, v15;
	v25 =	vadd.f32 v27, v25  }
0x4b2: {  	v27 =	vld.idx.msk [tilespmem:v30+s17+$0x0], $0xffff;
	v24 =	vadd.f32 v33, v24  }
0x4b3: {  	v30 =	vor.u32 s29, v16;
	v25 =	vadd.f32 v28, v25  }
0x4b4: {  	v28 =	vld.idx.msk [tilespmem:v31+s17+$0x0], $0xffff;
	v24 =	vsub.f32 $0.0e+00, v24  }
0x4b5: {  	v31 =	vor.u32 s29, v17;
	v25 =	vadd.f32 v26, v25  }
0x4b6: {  	v26 =	vld.idx.msk [tilespmem:v29+s17+$0x0], $0xffff;
	v24 =	vmul.f32 $1.442695020e+00, v24  }
0x4b7: {  	v29 =	vor.u32 s29, v18;
	v25 =	vadd.f32 v27, v25  }
0x4b8: {  	v27 =	vld.idx.msk [tilespmem:v30+s17+$0x0], $0xffff;
	(erf) = vpow2.f32 v24  }
0x4b9: {  	v24 =	vor.u32 s29, v19;
	v25 =	vadd.f32 v28, v25  }
0x4ba: {  	s30 =	simm.s32 $0x1000;
	v28 =	vor.u32 s29, v20;
	v30 =	vld.idx.msk [tilespmem:v31+s17+$0x0], $0xffff  }
0x4bb: {  	v31 =	vor.u32 s30, v5;
	v25 =	vadd.f32 v26, v25  }
0x4bc: {  	v57 =	vor.u32 s30, v9;
	v29 =	vld.idx.msk [tilespmem:v29+s17+$0x0], $0xffff  }
0x4bd: {  	v26 =	vor.u32 s29, v21;
	v25 =	vadd.f32 v27, v25  }
0x4be: {  	v27 =	vor.u32 s29, v22;
	v24 =	vld.idx.msk [tilespmem:v24+s17+$0x0], $0xffff  }
0x4bf: {  	v58 =	vor.u32 s30, v10;
	v28 =	vld.idx.msk [tilespmem:v28+s17+$0x0], $0xffff;
	v25 =	vadd.f32 v30, v25  }
0x4c0: {  	v31 =	vld.idx.msk [tilespmem:v31+s17+$0x0], $0xffff;
	v30 =	vor.u32 s29, v23  }
0x4c1: {  	v59 =	vor.u32 s30, v11;
	v32 =	vld.idx.msk [tilespmem:v57+s17+$0x0], $0xffff;
	v25 =	vadd.f32 v29, v25;
	v29 =	vpop (erf)  }
0x4c2: {  	v26 =	vld.idx.msk [tilespmem:v26+s17+$0x0], $0xffff;
	v29 =	vadd.f32 $1.000000000e+00, v29  }
0x4c3: {  	v60 =	vor.u32 s30, v12;
	v27 =	vld.idx.msk [tilespmem:v27+s17+$0x0], $0xffff;
	v24 =	vadd.f32 v24, v25  }
0x4c4: {  	v25 =	vld.idx.msk [tilespmem:v58+s17+$0x0], $0xffff;
	(erf) = vrcp.f32 v29  }
0x4c5: {  	v36 =	vor.u32 s30, v13;
	v61 =	vld.idx.msk [tilespmem:v30+s17+$0x0], $0xffff;
	v30 =	vadd.f32 $0.0e+00, v31;
	v24 =	vadd.f32 v28, v24  }
0x4c6: {  	v38 =	vor.u32 s30, v14;
	v37 =	vld.idx.msk [tilespmem:v59+s17+$0x0], $0xffff  }
0x4c7: {  	v29 =	vor.u32 s30, v16;
	v28 =	vadd.f32 v32, v30;
	v24 =	vadd.f32 v26, v24  }
0x4c8: {  	v62 =	vor.u32 s30, v15;
	v39 =	vld.idx.msk [tilespmem:v60+s17+$0x0], $0xffff  }
0x4c9: {  	v25 =	vadd.f32 v25, v28;
	v24 =	vadd.f32 v27, v24  }
0x4ca: {  	v34 =	vld.idx.msk [tilespmem:v36+s17+$0x0], $0xffff;
	v30 =	vor.u32 s30, v17;
	v26 =	vor.u32 s30, v19  }
0x4cb: {  	v35 =	vld.idx.msk [tilespmem:v38+s17+$0x0], $0xffff;
	v28 =	vor.u32 s30, v18;
	v63 =	vadd.f32 v37, v25;
	v40 =	vadd.f32 v61, v24  }
0x4cc: {  	v27 =	vor.u32 s30, v20;
	v31 =	vld.idx.msk [tilespmem:v29+s17+$0x0], $0xffff;
	v25 =	vor.u32 s30, v21;
	v29 =	vor.u32 s30, v22  }
0x4cd: {  	s0 =	simm.s32 $0x3;
	v33 =	vld.idx.msk [tilespmem:v62+s17+$0x0], $0xffff;
	v24 =	vor.u32 s30, v23;
	v37 =	vadd.f32 v39, v63;
	v36 =	vsub.f32 $0.0e+00, v40;
	v32 =	vpop (erf)  }
.LBB2_23:
0x4ce: {  	p0 =	sne.s32 s0, $0x4  }
0x4cf: {  	v34 =	vadd.f32 v34, v37;
	v36 =	vmul.f32 $1.442695020e+00, v36;
	[tilespmem:s5+$0x0] =	vst v32;
	s5 =	sadd.s32 $0x10, s5;
	s2 =	smov.u32 s0;
	s0 =	sadd.s32 $0x1, s0  }
0x4d0: {  	_ = 	snop  }
0x4d1: {  	s2 =	sshll.u32 s2, $0xB;
	v32 =	vadd.f32 v35, v34;
	v34 =	vld.idx.msk [tilespmem:v30+s17+$0x0], $0xffff;
	(erf) = vpow2.f32 v36  }
0x4d2: {  	v35 =	vor.u32 s2, v5;
	v36 =	vor.u32 s2, v9;
	v37 =	vor.u32 s2, v10  }
0x4d3: {  	v38 =	vor.u32 s2, v11;
	v39 =	vor.u32 s2, v12;
	v32 =	vadd.f32 v33, v32;
	v33 =	vld.idx.msk [tilespmem:v28+s17+$0x0], $0xffff  }
0x4d4: {  	v40 =	vor.u32 s2, v13;
	v41 =	vor.u32 s2, v14;
	v42 =	vor.u32 s2, v15;
	v43 =	vld.idx.msk [tilespmem:v29+s17+$0x0], $0xffff  }
0x4d5: {  	v44 =	vor.u32 s2, v16;
	v30 =	vor.u32 s2, v17;
	v31 =	vadd.f32 v31, v32;
	v32 =	vld.idx.msk [tilespmem:v26+s17+$0x0], $0xffff  }
0x4d6: {  	v28 =	vor.u32 s2, v18;
	v26 =	vor.u32 s2, v19;
	v45 =	vld.idx.msk [tilespmem:v27+s17+$0x0], $0xffff;
	v27 =	vor.u32 s2, v20  }
0x4d7: {  	v46 =	vor.u32 s2, v21;
	v29 =	vor.u32 s2, v22;
	v35 =	vld.idx.msk [tilespmem:v35+s17+$0x0], $0xffff;
	v31 =	vadd.f32 v34, v31  }
0x4d8: {  	v34 =	vor.u32 s2, v23;
	v47 =	vld.idx.msk [tilespmem:v25+s17+$0x0], $0xffff;
	v25 =	vmov v46  }
0x4d9: {  	v36 =	vld.idx.msk [tilespmem:v36+s17+$0x0], $0xffff;
	v33 =	vadd.f32 v33, v31  }
0x4da: {  	v31 =	vld.idx.msk [tilespmem:v44+s17+$0x0], $0xffff;
	v44 =	vpop (erf)  }
0x4db: {  	v37 =	vld.idx.msk [tilespmem:v37+s17+$0x0], $0xffff;
	v32 =	vadd.f32 v32, v33;
	v33 =	vadd.f32 $1.000000000e+00, v44  }
0x4dc: {  	v44 =	vld.idx.msk [tilespmem:v24+s17+$0x0], $0xffff;
	v24 =	vmov v34  }
0x4dd: {  	v34 =	vadd.f32 $0.0e+00, v35;
	v35 =	vld.idx.msk [tilespmem:v38+s17+$0x0], $0xffff;
	v32 =	vadd.f32 v45, v32;
	(erf) = vrcp.f32 v33;
	_ =	sdelay $0x1  }
0x4de: {  	v33 =	vadd.f32 v36, v34;
	v36 =	vld.idx.msk [tilespmem:v39+s17+$0x0], $0xffff;
	v32 =	vadd.f32 v47, v32;
	_ =	sdelay $0x1  }
0x4df: {  	v33 =	vadd.f32 v37, v33;
	v34 =	vld.idx.msk [tilespmem:v40+s17+$0x0], $0xffff;
	v32 =	vadd.f32 v43, v32  }
.Ltmp11:
0x4e0: {  	(pc) =	sbr.rel @p0 .LBB2_23-.Ltmp11, $3  }
0x4e1: {  	v33 =	vadd.f32 v35, v33;
	v35 =	vld.idx.msk [tilespmem:v41+s17+$0x0], $0xffff;
	v38 =	vadd.f32 v44, v32;
	_ =	sdelay $0x1  }
0x4e2: {  	v37 =	vadd.f32 v36, v33;
	v33 =	vld.idx.msk [tilespmem:v42+s17+$0x0], $0xffff;
	v36 =	vsub.f32 $0.0e+00, v38  }
0x4e3: {  	v32 =	vpop (erf)  }
0x4e4: {  	_ = 	snop  }
0x4e5: {  	v34 =	vadd.f32 v34, v37;
	_ =	sdelay $0x1  }
0x4e6: {  	v34 =	vadd.f32 v35, v34  }
0x4e7: {  	v30 =	vld.idx.msk [tilespmem:v30+s17+$0x0], $0xffff  }
0x4e8: {  	v33 =	vadd.f32 v33, v34  }
0x4e9: {  	v28 =	vld.idx.msk [tilespmem:v28+s17+$0x0], $0xffff  }
0x4ea: {  	v31 =	vadd.f32 v31, v33  }
0x4eb: {  	v26 =	vld.idx.msk [tilespmem:v26+s17+$0x0], $0xffff  }
0x4ec: {  	v30 =	vadd.f32 v30, v31  }
0x4ed: {  	v27 =	vld.idx.msk [tilespmem:v27+s17+$0x0], $0xffff  }
0x4ee: {  	v28 =	vadd.f32 v28, v30  }
0x4ef: {  	v58 =	vmul.f32 $1.442695020e+00, v36;
	v25 =	vld.idx.msk [tilespmem:v25+s17+$0x0], $0xffff  }
0x4f0: {  	v26 =	vadd.f32 v26, v28  }
0x4f1: {  	v59 =	vld.idx.msk [tilespmem:v29+s17+$0x0], $0xffff;
	(erf) = vpow2.f32 v58  }
0x4f2: {  	v26 =	vadd.f32 v27, v26  }
0x4f3: {  	v24 =	vld.idx.msk [tilespmem:v24+s17+$0x0], $0xffff  }
0x4f4: {  	v25 =	vadd.f32 v25, v26;
	_ =	sdelay $0x1  }
0x4f5: {  	v25 =	vadd.f32 v59, v25;
	_ =	sdelay $0x1  }
0x4f6: {  	v24 =	vadd.f32 v24, v25;
	_ =	sdelay $0x1  }
0x4f7: {  	v60 =	vpop (erf);
	v24 =	vsub.f32 $0.0e+00, v24  }
0x4f8: {  	v25 =	vadd.f32 $1.000000000e+00, v60  }
0x4f9: {  	v24 =	vmul.f32 $1.442695020e+00, v24  }
0x4fa: {  	(erf) = vrcp.f32 v25  }
0x4fb: {  	(erf) = vpow2.f32 v24;
	_ =	sdelay $0x7  }
0x4fc: {  	v61 =	vpop (erf)  }
0x4fd: {  	v62 =	vpop (erf)  }
0x4fe: {  	v25 =	vadd.f32 $1.000000000e+00, v62;
	_ =	sdelay $0x1  }
0x4ff: {  	(erf) = vrcp.f32 v25;
	_ =	sdelay $0x7  }
0x500: {  	[tilespmem:s5+$0x0] =	vst v32;
	s0 =	sadd.s32 $0x10, s5  }
0x501: {  	[tilespmem:s0+$0x0] =	vst v61;
	s0 =	sadd.s32 $0x10, s0;
	v63 =	vpop (erf)  }
0x502: {  	[tilespmem:s0+$0x0] =	vst v63  }
0x503: {  	s2 =	simm.s32 $0x1A200;
	s0 =	rddreg [dreg:$0x12]  }
0x504: {  	[hbm4b:s0+s4] =	stream.linear.scatter [tilespmem:s2], [sflag:$0x7], $0x2710, $0x38;
	[tilespmem:$0x1F180] =	vst v63  }
0x505: {  	s2 =	simm.s32 $0x7  }
0x506: {  	_ =	swait.ge [sflag:s2], $0x2710  }
0x507: {  	s29 =	rddreg [dreg:$0x14]  }
0x508: {  	s30 =	rddreg [dreg:$0x13];
	s5 =	sadd.s32 $0x1, s29  }
0x509: {  	p0 =	sne.s32 s5, s30  }
.Ltmp12:
0x50a: {  	_ = 	snop;
	(pc) =	sbr.rel @p0 .LBB2_1-.Ltmp12, $3  }
0x50b: {  	_ =	sdelay $0x1  }
0x50c: {  	[sflag:s2] =	ssyncset.done $0x0  }
0x50d: {  	[sflag:s2] =	ssyncadd.s32 $0xFFFFD8F0  }
0x50e: {  	_ =	sfence.sel $0x180000  }
0x50f: {  	[bflag:$0x0] =	sbarrier.arrive $0xFFFF  }
0x510: {  	_ =	strace $0x90000047  }
0x511: {  	s0 =	stileid.u32;
	[bflag:$0x2] =	sbarrier.arrive $0xFFFF  }
0x512: {  	p0 =	sne.s32 s0, $0x0;
	s0 =	rddreg [dreg:$0x4]  }
0x513: {  	s0 =	sadd.s32 @!p0 $0x100000, s0  }
0x514: {  	[sflag:s0] =	ssyncadd.tile.s32 @!p0 $0x1;
	_ =	shalt  }
.Lfunc_end2:
_tile_overlayer_lowered:
.L_overlay_start_2:
0x515: {  	(tag) =	ssettag $0x2  }
0x516: {  	s0 =	rddreg [dreg:$0x0];
	s2 =	stileid.u32  }
0x517: {  	s1 =	rddreg [dreg:$0x1];
	p0 =	sne.s32 s2, $0x0  }
0x518: {  	s3 =	rddreg [dreg:$0x2];
	[bflag:$0x3] =	sbarrier.arrive $0xFFFF;
	s2 =	simm.s32 @!p0 $0x1C07  }
0x519: {  	[timem:s3], [sflag:s2] =	dma.local @!p0 [hbm:s0], s1  }
0x51a: {  	s0 =	simm.s32 @!p0 $0x7  }
0x51b: {  	_ =	swait.ge @!p0 [sflag:s0], s1  }
0x51c: {  	s1 =	ssub.s32 @!p0 $0x0, s1;
	[sflag:s0] =	ssyncset.done @!p0 $0x0  }
0x51d: {  	[sflag:s0] =	ssyncadd.s32 @!p0 s1  }
0x51e: {  	[bflag:$0x3] =	sbarrier.arrive $0xFFFF  }
0x51f: {  	_ =	shalt  }

</sc_bundles>
